<compile_context>
chip_gen: v7x
topology: tpu7x:2x2x1
jax: 0.10.2.dev20260603
libtpu: 0.0.44.dev20260713+nightly
codegen_flags: <defaults>
</compile_context>

<pallas_src>
import functools

import jax
import jax.numpy as jnp
from jax import lax
from jax.experimental import pallas as pl
from jax.experimental.pallas import tpu as pltpu
from jax.experimental.pallas import tpu_sc as plsc

B = 1024
IN_DIM = 4096
OUT_DIM = 512
K = 16
DIMS = (2048, 1024, 512)

LANES = 16
CHUNK = 16
DBLK = 256
TBLK = K * DBLK
NBLKS = sum(DIMS) // DBLK
WMASK = -65536
IMASK = 0xFFFF


def _sc_lcn_kernel(x_hbm, tbl_hbm, out_hbm,
                   bufA, bufB, buf2, tbl0, tbl1, sem0, sem1, sem_in):
    info = plsc.get_sparse_core_info()
    nc = info.num_cores
    wid = lax.axis_index("s") * nc + lax.axis_index("c")
    nw = nc * info.num_subcores

    def tbl_dma(blk, buf, sem):
        return pltpu.make_async_copy(
            tbl_hbm.at[pl.ds(blk * TBLK, TBLK)], buf, sem)

    def run_layer(src_views, dst_ref, dst_w, dim, gbase):
        def proc_block(tbl_buf, d0):
            def grp_body(g, _):
                c0 = pl.multiple_of(g * LANES, LANES)

                def k_body(i, accs):
                    for j in range(2):
                        k = 2 * i + j
                        word = tbl_buf[pl.ds(k * DBLK + c0, LANES)]
                        kn = word & IMASK
                        wv = plsc.bitcast(word & WMASK, jnp.float32)
                        accs = tuple(
                            accs[b]
                            + wv * plsc.load_gather(src_views[b], [kn])
                            for b in range(CHUNK))
                    return accs

                zero = jnp.zeros((LANES,), jnp.float32)
                accs = lax.fori_loop(0, K // 2, k_body, (zero,) * CHUNK)
                for b in range(CHUNK):
                    dst_ref[pl.ds(b * dst_w + d0 + c0, LANES)] = jnp.maximum(
                        accs[b], 0.0)
                return 0

            lax.fori_loop(0, DBLK // LANES, grp_body, 0)

        def pair_body(i, _):
            g = gbase + 2 * i
            tbl_dma(0, tbl0, sem0).wait()
            proc_block(tbl0, (2 * i) * DBLK)

            @pl.when(g + 2 < NBLKS)
            def _():
                tbl_dma(g + 2, tbl0, sem0).start()

            tbl_dma(0, tbl1, sem1).wait()
            proc_block(tbl1, (2 * i + 1) * DBLK)

            @pl.when(g + 3 < NBLKS)
            def _():
                tbl_dma(g + 3, tbl1, sem1).start()

            return 0

        lax.fori_loop(0, dim // DBLK // 2, pair_body, 0)

    def in_dma(ci):
        row0 = (wid + ci * nw) * CHUNK
        return pltpu.make_async_copy(
            x_hbm.at[pl.ds(row0 * IN_DIM, CHUNK * IN_DIM)], bufA, sem_in)

    nchunks = B // (nw * CHUNK)

    def chunk_body(ci, _):
        row0 = (wid + ci * nw) * CHUNK
        tbl_dma(0, tbl0, sem0).start()
        tbl_dma(1, tbl1, sem1).start()
        in_dma(0).wait()
        run_layer(views(bufA, IN_DIM), bufB, DIMS[0], DIMS[0], 0)

        @pl.when(ci + 1 < nchunks)
        def _():
            in_dma(ci + 1).start()

        run_layer(views(bufB, DIMS[0]), buf2, DIMS[1], DIMS[1], 8)
        run_layer(views(buf2, DIMS[1]), bufB, DIMS[2], DIMS[2], 12)
        pltpu.sync_copy(bufB.at[pl.ds(0, CHUNK * DIMS[2])],
                        out_hbm.at[pl.ds(row0 * DIMS[2], CHUNK * DIMS[2])])
        return 0

    def views(ref, w):
        return [ref.at[pl.ds(b * w, w)] for b in range(CHUNK)]

    in_dma(0).start()
    lax.fori_loop(0, nchunks, chunk_body, 0)


@functools.partial(
    pl.kernel,
    out_type=jax.ShapeDtypeStruct((B * DIMS[2],), jnp.float32),
    mesh=plsc.VectorSubcoreMesh(core_axis_name="c", subcore_axis_name="s"),
    compiler_params=pltpu.CompilerParams(use_tc_tiling_on_sc=False,
                                         needs_layout_passes=False),
    scratch_types=[
        pltpu.VMEM((CHUNK * IN_DIM,), jnp.float32),
        pltpu.VMEM((CHUNK * DIMS[0],), jnp.float32),
        pltpu.VMEM((CHUNK * DIMS[1],), jnp.float32),
        pltpu.VMEM((TBLK,), jnp.int32),
        pltpu.VMEM((TBLK,), jnp.int32),
        pltpu.SemaphoreType.DMA,
        pltpu.SemaphoreType.DMA,
        pltpu.SemaphoreType.DMA,
    ],
)
def _sc_lcn(*refs):
    _sc_lcn_kernel(*refs)


def _pack_table(knn, w):
    wbits = lax.bitcast_convert_type(
        w.astype(jnp.bfloat16), jnp.uint16).astype(jnp.int32) << 16
    word = wbits | knn
    dim = knn.shape[0]
    nblk = dim // DBLK
    return word.T.reshape(K, nblk, DBLK).swapaxes(0, 1).reshape(-1)


def _fc_body(x_ref, wt_ref, b_ref, o_ref):
    o_ref[...] = jnp.dot(x_ref[...], wt_ref[...],
                         preferred_element_type=jnp.float32) + b_ref[...]


def _fc(x3, fc_wt, fc_b2):
    return pl.pallas_call(
        _fc_body,
        out_shape=jax.ShapeDtypeStruct((B, OUT_DIM), jnp.float32),
    )(x3, fc_wt, fc_b2)


def kernel(input, w0, w1, w2, fc_w, fc_b, knn0, knn1, knn2):
    tbl = jnp.concatenate([_pack_table(knn0, w0),
                           _pack_table(knn1, w1),
                           _pack_table(knn2, w2)])
    x3 = _sc_lcn(input.reshape(-1), tbl)
    return _fc(x3.reshape(B, DIMS[2]), fc_w.T,
               jnp.broadcast_to(fc_b, (1, OUT_DIM)))

# --- scband reference (transcript-rebuilt; emitter-appended) ---
"""Pipeline reference for scband-lcnno-bias-4698694222615 (READ-ONLY COPY).

The authoritative reference and input builder live on the scoring server;
editing this copy changes nothing except your own understanding.
"""

import jax, jax.numpy as jnp
import numpy as np

B = 1024
IN_DIM = 4096
OUT_DIM = 512
K = 16
DIMS = [2048, 1024, 512]      # floor(prev/factor) per layer
PREVS = [4096, 2048, 1024]    # input width to each layer


def setup_inputs(seed: int = 0) -> dict:
    key = jax.random.key(seed)
    ks = jax.random.split(key, 12)
    x = jax.random.normal(ks[0], (B, IN_DIM), dtype=jnp.float32)
    scale = (2.0 / K) ** 0.5
    w0 = jax.random.normal(ks[1], (DIMS[0], K), dtype=jnp.float32) * scale
    w1 = jax.random.normal(ks[2], (DIMS[1], K), dtype=jnp.float32) * scale
    w2 = jax.random.normal(ks[3], (DIMS[2], K), dtype=jnp.float32) * scale
    knn0 = jax.random.randint(ks[4], (DIMS[0], K), 0, PREVS[0], dtype=jnp.int32)
    knn1 = jax.random.randint(ks[5], (DIMS[1], K), 0, PREVS[1], dtype=jnp.int32)
    knn2 = jax.random.randint(ks[6], (DIMS[2], K), 0, PREVS[2], dtype=jnp.int32)
    fc_w = jax.random.normal(ks[7], (OUT_DIM, DIMS[2]), dtype=jnp.float32) * (1.0 / DIMS[2]) ** 0.5
    fc_b = jnp.zeros((OUT_DIM,), dtype=jnp.float32)
    return {
        'input': x,
        'w0': w0, 'w1': w1, 'w2': w2,
        'fc_w': fc_w, 'fc_b': fc_b,
        'knn0': knn0, 'knn1': knn1, 'knn2': knn2,
    }


def reference(input, w0, w1, w2, fc_w, fc_b, knn0, knn1, knn2):
    x = input
    for w, knn in ((w0, knn0), (w1, knn1), (w2, knn2)):
        # torch: x.unsqueeze(1).expand(B, dim, prev); gather(dim=2, knn[B,dim,K])
        # equivalent jax: fancy-index along feature axis -> [B, dim, K]
        g = jnp.take(x, knn, axis=1)
        x = jax.nn.relu(jnp.sum(g * w[None, :, :], axis=2))
    return x @ fc_w.T + fc_b

if __name__ == "__main__":
    import jax
    _d = setup_inputs()
    print(jax.jit(kernel)(*tuple(_d.values())))

</pallas_src>

<mosaic_0001>
#map = affine_map<(d0, d1) -> (0)>
module attributes {stable_mosaic.version = 14 : i64} {
  func.func @_sc_lcn(%arg0: i32, %arg1: i32, %arg2: memref<4194304xf32, #tpu.memory_space<hbm>>, %arg3: memref<57344xi32, #tpu.memory_space<hbm>>, %arg4: memref<524288xf32, #tpu.memory_space<hbm>>, %arg5: memref<65536xf32, #tpu.memory_space<vmem>>, %arg6: memref<32768xf32, #tpu.memory_space<vmem>>, %arg7: memref<16384xf32, #tpu.memory_space<vmem>>, %arg8: memref<4096xi32, #tpu.memory_space<vmem>>, %arg9: memref<4096xi32, #tpu.memory_space<vmem>>, %arg10: memref<!tpu.dma_semaphore, #tpu.memory_space<semaphore_mem>>, %arg11: memref<!tpu.dma_semaphore, #tpu.memory_space<semaphore_mem>>, %arg12: memref<!tpu.dma_semaphore, #tpu.memory_space<semaphore_mem>>) attributes {dimension_semantics = [#tpu.dimension_semantics<core_parallel>, #tpu.dimension_semantics<subcore_parallel>], iteration_bounds = array<i64: 2, 16>, scalar_prefetch = 0 : i64, scratch_operands = 8 : i64, tpu.core_type = #tpu.core_type<sc_vector_subcore>, window_params = [{transform_indices = #map}, {transform_indices = #map}, {transform_indices = #map}]} {
    %mul3A = arith.constant 2 : i32
    %mul3A_0 = arith.muli %arg1, %mul3A : i32
    %add3A = arith.addi %mul3A_0, %arg0 : i32
    %add3A_1 = arith.constant 0 : i32
    %add3A_2 = arith.addi %add3A, %add3A_1 : i32
    %mul3A_3 = arith.constant 16 : i32
    %mul3A_4 = arith.muli %add3A_2, %mul3A_3 : i32
    %mul3A_5 = arith.constant 4096 : i32
    %mul3A_6 = arith.muli %mul3A_4, %mul3A_5 : i32
    %dma_start3A = tpu.memref_slice %arg2[%mul3A_6] : memref<4194304xf32, #tpu.memory_space<hbm>> -> memref<65536xf32, #tpu.memory_space<hbm>>
    %dma_start3A_7 = tpu.memref_slice %arg2[%mul3A_6] : memref<4194304xf32, #tpu.memory_space<hbm>> -> memref<65536xf32, #tpu.memory_space<hbm>>
    tpu.enqueue_dma source(%dma_start3A_7 : memref<65536xf32, #tpu.memory_space<hbm>>) target(%arg5 : memref<65536xf32, #tpu.memory_space<vmem>>) target_semaphore(%arg12 : memref<!tpu.dma_semaphore, #tpu.memory_space<semaphore_mem>>)
    %scan3A = arith.constant 0 : i32
    %scan3A_8 = arith.constant 0 : i32
    %scan3A_9 = arith.constant 2 : i32
    %scan3A_10 = arith.addi %scan3A_8, %scan3A_9 : i32
    %scan3A_11 = arith.constant 1 : i32
    %scan3A_12 = scf.for %scan3A_14 = %scan3A_8 to %scan3A_10 step %scan3A_11 iter_args(%scan3A_15 = %scan3A) -> (i32)  : i32 {
      %mul3A_16 = arith.constant 32 : i32
      %mul3A_17 = arith.muli %scan3A_14, %mul3A_16 : i32
      %add3A_18 = arith.addi %add3A, %mul3A_17 : i32
      %mul3A_19 = arith.constant 16 : i32
      %mul3A_20 = arith.muli %add3A_18, %mul3A_19 : i32
      %dma_start3A_21 = arith.constant 0 : i32
      %dma_start3A_22 = tpu.memref_slice %arg3[%dma_start3A_21] : memref<57344xi32, #tpu.memory_space<hbm>> -> memref<4096xi32, #tpu.memory_space<hbm>>
      %dma_start3A_23 = arith.constant 0 : i32
      %dma_start3A_24 = tpu.memref_slice %arg3[%dma_start3A_23] : memref<57344xi32, #tpu.memory_space<hbm>> -> memref<4096xi32, #tpu.memory_space<hbm>>
      tpu.enqueue_dma source(%dma_start3A_24 : memref<4096xi32, #tpu.memory_space<hbm>>) target(%arg8 : memref<4096xi32, #tpu.memory_space<vmem>>) target_semaphore(%arg10 : memref<!tpu.dma_semaphore, #tpu.memory_space<semaphore_mem>>)
      %dma_start3A_25 = arith.constant 4096 : i32
      %dma_start3A_26 = tpu.memref_slice %arg3[%dma_start3A_25] : memref<57344xi32, #tpu.memory_space<hbm>> -> memref<4096xi32, #tpu.memory_space<hbm>>
      %dma_start3A_27 = arith.constant 4096 : i32
      %dma_start3A_28 = tpu.memref_slice %arg3[%dma_start3A_27] : memref<57344xi32, #tpu.memory_space<hbm>> -> memref<4096xi32, #tpu.memory_space<hbm>>
      tpu.enqueue_dma source(%dma_start3A_28 : memref<4096xi32, #tpu.memory_space<hbm>>) target(%arg9 : memref<4096xi32, #tpu.memory_space<vmem>>) target_semaphore(%arg11 : memref<!tpu.dma_semaphore, #tpu.memory_space<semaphore_mem>>)
      %add3A_29 = arith.constant 0 : i32
      %add3A_30 = arith.addi %add3A, %add3A_29 : i32
      %mul3A_31 = arith.constant 16 : i32
      %mul3A_32 = arith.muli %add3A_30, %mul3A_31 : i32
      %mul3A_33 = arith.constant 4096 : i32
      %mul3A_34 = arith.muli %mul3A_32, %mul3A_33 : i32
      %dma_wait3A = tpu.memref_slice %arg2[%mul3A_34] : memref<4194304xf32, #tpu.memory_space<hbm>> -> memref<65536xf32, #tpu.memory_space<hbm>>
      %dma_wait3A_35 = tpu.memref_slice %arg2[%mul3A_34] : memref<4194304xf32, #tpu.memory_space<hbm>> -> memref<65536xf32, #tpu.memory_space<hbm>>
      tpu.wait_dma2 semaphore(%arg12 : memref<!tpu.dma_semaphore, #tpu.memory_space<semaphore_mem>>) src(%dma_wait3A_35 : memref<65536xf32, #tpu.memory_space<hbm>>) dst(%arg5 : memref<65536xf32, #tpu.memory_space<vmem>>)
      %scan3A_36 = arith.constant 0 : i32
      %scan3A_37 = arith.constant 0 : i32
      %scan3A_38 = arith.constant 4 : i32
      %scan3A_39 = arith.addi %scan3A_37, %scan3A_38 : i32
      %scan3A_40 = arith.constant 1 : i32
      %scan3A_41 = scf.for %scan3A_111 = %scan3A_37 to %scan3A_39 step %scan3A_40 iter_args(%scan3A_112 = %scan3A_36) -> (i32)  : i32 {
        %mul3A_113 = arith.constant 2 : i32
        %mul3A_114 = arith.muli %mul3A_113, %scan3A_111 : i32
        %add3A_115 = arith.constant 0 : i32
        %add3A_116 = arith.addi %add3A_115, %mul3A_114 : i32
        %dma_wait3A_117 = arith.constant 0 : i32
        %dma_wait3A_118 = tpu.memref_slice %arg3[%dma_wait3A_117] : memref<57344xi32, #tpu.memory_space<hbm>> -> memref<4096xi32, #tpu.memory_space<hbm>>
        %dma_wait3A_119 = arith.constant 0 : i32
        %dma_wait3A_120 = tpu.memref_slice %arg3[%dma_wait3A_119] : memref<57344xi32, #tpu.memory_space<hbm>> -> memref<4096xi32, #tpu.memory_space<hbm>>
        tpu.wait_dma2 semaphore(%arg10 : memref<!tpu.dma_semaphore, #tpu.memory_space<semaphore_mem>>) src(%dma_wait3A_120 : memref<4096xi32, #tpu.memory_space<hbm>>) dst(%arg8 : memref<4096xi32, #tpu.memory_space<vmem>>)
        %mul3A_121 = arith.constant 2 : i32
        %mul3A_122 = arith.muli %mul3A_121, %scan3A_111 : i32
        %mul3A_123 = arith.constant 256 : i32
        %mul3A_124 = arith.muli %mul3A_122, %mul3A_123 : i32
        %scan3A_125 = arith.constant 0 : i32
        %scan3A_126 = arith.constant 0 : i32
        %scan3A_127 = arith.constant 16 : i32
        %scan3A_128 = arith.addi %scan3A_126, %scan3A_127 : i32
        %scan3A_129 = arith.constant 1 : i32
        %scan3A_130 = scf.for %scan3A_164 = %scan3A_126 to %scan3A_128 step %scan3A_129 iter_args(%scan3A_165 = %scan3A_125) -> (i32)  : i32 {
          %mul3A_166 = arith.constant 16 : i32
          %mul3A_167 = arith.muli %scan3A_164, %mul3A_166 : i32
          %multiple_of3A = tpu.assume_multiple %mul3A_167, 16 : i32
          %broadcast_in_dim3A = arith.constant 0.000000e+00 : f32
          %broadcast_in_dim3A_168 = vector.broadcast %broadcast_in_dim3A : f32 to vector<16xf32>
          %scan3A_169 = arith.constant 0 : i32
          %scan3A_170 = arith.constant 8 : i32
          %scan3A_171 = arith.addi %scan3A_169, %scan3A_170 : i32
          %scan3A_172 = arith.constant 1 : i32
          %scan3A_173:16 = scf.for %scan3A_302 = %scan3A_169 to %scan3A_171 step %scan3A_172 iter_args(%scan3A_303 = %broadcast_in_dim3A_168, %scan3A_304 = %broadcast_in_dim3A_168, %scan3A_305 = %broadcast_in_dim3A_168, %scan3A_306 = %broadcast_in_dim3A_168, %scan3A_307 = %broadcast_in_dim3A_168, %scan3A_308 = %broadcast_in_dim3A_168, %scan3A_309 = %broadcast_in_dim3A_168, %scan3A_310 = %broadcast_in_dim3A_168, %scan3A_311 = %broadcast_in_dim3A_168, %scan3A_312 = %broadcast_in_dim3A_168, %scan3A_313 = %broadcast_in_dim3A_168, %scan3A_314 = %broadcast_in_dim3A_168, %scan3A_315 = %broadcast_in_dim3A_168, %scan3A_316 = %broadcast_in_dim3A_168, %scan3A_317 = %broadcast_in_dim3A_168, %scan3A_318 = %broadcast_in_dim3A_168) -> (vector<16xf32>, vector<16xf32>, vector<16xf32>, vector<16xf32>, vector<16xf32>, vector<16xf32>, vector<16xf32>, vector<16xf32>, vector<16xf32>, vector<16xf32>, vector<16xf32>, vector<16xf32>, vector<16xf32>, vector<16xf32>, vector<16xf32>, vector<16xf32>)  : i32 {
            %mul3A_319 = arith.constant 2 : i32
            %mul3A_320 = arith.muli %mul3A_319, %scan3A_302 : i32
            %add3A_321 = arith.constant 0 : i32
            %add3A_322 = arith.addi %mul3A_320, %add3A_321 : i32
            %mul3A_323 = arith.constant 256 : i32
            %mul3A_324 = arith.muli %add3A_322, %mul3A_323 : i32
            %add3A_325 = arith.addi %mul3A_324, %multiple_of3A : i32
            %get3A = arith.index_cast %add3A_325 : i32 to index
            %get3A_326 = tpu.vector_load %arg8[%get3A] {strides = array<i32>} : memref<4096xi32, #tpu.memory_space<vmem>>, vector<16xi32>,
            %and3A = arith.constant 65535 : i32
            %and3A_327 = vector.broadcast %and3A : i32 to vector<16xi32>
            %and3A_328 = arith.andi %get3A_326, %and3A_327 : vector<16xi32>
            %and3A_329 = arith.constant -65536 : i32
            %and3A_330 = vector.broadcast %and3A_329 : i32 to vector<16xi32>
            %and3A_331 = arith.andi %get3A_326, %and3A_330 : vector<16xi32>
            %bitcast3A = vector.bitcast %and3A_331 : vector<16xi32> to vector<16xf32>
            %gather3A = arith.constant 0 : i32
            %gather3A_332 = tpu.memref_slice %arg5[%gather3A] : memref<65536xf32, #tpu.memory_space<vmem>> -> memref<4096xf32, #tpu.memory_space<vmem>>
            %gather3A_333 = tpu.vector_load_idx %gather3A_332[%and3A_328] : memref<4096xf32, #tpu.memory_space<vmem>>[vector<16xi32>], vector<16xf32>,
            %mul3A_334 = arith.mulf %bitcast3A, %gather3A_333 : vector<16xf32>
            %add3A_335 = arith.addf %scan3A_303, %mul3A_334 : vector<16xf32>
            %gather3A_336 = arith.constant 4096 : i32
            %gather3A_337 = tpu.memref_slice %arg5[%gather3A_336] : memref<65536xf32, #tpu.memory_space<vmem>> -> memref<4096xf32, #tpu.memory_space<vmem>>
            %gather3A_338 = tpu.vector_load_idx %gather3A_337[%and3A_328] : memref<4096xf32, #tpu.memory_space<vmem>>[vector<16xi32>], vector<16xf32>,
            %mul3A_339 = arith.mulf %bitcast3A, %gather3A_338 : vector<16xf32>
            %add3A_340 = arith.addf %scan3A_304, %mul3A_339 : vector<16xf32>
            %gather3A_341 = arith.constant 8192 : i32
            %gather3A_342 = tpu.memref_slice %arg5[%gather3A_341] : memref<65536xf32, #tpu.memory_space<vmem>> -> memref<4096xf32, #tpu.memory_space<vmem>>
            %gather3A_343 = tpu.vector_load_idx %gather3A_342[%and3A_328] : memref<4096xf32, #tpu.memory_space<vmem>>[vector<16xi32>], vector<16xf32>,
            %mul3A_344 = arith.mulf %bitcast3A, %gather3A_343 : vector<16xf32>
            %add3A_345 = arith.addf %scan3A_305, %mul3A_344 : vector<16xf32>
            %gather3A_346 = arith.constant 12288 : i32
            %gather3A_347 = tpu.memref_slice %arg5[%gather3A_346] : memref<65536xf32, #tpu.memory_space<vmem>> -> memref<4096xf32, #tpu.memory_space<vmem>>
            %gather3A_348 = tpu.vector_load_idx %gather3A_347[%and3A_328] : memref<4096xf32, #tpu.memory_space<vmem>>[vector<16xi32>], vector<16xf32>,
            %mul3A_349 = arith.mulf %bitcast3A, %gather3A_348 : vector<16xf32>
            %add3A_350 = arith.addf %scan3A_306, %mul3A_349 : vector<16xf32>
            %gather3A_351 = arith.constant 16384 : i32
            %gather3A_352 = tpu.memref_slice %arg5[%gather3A_351] : memref<65536xf32, #tpu.memory_space<vmem>> -> memref<4096xf32, #tpu.memory_space<vmem>>
            %gather3A_353 = tpu.vector_load_idx %gather3A_352[%and3A_328] : memref<4096xf32, #tpu.memory_space<vmem>>[vector<16xi32>], vector<16xf32>,
            %mul3A_354 = arith.mulf %bitcast3A, %gather3A_353 : vector<16xf32>
            %add3A_355 = arith.addf %scan3A_307, %mul3A_354 : vector<16xf32>
            %gather3A_356 = arith.constant 20480 : i32
            %gather3A_357 = tpu.memref_slice %arg5[%gather3A_356] : memref<65536xf32, #tpu.memory_space<vmem>> -> memref<4096xf32, #tpu.memory_space<vmem>>
            %gather3A_358 = tpu.vector_load_idx %gather3A_357[%and3A_328] : memref<4096xf32, #tpu.memory_space<vmem>>[vector<16xi32>], vector<16xf32>,
            %mul3A_359 = arith.mulf %bitcast3A, %gather3A_358 : vector<16xf32>
            %add3A_360 = arith.addf %scan3A_308, %mul3A_359 : vector<16xf32>
            %gather3A_361 = arith.constant 24576 : i32
            %gather3A_362 = tpu.memref_slice %arg5[%gather3A_361] : memref<65536xf32, #tpu.memory_space<vmem>> -> memref<4096xf32, #tpu.memory_space<vmem>>
            %gather3A_363 = tpu.vector_load_idx %gather3A_362[%and3A_328] : memref<4096xf32, #tpu.memory_space<vmem>>[vector<16xi32>], vector<16xf32>,
            %mul3A_364 = arith.mulf %bitcast3A, %gather3A_363 : vector<16xf32>
            %add3A_365 = arith.addf %scan3A_309, %mul3A_364 : vector<16xf32>
            %gather3A_366 = arith.constant 28672 : i32
            %gather3A_367 = tpu.memref_slice %arg5[%gather3A_366] : memref<65536xf32, #tpu.memory_space<vmem>> -> memref<4096xf32, #tpu.memory_space<vmem>>
            %gather3A_368 = tpu.vector_load_idx %gather3A_367[%and3A_328] : memref<4096xf32, #tpu.memory_space<vmem>>[vector<16xi32>], vector<16xf32>,
            %mul3A_369 = arith.mulf %bitcast3A, %gather3A_368 : vector<16xf32>
            %add3A_370 = arith.addf %scan3A_310, %mul3A_369 : vector<16xf32>
            %gather3A_371 = arith.constant 32768 : i32
            %gather3A_372 = tpu.memref_slice %arg5[%gather3A_371] : memref<65536xf32, #tpu.memory_space<vmem>> -> memref<4096xf32, #tpu.memory_space<vmem>>
            %gather3A_373 = tpu.vector_load_idx %gather3A_372[%and3A_328] : memref<4096xf32, #tpu.memory_space<vmem>>[vector<16xi32>], vector<16xf32>,
            %mul3A_374 = arith.mulf %bitcast3A, %gather3A_373 : vector<16xf32>
            %add3A_375 = arith.addf %scan3A_311, %mul3A_374 : vector<16xf32>
            %gather3A_376 = arith.constant 36864 : i32
            %gather3A_377 = tpu.memref_slice %arg5[%gather3A_376] : memref<65536xf32, #tpu.memory_space<vmem>> -> memref<4096xf32, #tpu.memory_space<vmem>>
            %gather3A_378 = tpu.vector_load_idx %gather3A_377[%and3A_328] : memref<4096xf32, #tpu.memory_space<vmem>>[vector<16xi32>], vector<16xf32>,
            %mul3A_379 = arith.mulf %bitcast3A, %gather3A_378 : vector<16xf32>
            %add3A_380 = arith.addf %scan3A_312, %mul3A_379 : vector<16xf32>
            %gather3A_381 = arith.constant 40960 : i32
            %gather3A_382 = tpu.memref_slice %arg5[%gather3A_381] : memref<65536xf32, #tpu.memory_space<vmem>> -> memref<4096xf32, #tpu.memory_space<vmem>>
            %gather3A_383 = tpu.vector_load_idx %gather3A_382[%and3A_328] : memref<4096xf32, #tpu.memory_space<vmem>>[vector<16xi32>], vector<16xf32>,
            %mul3A_384 = arith.mulf %bitcast3A, %gather3A_383 : vector<16xf32>
            %add3A_385 = arith.addf %scan3A_313, %mul3A_384 : vector<16xf32>
            %gather3A_386 = arith.constant 45056 : i32
            %gather3A_387 = tpu.memref_slice %arg5[%gather3A_386] : memref<65536xf32, #tpu.memory_space<vmem>> -> memref<4096xf32, #tpu.memory_space<vmem>>
            %gather3A_388 = tpu.vector_load_idx %gather3A_387[%and3A_328] : memref<4096xf32, #tpu.memory_space<vmem>>[vector<16xi32>], vector<16xf32>,
            %mul3A_389 = arith.mulf %bitcast3A, %gather3A_388 : vector<16xf32>
            %add3A_390 = arith.addf %scan3A_314, %mul3A_389 : vector<16xf32>
            %gather3A_391 = arith.constant 49152 : i32
            %gather3A_392 = tpu.memref_slice %arg5[%gather3A_391] : memref<65536xf32, #tpu.memory_space<vmem>> -> memref<4096xf32, #tpu.memory_space<vmem>>
            %gather3A_393 = tpu.vector_load_idx %gather3A_392[%and3A_328] : memref<4096xf32, #tpu.memory_space<vmem>>[vector<16xi32>], vector<16xf32>,
            %mul3A_394 = arith.mulf %bitcast3A, %gather3A_393 : vector<16xf32>
            %add3A_395 = arith.addf %scan3A_315, %mul3A_394 : vector<16xf32>
            %gather3A_396 = arith.constant 53248 : i32
            %gather3A_397 = tpu.memref_slice %arg5[%gather3A_396] : memref<65536xf32, #tpu.memory_space<vmem>> -> memref<4096xf32, #tpu.memory_space<vmem>>
            %gather3A_398 = tpu.vector_load_idx %gather3A_397[%and3A_328] : memref<4096xf32, #tpu.memory_space<vmem>>[vector<16xi32>], vector<16xf32>,
            %mul3A_399 = arith.mulf %bitcast3A, %gather3A_398 : vector<16xf32>
            %add3A_400 = arith.addf %scan3A_316, %mul3A_399 : vector<16xf32>
            %gather3A_401 = arith.constant 57344 : i32
            %gather3A_402 = tpu.memref_slice %arg5[%gather3A_401] : memref<65536xf32, #tpu.memory_space<vmem>> -> memref<4096xf32, #tpu.memory_space<vmem>>
            %gather3A_403 = tpu.vector_load_idx %gather3A_402[%and3A_328] : memref<4096xf32, #tpu.memory_space<vmem>>[vector<16xi32>], vector<16xf32>,
            %mul3A_404 = arith.mulf %bitcast3A, %gather3A_403 : vector<16xf32>
            %add3A_405 = arith.addf %scan3A_317, %mul3A_404 : vector<16xf32>
            %gather3A_406 = arith.constant 61440 : i32
            %gather3A_407 = tpu.memref_slice %arg5[%gather3A_406] : memref<65536xf32, #tpu.memory_space<vmem>> -> memref<4096xf32, #tpu.memory_space<vmem>>
            %gather3A_408 = tpu.vector_load_idx %gather3A_407[%and3A_328] : memref<4096xf32, #tpu.memory_space<vmem>>[vector<16xi32>], vector<16xf32>,
            %mul3A_409 = arith.mulf %bitcast3A, %gather3A_408 : vector<16xf32>
            %add3A_410 = arith.addf %scan3A_318, %mul3A_409 : vector<16xf32>
            %mul3A_411 = arith.constant 2 : i32
            %mul3A_412 = arith.muli %mul3A_411, %scan3A_302 : i32
            %add3A_413 = arith.constant 1 : i32
            %add3A_414 = arith.addi %mul3A_412, %add3A_413 : i32
            %mul3A_415 = arith.constant 256 : i32
            %mul3A_416 = arith.muli %add3A_414, %mul3A_415 : i32
            %add3A_417 = arith.addi %mul3A_416, %multiple_of3A : i32
            %get3A_418 = arith.index_cast %add3A_417 : i32 to index
            %get3A_419 = tpu.vector_load %arg8[%get3A_418] {strides = array<i32>} : memref<4096xi32, #tpu.memory_space<vmem>>, vector<16xi32>,
            %and3A_420 = arith.constant 65535 : i32
            %and3A_421 = vector.broadcast %and3A_420 : i32 to vector<16xi32>
            %and3A_422 = arith.andi %get3A_419, %and3A_421 : vector<16xi32>
            %and3A_423 = arith.constant -65536 : i32
            %and3A_424 = vector.broadcast %and3A_423 : i32 to vector<16xi32>
            %and3A_425 = arith.andi %get3A_419, %and3A_424 : vector<16xi32>
            %bitcast3A_426 = vector.bitcast %and3A_425 : vector<16xi32> to vector<16xf32>
            %gather3A_427 = arith.constant 0 : i32
            %gather3A_428 = tpu.memref_slice %arg5[%gather3A_427] : memref<65536xf32, #tpu.memory_space<vmem>> -> memref<4096xf32, #tpu.memory_space<vmem>>
            %gather3A_429 = tpu.vector_load_idx %gather3A_428[%and3A_422] : memref<4096xf32, #tpu.memory_space<vmem>>[vector<16xi32>], vector<16xf32>,
            %mul3A_430 = arith.mulf %bitcast3A_426, %gather3A_429 : vector<16xf32>
            %add3A_431 = arith.addf %add3A_335, %mul3A_430 : vector<16xf32>
            %gather3A_432 = arith.constant 4096 : i32
            %gather3A_433 = tpu.memref_slice %arg5[%gather3A_432] : memref<65536xf32, #tpu.memory_space<vmem>> -> memref<4096xf32, #tpu.memory_space<vmem>>
            %gather3A_434 = tpu.vector_load_idx %gather3A_433[%and3A_422] : memref<4096xf32, #tpu.memory_space<vmem>>[vector<16xi32>], vector<16xf32>,
            %mul3A_435 = arith.mulf %bitcast3A_426, %gather3A_434 : vector<16xf32>
            %add3A_436 = arith.addf %add3A_340, %mul3A_435 : vector<16xf32>
            %gather3A_437 = arith.constant 8192 : i32
            %gather3A_438 = tpu.memref_slice %arg5[%gather3A_437] : memref<65536xf32, #tpu.memory_space<vmem>> -> memref<4096xf32, #tpu.memory_space<vmem>>
            %gather3A_439 = tpu.vector_load_idx %gather3A_438[%and3A_422] : memref<4096xf32, #tpu.memory_space<vmem>>[vector<16xi32>], vector<16xf32>,
            %mul3A_440 = arith.mulf %bitcast3A_426, %gather3A_439 : vector<16xf32>
            %add3A_441 = arith.addf %add3A_345, %mul3A_440 : vector<16xf32>
            %gather3A_442 = arith.constant 12288 : i32
            %gather3A_443 = tpu.memref_slice %arg5[%gather3A_442] : memref<65536xf32, #tpu.memory_space<vmem>> -> memref<4096xf32, #tpu.memory_space<vmem>>
            %gather3A_444 = tpu.vector_load_idx %gather3A_443[%and3A_422] : memref<4096xf32, #tpu.memory_space<vmem>>[vector<16xi32>], vector<16xf32>,
            %mul3A_445 = arith.mulf %bitcast3A_426, %gather3A_444 : vector<16xf32>
            %add3A_446 = arith.addf %add3A_350, %mul3A_445 : vector<16xf32>
            %gather3A_447 = arith.constant 16384 : i32
            %gather3A_448 = tpu.memref_slice %arg5[%gather3A_447] : memref<65536xf32, #tpu.memory_space<vmem>> -> memref<4096xf32, #tpu.memory_space<vmem>>
            %gather3A_449 = tpu.vector_load_idx %gather3A_448[%and3A_422] : memref<4096xf32, #tpu.memory_space<vmem>>[vector<16xi32>], vector<16xf32>,
            %mul3A_450 = arith.mulf %bitcast3A_426, %gather3A_449 : vector<16xf32>
            %add3A_451 = arith.addf %add3A_355, %mul3A_450 : vector<16xf32>
            %gather3A_452 = arith.constant 20480 : i32
            %gather3A_453 = tpu.memref_slice %arg5[%gather3A_452] : memref<65536xf32, #tpu.memory_space<vmem>> -> memref<4096xf32, #tpu.memory_space<vmem>>
            %gather3A_454 = tpu.vector_load_idx %gather3A_453[%and3A_422] : memref<4096xf32, #tpu.memory_space<vmem>>[vector<16xi32>], vector<16xf32>,
            %mul3A_455 = arith.mulf %bitcast3A_426, %gather3A_454 : vector<16xf32>
            %add3A_456 = arith.addf %add3A_360, %mul3A_455 : vector<16xf32>
            %gather3A_457 = arith.constant 24576 : i32
            %gather3A_458 = tpu.memref_slice %arg5[%gather3A_457] : memref<65536xf32, #tpu.memory_space<vmem>> -> memref<4096xf32, #tpu.memory_space<vmem>>
            %gather3A_459 = tpu.vector_load_idx %gather3A_458[%and3A_422] : memref<4096xf32, #tpu.memory_space<vmem>>[vector<16xi32>], vector<16xf32>,
            %mul3A_460 = arith.mulf %bitcast3A_426, %gather3A_459 : vector<16xf32>
            %add3A_461 = arith.addf %add3A_365, %mul3A_460 : vector<16xf32>
            %gather3A_462 = arith.constant 28672 : i32
            %gather3A_463 = tpu.memref_slice %arg5[%gather3A_462] : memref<65536xf32, #tpu.memory_space<vmem>> -> memref<4096xf32, #tpu.memory_space<vmem>>
            %gather3A_464 = tpu.vector_load_idx %gather3A_463[%and3A_422] : memref<4096xf32, #tpu.memory_space<vmem>>[vector<16xi32>], vector<16xf32>,
            %mul3A_465 = arith.mulf %bitcast3A_426, %gather3A_464 : vector<16xf32>
            %add3A_466 = arith.addf %add3A_370, %mul3A_465 : vector<16xf32>
            %gather3A_467 = arith.constant 32768 : i32
            %gather3A_468 = tpu.memref_slice %arg5[%gather3A_467] : memref<65536xf32, #tpu.memory_space<vmem>> -> memref<4096xf32, #tpu.memory_space<vmem>>
            %gather3A_469 = tpu.vector_load_idx %gather3A_468[%and3A_422] : memref<4096xf32, #tpu.memory_space<vmem>>[vector<16xi32>], vector<16xf32>,
            %mul3A_470 = arith.mulf %bitcast3A_426, %gather3A_469 : vector<16xf32>
            %add3A_471 = arith.addf %add3A_375, %mul3A_470 : vector<16xf32>
            %gather3A_472 = arith.constant 36864 : i32
            %gather3A_473 = tpu.memref_slice %arg5[%gather3A_472] : memref<65536xf32, #tpu.memory_space<vmem>> -> memref<4096xf32, #tpu.memory_space<vmem>>
            %gather3A_474 = tpu.vector_load_idx %gather3A_473[%and3A_422] : memref<4096xf32, #tpu.memory_space<vmem>>[vector<16xi32>], vector<16xf32>,
            %mul3A_475 = arith.mulf %bitcast3A_426, %gather3A_474 : vector<16xf32>
            %add3A_476 = arith.addf %add3A_380, %mul3A_475 : vector<16xf32>
            %gather3A_477 = arith.constant 40960 : i32
            %gather3A_478 = tpu.memref_slice %arg5[%gather3A_477] : memref<65536xf32, #tpu.memory_space<vmem>> -> memref<4096xf32, #tpu.memory_space<vmem>>
            %gather3A_479 = tpu.vector_load_idx %gather3A_478[%and3A_422] : memref<4096xf32, #tpu.memory_space<vmem>>[vector<16xi32>], vector<16xf32>,
            %mul3A_480 = arith.mulf %bitcast3A_426, %gather3A_479 : vector<16xf32>
            %add3A_481 = arith.addf %add3A_385, %mul3A_480 : vector<16xf32>
            %gather3A_482 = arith.constant 45056 : i32
            %gather3A_483 = tpu.memref_slice %arg5[%gather3A_482] : memref<65536xf32, #tpu.memory_space<vmem>> -> memref<4096xf32, #tpu.memory_space<vmem>>
            %gather3A_484 = tpu.vector_load_idx %gather3A_483[%and3A_422] : memref<4096xf32, #tpu.memory_space<vmem>>[vector<16xi32>], vector<16xf32>,
            %mul3A_485 = arith.mulf %bitcast3A_426, %gather3A_484 : vector<16xf32>
            %add3A_486 = arith.addf %add3A_390, %mul3A_485 : vector<16xf32>
            %gather3A_487 = arith.constant 49152 : i32
            %gather3A_488 = tpu.memref_slice %arg5[%gather3A_487] : memref<65536xf32, #tpu.memory_space<vmem>> -> memref<4096xf32, #tpu.memory_space<vmem>>
            %gather3A_489 = tpu.vector_load_idx %gather3A_488[%and3A_422] : memref<4096xf32, #tpu.memory_space<vmem>>[vector<16xi32>], vector<16xf32>,
            %mul3A_490 = arith.mulf %bitcast3A_426, %gather3A_489 : vector<16xf32>
            %add3A_491 = arith.addf %add3A_395, %mul3A_490 : vector<16xf32>
            %gather3A_492 = arith.constant 53248 : i32
            %gather3A_493 = tpu.memref_slice %arg5[%gather3A_492] : memref<65536xf32, #tpu.memory_space<vmem>> -> memref<4096xf32, #tpu.memory_space<vmem>>
            %gather3A_494 = tpu.vector_load_idx %gather3A_493[%and3A_422] : memref<4096xf32, #tpu.memory_space<vmem>>[vector<16xi32>], vector<16xf32>,
            %mul3A_495 = arith.mulf %bitcast3A_426, %gather3A_494 : vector<16xf32>
            %add3A_496 = arith.addf %add3A_400, %mul3A_495 : vector<16xf32>
            %gather3A_497 = arith.constant 57344 : i32
            %gather3A_498 = tpu.memref_slice %arg5[%gather3A_497] : memref<65536xf32, #tpu.memory_space<vmem>> -> memref<4096xf32, #tpu.memory_space<vmem>>
            %gather3A_499 = tpu.vector_load_idx %gather3A_498[%and3A_422] : memref<4096xf32, #tpu.memory_space<vmem>>[vector<16xi32>], vector<16xf32>,
            %mul3A_500 = arith.mulf %bitcast3A_426, %gather3A_499 : vector<16xf32>
            %add3A_501 = arith.addf %add3A_405, %mul3A_500 : vector<16xf32>
            %gather3A_502 = arith.constant 61440 : i32
            %gather3A_503 = tpu.memref_slice %arg5[%gather3A_502] : memref<65536xf32, #tpu.memory_space<vmem>> -> memref<4096xf32, #tpu.memory_space<vmem>>
            %gather3A_504 = tpu.vector_load_idx %gather3A_503[%and3A_422] : memref<4096xf32, #tpu.memory_space<vmem>>[vector<16xi32>], vector<16xf32>,
            %mul3A_505 = arith.mulf %bitcast3A_426, %gather3A_504 : vector<16xf32>
            %add3A_506 = arith.addf %add3A_410, %mul3A_505 : vector<16xf32>
            scf.yield %add3A_431, %add3A_436, %add3A_441, %add3A_446, %add3A_451, %add3A_456, %add3A_461, %add3A_466, %add3A_471, %add3A_476, %add3A_481, %add3A_486, %add3A_491, %add3A_496, %add3A_501, %add3A_506 : vector<16xf32>, vector<16xf32>, vector<16xf32>, vector<16xf32>, vector<16xf32>, vector<16xf32>, vector<16xf32>, vector<16xf32>, vector<16xf32>, vector<16xf32>, vector<16xf32>, vector<16xf32>, vector<16xf32>, vector<16xf32>, vector<16xf32>, vector<16xf32>
          }
          %scan3A_174 = arith.constant 8 : i32
          %max3A = arith.constant 0.000000e+00 : f32
          %max3A_175 = vector.broadcast %max3A : f32 to vector<16xf32>
          %max3A_176 = arith.maximumf %scan3A_173#0, %max3A_175 : vector<16xf32>
          %add3A_177 = arith.constant 0 : i32
          %add3A_178 = arith.addi %add3A_177, %mul3A_124 : i32
          %add3A_179 = arith.addi %add3A_178, %multiple_of3A : i32
          %swap3A = arith.index_cast %add3A_179 : i32 to index
          %swap3A_180 = tpu.vector_load %arg6[%swap3A] {strides = array<i32>} : memref<32768xf32, #tpu.memory_space<vmem>>, vector<16xf32>,
          tpu.vector_store %arg6[%swap3A], %max3A_176 {strides = array<i32>} : memref<32768xf32, #tpu.memory_space<vmem>>, vector<16xf32>,
          %max3A_181 = arith.constant 0.000000e+00 : f32
          %max3A_182 = vector.broadcast %max3A_181 : f32 to vector<16xf32>
          %max3A_183 = arith.maximumf %scan3A_173#1, %max3A_182 : vector<16xf32>
          %add3A_184 = arith.constant 2048 : i32
          %add3A_185 = arith.addi %add3A_184, %mul3A_124 : i32
          %add3A_186 = arith.addi %add3A_185, %multiple_of3A : i32
          %swap3A_187 = arith.index_cast %add3A_186 : i32 to index
          %swap3A_188 = tpu.vector_load %arg6[%swap3A_187] {strides = array<i32>} : memref<32768xf32, #tpu.memory_space<vmem>>, vector<16xf32>,
          tpu.vector_store %arg6[%swap3A_187], %max3A_183 {strides = array<i32>} : memref<32768xf32, #tpu.memory_space<vmem>>, vector<16xf32>,
          %max3A_189 = arith.constant 0.000000e+00 : f32
          %max3A_190 = vector.broadcast %max3A_189 : f32 to vector<16xf32>
          %max3A_191 = arith.maximumf %scan3A_173#2, %max3A_190 : vector<16xf32>
          %add3A_192 = arith.constant 4096 : i32
          %add3A_193 = arith.addi %add3A_192, %mul3A_124 : i32
          %add3A_194 = arith.addi %add3A_193, %multiple_of3A : i32
          %swap3A_195 = arith.index_cast %add3A_194 : i32 to index
          %swap3A_196 = tpu.vector_load %arg6[%swap3A_195] {strides = array<i32>} : memref<32768xf32, #tpu.memory_space<vmem>>, vector<16xf32>,
          tpu.vector_store %arg6[%swap3A_195], %max3A_191 {strides = array<i32>} : memref<32768xf32, #tpu.memory_space<vmem>>, vector<16xf32>,
          %max3A_197 = arith.constant 0.000000e+00 : f32
          %max3A_198 = vector.broadcast %max3A_197 : f32 to vector<16xf32>
          %max3A_199 = arith.maximumf %scan3A_173#3, %max3A_198 : vector<16xf32>
          %add3A_200 = arith.constant 6144 : i32
          %add3A_201 = arith.addi %add3A_200, %mul3A_124 : i32
          %add3A_202 = arith.addi %add3A_201, %multiple_of3A : i32
          %swap3A_203 = arith.index_cast %add3A_202 : i32 to index
          %swap3A_204 = tpu.vector_load %arg6[%swap3A_203] {strides = array<i32>} : memref<32768xf32, #tpu.memory_space<vmem>>, vector<16xf32>,
          tpu.vector_store %arg6[%swap3A_203], %max3A_199 {strides = array<i32>} : memref<32768xf32, #tpu.memory_space<vmem>>, vector<16xf32>,
          %max3A_205 = arith.constant 0.000000e+00 : f32
          %max3A_206 = vector.broadcast %max3A_205 : f32 to vector<16xf32>
          %max3A_207 = arith.maximumf %scan3A_173#4, %max3A_206 : vector<16xf32>
          %add3A_208 = arith.constant 8192 : i32
          %add3A_209 = arith.addi %add3A_208, %mul3A_124 : i32
          %add3A_210 = arith.addi %add3A_209, %multiple_of3A : i32
          %swap3A_211 = arith.index_cast %add3A_210 : i32 to index
          %swap3A_212 = tpu.vector_load %arg6[%swap3A_211] {strides = array<i32>} : memref<32768xf32, #tpu.memory_space<vmem>>, vector<16xf32>,
          tpu.vector_store %arg6[%swap3A_211], %max3A_207 {strides = array<i32>} : memref<32768xf32, #tpu.memory_space<vmem>>, vector<16xf32>,
          %max3A_213 = arith.constant 0.000000e+00 : f32
          %max3A_214 = vector.broadcast %max3A_213 : f32 to vector<16xf32>
          %max3A_215 = arith.maximumf %scan3A_173#5, %max3A_214 : vector<16xf32>
          %add3A_216 = arith.constant 10240 : i32
          %add3A_217 = arith.addi %add3A_216, %mul3A_124 : i32
          %add3A_218 = arith.addi %add3A_217, %multiple_of3A : i32
          %swap3A_219 = arith.index_cast %add3A_218 : i32 to index
          %swap3A_220 = tpu.vector_load %arg6[%swap3A_219] {strides = array<i32>} : memref<32768xf32, #tpu.memory_space<vmem>>, vector<16xf32>,
          tpu.vector_store %arg6[%swap3A_219], %max3A_215 {strides = array<i32>} : memref<32768xf32, #tpu.memory_space<vmem>>, vector<16xf32>,
          %max3A_221 = arith.constant 0.000000e+00 : f32
          %max3A_222 = vector.broadcast %max3A_221 : f32 to vector<16xf32>
          %max3A_223 = arith.maximumf %scan3A_173#6, %max3A_222 : vector<16xf32>
          %add3A_224 = arith.constant 12288 : i32
          %add3A_225 = arith.addi %add3A_224, %mul3A_124 : i32
          %add3A_226 = arith.addi %add3A_225, %multiple_of3A : i32
          %swap3A_227 = arith.index_cast %add3A_226 : i32 to index
          %swap3A_228 = tpu.vector_load %arg6[%swap3A_227] {strides = array<i32>} : memref<32768xf32, #tpu.memory_space<vmem>>, vector<16xf32>,
          tpu.vector_store %arg6[%swap3A_227], %max3A_223 {strides = array<i32>} : memref<32768xf32, #tpu.memory_space<vmem>>, vector<16xf32>,
          %max3A_229 = arith.constant 0.000000e+00 : f32
          %max3A_230 = vector.broadcast %max3A_229 : f32 to vector<16xf32>
          %max3A_231 = arith.maximumf %scan3A_173#7, %max3A_230 : vector<16xf32>
          %add3A_232 = arith.constant 14336 : i32
          %add3A_233 = arith.addi %add3A_232, %mul3A_124 : i32
          %add3A_234 = arith.addi %add3A_233, %multiple_of3A : i32
          %swap3A_235 = arith.index_cast %add3A_234 : i32 to index
          %swap3A_236 = tpu.vector_load %arg6[%swap3A_235] {strides = array<i32>} : memref<32768xf32, #tpu.memory_space<vmem>>, vector<16xf32>,
          tpu.vector_store %arg6[%swap3A_235], %max3A_231 {strides = array<i32>} : memref<32768xf32, #tpu.memory_space<vmem>>, vector<16xf32>,
          %max3A_237 = arith.constant 0.000000e+00 : f32
          %max3A_238 = vector.broadcast %max3A_237 : f32 to vector<16xf32>
          %max3A_239 = arith.maximumf %scan3A_173#8, %max3A_238 : vector<16xf32>
          %add3A_240 = arith.constant 16384 : i32
          %add3A_241 = arith.addi %add3A_240, %mul3A_124 : i32
          %add3A_242 = arith.addi %add3A_241, %multiple_of3A : i32
          %swap3A_243 = arith.index_cast %add3A_242 : i32 to index
          %swap3A_244 = tpu.vector_load %arg6[%swap3A_243] {strides = array<i32>} : memref<32768xf32, #tpu.memory_space<vmem>>, vector<16xf32>,
          tpu.vector_store %arg6[%swap3A_243], %max3A_239 {strides = array<i32>} : memref<32768xf32, #tpu.memory_space<vmem>>, vector<16xf32>,
          %max3A_245 = arith.constant 0.000000e+00 : f32
          %max3A_246 = vector.broadcast %max3A_245 : f32 to vector<16xf32>
          %max3A_247 = arith.maximumf %scan3A_173#9, %max3A_246 : vector<16xf32>
          %add3A_248 = arith.constant 18432 : i32
          %add3A_249 = arith.addi %add3A_248, %mul3A_124 : i32
          %add3A_250 = arith.addi %add3A_249, %multiple_of3A : i32
          %swap3A_251 = arith.index_cast %add3A_250 : i32 to index
          %swap3A_252 = tpu.vector_load %arg6[%swap3A_251] {strides = array<i32>} : memref<32768xf32, #tpu.memory_space<vmem>>, vector<16xf32>,
          tpu.vector_store %arg6[%swap3A_251], %max3A_247 {strides = array<i32>} : memref<32768xf32, #tpu.memory_space<vmem>>, vector<16xf32>,
          %max3A_253 = arith.constant 0.000000e+00 : f32
          %max3A_254 = vector.broadcast %max3A_253 : f32 to vector<16xf32>
          %max3A_255 = arith.maximumf %scan3A_173#10, %max3A_254 : vector<16xf32>
          %add3A_256 = arith.constant 20480 : i32
          %add3A_257 = arith.addi %add3A_256, %mul3A_124 : i32
          %add3A_258 = arith.addi %add3A_257, %multiple_of3A : i32
          %swap3A_259 = arith.index_cast %add3A_258 : i32 to index
          %swap3A_260 = tpu.vector_load %arg6[%swap3A_259] {strides = array<i32>} : memref<32768xf32, #tpu.memory_space<vmem>>, vector<16xf32>,
          tpu.vector_store %arg6[%swap3A_259], %max3A_255 {strides = array<i32>} : memref<32768xf32, #tpu.memory_space<vmem>>, vector<16xf32>,
          %max3A_261 = arith.constant 0.000000e+00 : f32
          %max3A_262 = vector.broadcast %max3A_261 : f32 to vector<16xf32>
          %max3A_263 = arith.maximumf %scan3A_173#11, %max3A_262 : vector<16xf32>
          %add3A_264 = arith.constant 22528 : i32
          %add3A_265 = arith.addi %add3A_264, %mul3A_124 : i32
          %add3A_266 = arith.addi %add3A_265, %multiple_of3A : i32
          %swap3A_267 = arith.index_cast %add3A_266 : i32 to index
          %swap3A_268 = tpu.vector_load %arg6[%swap3A_267] {strides = array<i32>} : memref<32768xf32, #tpu.memory_space<vmem>>, vector<16xf32>,
          tpu.vector_store %arg6[%swap3A_267], %max3A_263 {strides = array<i32>} : memref<32768xf32, #tpu.memory_space<vmem>>, vector<16xf32>,
          %max3A_269 = arith.constant 0.000000e+00 : f32
          %max3A_270 = vector.broadcast %max3A_269 : f32 to vector<16xf32>
          %max3A_271 = arith.maximumf %scan3A_173#12, %max3A_270 : vector<16xf32>
          %add3A_272 = arith.constant 24576 : i32
          %add3A_273 = arith.addi %add3A_272, %mul3A_124 : i32
          %add3A_274 = arith.addi %add3A_273, %multiple_of3A : i32
          %swap3A_275 = arith.index_cast %add3A_274 : i32 to index
          %swap3A_276 = tpu.vector_load %arg6[%swap3A_275] {strides = array<i32>} : memref<32768xf32, #tpu.memory_space<vmem>>, vector<16xf32>,
          tpu.vector_store %arg6[%swap3A_275], %max3A_271 {strides = array<i32>} : memref<32768xf32, #tpu.memory_space<vmem>>, vector<16xf32>,
          %max3A_277 = arith.constant 0.000000e+00 : f32
          %max3A_278 = vector.broadcast %max3A_277 : f32 to vector<16xf32>
          %max3A_279 = arith.maximumf %scan3A_173#13, %max3A_278 : vector<16xf32>
          %add3A_280 = arith.constant 26624 : i32
          %add3A_281 = arith.addi %add3A_280, %mul3A_124 : i32
          %add3A_282 = arith.addi %add3A_281, %multiple_of3A : i32
          %swap3A_283 = arith.index_cast %add3A_282 : i32 to index
          %swap3A_284 = tpu.vector_load %arg6[%swap3A_283] {strides = array<i32>} : memref<32768xf32, #tpu.memory_space<vmem>>, vector<16xf32>,
          tpu.vector_store %arg6[%swap3A_283], %max3A_279 {strides = array<i32>} : memref<32768xf32, #tpu.memory_space<vmem>>, vector<16xf32>,
          %max3A_285 = arith.constant 0.000000e+00 : f32
          %max3A_286 = vector.broadcast %max3A_285 : f32 to vector<16xf32>
          %max3A_287 = arith.maximumf %scan3A_173#14, %max3A_286 : vector<16xf32>
          %add3A_288 = arith.constant 28672 : i32
          %add3A_289 = arith.addi %add3A_288, %mul3A_124 : i32
          %add3A_290 = arith.addi %add3A_289, %multiple_of3A : i32
          %swap3A_291 = arith.index_cast %add3A_290 : i32 to index
          %swap3A_292 = tpu.vector_load %arg6[%swap3A_291] {strides = array<i32>} : memref<32768xf32, #tpu.memory_space<vmem>>, vector<16xf32>,
          tpu.vector_store %arg6[%swap3A_291], %max3A_287 {strides = array<i32>} : memref<32768xf32, #tpu.memory_space<vmem>>, vector<16xf32>,
          %max3A_293 = arith.constant 0.000000e+00 : f32
          %max3A_294 = vector.broadcast %max3A_293 : f32 to vector<16xf32>
          %max3A_295 = arith.maximumf %scan3A_173#15, %max3A_294 : vector<16xf32>
          %add3A_296 = arith.constant 30720 : i32
          %add3A_297 = arith.addi %add3A_296, %mul3A_124 : i32
          %add3A_298 = arith.addi %add3A_297, %multiple_of3A : i32
          %swap3A_299 = arith.index_cast %add3A_298 : i32 to index
          %swap3A_300 = tpu.vector_load %arg6[%swap3A_299] {strides = array<i32>} : memref<32768xf32, #tpu.memory_space<vmem>>, vector<16xf32>,
          tpu.vector_store %arg6[%swap3A_299], %max3A_295 {strides = array<i32>} : memref<32768xf32, #tpu.memory_space<vmem>>, vector<16xf32>,
          %scan3A_301 = arith.constant 0 : i32
          scf.yield %scan3A_301 : i32
        }
        %scan3A_131 = arith.constant 16 : i32
        %add3A_132 = arith.constant 2 : i32
        %add3A_133 = arith.addi %add3A_116, %add3A_132 : i32
        %lt3A_134 = arith.constant 14 : i32
        %lt3A_135 = arith.cmpi slt, %add3A_133, %lt3A_134 : i32
        %convert_element_type3A_136 = arith.extui %lt3A_135 : i1 to i32
        %cond3A_137 = arith.constant 0 : i32
        %cond3A_138 = arith.cmpi ne, %convert_element_type3A_136, %cond3A_137 : i32
        scf.if %cond3A_138 {
          %add3A_164 = arith.constant 2 : i32
          %add3A_165 = arith.addi %add3A_116, %add3A_164 : i32
          %mul3A_166 = arith.constant 4096 : i32
          %mul3A_167 = arith.muli %add3A_165, %mul3A_166 : i32
          %dma_start3A_168 = tpu.memref_slice %arg3[%mul3A_167] : memref<57344xi32, #tpu.memory_space<hbm>> -> memref<4096xi32, #tpu.memory_space<hbm>>
          %dma_start3A_169 = tpu.memref_slice %arg3[%mul3A_167] : memref<57344xi32, #tpu.memory_space<hbm>> -> memref<4096xi32, #tpu.memory_space<hbm>>
          tpu.enqueue_dma source(%dma_start3A_169 : memref<4096xi32, #tpu.memory_space<hbm>>) target(%arg8 : memref<4096xi32, #tpu.memory_space<vmem>>) target_semaphore(%arg10 : memref<!tpu.dma_semaphore, #tpu.memory_space<semaphore_mem>>)
        } else {
        }
        %dma_wait3A_139 = arith.constant 0 : i32
        %dma_wait3A_140 = tpu.memref_slice %arg3[%dma_wait3A_139] : memref<57344xi32, #tpu.memory_space<hbm>> -> memref<4096xi32, #tpu.memory_space<hbm>>
        %dma_wait3A_141 = arith.constant 0 : i32
        %dma_wait3A_142 = tpu.memref_slice %arg3[%dma_wait3A_141] : memref<57344xi32, #tpu.memory_space<hbm>> -> memref<4096xi32, #tpu.memory_space<hbm>>
        tpu.wait_dma2 semaphore(%arg11 : memref<!tpu.dma_semaphore, #tpu.memory_space<semaphore_mem>>) src(%dma_wait3A_142 : memref<4096xi32, #tpu.memory_space<hbm>>) dst(%arg9 : memref<4096xi32, #tpu.memory_space<vmem>>)
        %mul3A_143 = arith.constant 2 : i32
        %mul3A_144 = arith.muli %mul3A_143, %scan3A_111 : i32
        %add3A_145 = arith.constant 1 : i32
        %add3A_146 = arith.addi %mul3A_144, %add3A_145 : i32
        %mul3A_147 = arith.constant 256 : i32
        %mul3A_148 = arith.muli %add3A_146, %mul3A_147 : i32
        %scan3A_149 = arith.constant 0 : i32
        %scan3A_150 = arith.constant 0 : i32
        %scan3A_151 = arith.constant 16 : i32
        %scan3A_152 = arith.addi %scan3A_150, %scan3A_151 : i32
        %scan3A_153 = arith.constant 1 : i32
        %scan3A_154 = scf.for %scan3A_164 = %scan3A_150 to %scan3A_152 step %scan3A_153 iter_args(%scan3A_165 = %scan3A_149) -> (i32)  : i32 {
          %mul3A_166 = arith.constant 16 : i32
          %mul3A_167 = arith.muli %scan3A_164, %mul3A_166 : i32
          %multiple_of3A = tpu.assume_multiple %mul3A_167, 16 : i32
          %broadcast_in_dim3A = arith.constant 0.000000e+00 : f32
          %broadcast_in_dim3A_168 = vector.broadcast %broadcast_in_dim3A : f32 to vector<16xf32>
          %scan3A_169 = arith.constant 0 : i32
          %scan3A_170 = arith.constant 8 : i32
          %scan3A_171 = arith.addi %scan3A_169, %scan3A_170 : i32
          %scan3A_172 = arith.constant 1 : i32
          %scan3A_173:16 = scf.for %scan3A_302 = %scan3A_169 to %scan3A_171 step %scan3A_172 iter_args(%scan3A_303 = %broadcast_in_dim3A_168, %scan3A_304 = %broadcast_in_dim3A_168, %scan3A_305 = %broadcast_in_dim3A_168, %scan3A_306 = %broadcast_in_dim3A_168, %scan3A_307 = %broadcast_in_dim3A_168, %scan3A_308 = %broadcast_in_dim3A_168, %scan3A_309 = %broadcast_in_dim3A_168, %scan3A_310 = %broadcast_in_dim3A_168, %scan3A_311 = %broadcast_in_dim3A_168, %scan3A_312 = %broadcast_in_dim3A_168, %scan3A_313 = %broadcast_in_dim3A_168, %scan3A_314 = %broadcast_in_dim3A_168, %scan3A_315 = %broadcast_in_dim3A_168, %scan3A_316 = %broadcast_in_dim3A_168, %scan3A_317 = %broadcast_in_dim3A_168, %scan3A_318 = %broadcast_in_dim3A_168) -> (vector<16xf32>, vector<16xf32>, vector<16xf32>, vector<16xf32>, vector<16xf32>, vector<16xf32>, vector<16xf32>, vector<16xf32>, vector<16xf32>, vector<16xf32>, vector<16xf32>, vector<16xf32>, vector<16xf32>, vector<16xf32>, vector<16xf32>, vector<16xf32>)  : i32 {
            %mul3A_319 = arith.constant 2 : i32
            %mul3A_320 = arith.muli %mul3A_319, %scan3A_302 : i32
            %add3A_321 = arith.constant 0 : i32
            %add3A_322 = arith.addi %mul3A_320, %add3A_321 : i32
            %mul3A_323 = arith.constant 256 : i32
            %mul3A_324 = arith.muli %add3A_322, %mul3A_323 : i32
            %add3A_325 = arith.addi %mul3A_324, %multiple_of3A : i32
            %get3A = arith.index_cast %add3A_325 : i32 to index
            %get3A_326 = tpu.vector_load %arg9[%get3A] {strides = array<i32>} : memref<4096xi32, #tpu.memory_space<vmem>>, vector<16xi32>,
            %and3A = arith.constant 65535 : i32
            %and3A_327 = vector.broadcast %and3A : i32 to vector<16xi32>
            %and3A_328 = arith.andi %get3A_326, %and3A_327 : vector<16xi32>
            %and3A_329 = arith.constant -65536 : i32
            %and3A_330 = vector.broadcast %and3A_329 : i32 to vector<16xi32>
            %and3A_331 = arith.andi %get3A_326, %and3A_330 : vector<16xi32>
            %bitcast3A = vector.bitcast %and3A_331 : vector<16xi32> to vector<16xf32>
            %gather3A = arith.constant 0 : i32
            %gather3A_332 = tpu.memref_slice %arg5[%gather3A] : memref<65536xf32, #tpu.memory_space<vmem>> -> memref<4096xf32, #tpu.memory_space<vmem>>
            %gather3A_333 = tpu.vector_load_idx %gather3A_332[%and3A_328] : memref<4096xf32, #tpu.memory_space<vmem>>[vector<16xi32>], vector<16xf32>,
            %mul3A_334 = arith.mulf %bitcast3A, %gather3A_333 : vector<16xf32>
            %add3A_335 = arith.addf %scan3A_303, %mul3A_334 : vector<16xf32>
            %gather3A_336 = arith.constant 4096 : i32
            %gather3A_337 = tpu.memref_slice %arg5[%gather3A_336] : memref<65536xf32, #tpu.memory_space<vmem>> -> memref<4096xf32, #tpu.memory_space<vmem>>
            %gather3A_338 = tpu.vector_load_idx %gather3A_337[%and3A_328] : memref<4096xf32, #tpu.memory_space<vmem>>[vector<16xi32>], vector<16xf32>,
            %mul3A_339 = arith.mulf %bitcast3A, %gather3A_338 : vector<16xf32>
            %add3A_340 = arith.addf %scan3A_304, %mul3A_339 : vector<16xf32>
            %gather3A_341 = arith.constant 8192 : i32
            %gather3A_342 = tpu.memref_slice %arg5[%gather3A_341] : memref<65536xf32, #tpu.memory_space<vmem>> -> memref<4096xf32, #tpu.memory_space<vmem>>
            %gather3A_343 = tpu.vector_load_idx %gather3A_342[%and3A_328] : memref<4096xf32, #tpu.memory_space<vmem>>[vector<16xi32>], vector<16xf32>,
            %mul3A_344 = arith.mulf %bitcast3A, %gather3A_343 : vector<16xf32>
            %add3A_345 = arith.addf %scan3A_305, %mul3A_344 : vector<16xf32>
            %gather3A_346 = arith.constant 12288 : i32
            %gather3A_347 = tpu.memref_slice %arg5[%gather3A_346] : memref<65536xf32, #tpu.memory_space<vmem>> -> memref<4096xf32, #tpu.memory_space<vmem>>
            %gather3A_348 = tpu.vector_load_idx %gather3A_347[%and3A_328] : memref<4096xf32, #tpu.memory_space<vmem>>[vector<16xi32>], vector<16xf32>,
            %mul3A_349 = arith.mulf %bitcast3A, %gather3A_348 : vector<16xf32>
            %add3A_350 = arith.addf %scan3A_306, %mul3A_349 : vector<16xf32>
            %gather3A_351 = arith.constant 16384 : i32
            %gather3A_352 = tpu.memref_slice %arg5[%gather3A_351] : memref<65536xf32, #tpu.memory_space<vmem>> -> memref<4096xf32, #tpu.memory_space<vmem>>
            %gather3A_353 = tpu.vector_load_idx %gather3A_352[%and3A_328] : memref<4096xf32, #tpu.memory_space<vmem>>[vector<16xi32>], vector<16xf32>,
            %mul3A_354 = arith.mulf %bitcast3A, %gather3A_353 : vector<16xf32>
            %add3A_355 = arith.addf %scan3A_307, %mul3A_354 : vector<16xf32>
            %gather3A_356 = arith.constant 20480 : i32
            %gather3A_357 = tpu.memref_slice %arg5[%gather3A_356] : memref<65536xf32, #tpu.memory_space<vmem>> -> memref<4096xf32, #tpu.memory_space<vmem>>
            %gather3A_358 = tpu.vector_load_idx %gather3A_357[%and3A_328] : memref<4096xf32, #tpu.memory_space<vmem>>[vector<16xi32>], vector<16xf32>,
            %mul3A_359 = arith.mulf %bitcast3A, %gather3A_358 : vector<16xf32>
            %add3A_360 = arith.addf %scan3A_308, %mul3A_359 : vector<16xf32>
            %gather3A_361 = arith.constant 24576 : i32
            %gather3A_362 = tpu.memref_slice %arg5[%gather3A_361] : memref<65536xf32, #tpu.memory_space<vmem>> -> memref<4096xf32, #tpu.memory_space<vmem>>
            %gather3A_363 = tpu.vector_load_idx %gather3A_362[%and3A_328] : memref<4096xf32, #tpu.memory_space<vmem>>[vector<16xi32>], vector<16xf32>,
            %mul3A_364 = arith.mulf %bitcast3A, %gather3A_363 : vector<16xf32>
            %add3A_365 = arith.addf %scan3A_309, %mul3A_364 : vector<16xf32>
            %gather3A_366 = arith.constant 28672 : i32
            %gather3A_367 = tpu.memref_slice %arg5[%gather3A_366] : memref<65536xf32, #tpu.memory_space<vmem>> -> memref<4096xf32, #tpu.memory_space<vmem>>
            %gather3A_368 = tpu.vector_load_idx %gather3A_367[%and3A_328] : memref<4096xf32, #tpu.memory_space<vmem>>[vector<16xi32>], vector<16xf32>,
            %mul3A_369 = arith.mulf %bitcast3A, %gather3A_368 : vector<16xf32>
            %add3A_370 = arith.addf %scan3A_310, %mul3A_369 : vector<16xf32>
            %gather3A_371 = arith.constant 32768 : i32
            %gather3A_372 = tpu.memref_slice %arg5[%gather3A_371] : memref<65536xf32, #tpu.memory_space<vmem>> -> memref<4096xf32, #tpu.memory_space<vmem>>
            %gather3A_373 = tpu.vector_load_idx %gather3A_372[%and3A_328] : memref<4096xf32, #tpu.memory_space<vmem>>[vector<16xi32>], vector<16xf32>,
            %mul3A_374 = arith.mulf %bitcast3A, %gather3A_373 : vector<16xf32>
            %add3A_375 = arith.addf %scan3A_311, %mul3A_374 : vector<16xf32>
            %gather3A_376 = arith.constant 36864 : i32
            %gather3A_377 = tpu.memref_slice %arg5[%gather3A_376] : memref<65536xf32, #tpu.memory_space<vmem>> -> memref<4096xf32, #tpu.memory_space<vmem>>
            %gather3A_378 = tpu.vector_load_idx %gather3A_377[%and3A_328] : memref<4096xf32, #tpu.memory_space<vmem>>[vector<16xi32>], vector<16xf32>,
            %mul3A_379 = arith.mulf %bitcast3A, %gather3A_378 : vector<16xf32>
            %add3A_380 = arith.addf %scan3A_312, %mul3A_379 : vector<16xf32>
            %gather3A_381 = arith.constant 40960 : i32
            %gather3A_382 = tpu.memref_slice %arg5[%gather3A_381] : memref<65536xf32, #tpu.memory_space<vmem>> -> memref<4096xf32, #tpu.memory_space<vmem>>
            %gather3A_383 = tpu.vector_load_idx %gather3A_382[%and3A_328] : memref<4096xf32, #tpu.memory_space<vmem>>[vector<16xi32>], vector<16xf32>,
            %mul3A_384 = arith.mulf %bitcast3A, %gather3A_383 : vector<16xf32>
            %add3A_385 = arith.addf %scan3A_313, %mul3A_384 : vector<16xf32>
            %gather3A_386 = arith.constant 45056 : i32
            %gather3A_387 = tpu.memref_slice %arg5[%gather3A_386] : memref<65536xf32, #tpu.memory_space<vmem>> -> memref<4096xf32, #tpu.memory_space<vmem>>
            %gather3A_388 = tpu.vector_load_idx %gather3A_387[%and3A_328] : memref<4096xf32, #tpu.memory_space<vmem>>[vector<16xi32>], vector<16xf32>,
            %mul3A_389 = arith.mulf %bitcast3A, %gather3A_388 : vector<16xf32>
            %add3A_390 = arith.addf %scan3A_314, %mul3A_389 : vector<16xf32>
            %gather3A_391 = arith.constant 49152 : i32
            %gather3A_392 = tpu.memref_slice %arg5[%gather3A_391] : memref<65536xf32, #tpu.memory_space<vmem>> -> memref<4096xf32, #tpu.memory_space<vmem>>
            %gather3A_393 = tpu.vector_load_idx %gather3A_392[%and3A_328] : memref<4096xf32, #tpu.memory_space<vmem>>[vector<16xi32>], vector<16xf32>,
            %mul3A_394 = arith.mulf %bitcast3A, %gather3A_393 : vector<16xf32>
            %add3A_395 = arith.addf %scan3A_315, %mul3A_394 : vector<16xf32>
            %gather3A_396 = arith.constant 53248 : i32
            %gather3A_397 = tpu.memref_slice %arg5[%gather3A_396] : memref<65536xf32, #tpu.memory_space<vmem>> -> memref<4096xf32, #tpu.memory_space<vmem>>
            %gather3A_398 = tpu.vector_load_idx %gather3A_397[%and3A_328] : memref<4096xf32, #tpu.memory_space<vmem>>[vector<16xi32>], vector<16xf32>,
            %mul3A_399 = arith.mulf %bitcast3A, %gather3A_398 : vector<16xf32>
            %add3A_400 = arith.addf %scan3A_316, %mul3A_399 : vector<16xf32>
            %gather3A_401 = arith.constant 57344 : i32
            %gather3A_402 = tpu.memref_slice %arg5[%gather3A_401] : memref<65536xf32, #tpu.memory_space<vmem>> -> memref<4096xf32, #tpu.memory_space<vmem>>
            %gather3A_403 = tpu.vector_load_idx %gather3A_402[%and3A_328] : memref<4096xf32, #tpu.memory_space<vmem>>[vector<16xi32>], vector<16xf32>,
            %mul3A_404 = arith.mulf %bitcast3A, %gather3A_403 : vector<16xf32>
            %add3A_405 = arith.addf %scan3A_317, %mul3A_404 : vector<16xf32>
            %gather3A_406 = arith.constant 61440 : i32
            %gather3A_407 = tpu.memref_slice %arg5[%gather3A_406] : memref<65536xf32, #tpu.memory_space<vmem>> -> memref<4096xf32, #tpu.memory_space<vmem>>
            %gather3A_408 = tpu.vector_load_idx %gather3A_407[%and3A_328] : memref<4096xf32, #tpu.memory_space<vmem>>[vector<16xi32>], vector<16xf32>,
            %mul3A_409 = arith.mulf %bitcast3A, %gather3A_408 : vector<16xf32>
            %add3A_410 = arith.addf %scan3A_318, %mul3A_409 : vector<16xf32>
            %mul3A_411 = arith.constant 2 : i32
            %mul3A_412 = arith.muli %mul3A_411, %scan3A_302 : i32
            %add3A_413 = arith.constant 1 : i32
            %add3A_414 = arith.addi %mul3A_412, %add3A_413 : i32
            %mul3A_415 = arith.constant 256 : i32
            %mul3A_416 = arith.muli %add3A_414, %mul3A_415 : i32
            %add3A_417 = arith.addi %mul3A_416, %multiple_of3A : i32
            %get3A_418 = arith.index_cast %add3A_417 : i32 to index
            %get3A_419 = tpu.vector_load %arg9[%get3A_418] {strides = array<i32>} : memref<4096xi32, #tpu.memory_space<vmem>>, vector<16xi32>,
            %and3A_420 = arith.constant 65535 : i32
            %and3A_421 = vector.broadcast %and3A_420 : i32 to vector<16xi32>
            %and3A_422 = arith.andi %get3A_419, %and3A_421 : vector<16xi32>
            %and3A_423 = arith.constant -65536 : i32
            %and3A_424 = vector.broadcast %and3A_423 : i32 to vector<16xi32>
            %and3A_425 = arith.andi %get3A_419, %and3A_424 : vector<16xi32>
            %bitcast3A_426 = vector.bitcast %and3A_425 : vector<16xi32> to vector<16xf32>
            %gather3A_427 = arith.constant 0 : i32
            %gather3A_428 = tpu.memref_slice %arg5[%gather3A_427] : memref<65536xf32, #tpu.memory_space<vmem>> -> memref<4096xf32, #tpu.memory_space<vmem>>
            %gather3A_429 = tpu.vector_load_idx %gather3A_428[%and3A_422] : memref<4096xf32, #tpu.memory_space<vmem>>[vector<16xi32>], vector<16xf32>,
            %mul3A_430 = arith.mulf %bitcast3A_426, %gather3A_429 : vector<16xf32>
            %add3A_431 = arith.addf %add3A_335, %mul3A_430 : vector<16xf32>
            %gather3A_432 = arith.constant 4096 : i32
            %gather3A_433 = tpu.memref_slice %arg5[%gather3A_432] : memref<65536xf32, #tpu.memory_space<vmem>> -> memref<4096xf32, #tpu.memory_space<vmem>>
            %gather3A_434 = tpu.vector_load_idx %gather3A_433[%and3A_422] : memref<4096xf32, #tpu.memory_space<vmem>>[vector<16xi32>], vector<16xf32>,
            %mul3A_435 = arith.mulf %bitcast3A_426, %gather3A_434 : vector<16xf32>
            %add3A_436 = arith.addf %add3A_340, %mul3A_435 : vector<16xf32>
            %gather3A_437 = arith.constant 8192 : i32
            %gather3A_438 = tpu.memref_slice %arg5[%gather3A_437] : memref<65536xf32, #tpu.memory_space<vmem>> -> memref<4096xf32, #tpu.memory_space<vmem>>
            %gather3A_439 = tpu.vector_load_idx %gather3A_438[%and3A_422] : memref<4096xf32, #tpu.memory_space<vmem>>[vector<16xi32>], vector<16xf32>,
            %mul3A_440 = arith.mulf %bitcast3A_426, %gather3A_439 : vector<16xf32>
            %add3A_441 = arith.addf %add3A_345, %mul3A_440 : vector<16xf32>
            %gather3A_442 = arith.constant 12288 : i32
            %gather3A_443 = tpu.memref_slice %arg5[%gather3A_442] : memref<65536xf32, #tpu.memory_space<vmem>> -> memref<4096xf32, #tpu.memory_space<vmem>>
            %gather3A_444 = tpu.vector_load_idx %gather3A_443[%and3A_422] : memref<4096xf32, #tpu.memory_space<vmem>>[vector<16xi32>], vector<16xf32>,
            %mul3A_445 = arith.mulf %bitcast3A_426, %gather3A_444 : vector<16xf32>
            %add3A_446 = arith.addf %add3A_350, %mul3A_445 : vector<16xf32>
            %gather3A_447 = arith.constant 16384 : i32
            %gather3A_448 = tpu.memref_slice %arg5[%gather3A_447] : memref<65536xf32, #tpu.memory_space<vmem>> -> memref<4096xf32, #tpu.memory_space<vmem>>
            %gather3A_449 = tpu.vector_load_idx %gather3A_448[%and3A_422] : memref<4096xf32, #tpu.memory_space<vmem>>[vector<16xi32>], vector<16xf32>,
            %mul3A_450 = arith.mulf %bitcast3A_426, %gather3A_449 : vector<16xf32>
            %add3A_451 = arith.addf %add3A_355, %mul3A_450 : vector<16xf32>
            %gather3A_452 = arith.constant 20480 : i32
            %gather3A_453 = tpu.memref_slice %arg5[%gather3A_452] : memref<65536xf32, #tpu.memory_space<vmem>> -> memref<4096xf32, #tpu.memory_space<vmem>>
            %gather3A_454 = tpu.vector_load_idx %gather3A_453[%and3A_422] : memref<4096xf32, #tpu.memory_space<vmem>>[vector<16xi32>], vector<16xf32>,
            %mul3A_455 = arith.mulf %bitcast3A_426, %gather3A_454 : vector<16xf32>
            %add3A_456 = arith.addf %add3A_360, %mul3A_455 : vector<16xf32>
            %gather3A_457 = arith.constant 24576 : i32
            %gather3A_458 = tpu.memref_slice %arg5[%gather3A_457] : memref<65536xf32, #tpu.memory_space<vmem>> -> memref<4096xf32, #tpu.memory_space<vmem>>
            %gather3A_459 = tpu.vector_load_idx %gather3A_458[%and3A_422] : memref<4096xf32, #tpu.memory_space<vmem>>[vector<16xi32>], vector<16xf32>,
            %mul3A_460 = arith.mulf %bitcast3A_426, %gather3A_459 : vector<16xf32>
            %add3A_461 = arith.addf %add3A_365, %mul3A_460 : vector<16xf32>
            %gather3A_462 = arith.constant 28672 : i32
            %gather3A_463 = tpu.memref_slice %arg5[%gather3A_462] : memref<65536xf32, #tpu.memory_space<vmem>> -> memref<4096xf32, #tpu.memory_space<vmem>>
            %gather3A_464 = tpu.vector_load_idx %gather3A_463[%and3A_422] : memref<4096xf32, #tpu.memory_space<vmem>>[vector<16xi32>], vector<16xf32>,
            %mul3A_465 = arith.mulf %bitcast3A_426, %gather3A_464 : vector<16xf32>
            %add3A_466 = arith.addf %add3A_370, %mul3A_465 : vector<16xf32>
            %gather3A_467 = arith.constant 32768 : i32
            %gather3A_468 = tpu.memref_slice %arg5[%gather3A_467] : memref<65536xf32, #tpu.memory_space<vmem>> -> memref<4096xf32, #tpu.memory_space<vmem>>
            %gather3A_469 = tpu.vector_load_idx %gather3A_468[%and3A_422] : memref<4096xf32, #tpu.memory_space<vmem>>[vector<16xi32>], vector<16xf32>,
            %mul3A_470 = arith.mulf %bitcast3A_426, %gather3A_469 : vector<16xf32>
            %add3A_471 = arith.addf %add3A_375, %mul3A_470 : vector<16xf32>
            %gather3A_472 = arith.constant 36864 : i32
            %gather3A_473 = tpu.memref_slice %arg5[%gather3A_472] : memref<65536xf32, #tpu.memory_space<vmem>> -> memref<4096xf32, #tpu.memory_space<vmem>>
            %gather3A_474 = tpu.vector_load_idx %gather3A_473[%and3A_422] : memref<4096xf32, #tpu.memory_space<vmem>>[vector<16xi32>], vector<16xf32>,
            %mul3A_475 = arith.mulf %bitcast3A_426, %gather3A_474 : vector<16xf32>
            %add3A_476 = arith.addf %add3A_380, %mul3A_475 : vector<16xf32>
            %gather3A_477 = arith.constant 40960 : i32
            %gather3A_478 = tpu.memref_slice %arg5[%gather3A_477] : memref<65536xf32, #tpu.memory_space<vmem>> -> memref<4096xf32, #tpu.memory_space<vmem>>
            %gather3A_479 = tpu.vector_load_idx %gather3A_478[%and3A_422] : memref<4096xf32, #tpu.memory_space<vmem>>[vector<16xi32>], vector<16xf32>,
            %mul3A_480 = arith.mulf %bitcast3A_426, %gather3A_479 : vector<16xf32>
            %add3A_481 = arith.addf %add3A_385, %mul3A_480 : vector<16xf32>
            %gather3A_482 = arith.constant 45056 : i32
            %gather3A_483 = tpu.memref_slice %arg5[%gather3A_482] : memref<65536xf32, #tpu.memory_space<vmem>> -> memref<4096xf32, #tpu.memory_space<vmem>>
            %gather3A_484 = tpu.vector_load_idx %gather3A_483[%and3A_422] : memref<4096xf32, #tpu.memory_space<vmem>>[vector<16xi32>], vector<16xf32>,
            %mul3A_485 = arith.mulf %bitcast3A_426, %gather3A_484 : vector<16xf32>
            %add3A_486 = arith.addf %add3A_390, %mul3A_485 : vector<16xf32>
            %gather3A_487 = arith.constant 49152 : i32
            %gather3A_488 = tpu.memref_slice %arg5[%gather3A_487] : memref<65536xf32, #tpu.memory_space<vmem>> -> memref<4096xf32, #tpu.memory_space<vmem>>
            %gather3A_489 = tpu.vector_load_idx %gather3A_488[%and3A_422] : memref<4096xf32, #tpu.memory_space<vmem>>[vector<16xi32>], vector<16xf32>,
            %mul3A_490 = arith.mulf %bitcast3A_426, %gather3A_489 : vector<16xf32>
            %add3A_491 = arith.addf %add3A_395, %mul3A_490 : vector<16xf32>
            %gather3A_492 = arith.constant 53248 : i32
            %gather3A_493 = tpu.memref_slice %arg5[%gather3A_492] : memref<65536xf32, #tpu.memory_space<vmem>> -> memref<4096xf32, #tpu.memory_space<vmem>>
            %gather3A_494 = tpu.vector_load_idx %gather3A_493[%and3A_422] : memref<4096xf32, #tpu.memory_space<vmem>>[vector<16xi32>], vector<16xf32>,
            %mul3A_495 = arith.mulf %bitcast3A_426, %gather3A_494 : vector<16xf32>
            %add3A_496 = arith.addf %add3A_400, %mul3A_495 : vector<16xf32>
            %gather3A_497 = arith.constant 57344 : i32
            %gather3A_498 = tpu.memref_slice %arg5[%gather3A_497] : memref<65536xf32, #tpu.memory_space<vmem>> -> memref<4096xf32, #tpu.memory_space<vmem>>
            %gather3A_499 = tpu.vector_load_idx %gather3A_498[%and3A_422] : memref<4096xf32, #tpu.memory_space<vmem>>[vector<16xi32>], vector<16xf32>,
            %mul3A_500 = arith.mulf %bitcast3A_426, %gather3A_499 : vector<16xf32>
            %add3A_501 = arith.addf %add3A_405, %mul3A_500 : vector<16xf32>
            %gather3A_502 = arith.constant 61440 : i32
            %gather3A_503 = tpu.memref_slice %arg5[%gather3A_502] : memref<65536xf32, #tpu.memory_space<vmem>> -> memref<4096xf32, #tpu.memory_space<vmem>>
            %gather3A_504 = tpu.vector_load_idx %gather3A_503[%and3A_422] : memref<4096xf32, #tpu.memory_space<vmem>>[vector<16xi32>], vector<16xf32>,
            %mul3A_505 = arith.mulf %bitcast3A_426, %gather3A_504 : vector<16xf32>
            %add3A_506 = arith.addf %add3A_410, %mul3A_505 : vector<16xf32>
            scf.yield %add3A_431, %add3A_436, %add3A_441, %add3A_446, %add3A_451, %add3A_456, %add3A_461, %add3A_466, %add3A_471, %add3A_476, %add3A_481, %add3A_486, %add3A_491, %add3A_496, %add3A_501, %add3A_506 : vector<16xf32>, vector<16xf32>, vector<16xf32>, vector<16xf32>, vector<16xf32>, vector<16xf32>, vector<16xf32>, vector<16xf32>, vector<16xf32>, vector<16xf32>, vector<16xf32>, vector<16xf32>, vector<16xf32>, vector<16xf32>, vector<16xf32>, vector<16xf32>
          }
          %scan3A_174 = arith.constant 8 : i32
          %max3A = arith.constant 0.000000e+00 : f32
          %max3A_175 = vector.broadcast %max3A : f32 to vector<16xf32>
          %max3A_176 = arith.maximumf %scan3A_173#0, %max3A_175 : vector<16xf32>
          %add3A_177 = arith.constant 0 : i32
          %add3A_178 = arith.addi %add3A_177, %mul3A_148 : i32
          %add3A_179 = arith.addi %add3A_178, %multiple_of3A : i32
          %swap3A = arith.index_cast %add3A_179 : i32 to index
          %swap3A_180 = tpu.vector_load %arg6[%swap3A] {strides = array<i32>} : memref<32768xf32, #tpu.memory_space<vmem>>, vector<16xf32>,
          tpu.vector_store %arg6[%swap3A], %max3A_176 {strides = array<i32>} : memref<32768xf32, #tpu.memory_space<vmem>>, vector<16xf32>,
          %max3A_181 = arith.constant 0.000000e+00 : f32
          %max3A_182 = vector.broadcast %max3A_181 : f32 to vector<16xf32>
          %max3A_183 = arith.maximumf %scan3A_173#1, %max3A_182 : vector<16xf32>
          %add3A_184 = arith.constant 2048 : i32
          %add3A_185 = arith.addi %add3A_184, %mul3A_148 : i32
          %add3A_186 = arith.addi %add3A_185, %multiple_of3A : i32
          %swap3A_187 = arith.index_cast %add3A_186 : i32 to index
          %swap3A_188 = tpu.vector_load %arg6[%swap3A_187] {strides = array<i32>} : memref<32768xf32, #tpu.memory_space<vmem>>, vector<16xf32>,
          tpu.vector_store %arg6[%swap3A_187], %max3A_183 {strides = array<i32>} : memref<32768xf32, #tpu.memory_space<vmem>>, vector<16xf32>,
          %max3A_189 = arith.constant 0.000000e+00 : f32
          %max3A_190 = vector.broadcast %max3A_189 : f32 to vector<16xf32>
          %max3A_191 = arith.maximumf %scan3A_173#2, %max3A_190 : vector<16xf32>
          %add3A_192 = arith.constant 4096 : i32
          %add3A_193 = arith.addi %add3A_192, %mul3A_148 : i32
          %add3A_194 = arith.addi %add3A_193, %multiple_of3A : i32
          %swap3A_195 = arith.index_cast %add3A_194 : i32 to index
          %swap3A_196 = tpu.vector_load %arg6[%swap3A_195] {strides = array<i32>} : memref<32768xf32, #tpu.memory_space<vmem>>, vector<16xf32>,
          tpu.vector_store %arg6[%swap3A_195], %max3A_191 {strides = array<i32>} : memref<32768xf32, #tpu.memory_space<vmem>>, vector<16xf32>,
          %max3A_197 = arith.constant 0.000000e+00 : f32
          %max3A_198 = vector.broadcast %max3A_197 : f32 to vector<16xf32>
          %max3A_199 = arith.maximumf %scan3A_173#3, %max3A_198 : vector<16xf32>
          %add3A_200 = arith.constant 6144 : i32
          %add3A_201 = arith.addi %add3A_200, %mul3A_148 : i32
          %add3A_202 = arith.addi %add3A_201, %multiple_of3A : i32
          %swap3A_203 = arith.index_cast %add3A_202 : i32 to index
          %swap3A_204 = tpu.vector_load %arg6[%swap3A_203] {strides = array<i32>} : memref<32768xf32, #tpu.memory_space<vmem>>, vector<16xf32>,
          tpu.vector_store %arg6[%swap3A_203], %max3A_199 {strides = array<i32>} : memref<32768xf32, #tpu.memory_space<vmem>>, vector<16xf32>,
          %max3A_205 = arith.constant 0.000000e+00 : f32
          %max3A_206 = vector.broadcast %max3A_205 : f32 to vector<16xf32>
          %max3A_207 = arith.maximumf %scan3A_173#4, %max3A_206 : vector<16xf32>
          %add3A_208 = arith.constant 8192 : i32
          %add3A_209 = arith.addi %add3A_208, %mul3A_148 : i32
          %add3A_210 = arith.addi %add3A_209, %multiple_of3A : i32
          %swap3A_211 = arith.index_cast %add3A_210 : i32 to index
          %swap3A_212 = tpu.vector_load %arg6[%swap3A_211] {strides = array<i32>} : memref<32768xf32, #tpu.memory_space<vmem>>, vector<16xf32>,
          tpu.vector_store %arg6[%swap3A_211], %max3A_207 {strides = array<i32>} : memref<32768xf32, #tpu.memory_space<vmem>>, vector<16xf32>,
          %max3A_213 = arith.constant 0.000000e+00 : f32
          %max3A_214 = vector.broadcast %max3A_213 : f32 to vector<16xf32>
          %max3A_215 = arith.maximumf %scan3A_173#5, %max3A_214 : vector<16xf32>
          %add3A_216 = arith.constant 10240 : i32
          %add3A_217 = arith.addi %add3A_216, %mul3A_148 : i32
          %add3A_218 = arith.addi %add3A_217, %multiple_of3A : i32
          %swap3A_219 = arith.index_cast %add3A_218 : i32 to index
          %swap3A_220 = tpu.vector_load %arg6[%swap3A_219] {strides = array<i32>} : memref<32768xf32, #tpu.memory_space<vmem>>, vector<16xf32>,
          tpu.vector_store %arg6[%swap3A_219], %max3A_215 {strides = array<i32>} : memref<32768xf32, #tpu.memory_space<vmem>>, vector<16xf32>,
          %max3A_221 = arith.constant 0.000000e+00 : f32
          %max3A_222 = vector.broadcast %max3A_221 : f32 to vector<16xf32>
          %max3A_223 = arith.maximumf %scan3A_173#6, %max3A_222 : vector<16xf32>
          %add3A_224 = arith.constant 12288 : i32
          %add3A_225 = arith.addi %add3A_224, %mul3A_148 : i32
          %add3A_226 = arith.addi %add3A_225, %multiple_of3A : i32
          %swap3A_227 = arith.index_cast %add3A_226 : i32 to index
          %swap3A_228 = tpu.vector_load %arg6[%swap3A_227] {strides = array<i32>} : memref<32768xf32, #tpu.memory_space<vmem>>, vector<16xf32>,
          tpu.vector_store %arg6[%swap3A_227], %max3A_223 {strides = array<i32>} : memref<32768xf32, #tpu.memory_space<vmem>>, vector<16xf32>,
          %max3A_229 = arith.constant 0.000000e+00 : f32
          %max3A_230 = vector.broadcast %max3A_229 : f32 to vector<16xf32>
          %max3A_231 = arith.maximumf %scan3A_173#7, %max3A_230 : vector<16xf32>
          %add3A_232 = arith.constant 14336 : i32
          %add3A_233 = arith.addi %add3A_232, %mul3A_148 : i32
          %add3A_234 = arith.addi %add3A_233, %multiple_of3A : i32
          %swap3A_235 = arith.index_cast %add3A_234 : i32 to index
          %swap3A_236 = tpu.vector_load %arg6[%swap3A_235] {strides = array<i32>} : memref<32768xf32, #tpu.memory_space<vmem>>, vector<16xf32>,
          tpu.vector_store %arg6[%swap3A_235], %max3A_231 {strides = array<i32>} : memref<32768xf32, #tpu.memory_space<vmem>>, vector<16xf32>,
          %max3A_237 = arith.constant 0.000000e+00 : f32
          %max3A_238 = vector.broadcast %max3A_237 : f32 to vector<16xf32>
          %max3A_239 = arith.maximumf %scan3A_173#8, %max3A_238 : vector<16xf32>
          %add3A_240 = arith.constant 16384 : i32
          %add3A_241 = arith.addi %add3A_240, %mul3A_148 : i32
          %add3A_242 = arith.addi %add3A_241, %multiple_of3A : i32
          %swap3A_243 = arith.index_cast %add3A_242 : i32 to index
          %swap3A_244 = tpu.vector_load %arg6[%swap3A_243] {strides = array<i32>} : memref<32768xf32, #tpu.memory_space<vmem>>, vector<16xf32>,
          tpu.vector_store %arg6[%swap3A_243], %max3A_239 {strides = array<i32>} : memref<32768xf32, #tpu.memory_space<vmem>>, vector<16xf32>,
          %max3A_245 = arith.constant 0.000000e+00 : f32
          %max3A_246 = vector.broadcast %max3A_245 : f32 to vector<16xf32>
          %max3A_247 = arith.maximumf %scan3A_173#9, %max3A_246 : vector<16xf32>
          %add3A_248 = arith.constant 18432 : i32
          %add3A_249 = arith.addi %add3A_248, %mul3A_148 : i32
          %add3A_250 = arith.addi %add3A_249, %multiple_of3A : i32
          %swap3A_251 = arith.index_cast %add3A_250 : i32 to index
          %swap3A_252 = tpu.vector_load %arg6[%swap3A_251] {strides = array<i32>} : memref<32768xf32, #tpu.memory_space<vmem>>, vector<16xf32>,
          tpu.vector_store %arg6[%swap3A_251], %max3A_247 {strides = array<i32>} : memref<32768xf32, #tpu.memory_space<vmem>>, vector<16xf32>,
          %max3A_253 = arith.constant 0.000000e+00 : f32
          %max3A_254 = vector.broadcast %max3A_253 : f32 to vector<16xf32>
          %max3A_255 = arith.maximumf %scan3A_173#10, %max3A_254 : vector<16xf32>
          %add3A_256 = arith.constant 20480 : i32
          %add3A_257 = arith.addi %add3A_256, %mul3A_148 : i32
          %add3A_258 = arith.addi %add3A_257, %multiple_of3A : i32
          %swap3A_259 = arith.index_cast %add3A_258 : i32 to index
          %swap3A_260 = tpu.vector_load %arg6[%swap3A_259] {strides = array<i32>} : memref<32768xf32, #tpu.memory_space<vmem>>, vector<16xf32>,
          tpu.vector_store %arg6[%swap3A_259], %max3A_255 {strides = array<i32>} : memref<32768xf32, #tpu.memory_space<vmem>>, vector<16xf32>,
          %max3A_261 = arith.constant 0.000000e+00 : f32
          %max3A_262 = vector.broadcast %max3A_261 : f32 to vector<16xf32>
          %max3A_263 = arith.maximumf %scan3A_173#11, %max3A_262 : vector<16xf32>
          %add3A_264 = arith.constant 22528 : i32
          %add3A_265 = arith.addi %add3A_264, %mul3A_148 : i32
          %add3A_266 = arith.addi %add3A_265, %multiple_of3A : i32
          %swap3A_267 = arith.index_cast %add3A_266 : i32 to index
          %swap3A_268 = tpu.vector_load %arg6[%swap3A_267] {strides = array<i32>} : memref<32768xf32, #tpu.memory_space<vmem>>, vector<16xf32>,
          tpu.vector_store %arg6[%swap3A_267], %max3A_263 {strides = array<i32>} : memref<32768xf32, #tpu.memory_space<vmem>>, vector<16xf32>,
          %max3A_269 = arith.constant 0.000000e+00 : f32
          %max3A_270 = vector.broadcast %max3A_269 : f32 to vector<16xf32>
          %max3A_271 = arith.maximumf %scan3A_173#12, %max3A_270 : vector<16xf32>
          %add3A_272 = arith.constant 24576 : i32
          %add3A_273 = arith.addi %add3A_272, %mul3A_148 : i32
          %add3A_274 = arith.addi %add3A_273, %multiple_of3A : i32
          %swap3A_275 = arith.index_cast %add3A_274 : i32 to index
          %swap3A_276 = tpu.vector_load %arg6[%swap3A_275] {strides = array<i32>} : memref<32768xf32, #tpu.memory_space<vmem>>, vector<16xf32>,
          tpu.vector_store %arg6[%swap3A_275], %max3A_271 {strides = array<i32>} : memref<32768xf32, #tpu.memory_space<vmem>>, vector<16xf32>,
          %max3A_277 = arith.constant 0.000000e+00 : f32
          %max3A_278 = vector.broadcast %max3A_277 : f32 to vector<16xf32>
          %max3A_279 = arith.maximumf %scan3A_173#13, %max3A_278 : vector<16xf32>
          %add3A_280 = arith.constant 26624 : i32
          %add3A_281 = arith.addi %add3A_280, %mul3A_148 : i32
          %add3A_282 = arith.addi %add3A_281, %multiple_of3A : i32
          %swap3A_283 = arith.index_cast %add3A_282 : i32 to index
          %swap3A_284 = tpu.vector_load %arg6[%swap3A_283] {strides = array<i32>} : memref<32768xf32, #tpu.memory_space<vmem>>, vector<16xf32>,
          tpu.vector_store %arg6[%swap3A_283], %max3A_279 {strides = array<i32>} : memref<32768xf32, #tpu.memory_space<vmem>>, vector<16xf32>,
          %max3A_285 = arith.constant 0.000000e+00 : f32
          %max3A_286 = vector.broadcast %max3A_285 : f32 to vector<16xf32>
          %max3A_287 = arith.maximumf %scan3A_173#14, %max3A_286 : vector<16xf32>
          %add3A_288 = arith.constant 28672 : i32
          %add3A_289 = arith.addi %add3A_288, %mul3A_148 : i32
          %add3A_290 = arith.addi %add3A_289, %multiple_of3A : i32
          %swap3A_291 = arith.index_cast %add3A_290 : i32 to index
          %swap3A_292 = tpu.vector_load %arg6[%swap3A_291] {strides = array<i32>} : memref<32768xf32, #tpu.memory_space<vmem>>, vector<16xf32>,
          tpu.vector_store %arg6[%swap3A_291], %max3A_287 {strides = array<i32>} : memref<32768xf32, #tpu.memory_space<vmem>>, vector<16xf32>,
          %max3A_293 = arith.constant 0.000000e+00 : f32
          %max3A_294 = vector.broadcast %max3A_293 : f32 to vector<16xf32>
          %max3A_295 = arith.maximumf %scan3A_173#15, %max3A_294 : vector<16xf32>
          %add3A_296 = arith.constant 30720 : i32
          %add3A_297 = arith.addi %add3A_296, %mul3A_148 : i32
          %add3A_298 = arith.addi %add3A_297, %multiple_of3A : i32
          %swap3A_299 = arith.index_cast %add3A_298 : i32 to index
          %swap3A_300 = tpu.vector_load %arg6[%swap3A_299] {strides = array<i32>} : memref<32768xf32, #tpu.memory_space<vmem>>, vector<16xf32>,
          tpu.vector_store %arg6[%swap3A_299], %max3A_295 {strides = array<i32>} : memref<32768xf32, #tpu.memory_space<vmem>>, vector<16xf32>,
          %scan3A_301 = arith.constant 0 : i32
          scf.yield %scan3A_301 : i32
        }
        %scan3A_155 = arith.constant 16 : i32
        %add3A_156 = arith.constant 3 : i32
        %add3A_157 = arith.addi %add3A_116, %add3A_156 : i32
        %lt3A_158 = arith.constant 14 : i32
        %lt3A_159 = arith.cmpi slt, %add3A_157, %lt3A_158 : i32
        %convert_element_type3A_160 = arith.extui %lt3A_159 : i1 to i32
        %cond3A_161 = arith.constant 0 : i32
        %cond3A_162 = arith.cmpi ne, %convert_element_type3A_160, %cond3A_161 : i32
        scf.if %cond3A_162 {
          %add3A_164 = arith.constant 3 : i32
          %add3A_165 = arith.addi %add3A_116, %add3A_164 : i32
          %mul3A_166 = arith.constant 4096 : i32
          %mul3A_167 = arith.muli %add3A_165, %mul3A_166 : i32
          %dma_start3A_168 = tpu.memref_slice %arg3[%mul3A_167] : memref<57344xi32, #tpu.memory_space<hbm>> -> memref<4096xi32, #tpu.memory_space<hbm>>
          %dma_start3A_169 = tpu.memref_slice %arg3[%mul3A_167] : memref<57344xi32, #tpu.memory_space<hbm>> -> memref<4096xi32, #tpu.memory_space<hbm>>
          tpu.enqueue_dma source(%dma_start3A_169 : memref<4096xi32, #tpu.memory_space<hbm>>) target(%arg9 : memref<4096xi32, #tpu.memory_space<vmem>>) target_semaphore(%arg11 : memref<!tpu.dma_semaphore, #tpu.memory_space<semaphore_mem>>)
        } else {
        }
        %scan3A_163 = arith.constant 0 : i32
        scf.yield %scan3A_163 : i32
      }
      %scan3A_42 = arith.constant 4 : i32
      %add3A_43 = arith.constant 1 : i32
      %add3A_44 = arith.addi %scan3A_14, %add3A_43 : i32
      %lt3A = arith.constant 2 : i32
      %lt3A_45 = arith.cmpi slt, %add3A_44, %lt3A : i32
      %convert_element_type3A = arith.extui %lt3A_45 : i1 to i32
      %cond3A = arith.constant 0 : i32
      %cond3A_46 = arith.cmpi ne, %convert_element_type3A, %cond3A : i32
      scf.if %cond3A_46 {
        %add3A_111 = arith.constant 1 : i32
        %add3A_112 = arith.addi %scan3A_14, %add3A_111 : i32
        %mul3A_113 = arith.constant 32 : i32
        %mul3A_114 = arith.muli %add3A_112, %mul3A_113 : i32
        %add3A_115 = arith.addi %add3A, %mul3A_114 : i32
        %mul3A_116 = arith.constant 16 : i32
        %mul3A_117 = arith.muli %add3A_115, %mul3A_116 : i32
        %mul3A_118 = arith.constant 4096 : i32
        %mul3A_119 = arith.muli %mul3A_117, %mul3A_118 : i32
        %dma_start3A_120 = tpu.memref_slice %arg2[%mul3A_119] : memref<4194304xf32, #tpu.memory_space<hbm>> -> memref<65536xf32, #tpu.memory_space<hbm>>
        %dma_start3A_121 = tpu.memref_slice %arg2[%mul3A_119] : memref<4194304xf32, #tpu.memory_space<hbm>> -> memref<65536xf32, #tpu.memory_space<hbm>>
        tpu.enqueue_dma source(%dma_start3A_121 : memref<65536xf32, #tpu.memory_space<hbm>>) target(%arg5 : memref<65536xf32, #tpu.memory_space<vmem>>) target_semaphore(%arg12 : memref<!tpu.dma_semaphore, #tpu.memory_space<semaphore_mem>>)
      } else {
      }
      %scan3A_47 = arith.constant 0 : i32
      %scan3A_48 = arith.constant 0 : i32
      %scan3A_49 = arith.constant 2 : i32
      %scan3A_50 = arith.addi %scan3A_48, %scan3A_49 : i32
      %scan3A_51 = arith.constant 1 : i32
      %scan3A_52 = scf.for %scan3A_111 = %scan3A_48 to %scan3A_50 step %scan3A_51 iter_args(%scan3A_112 = %scan3A_47) -> (i32)  : i32 {
        %mul3A_113 = arith.constant 2 : i32
        %mul3A_114 = arith.muli %mul3A_113, %scan3A_111 : i32
        %add3A_115 = arith.constant 8 : i32
        %add3A_116 = arith.addi %add3A_115, %mul3A_114 : i32
        %dma_wait3A_117 = arith.constant 0 : i32
        %dma_wait3A_118 = tpu.memref_slice %arg3[%dma_wait3A_117] : memref<57344xi32, #tpu.memory_space<hbm>> -> memref<4096xi32, #tpu.memory_space<hbm>>
        %dma_wait3A_119 = arith.constant 0 : i32
        %dma_wait3A_120 = tpu.memref_slice %arg3[%dma_wait3A_119] : memref<57344xi32, #tpu.memory_space<hbm>> -> memref<4096xi32, #tpu.memory_space<hbm>>
        tpu.wait_dma2 semaphore(%arg10 : memref<!tpu.dma_semaphore, #tpu.memory_space<semaphore_mem>>) src(%dma_wait3A_120 : memref<4096xi32, #tpu.memory_space<hbm>>) dst(%arg8 : memref<4096xi32, #tpu.memory_space<vmem>>)
        %mul3A_121 = arith.constant 2 : i32
        %mul3A_122 = arith.muli %mul3A_121, %scan3A_111 : i32
        %mul3A_123 = arith.constant 256 : i32
        %mul3A_124 = arith.muli %mul3A_122, %mul3A_123 : i32
        %scan3A_125 = arith.constant 0 : i32
        %scan3A_126 = arith.constant 0 : i32
        %scan3A_127 = arith.constant 16 : i32
        %scan3A_128 = arith.addi %scan3A_126, %scan3A_127 : i32
        %scan3A_129 = arith.constant 1 : i32
        %scan3A_130 = scf.for %scan3A_164 = %scan3A_126 to %scan3A_128 step %scan3A_129 iter_args(%scan3A_165 = %scan3A_125) -> (i32)  : i32 {
          %mul3A_166 = arith.constant 16 : i32
          %mul3A_167 = arith.muli %scan3A_164, %mul3A_166 : i32
          %multiple_of3A = tpu.assume_multiple %mul3A_167, 16 : i32
          %broadcast_in_dim3A = arith.constant 0.000000e+00 : f32
          %broadcast_in_dim3A_168 = vector.broadcast %broadcast_in_dim3A : f32 to vector<16xf32>
          %scan3A_169 = arith.constant 0 : i32
          %scan3A_170 = arith.constant 8 : i32
          %scan3A_171 = arith.addi %scan3A_169, %scan3A_170 : i32
          %scan3A_172 = arith.constant 1 : i32
          %scan3A_173:16 = scf.for %scan3A_302 = %scan3A_169 to %scan3A_171 step %scan3A_172 iter_args(%scan3A_303 = %broadcast_in_dim3A_168, %scan3A_304 = %broadcast_in_dim3A_168, %scan3A_305 = %broadcast_in_dim3A_168, %scan3A_306 = %broadcast_in_dim3A_168, %scan3A_307 = %broadcast_in_dim3A_168, %scan3A_308 = %broadcast_in_dim3A_168, %scan3A_309 = %broadcast_in_dim3A_168, %scan3A_310 = %broadcast_in_dim3A_168, %scan3A_311 = %broadcast_in_dim3A_168, %scan3A_312 = %broadcast_in_dim3A_168, %scan3A_313 = %broadcast_in_dim3A_168, %scan3A_314 = %broadcast_in_dim3A_168, %scan3A_315 = %broadcast_in_dim3A_168, %scan3A_316 = %broadcast_in_dim3A_168, %scan3A_317 = %broadcast_in_dim3A_168, %scan3A_318 = %broadcast_in_dim3A_168) -> (vector<16xf32>, vector<16xf32>, vector<16xf32>, vector<16xf32>, vector<16xf32>, vector<16xf32>, vector<16xf32>, vector<16xf32>, vector<16xf32>, vector<16xf32>, vector<16xf32>, vector<16xf32>, vector<16xf32>, vector<16xf32>, vector<16xf32>, vector<16xf32>)  : i32 {
            %mul3A_319 = arith.constant 2 : i32
            %mul3A_320 = arith.muli %mul3A_319, %scan3A_302 : i32
            %add3A_321 = arith.constant 0 : i32
            %add3A_322 = arith.addi %mul3A_320, %add3A_321 : i32
            %mul3A_323 = arith.constant 256 : i32
            %mul3A_324 = arith.muli %add3A_322, %mul3A_323 : i32
            %add3A_325 = arith.addi %mul3A_324, %multiple_of3A : i32
            %get3A = arith.index_cast %add3A_325 : i32 to index
            %get3A_326 = tpu.vector_load %arg8[%get3A] {strides = array<i32>} : memref<4096xi32, #tpu.memory_space<vmem>>, vector<16xi32>,
            %and3A = arith.constant 65535 : i32
            %and3A_327 = vector.broadcast %and3A : i32 to vector<16xi32>
            %and3A_328 = arith.andi %get3A_326, %and3A_327 : vector<16xi32>
            %and3A_329 = arith.constant -65536 : i32
            %and3A_330 = vector.broadcast %and3A_329 : i32 to vector<16xi32>
            %and3A_331 = arith.andi %get3A_326, %and3A_330 : vector<16xi32>
            %bitcast3A = vector.bitcast %and3A_331 : vector<16xi32> to vector<16xf32>
            %gather3A = arith.constant 0 : i32
            %gather3A_332 = tpu.memref_slice %arg6[%gather3A] : memref<32768xf32, #tpu.memory_space<vmem>> -> memref<2048xf32, #tpu.memory_space<vmem>>
            %gather3A_333 = tpu.vector_load_idx %gather3A_332[%and3A_328] : memref<2048xf32, #tpu.memory_space<vmem>>[vector<16xi32>], vector<16xf32>,
            %mul3A_334 = arith.mulf %bitcast3A, %gather3A_333 : vector<16xf32>
            %add3A_335 = arith.addf %scan3A_303, %mul3A_334 : vector<16xf32>
            %gather3A_336 = arith.constant 2048 : i32
            %gather3A_337 = tpu.memref_slice %arg6[%gather3A_336] : memref<32768xf32, #tpu.memory_space<vmem>> -> memref<2048xf32, #tpu.memory_space<vmem>>
            %gather3A_338 = tpu.vector_load_idx %gather3A_337[%and3A_328] : memref<2048xf32, #tpu.memory_space<vmem>>[vector<16xi32>], vector<16xf32>,
            %mul3A_339 = arith.mulf %bitcast3A, %gather3A_338 : vector<16xf32>
            %add3A_340 = arith.addf %scan3A_304, %mul3A_339 : vector<16xf32>
            %gather3A_341 = arith.constant 4096 : i32
            %gather3A_342 = tpu.memref_slice %arg6[%gather3A_341] : memref<32768xf32, #tpu.memory_space<vmem>> -> memref<2048xf32, #tpu.memory_space<vmem>>
            %gather3A_343 = tpu.vector_load_idx %gather3A_342[%and3A_328] : memref<2048xf32, #tpu.memory_space<vmem>>[vector<16xi32>], vector<16xf32>,
            %mul3A_344 = arith.mulf %bitcast3A, %gather3A_343 : vector<16xf32>
            %add3A_345 = arith.addf %scan3A_305, %mul3A_344 : vector<16xf32>
            %gather3A_346 = arith.constant 6144 : i32
            %gather3A_347 = tpu.memref_slice %arg6[%gather3A_346] : memref<32768xf32, #tpu.memory_space<vmem>> -> memref<2048xf32, #tpu.memory_space<vmem>>
            %gather3A_348 = tpu.vector_load_idx %gather3A_347[%and3A_328] : memref<2048xf32, #tpu.memory_space<vmem>>[vector<16xi32>], vector<16xf32>,
            %mul3A_349 = arith.mulf %bitcast3A, %gather3A_348 : vector<16xf32>
            %add3A_350 = arith.addf %scan3A_306, %mul3A_349 : vector<16xf32>
            %gather3A_351 = arith.constant 8192 : i32
            %gather3A_352 = tpu.memref_slice %arg6[%gather3A_351] : memref<32768xf32, #tpu.memory_space<vmem>> -> memref<2048xf32, #tpu.memory_space<vmem>>
            %gather3A_353 = tpu.vector_load_idx %gather3A_352[%and3A_328] : memref<2048xf32, #tpu.memory_space<vmem>>[vector<16xi32>], vector<16xf32>,
            %mul3A_354 = arith.mulf %bitcast3A, %gather3A_353 : vector<16xf32>
            %add3A_355 = arith.addf %scan3A_307, %mul3A_354 : vector<16xf32>
            %gather3A_356 = arith.constant 10240 : i32
            %gather3A_357 = tpu.memref_slice %arg6[%gather3A_356] : memref<32768xf32, #tpu.memory_space<vmem>> -> memref<2048xf32, #tpu.memory_space<vmem>>
            %gather3A_358 = tpu.vector_load_idx %gather3A_357[%and3A_328] : memref<2048xf32, #tpu.memory_space<vmem>>[vector<16xi32>], vector<16xf32>,
            %mul3A_359 = arith.mulf %bitcast3A, %gather3A_358 : vector<16xf32>
            %add3A_360 = arith.addf %scan3A_308, %mul3A_359 : vector<16xf32>
            %gather3A_361 = arith.constant 12288 : i32
            %gather3A_362 = tpu.memref_slice %arg6[%gather3A_361] : memref<32768xf32, #tpu.memory_space<vmem>> -> memref<2048xf32, #tpu.memory_space<vmem>>
            %gather3A_363 = tpu.vector_load_idx %gather3A_362[%and3A_328] : memref<2048xf32, #tpu.memory_space<vmem>>[vector<16xi32>], vector<16xf32>,
            %mul3A_364 = arith.mulf %bitcast3A, %gather3A_363 : vector<16xf32>
            %add3A_365 = arith.addf %scan3A_309, %mul3A_364 : vector<16xf32>
            %gather3A_366 = arith.constant 14336 : i32
            %gather3A_367 = tpu.memref_slice %arg6[%gather3A_366] : memref<32768xf32, #tpu.memory_space<vmem>> -> memref<2048xf32, #tpu.memory_space<vmem>>
            %gather3A_368 = tpu.vector_load_idx %gather3A_367[%and3A_328] : memref<2048xf32, #tpu.memory_space<vmem>>[vector<16xi32>], vector<16xf32>,
            %mul3A_369 = arith.mulf %bitcast3A, %gather3A_368 : vector<16xf32>
            %add3A_370 = arith.addf %scan3A_310, %mul3A_369 : vector<16xf32>
            %gather3A_371 = arith.constant 16384 : i32
            %gather3A_372 = tpu.memref_slice %arg6[%gather3A_371] : memref<32768xf32, #tpu.memory_space<vmem>> -> memref<2048xf32, #tpu.memory_space<vmem>>
            %gather3A_373 = tpu.vector_load_idx %gather3A_372[%and3A_328] : memref<2048xf32, #tpu.memory_space<vmem>>[vector<16xi32>], vector<16xf32>,
            %mul3A_374 = arith.mulf %bitcast3A, %gather3A_373 : vector<16xf32>
            %add3A_375 = arith.addf %scan3A_311, %mul3A_374 : vector<16xf32>
            %gather3A_376 = arith.constant 18432 : i32
            %gather3A_377 = tpu.memref_slice %arg6[%gather3A_376] : memref<32768xf32, #tpu.memory_space<vmem>> -> memref<2048xf32, #tpu.memory_space<vmem>>
            %gather3A_378 = tpu.vector_load_idx %gather3A_377[%and3A_328] : memref<2048xf32, #tpu.memory_space<vmem>>[vector<16xi32>], vector<16xf32>,
            %mul3A_379 = arith.mulf %bitcast3A, %gather3A_378 : vector<16xf32>
            %add3A_380 = arith.addf %scan3A_312, %mul3A_379 : vector<16xf32>
            %gather3A_381 = arith.constant 20480 : i32
            %gather3A_382 = tpu.memref_slice %arg6[%gather3A_381] : memref<32768xf32, #tpu.memory_space<vmem>> -> memref<2048xf32, #tpu.memory_space<vmem>>
            %gather3A_383 = tpu.vector_load_idx %gather3A_382[%and3A_328] : memref<2048xf32, #tpu.memory_space<vmem>>[vector<16xi32>], vector<16xf32>,
            %mul3A_384 = arith.mulf %bitcast3A, %gather3A_383 : vector<16xf32>
            %add3A_385 = arith.addf %scan3A_313, %mul3A_384 : vector<16xf32>
            %gather3A_386 = arith.constant 22528 : i32
            %gather3A_387 = tpu.memref_slice %arg6[%gather3A_386] : memref<32768xf32, #tpu.memory_space<vmem>> -> memref<2048xf32, #tpu.memory_space<vmem>>
            %gather3A_388 = tpu.vector_load_idx %gather3A_387[%and3A_328] : memref<2048xf32, #tpu.memory_space<vmem>>[vector<16xi32>], vector<16xf32>,
            %mul3A_389 = arith.mulf %bitcast3A, %gather3A_388 : vector<16xf32>
            %add3A_390 = arith.addf %scan3A_314, %mul3A_389 : vector<16xf32>
            %gather3A_391 = arith.constant 24576 : i32
            %gather3A_392 = tpu.memref_slice %arg6[%gather3A_391] : memref<32768xf32, #tpu.memory_space<vmem>> -> memref<2048xf32, #tpu.memory_space<vmem>>
            %gather3A_393 = tpu.vector_load_idx %gather3A_392[%and3A_328] : memref<2048xf32, #tpu.memory_space<vmem>>[vector<16xi32>], vector<16xf32>,
            %mul3A_394 = arith.mulf %bitcast3A, %gather3A_393 : vector<16xf32>
            %add3A_395 = arith.addf %scan3A_315, %mul3A_394 : vector<16xf32>
            %gather3A_396 = arith.constant 26624 : i32
            %gather3A_397 = tpu.memref_slice %arg6[%gather3A_396] : memref<32768xf32, #tpu.memory_space<vmem>> -> memref<2048xf32, #tpu.memory_space<vmem>>
            %gather3A_398 = tpu.vector_load_idx %gather3A_397[%and3A_328] : memref<2048xf32, #tpu.memory_space<vmem>>[vector<16xi32>], vector<16xf32>,
            %mul3A_399 = arith.mulf %bitcast3A, %gather3A_398 : vector<16xf32>
            %add3A_400 = arith.addf %scan3A_316, %mul3A_399 : vector<16xf32>
            %gather3A_401 = arith.constant 28672 : i32
            %gather3A_402 = tpu.memref_slice %arg6[%gather3A_401] : memref<32768xf32, #tpu.memory_space<vmem>> -> memref<2048xf32, #tpu.memory_space<vmem>>
            %gather3A_403 = tpu.vector_load_idx %gather3A_402[%and3A_328] : memref<2048xf32, #tpu.memory_space<vmem>>[vector<16xi32>], vector<16xf32>,
            %mul3A_404 = arith.mulf %bitcast3A, %gather3A_403 : vector<16xf32>
            %add3A_405 = arith.addf %scan3A_317, %mul3A_404 : vector<16xf32>
            %gather3A_406 = arith.constant 30720 : i32
            %gather3A_407 = tpu.memref_slice %arg6[%gather3A_406] : memref<32768xf32, #tpu.memory_space<vmem>> -> memref<2048xf32, #tpu.memory_space<vmem>>
            %gather3A_408 = tpu.vector_load_idx %gather3A_407[%and3A_328] : memref<2048xf32, #tpu.memory_space<vmem>>[vector<16xi32>], vector<16xf32>,
            %mul3A_409 = arith.mulf %bitcast3A, %gather3A_408 : vector<16xf32>
            %add3A_410 = arith.addf %scan3A_318, %mul3A_409 : vector<16xf32>
            %mul3A_411 = arith.constant 2 : i32
            %mul3A_412 = arith.muli %mul3A_411, %scan3A_302 : i32
            %add3A_413 = arith.constant 1 : i32
            %add3A_414 = arith.addi %mul3A_412, %add3A_413 : i32
            %mul3A_415 = arith.constant 256 : i32
            %mul3A_416 = arith.muli %add3A_414, %mul3A_415 : i32
            %add3A_417 = arith.addi %mul3A_416, %multiple_of3A : i32
            %get3A_418 = arith.index_cast %add3A_417 : i32 to index
            %get3A_419 = tpu.vector_load %arg8[%get3A_418] {strides = array<i32>} : memref<4096xi32, #tpu.memory_space<vmem>>, vector<16xi32>,
            %and3A_420 = arith.constant 65535 : i32
            %and3A_421 = vector.broadcast %and3A_420 : i32 to vector<16xi32>
            %and3A_422 = arith.andi %get3A_419, %and3A_421 : vector<16xi32>
            %and3A_423 = arith.constant -65536 : i32
            %and3A_424 = vector.broadcast %and3A_423 : i32 to vector<16xi32>
            %and3A_425 = arith.andi %get3A_419, %and3A_424 : vector<16xi32>
            %bitcast3A_426 = vector.bitcast %and3A_425 : vector<16xi32> to vector<16xf32>
            %gather3A_427 = arith.constant 0 : i32
            %gather3A_428 = tpu.memref_slice %arg6[%gather3A_427] : memref<32768xf32, #tpu.memory_space<vmem>> -> memref<2048xf32, #tpu.memory_space<vmem>>
            %gather3A_429 = tpu.vector_load_idx %gather3A_428[%and3A_422] : memref<2048xf32, #tpu.memory_space<vmem>>[vector<16xi32>], vector<16xf32>,
            %mul3A_430 = arith.mulf %bitcast3A_426, %gather3A_429 : vector<16xf32>
            %add3A_431 = arith.addf %add3A_335, %mul3A_430 : vector<16xf32>
            %gather3A_432 = arith.constant 2048 : i32
            %gather3A_433 = tpu.memref_slice %arg6[%gather3A_432] : memref<32768xf32, #tpu.memory_space<vmem>> -> memref<2048xf32, #tpu.memory_space<vmem>>
            %gather3A_434 = tpu.vector_load_idx %gather3A_433[%and3A_422] : memref<2048xf32, #tpu.memory_space<vmem>>[vector<16xi32>], vector<16xf32>,
            %mul3A_435 = arith.mulf %bitcast3A_426, %gather3A_434 : vector<16xf32>
            %add3A_436 = arith.addf %add3A_340, %mul3A_435 : vector<16xf32>
            %gather3A_437 = arith.constant 4096 : i32
            %gather3A_438 = tpu.memref_slice %arg6[%gather3A_437] : memref<32768xf32, #tpu.memory_space<vmem>> -> memref<2048xf32, #tpu.memory_space<vmem>>
            %gather3A_439 = tpu.vector_load_idx %gather3A_438[%and3A_422] : memref<2048xf32, #tpu.memory_space<vmem>>[vector<16xi32>], vector<16xf32>,
            %mul3A_440 = arith.mulf %bitcast3A_426, %gather3A_439 : vector<16xf32>
            %add3A_441 = arith.addf %add3A_345, %mul3A_440 : vector<16xf32>
            %gather3A_442 = arith.constant 6144 : i32
            %gather3A_443 = tpu.memref_slice %arg6[%gather3A_442] : memref<32768xf32, #tpu.memory_space<vmem>> -> memref<2048xf32, #tpu.memory_space<vmem>>
            %gather3A_444 = tpu.vector_load_idx %gather3A_443[%and3A_422] : memref<2048xf32, #tpu.memory_space<vmem>>[vector<16xi32>], vector<16xf32>,
            %mul3A_445 = arith.mulf %bitcast3A_426, %gather3A_444 : vector<16xf32>
            %add3A_446 = arith.addf %add3A_350, %mul3A_445 : vector<16xf32>
            %gather3A_447 = arith.constant 8192 : i32
            %gather3A_448 = tpu.memref_slice %arg6[%gather3A_447] : memref<32768xf32, #tpu.memory_space<vmem>> -> memref<2048xf32, #tpu.memory_space<vmem>>
            %gather3A_449 = tpu.vector_load_idx %gather3A_448[%and3A_422] : memref<2048xf32, #tpu.memory_space<vmem>>[vector<16xi32>], vector<16xf32>,
            %mul3A_450 = arith.mulf %bitcast3A_426, %gather3A_449 : vector<16xf32>
            %add3A_451 = arith.addf %add3A_355, %mul3A_450 : vector<16xf32>
            %gather3A_452 = arith.constant 10240 : i32
            %gather3A_453 = tpu.memref_slice %arg6[%gather3A_452] : memref<32768xf32, #tpu.memory_space<vmem>> -> memref<2048xf32, #tpu.memory_space<vmem>>
            %gather3A_454 = tpu.vector_load_idx %gather3A_453[%and3A_422] : memref<2048xf32, #tpu.memory_space<vmem>>[vector<16xi32>], vector<16xf32>,
            %mul3A_455 = arith.mulf %bitcast3A_426, %gather3A_454 : vector<16xf32>
            %add3A_456 = arith.addf %add3A_360, %mul3A_455 : vector<16xf32>
            %gather3A_457 = arith.constant 12288 : i32
            %gather3A_458 = tpu.memref_slice %arg6[%gather3A_457] : memref<32768xf32, #tpu.memory_space<vmem>> -> memref<2048xf32, #tpu.memory_space<vmem>>
            %gather3A_459 = tpu.vector_load_idx %gather3A_458[%and3A_422] : memref<2048xf32, #tpu.memory_space<vmem>>[vector<16xi32>], vector<16xf32>,
            %mul3A_460 = arith.mulf %bitcast3A_426, %gather3A_459 : vector<16xf32>
            %add3A_461 = arith.addf %add3A_365, %mul3A_460 : vector<16xf32>
            %gather3A_462 = arith.constant 14336 : i32
            %gather3A_463 = tpu.memref_slice %arg6[%gather3A_462] : memref<32768xf32, #tpu.memory_space<vmem>> -> memref<2048xf32, #tpu.memory_space<vmem>>
            %gather3A_464 = tpu.vector_load_idx %gather3A_463[%and3A_422] : memref<2048xf32, #tpu.memory_space<vmem>>[vector<16xi32>], vector<16xf32>,
            %mul3A_465 = arith.mulf %bitcast3A_426, %gather3A_464 : vector<16xf32>
            %add3A_466 = arith.addf %add3A_370, %mul3A_465 : vector<16xf32>
            %gather3A_467 = arith.constant 16384 : i32
            %gather3A_468 = tpu.memref_slice %arg6[%gather3A_467] : memref<32768xf32, #tpu.memory_space<vmem>> -> memref<2048xf32, #tpu.memory_space<vmem>>
            %gather3A_469 = tpu.vector_load_idx %gather3A_468[%and3A_422] : memref<2048xf32, #tpu.memory_space<vmem>>[vector<16xi32>], vector<16xf32>,
            %mul3A_470 = arith.mulf %bitcast3A_426, %gather3A_469 : vector<16xf32>
            %add3A_471 = arith.addf %add3A_375, %mul3A_470 : vector<16xf32>
            %gather3A_472 = arith.constant 18432 : i32
            %gather3A_473 = tpu.memref_slice %arg6[%gather3A_472] : memref<32768xf32, #tpu.memory_space<vmem>> -> memref<2048xf32, #tpu.memory_space<vmem>>
            %gather3A_474 = tpu.vector_load_idx %gather3A_473[%and3A_422] : memref<2048xf32, #tpu.memory_space<vmem>>[vector<16xi32>], vector<16xf32>,
            %mul3A_475 = arith.mulf %bitcast3A_426, %gather3A_474 : vector<16xf32>
            %add3A_476 = arith.addf %add3A_380, %mul3A_475 : vector<16xf32>
            %gather3A_477 = arith.constant 20480 : i32
            %gather3A_478 = tpu.memref_slice %arg6[%gather3A_477] : memref<32768xf32, #tpu.memory_space<vmem>> -> memref<2048xf32, #tpu.memory_space<vmem>>
            %gather3A_479 = tpu.vector_load_idx %gather3A_478[%and3A_422] : memref<2048xf32, #tpu.memory_space<vmem>>[vector<16xi32>], vector<16xf32>,
            %mul3A_480 = arith.mulf %bitcast3A_426, %gather3A_479 : vector<16xf32>
            %add3A_481 = arith.addf %add3A_385, %mul3A_480 : vector<16xf32>
            %gather3A_482 = arith.constant 22528 : i32
            %gather3A_483 = tpu.memref_slice %arg6[%gather3A_482] : memref<32768xf32, #tpu.memory_space<vmem>> -> memref<2048xf32, #tpu.memory_space<vmem>>
            %gather3A_484 = tpu.vector_load_idx %gather3A_483[%and3A_422] : memref<2048xf32, #tpu.memory_space<vmem>>[vector<16xi32>], vector<16xf32>,
            %mul3A_485 = arith.mulf %bitcast3A_426, %gather3A_484 : vector<16xf32>
            %add3A_486 = arith.addf %add3A_390, %mul3A_485 : vector<16xf32>
            %gather3A_487 = arith.constant 24576 : i32
            %gather3A_488 = tpu.memref_slice %arg6[%gather3A_487] : memref<32768xf32, #tpu.memory_space<vmem>> -> memref<2048xf32, #tpu.memory_space<vmem>>
            %gather3A_489 = tpu.vector_load_idx %gather3A_488[%and3A_422] : memref<2048xf32, #tpu.memory_space<vmem>>[vector<16xi32>], vector<16xf32>,
            %mul3A_490 = arith.mulf %bitcast3A_426, %gather3A_489 : vector<16xf32>
            %add3A_491 = arith.addf %add3A_395, %mul3A_490 : vector<16xf32>
            %gather3A_492 = arith.constant 26624 : i32
            %gather3A_493 = tpu.memref_slice %arg6[%gather3A_492] : memref<32768xf32, #tpu.memory_space<vmem>> -> memref<2048xf32, #tpu.memory_space<vmem>>
            %gather3A_494 = tpu.vector_load_idx %gather3A_493[%and3A_422] : memref<2048xf32, #tpu.memory_space<vmem>>[vector<16xi32>], vector<16xf32>,
            %mul3A_495 = arith.mulf %bitcast3A_426, %gather3A_494 : vector<16xf32>
            %add3A_496 = arith.addf %add3A_400, %mul3A_495 : vector<16xf32>
            %gather3A_497 = arith.constant 28672 : i32
            %gather3A_498 = tpu.memref_slice %arg6[%gather3A_497] : memref<32768xf32, #tpu.memory_space<vmem>> -> memref<2048xf32, #tpu.memory_space<vmem>>
            %gather3A_499 = tpu.vector_load_idx %gather3A_498[%and3A_422] : memref<2048xf32, #tpu.memory_space<vmem>>[vector<16xi32>], vector<16xf32>,
            %mul3A_500 = arith.mulf %bitcast3A_426, %gather3A_499 : vector<16xf32>
            %add3A_501 = arith.addf %add3A_405, %mul3A_500 : vector<16xf32>
            %gather3A_502 = arith.constant 30720 : i32
            %gather3A_503 = tpu.memref_slice %arg6[%gather3A_502] : memref<32768xf32, #tpu.memory_space<vmem>> -> memref<2048xf32, #tpu.memory_space<vmem>>
            %gather3A_504 = tpu.vector_load_idx %gather3A_503[%and3A_422] : memref<2048xf32, #tpu.memory_space<vmem>>[vector<16xi32>], vector<16xf32>,
            %mul3A_505 = arith.mulf %bitcast3A_426, %gather3A_504 : vector<16xf32>
            %add3A_506 = arith.addf %add3A_410, %mul3A_505 : vector<16xf32>
            scf.yield %add3A_431, %add3A_436, %add3A_441, %add3A_446, %add3A_451, %add3A_456, %add3A_461, %add3A_466, %add3A_471, %add3A_476, %add3A_481, %add3A_486, %add3A_491, %add3A_496, %add3A_501, %add3A_506 : vector<16xf32>, vector<16xf32>, vector<16xf32>, vector<16xf32>, vector<16xf32>, vector<16xf32>, vector<16xf32>, vector<16xf32>, vector<16xf32>, vector<16xf32>, vector<16xf32>, vector<16xf32>, vector<16xf32>, vector<16xf32>, vector<16xf32>, vector<16xf32>
          }
          %scan3A_174 = arith.constant 8 : i32
          %max3A = arith.constant 0.000000e+00 : f32
          %max3A_175 = vector.broadcast %max3A : f32 to vector<16xf32>
          %max3A_176 = arith.maximumf %scan3A_173#0, %max3A_175 : vector<16xf32>
          %add3A_177 = arith.constant 0 : i32
          %add3A_178 = arith.addi %add3A_177, %mul3A_124 : i32
          %add3A_179 = arith.addi %add3A_178, %multiple_of3A : i32
          %swap3A = arith.index_cast %add3A_179 : i32 to index
          %swap3A_180 = tpu.vector_load %arg7[%swap3A] {strides = array<i32>} : memref<16384xf32, #tpu.memory_space<vmem>>, vector<16xf32>,
          tpu.vector_store %arg7[%swap3A], %max3A_176 {strides = array<i32>} : memref<16384xf32, #tpu.memory_space<vmem>>, vector<16xf32>,
          %max3A_181 = arith.constant 0.000000e+00 : f32
          %max3A_182 = vector.broadcast %max3A_181 : f32 to vector<16xf32>
          %max3A_183 = arith.maximumf %scan3A_173#1, %max3A_182 : vector<16xf32>
          %add3A_184 = arith.constant 1024 : i32
          %add3A_185 = arith.addi %add3A_184, %mul3A_124 : i32
          %add3A_186 = arith.addi %add3A_185, %multiple_of3A : i32
          %swap3A_187 = arith.index_cast %add3A_186 : i32 to index
          %swap3A_188 = tpu.vector_load %arg7[%swap3A_187] {strides = array<i32>} : memref<16384xf32, #tpu.memory_space<vmem>>, vector<16xf32>,
          tpu.vector_store %arg7[%swap3A_187], %max3A_183 {strides = array<i32>} : memref<16384xf32, #tpu.memory_space<vmem>>, vector<16xf32>,
          %max3A_189 = arith.constant 0.000000e+00 : f32
          %max3A_190 = vector.broadcast %max3A_189 : f32 to vector<16xf32>
          %max3A_191 = arith.maximumf %scan3A_173#2, %max3A_190 : vector<16xf32>
          %add3A_192 = arith.constant 2048 : i32
          %add3A_193 = arith.addi %add3A_192, %mul3A_124 : i32
          %add3A_194 = arith.addi %add3A_193, %multiple_of3A : i32
          %swap3A_195 = arith.index_cast %add3A_194 : i32 to index
          %swap3A_196 = tpu.vector_load %arg7[%swap3A_195] {strides = array<i32>} : memref<16384xf32, #tpu.memory_space<vmem>>, vector<16xf32>,
          tpu.vector_store %arg7[%swap3A_195], %max3A_191 {strides = array<i32>} : memref<16384xf32, #tpu.memory_space<vmem>>, vector<16xf32>,
          %max3A_197 = arith.constant 0.000000e+00 : f32
          %max3A_198 = vector.broadcast %max3A_197 : f32 to vector<16xf32>
          %max3A_199 = arith.maximumf %scan3A_173#3, %max3A_198 : vector<16xf32>
          %add3A_200 = arith.constant 3072 : i32
          %add3A_201 = arith.addi %add3A_200, %mul3A_124 : i32
          %add3A_202 = arith.addi %add3A_201, %multiple_of3A : i32
          %swap3A_203 = arith.index_cast %add3A_202 : i32 to index
          %swap3A_204 = tpu.vector_load %arg7[%swap3A_203] {strides = array<i32>} : memref<16384xf32, #tpu.memory_space<vmem>>, vector<16xf32>,
          tpu.vector_store %arg7[%swap3A_203], %max3A_199 {strides = array<i32>} : memref<16384xf32, #tpu.memory_space<vmem>>, vector<16xf32>,
          %max3A_205 = arith.constant 0.000000e+00 : f32
          %max3A_206 = vector.broadcast %max3A_205 : f32 to vector<16xf32>
          %max3A_207 = arith.maximumf %scan3A_173#4, %max3A_206 : vector<16xf32>
          %add3A_208 = arith.constant 4096 : i32
          %add3A_209 = arith.addi %add3A_208, %mul3A_124 : i32
          %add3A_210 = arith.addi %add3A_209, %multiple_of3A : i32
          %swap3A_211 = arith.index_cast %add3A_210 : i32 to index
          %swap3A_212 = tpu.vector_load %arg7[%swap3A_211] {strides = array<i32>} : memref<16384xf32, #tpu.memory_space<vmem>>, vector<16xf32>,
          tpu.vector_store %arg7[%swap3A_211], %max3A_207 {strides = array<i32>} : memref<16384xf32, #tpu.memory_space<vmem>>, vector<16xf32>,
          %max3A_213 = arith.constant 0.000000e+00 : f32
          %max3A_214 = vector.broadcast %max3A_213 : f32 to vector<16xf32>
          %max3A_215 = arith.maximumf %scan3A_173#5, %max3A_214 : vector<16xf32>
          %add3A_216 = arith.constant 5120 : i32
          %add3A_217 = arith.addi %add3A_216, %mul3A_124 : i32
          %add3A_218 = arith.addi %add3A_217, %multiple_of3A : i32
          %swap3A_219 = arith.index_cast %add3A_218 : i32 to index
          %swap3A_220 = tpu.vector_load %arg7[%swap3A_219] {strides = array<i32>} : memref<16384xf32, #tpu.memory_space<vmem>>, vector<16xf32>,
          tpu.vector_store %arg7[%swap3A_219], %max3A_215 {strides = array<i32>} : memref<16384xf32, #tpu.memory_space<vmem>>, vector<16xf32>,
          %max3A_221 = arith.constant 0.000000e+00 : f32
          %max3A_222 = vector.broadcast %max3A_221 : f32 to vector<16xf32>
          %max3A_223 = arith.maximumf %scan3A_173#6, %max3A_222 : vector<16xf32>
          %add3A_224 = arith.constant 6144 : i32
          %add3A_225 = arith.addi %add3A_224, %mul3A_124 : i32
          %add3A_226 = arith.addi %add3A_225, %multiple_of3A : i32
          %swap3A_227 = arith.index_cast %add3A_226 : i32 to index
          %swap3A_228 = tpu.vector_load %arg7[%swap3A_227] {strides = array<i32>} : memref<16384xf32, #tpu.memory_space<vmem>>, vector<16xf32>,
          tpu.vector_store %arg7[%swap3A_227], %max3A_223 {strides = array<i32>} : memref<16384xf32, #tpu.memory_space<vmem>>, vector<16xf32>,
          %max3A_229 = arith.constant 0.000000e+00 : f32
          %max3A_230 = vector.broadcast %max3A_229 : f32 to vector<16xf32>
          %max3A_231 = arith.maximumf %scan3A_173#7, %max3A_230 : vector<16xf32>
          %add3A_232 = arith.constant 7168 : i32
          %add3A_233 = arith.addi %add3A_232, %mul3A_124 : i32
          %add3A_234 = arith.addi %add3A_233, %multiple_of3A : i32
          %swap3A_235 = arith.index_cast %add3A_234 : i32 to index
          %swap3A_236 = tpu.vector_load %arg7[%swap3A_235] {strides = array<i32>} : memref<16384xf32, #tpu.memory_space<vmem>>, vector<16xf32>,
          tpu.vector_store %arg7[%swap3A_235], %max3A_231 {strides = array<i32>} : memref<16384xf32, #tpu.memory_space<vmem>>, vector<16xf32>,
          %max3A_237 = arith.constant 0.000000e+00 : f32
          %max3A_238 = vector.broadcast %max3A_237 : f32 to vector<16xf32>
          %max3A_239 = arith.maximumf %scan3A_173#8, %max3A_238 : vector<16xf32>
          %add3A_240 = arith.constant 8192 : i32
          %add3A_241 = arith.addi %add3A_240, %mul3A_124 : i32
          %add3A_242 = arith.addi %add3A_241, %multiple_of3A : i32
          %swap3A_243 = arith.index_cast %add3A_242 : i32 to index
          %swap3A_244 = tpu.vector_load %arg7[%swap3A_243] {strides = array<i32>} : memref<16384xf32, #tpu.memory_space<vmem>>, vector<16xf32>,
          tpu.vector_store %arg7[%swap3A_243], %max3A_239 {strides = array<i32>} : memref<16384xf32, #tpu.memory_space<vmem>>, vector<16xf32>,
          %max3A_245 = arith.constant 0.000000e+00 : f32
          %max3A_246 = vector.broadcast %max3A_245 : f32 to vector<16xf32>
          %max3A_247 = arith.maximumf %scan3A_173#9, %max3A_246 : vector<16xf32>
          %add3A_248 = arith.constant 9216 : i32
          %add3A_249 = arith.addi %add3A_248, %mul3A_124 : i32
          %add3A_250 = arith.addi %add3A_249, %multiple_of3A : i32
          %swap3A_251 = arith.index_cast %add3A_250 : i32 to index
          %swap3A_252 = tpu.vector_load %arg7[%swap3A_251] {strides = array<i32>} : memref<16384xf32, #tpu.memory_space<vmem>>, vector<16xf32>,
          tpu.vector_store %arg7[%swap3A_251], %max3A_247 {strides = array<i32>} : memref<16384xf32, #tpu.memory_space<vmem>>, vector<16xf32>,
          %max3A_253 = arith.constant 0.000000e+00 : f32
          %max3A_254 = vector.broadcast %max3A_253 : f32 to vector<16xf32>
          %max3A_255 = arith.maximumf %scan3A_173#10, %max3A_254 : vector<16xf32>
          %add3A_256 = arith.constant 10240 : i32
          %add3A_257 = arith.addi %add3A_256, %mul3A_124 : i32
          %add3A_258 = arith.addi %add3A_257, %multiple_of3A : i32
          %swap3A_259 = arith.index_cast %add3A_258 : i32 to index
          %swap3A_260 = tpu.vector_load %arg7[%swap3A_259] {strides = array<i32>} : memref<16384xf32, #tpu.memory_space<vmem>>, vector<16xf32>,
          tpu.vector_store %arg7[%swap3A_259], %max3A_255 {strides = array<i32>} : memref<16384xf32, #tpu.memory_space<vmem>>, vector<16xf32>,
          %max3A_261 = arith.constant 0.000000e+00 : f32
          %max3A_262 = vector.broadcast %max3A_261 : f32 to vector<16xf32>
          %max3A_263 = arith.maximumf %scan3A_173#11, %max3A_262 : vector<16xf32>
          %add3A_264 = arith.constant 11264 : i32
          %add3A_265 = arith.addi %add3A_264, %mul3A_124 : i32
          %add3A_266 = arith.addi %add3A_265, %multiple_of3A : i32
          %swap3A_267 = arith.index_cast %add3A_266 : i32 to index
          %swap3A_268 = tpu.vector_load %arg7[%swap3A_267] {strides = array<i32>} : memref<16384xf32, #tpu.memory_space<vmem>>, vector<16xf32>,
          tpu.vector_store %arg7[%swap3A_267], %max3A_263 {strides = array<i32>} : memref<16384xf32, #tpu.memory_space<vmem>>, vector<16xf32>,
          %max3A_269 = arith.constant 0.000000e+00 : f32
          %max3A_270 = vector.broadcast %max3A_269 : f32 to vector<16xf32>
          %max3A_271 = arith.maximumf %scan3A_173#12, %max3A_270 : vector<16xf32>
          %add3A_272 = arith.constant 12288 : i32
          %add3A_273 = arith.addi %add3A_272, %mul3A_124 : i32
          %add3A_274 = arith.addi %add3A_273, %multiple_of3A : i32
          %swap3A_275 = arith.index_cast %add3A_274 : i32 to index
          %swap3A_276 = tpu.vector_load %arg7[%swap3A_275] {strides = array<i32>} : memref<16384xf32, #tpu.memory_space<vmem>>, vector<16xf32>,
          tpu.vector_store %arg7[%swap3A_275], %max3A_271 {strides = array<i32>} : memref<16384xf32, #tpu.memory_space<vmem>>, vector<16xf32>,
          %max3A_277 = arith.constant 0.000000e+00 : f32
          %max3A_278 = vector.broadcast %max3A_277 : f32 to vector<16xf32>
          %max3A_279 = arith.maximumf %scan3A_173#13, %max3A_278 : vector<16xf32>
          %add3A_280 = arith.constant 13312 : i32
          %add3A_281 = arith.addi %add3A_280, %mul3A_124 : i32
          %add3A_282 = arith.addi %add3A_281, %multiple_of3A : i32
          %swap3A_283 = arith.index_cast %add3A_282 : i32 to index
          %swap3A_284 = tpu.vector_load %arg7[%swap3A_283] {strides = array<i32>} : memref<16384xf32, #tpu.memory_space<vmem>>, vector<16xf32>,
          tpu.vector_store %arg7[%swap3A_283], %max3A_279 {strides = array<i32>} : memref<16384xf32, #tpu.memory_space<vmem>>, vector<16xf32>,
          %max3A_285 = arith.constant 0.000000e+00 : f32
          %max3A_286 = vector.broadcast %max3A_285 : f32 to vector<16xf32>
          %max3A_287 = arith.maximumf %scan3A_173#14, %max3A_286 : vector<16xf32>
          %add3A_288 = arith.constant 14336 : i32
          %add3A_289 = arith.addi %add3A_288, %mul3A_124 : i32
          %add3A_290 = arith.addi %add3A_289, %multiple_of3A : i32
          %swap3A_291 = arith.index_cast %add3A_290 : i32 to index
          %swap3A_292 = tpu.vector_load %arg7[%swap3A_291] {strides = array<i32>} : memref<16384xf32, #tpu.memory_space<vmem>>, vector<16xf32>,
          tpu.vector_store %arg7[%swap3A_291], %max3A_287 {strides = array<i32>} : memref<16384xf32, #tpu.memory_space<vmem>>, vector<16xf32>,
          %max3A_293 = arith.constant 0.000000e+00 : f32
          %max3A_294 = vector.broadcast %max3A_293 : f32 to vector<16xf32>
          %max3A_295 = arith.maximumf %scan3A_173#15, %max3A_294 : vector<16xf32>
          %add3A_296 = arith.constant 15360 : i32
          %add3A_297 = arith.addi %add3A_296, %mul3A_124 : i32
          %add3A_298 = arith.addi %add3A_297, %multiple_of3A : i32
          %swap3A_299 = arith.index_cast %add3A_298 : i32 to index
          %swap3A_300 = tpu.vector_load %arg7[%swap3A_299] {strides = array<i32>} : memref<16384xf32, #tpu.memory_space<vmem>>, vector<16xf32>,
          tpu.vector_store %arg7[%swap3A_299], %max3A_295 {strides = array<i32>} : memref<16384xf32, #tpu.memory_space<vmem>>, vector<16xf32>,
          %scan3A_301 = arith.constant 0 : i32
          scf.yield %scan3A_301 : i32
        }
        %scan3A_131 = arith.constant 16 : i32
        %add3A_132 = arith.constant 2 : i32
        %add3A_133 = arith.addi %add3A_116, %add3A_132 : i32
        %lt3A_134 = arith.constant 14 : i32
        %lt3A_135 = arith.cmpi slt, %add3A_133, %lt3A_134 : i32
        %convert_element_type3A_136 = arith.extui %lt3A_135 : i1 to i32
        %cond3A_137 = arith.constant 0 : i32
        %cond3A_138 = arith.cmpi ne, %convert_element_type3A_136, %cond3A_137 : i32
        scf.if %cond3A_138 {
          %add3A_164 = arith.constant 2 : i32
          %add3A_165 = arith.addi %add3A_116, %add3A_164 : i32
          %mul3A_166 = arith.constant 4096 : i32
          %mul3A_167 = arith.muli %add3A_165, %mul3A_166 : i32
          %dma_start3A_168 = tpu.memref_slice %arg3[%mul3A_167] : memref<57344xi32, #tpu.memory_space<hbm>> -> memref<4096xi32, #tpu.memory_space<hbm>>
          %dma_start3A_169 = tpu.memref_slice %arg3[%mul3A_167] : memref<57344xi32, #tpu.memory_space<hbm>> -> memref<4096xi32, #tpu.memory_space<hbm>>
          tpu.enqueue_dma source(%dma_start3A_169 : memref<4096xi32, #tpu.memory_space<hbm>>) target(%arg8 : memref<4096xi32, #tpu.memory_space<vmem>>) target_semaphore(%arg10 : memref<!tpu.dma_semaphore, #tpu.memory_space<semaphore_mem>>)
        } else {
        }
        %dma_wait3A_139 = arith.constant 0 : i32
        %dma_wait3A_140 = tpu.memref_slice %arg3[%dma_wait3A_139] : memref<57344xi32, #tpu.memory_space<hbm>> -> memref<4096xi32, #tpu.memory_space<hbm>>
        %dma_wait3A_141 = arith.constant 0 : i32
        %dma_wait3A_142 = tpu.memref_slice %arg3[%dma_wait3A_141] : memref<57344xi32, #tpu.memory_space<hbm>> -> memref<4096xi32, #tpu.memory_space<hbm>>
        tpu.wait_dma2 semaphore(%arg11 : memref<!tpu.dma_semaphore, #tpu.memory_space<semaphore_mem>>) src(%dma_wait3A_142 : memref<4096xi32, #tpu.memory_space<hbm>>) dst(%arg9 : memref<4096xi32, #tpu.memory_space<vmem>>)
        %mul3A_143 = arith.constant 2 : i32
        %mul3A_144 = arith.muli %mul3A_143, %scan3A_111 : i32
        %add3A_145 = arith.constant 1 : i32
        %add3A_146 = arith.addi %mul3A_144, %add3A_145 : i32
        %mul3A_147 = arith.constant 256 : i32
        %mul3A_148 = arith.muli %add3A_146, %mul3A_147 : i32
        %scan3A_149 = arith.constant 0 : i32
        %scan3A_150 = arith.constant 0 : i32
        %scan3A_151 = arith.constant 16 : i32
        %scan3A_152 = arith.addi %scan3A_150, %scan3A_151 : i32
        %scan3A_153 = arith.constant 1 : i32
        %scan3A_154 = scf.for %scan3A_164 = %scan3A_150 to %scan3A_152 step %scan3A_153 iter_args(%scan3A_165 = %scan3A_149) -> (i32)  : i32 {
          %mul3A_166 = arith.constant 16 : i32
          %mul3A_167 = arith.muli %scan3A_164, %mul3A_166 : i32
          %multiple_of3A = tpu.assume_multiple %mul3A_167, 16 : i32
          %broadcast_in_dim3A = arith.constant 0.000000e+00 : f32
          %broadcast_in_dim3A_168 = vector.broadcast %broadcast_in_dim3A : f32 to vector<16xf32>
          %scan3A_169 = arith.constant 0 : i32
          %scan3A_170 = arith.constant 8 : i32
          %scan3A_171 = arith.addi %scan3A_169, %scan3A_170 : i32
          %scan3A_172 = arith.constant 1 : i32
          %scan3A_173:16 = scf.for %scan3A_302 = %scan3A_169 to %scan3A_171 step %scan3A_172 iter_args(%scan3A_303 = %broadcast_in_dim3A_168, %scan3A_304 = %broadcast_in_dim3A_168, %scan3A_305 = %broadcast_in_dim3A_168, %scan3A_306 = %broadcast_in_dim3A_168, %scan3A_307 = %broadcast_in_dim3A_168, %scan3A_308 = %broadcast_in_dim3A_168, %scan3A_309 = %broadcast_in_dim3A_168, %scan3A_310 = %broadcast_in_dim3A_168, %scan3A_311 = %broadcast_in_dim3A_168, %scan3A_312 = %broadcast_in_dim3A_168, %scan3A_313 = %broadcast_in_dim3A_168, %scan3A_314 = %broadcast_in_dim3A_168, %scan3A_315 = %broadcast_in_dim3A_168, %scan3A_316 = %broadcast_in_dim3A_168, %scan3A_317 = %broadcast_in_dim3A_168, %scan3A_318 = %broadcast_in_dim3A_168) -> (vector<16xf32>, vector<16xf32>, vector<16xf32>, vector<16xf32>, vector<16xf32>, vector<16xf32>, vector<16xf32>, vector<16xf32>, vector<16xf32>, vector<16xf32>, vector<16xf32>, vector<16xf32>, vector<16xf32>, vector<16xf32>, vector<16xf32>, vector<16xf32>)  : i32 {
            %mul3A_319 = arith.constant 2 : i32
            %mul3A_320 = arith.muli %mul3A_319, %scan3A_302 : i32
            %add3A_321 = arith.constant 0 : i32
            %add3A_322 = arith.addi %mul3A_320, %add3A_321 : i32
            %mul3A_323 = arith.constant 256 : i32
            %mul3A_324 = arith.muli %add3A_322, %mul3A_323 : i32
            %add3A_325 = arith.addi %mul3A_324, %multiple_of3A : i32
            %get3A = arith.index_cast %add3A_325 : i32 to index
            %get3A_326 = tpu.vector_load %arg9[%get3A] {strides = array<i32>} : memref<4096xi32, #tpu.memory_space<vmem>>, vector<16xi32>,
            %and3A = arith.constant 65535 : i32
            %and3A_327 = vector.broadcast %and3A : i32 to vector<16xi32>
            %and3A_328 = arith.andi %get3A_326, %and3A_327 : vector<16xi32>
            %and3A_329 = arith.constant -65536 : i32
            %and3A_330 = vector.broadcast %and3A_329 : i32 to vector<16xi32>
            %and3A_331 = arith.andi %get3A_326, %and3A_330 : vector<16xi32>
            %bitcast3A = vector.bitcast %and3A_331 : vector<16xi32> to vector<16xf32>
            %gather3A = arith.constant 0 : i32
            %gather3A_332 = tpu.memref_slice %arg6[%gather3A] : memref<32768xf32, #tpu.memory_space<vmem>> -> memref<2048xf32, #tpu.memory_space<vmem>>
            %gather3A_333 = tpu.vector_load_idx %gather3A_332[%and3A_328] : memref<2048xf32, #tpu.memory_space<vmem>>[vector<16xi32>], vector<16xf32>,
            %mul3A_334 = arith.mulf %bitcast3A, %gather3A_333 : vector<16xf32>
            %add3A_335 = arith.addf %scan3A_303, %mul3A_334 : vector<16xf32>
            %gather3A_336 = arith.constant 2048 : i32
            %gather3A_337 = tpu.memref_slice %arg6[%gather3A_336] : memref<32768xf32, #tpu.memory_space<vmem>> -> memref<2048xf32, #tpu.memory_space<vmem>>
            %gather3A_338 = tpu.vector_load_idx %gather3A_337[%and3A_328] : memref<2048xf32, #tpu.memory_space<vmem>>[vector<16xi32>], vector<16xf32>,
            %mul3A_339 = arith.mulf %bitcast3A, %gather3A_338 : vector<16xf32>
            %add3A_340 = arith.addf %scan3A_304, %mul3A_339 : vector<16xf32>
            %gather3A_341 = arith.constant 4096 : i32
            %gather3A_342 = tpu.memref_slice %arg6[%gather3A_341] : memref<32768xf32, #tpu.memory_space<vmem>> -> memref<2048xf32, #tpu.memory_space<vmem>>
            %gather3A_343 = tpu.vector_load_idx %gather3A_342[%and3A_328] : memref<2048xf32, #tpu.memory_space<vmem>>[vector<16xi32>], vector<16xf32>,
            %mul3A_344 = arith.mulf %bitcast3A, %gather3A_343 : vector<16xf32>
            %add3A_345 = arith.addf %scan3A_305, %mul3A_344 : vector<16xf32>
            %gather3A_346 = arith.constant 6144 : i32
            %gather3A_347 = tpu.memref_slice %arg6[%gather3A_346] : memref<32768xf32, #tpu.memory_space<vmem>> -> memref<2048xf32, #tpu.memory_space<vmem>>
            %gather3A_348 = tpu.vector_load_idx %gather3A_347[%and3A_328] : memref<2048xf32, #tpu.memory_space<vmem>>[vector<16xi32>], vector<16xf32>,
            %mul3A_349 = arith.mulf %bitcast3A, %gather3A_348 : vector<16xf32>
            %add3A_350 = arith.addf %scan3A_306, %mul3A_349 : vector<16xf32>
            %gather3A_351 = arith.constant 8192 : i32
            %gather3A_352 = tpu.memref_slice %arg6[%gather3A_351] : memref<32768xf32, #tpu.memory_space<vmem>> -> memref<2048xf32, #tpu.memory_space<vmem>>
            %gather3A_353 = tpu.vector_load_idx %gather3A_352[%and3A_328] : memref<2048xf32, #tpu.memory_space<vmem>>[vector<16xi32>], vector<16xf32>,
            %mul3A_354 = arith.mulf %bitcast3A, %gather3A_353 : vector<16xf32>
            %add3A_355 = arith.addf %scan3A_307, %mul3A_354 : vector<16xf32>
            %gather3A_356 = arith.constant 10240 : i32
            %gather3A_357 = tpu.memref_slice %arg6[%gather3A_356] : memref<32768xf32, #tpu.memory_space<vmem>> -> memref<2048xf32, #tpu.memory_space<vmem>>
            %gather3A_358 = tpu.vector_load_idx %gather3A_357[%and3A_328] : memref<2048xf32, #tpu.memory_space<vmem>>[vector<16xi32>], vector<16xf32>,
            %mul3A_359 = arith.mulf %bitcast3A, %gather3A_358 : vector<16xf32>
            %add3A_360 = arith.addf %scan3A_308, %mul3A_359 : vector<16xf32>
            %gather3A_361 = arith.constant 12288 : i32
            %gather3A_362 = tpu.memref_slice %arg6[%gather3A_361] : memref<32768xf32, #tpu.memory_space<vmem>> -> memref<2048xf32, #tpu.memory_space<vmem>>
            %gather3A_363 = tpu.vector_load_idx %gather3A_362[%and3A_328] : memref<2048xf32, #tpu.memory_space<vmem>>[vector<16xi32>], vector<16xf32>,
            %mul3A_364 = arith.mulf %bitcast3A, %gather3A_363 : vector<16xf32>
            %add3A_365 = arith.addf %scan3A_309, %mul3A_364 : vector<16xf32>
            %gather3A_366 = arith.constant 14336 : i32
            %gather3A_367 = tpu.memref_slice %arg6[%gather3A_366] : memref<32768xf32, #tpu.memory_space<vmem>> -> memref<2048xf32, #tpu.memory_space<vmem>>
            %gather3A_368 = tpu.vector_load_idx %gather3A_367[%and3A_328] : memref<2048xf32, #tpu.memory_space<vmem>>[vector<16xi32>], vector<16xf32>,
            %mul3A_369 = arith.mulf %bitcast3A, %gather3A_368 : vector<16xf32>
            %add3A_370 = arith.addf %scan3A_310, %mul3A_369 : vector<16xf32>
            %gather3A_371 = arith.constant 16384 : i32
            %gather3A_372 = tpu.memref_slice %arg6[%gather3A_371] : memref<32768xf32, #tpu.memory_space<vmem>> -> memref<2048xf32, #tpu.memory_space<vmem>>
            %gather3A_373 = tpu.vector_load_idx %gather3A_372[%and3A_328] : memref<2048xf32, #tpu.memory_space<vmem>>[vector<16xi32>], vector<16xf32>,
            %mul3A_374 = arith.mulf %bitcast3A, %gather3A_373 : vector<16xf32>
            %add3A_375 = arith.addf %scan3A_311, %mul3A_374 : vector<16xf32>
            %gather3A_376 = arith.constant 18432 : i32
            %gather3A_377 = tpu.memref_slice %arg6[%gather3A_376] : memref<32768xf32, #tpu.memory_space<vmem>> -> memref<2048xf32, #tpu.memory_space<vmem>>
            %gather3A_378 = tpu.vector_load_idx %gather3A_377[%and3A_328] : memref<2048xf32, #tpu.memory_space<vmem>>[vector<16xi32>], vector<16xf32>,
            %mul3A_379 = arith.mulf %bitcast3A, %gather3A_378 : vector<16xf32>
            %add3A_380 = arith.addf %scan3A_312, %mul3A_379 : vector<16xf32>
            %gather3A_381 = arith.constant 20480 : i32
            %gather3A_382 = tpu.memref_slice %arg6[%gather3A_381] : memref<32768xf32, #tpu.memory_space<vmem>> -> memref<2048xf32, #tpu.memory_space<vmem>>
            %gather3A_383 = tpu.vector_load_idx %gather3A_382[%and3A_328] : memref<2048xf32, #tpu.memory_space<vmem>>[vector<16xi32>], vector<16xf32>,
            %mul3A_384 = arith.mulf %bitcast3A, %gather3A_383 : vector<16xf32>
            %add3A_385 = arith.addf %scan3A_313, %mul3A_384 : vector<16xf32>
            %gather3A_386 = arith.constant 22528 : i32
            %gather3A_387 = tpu.memref_slice %arg6[%gather3A_386] : memref<32768xf32, #tpu.memory_space<vmem>> -> memref<2048xf32, #tpu.memory_space<vmem>>
            %gather3A_388 = tpu.vector_load_idx %gather3A_387[%and3A_328] : memref<2048xf32, #tpu.memory_space<vmem>>[vector<16xi32>], vector<16xf32>,
            %mul3A_389 = arith.mulf %bitcast3A, %gather3A_388 : vector<16xf32>
            %add3A_390 = arith.addf %scan3A_314, %mul3A_389 : vector<16xf32>
            %gather3A_391 = arith.constant 24576 : i32
            %gather3A_392 = tpu.memref_slice %arg6[%gather3A_391] : memref<32768xf32, #tpu.memory_space<vmem>> -> memref<2048xf32, #tpu.memory_space<vmem>>
            %gather3A_393 = tpu.vector_load_idx %gather3A_392[%and3A_328] : memref<2048xf32, #tpu.memory_space<vmem>>[vector<16xi32>], vector<16xf32>,
            %mul3A_394 = arith.mulf %bitcast3A, %gather3A_393 : vector<16xf32>
            %add3A_395 = arith.addf %scan3A_315, %mul3A_394 : vector<16xf32>
            %gather3A_396 = arith.constant 26624 : i32
            %gather3A_397 = tpu.memref_slice %arg6[%gather3A_396] : memref<32768xf32, #tpu.memory_space<vmem>> -> memref<2048xf32, #tpu.memory_space<vmem>>
            %gather3A_398 = tpu.vector_load_idx %gather3A_397[%and3A_328] : memref<2048xf32, #tpu.memory_space<vmem>>[vector<16xi32>], vector<16xf32>,
            %mul3A_399 = arith.mulf %bitcast3A, %gather3A_398 : vector<16xf32>
            %add3A_400 = arith.addf %scan3A_316, %mul3A_399 : vector<16xf32>
            %gather3A_401 = arith.constant 28672 : i32
            %gather3A_402 = tpu.memref_slice %arg6[%gather3A_401] : memref<32768xf32, #tpu.memory_space<vmem>> -> memref<2048xf32, #tpu.memory_space<vmem>>
            %gather3A_403 = tpu.vector_load_idx %gather3A_402[%and3A_328] : memref<2048xf32, #tpu.memory_space<vmem>>[vector<16xi32>], vector<16xf32>,
            %mul3A_404 = arith.mulf %bitcast3A, %gather3A_403 : vector<16xf32>
            %add3A_405 = arith.addf %scan3A_317, %mul3A_404 : vector<16xf32>
            %gather3A_406 = arith.constant 30720 : i32
            %gather3A_407 = tpu.memref_slice %arg6[%gather3A_406] : memref<32768xf32, #tpu.memory_space<vmem>> -> memref<2048xf32, #tpu.memory_space<vmem>>
            %gather3A_408 = tpu.vector_load_idx %gather3A_407[%and3A_328] : memref<2048xf32, #tpu.memory_space<vmem>>[vector<16xi32>], vector<16xf32>,
            %mul3A_409 = arith.mulf %bitcast3A, %gather3A_408 : vector<16xf32>
            %add3A_410 = arith.addf %scan3A_318, %mul3A_409 : vector<16xf32>
            %mul3A_411 = arith.constant 2 : i32
            %mul3A_412 = arith.muli %mul3A_411, %scan3A_302 : i32
            %add3A_413 = arith.constant 1 : i32
            %add3A_414 = arith.addi %mul3A_412, %add3A_413 : i32
            %mul3A_415 = arith.constant 256 : i32
            %mul3A_416 = arith.muli %add3A_414, %mul3A_415 : i32
            %add3A_417 = arith.addi %mul3A_416, %multiple_of3A : i32
            %get3A_418 = arith.index_cast %add3A_417 : i32 to index
            %get3A_419 = tpu.vector_load %arg9[%get3A_418] {strides = array<i32>} : memref<4096xi32, #tpu.memory_space<vmem>>, vector<16xi32>,
            %and3A_420 = arith.constant 65535 : i32
            %and3A_421 = vector.broadcast %and3A_420 : i32 to vector<16xi32>
            %and3A_422 = arith.andi %get3A_419, %and3A_421 : vector<16xi32>
            %and3A_423 = arith.constant -65536 : i32
            %and3A_424 = vector.broadcast %and3A_423 : i32 to vector<16xi32>
            %and3A_425 = arith.andi %get3A_419, %and3A_424 : vector<16xi32>
            %bitcast3A_426 = vector.bitcast %and3A_425 : vector<16xi32> to vector<16xf32>
            %gather3A_427 = arith.constant 0 : i32
            %gather3A_428 = tpu.memref_slice %arg6[%gather3A_427] : memref<32768xf32, #tpu.memory_space<vmem>> -> memref<2048xf32, #tpu.memory_space<vmem>>
            %gather3A_429 = tpu.vector_load_idx %gather3A_428[%and3A_422] : memref<2048xf32, #tpu.memory_space<vmem>>[vector<16xi32>], vector<16xf32>,
            %mul3A_430 = arith.mulf %bitcast3A_426, %gather3A_429 : vector<16xf32>
            %add3A_431 = arith.addf %add3A_335, %mul3A_430 : vector<16xf32>
            %gather3A_432 = arith.constant 2048 : i32
            %gather3A_433 = tpu.memref_slice %arg6[%gather3A_432] : memref<32768xf32, #tpu.memory_space<vmem>> -> memref<2048xf32, #tpu.memory_space<vmem>>
            %gather3A_434 = tpu.vector_load_idx %gather3A_433[%and3A_422] : memref<2048xf32, #tpu.memory_space<vmem>>[vector<16xi32>], vector<16xf32>,
            %mul3A_435 = arith.mulf %bitcast3A_426, %gather3A_434 : vector<16xf32>
            %add3A_436 = arith.addf %add3A_340, %mul3A_435 : vector<16xf32>
            %gather3A_437 = arith.constant 4096 : i32
            %gather3A_438 = tpu.memref_slice %arg6[%gather3A_437] : memref<32768xf32, #tpu.memory_space<vmem>> -> memref<2048xf32, #tpu.memory_space<vmem>>
            %gather3A_439 = tpu.vector_load_idx %gather3A_438[%and3A_422] : memref<2048xf32, #tpu.memory_space<vmem>>[vector<16xi32>], vector<16xf32>,
            %mul3A_440 = arith.mulf %bitcast3A_426, %gather3A_439 : vector<16xf32>
            %add3A_441 = arith.addf %add3A_345, %mul3A_440 : vector<16xf32>
            %gather3A_442 = arith.constant 6144 : i32
            %gather3A_443 = tpu.memref_slice %arg6[%gather3A_442] : memref<32768xf32, #tpu.memory_space<vmem>> -> memref<2048xf32, #tpu.memory_space<vmem>>
            %gather3A_444 = tpu.vector_load_idx %gather3A_443[%and3A_422] : memref<2048xf32, #tpu.memory_space<vmem>>[vector<16xi32>], vector<16xf32>,
            %mul3A_445 = arith.mulf %bitcast3A_426, %gather3A_444 : vector<16xf32>
            %add3A_446 = arith.addf %add3A_350, %mul3A_445 : vector<16xf32>
            %gather3A_447 = arith.constant 8192 : i32
            %gather3A_448 = tpu.memref_slice %arg6[%gather3A_447] : memref<32768xf32, #tpu.memory_space<vmem>> -> memref<2048xf32, #tpu.memory_space<vmem>>
            %gather3A_449 = tpu.vector_load_idx %gather3A_448[%and3A_422] : memref<2048xf32, #tpu.memory_space<vmem>>[vector<16xi32>], vector<16xf32>,
            %mul3A_450 = arith.mulf %bitcast3A_426, %gather3A_449 : vector<16xf32>
            %add3A_451 = arith.addf %add3A_355, %mul3A_450 : vector<16xf32>
            %gather3A_452 = arith.constant 10240 : i32
            %gather3A_453 = tpu.memref_slice %arg6[%gather3A_452] : memref<32768xf32, #tpu.memory_space<vmem>> -> memref<2048xf32, #tpu.memory_space<vmem>>
            %gather3A_454 = tpu.vector_load_idx %gather3A_453[%and3A_422] : memref<2048xf32, #tpu.memory_space<vmem>>[vector<16xi32>], vector<16xf32>,
            %mul3A_455 = arith.mulf %bitcast3A_426, %gather3A_454 : vector<16xf32>
            %add3A_456 = arith.addf %add3A_360, %mul3A_455 : vector<16xf32>
            %gather3A_457 = arith.constant 12288 : i32
            %gather3A_458 = tpu.memref_slice %arg6[%gather3A_457] : memref<32768xf32, #tpu.memory_space<vmem>> -> memref<2048xf32, #tpu.memory_space<vmem>>
            %gather3A_459 = tpu.vector_load_idx %gather3A_458[%and3A_422] : memref<2048xf32, #tpu.memory_space<vmem>>[vector<16xi32>], vector<16xf32>,
            %mul3A_460 = arith.mulf %bitcast3A_426, %gather3A_459 : vector<16xf32>
            %add3A_461 = arith.addf %add3A_365, %mul3A_460 : vector<16xf32>
            %gather3A_462 = arith.constant 14336 : i32
            %gather3A_463 = tpu.memref_slice %arg6[%gather3A_462] : memref<32768xf32, #tpu.memory_space<vmem>> -> memref<2048xf32, #tpu.memory_space<vmem>>
            %gather3A_464 = tpu.vector_load_idx %gather3A_463[%and3A_422] : memref<2048xf32, #tpu.memory_space<vmem>>[vector<16xi32>], vector<16xf32>,
            %mul3A_465 = arith.mulf %bitcast3A_426, %gather3A_464 : vector<16xf32>
            %add3A_466 = arith.addf %add3A_370, %mul3A_465 : vector<16xf32>
            %gather3A_467 = arith.constant 16384 : i32
            %gather3A_468 = tpu.memref_slice %arg6[%gather3A_467] : memref<32768xf32, #tpu.memory_space<vmem>> -> memref<2048xf32, #tpu.memory_space<vmem>>
            %gather3A_469 = tpu.vector_load_idx %gather3A_468[%and3A_422] : memref<2048xf32, #tpu.memory_space<vmem>>[vector<16xi32>], vector<16xf32>,
            %mul3A_470 = arith.mulf %bitcast3A_426, %gather3A_469 : vector<16xf32>
            %add3A_471 = arith.addf %add3A_375, %mul3A_470 : vector<16xf32>
            %gather3A_472 = arith.constant 18432 : i32
            %gather3A_473 = tpu.memref_slice %arg6[%gather3A_472] : memref<32768xf32, #tpu.memory_space<vmem>> -> memref<2048xf32, #tpu.memory_space<vmem>>
            %gather3A_474 = tpu.vector_load_idx %gather3A_473[%and3A_422] : memref<2048xf32, #tpu.memory_space<vmem>>[vector<16xi32>], vector<16xf32>,
            %mul3A_475 = arith.mulf %bitcast3A_426, %gather3A_474 : vector<16xf32>
            %add3A_476 = arith.addf %add3A_380, %mul3A_475 : vector<16xf32>
            %gather3A_477 = arith.constant 20480 : i32
            %gather3A_478 = tpu.memref_slice %arg6[%gather3A_477] : memref<32768xf32, #tpu.memory_space<vmem>> -> memref<2048xf32, #tpu.memory_space<vmem>>
            %gather3A_479 = tpu.vector_load_idx %gather3A_478[%and3A_422] : memref<2048xf32, #tpu.memory_space<vmem>>[vector<16xi32>], vector<16xf32>,
            %mul3A_480 = arith.mulf %bitcast3A_426, %gather3A_479 : vector<16xf32>
            %add3A_481 = arith.addf %add3A_385, %mul3A_480 : vector<16xf32>
            %gather3A_482 = arith.constant 22528 : i32
            %gather3A_483 = tpu.memref_slice %arg6[%gather3A_482] : memref<32768xf32, #tpu.memory_space<vmem>> -> memref<2048xf32, #tpu.memory_space<vmem>>
            %gather3A_484 = tpu.vector_load_idx %gather3A_483[%and3A_422] : memref<2048xf32, #tpu.memory_space<vmem>>[vector<16xi32>], vector<16xf32>,
            %mul3A_485 = arith.mulf %bitcast3A_426, %gather3A_484 : vector<16xf32>
            %add3A_486 = arith.addf %add3A_390, %mul3A_485 : vector<16xf32>
            %gather3A_487 = arith.constant 24576 : i32
            %gather3A_488 = tpu.memref_slice %arg6[%gather3A_487] : memref<32768xf32, #tpu.memory_space<vmem>> -> memref<2048xf32, #tpu.memory_space<vmem>>
            %gather3A_489 = tpu.vector_load_idx %gather3A_488[%and3A_422] : memref<2048xf32, #tpu.memory_space<vmem>>[vector<16xi32>], vector<16xf32>,
            %mul3A_490 = arith.mulf %bitcast3A_426, %gather3A_489 : vector<16xf32>
            %add3A_491 = arith.addf %add3A_395, %mul3A_490 : vector<16xf32>
            %gather3A_492 = arith.constant 26624 : i32
            %gather3A_493 = tpu.memref_slice %arg6[%gather3A_492] : memref<32768xf32, #tpu.memory_space<vmem>> -> memref<2048xf32, #tpu.memory_space<vmem>>
            %gather3A_494 = tpu.vector_load_idx %gather3A_493[%and3A_422] : memref<2048xf32, #tpu.memory_space<vmem>>[vector<16xi32>], vector<16xf32>,
            %mul3A_495 = arith.mulf %bitcast3A_426, %gather3A_494 : vector<16xf32>
            %add3A_496 = arith.addf %add3A_400, %mul3A_495 : vector<16xf32>
            %gather3A_497 = arith.constant 28672 : i32
            %gather3A_498 = tpu.memref_slice %arg6[%gather3A_497] : memref<32768xf32, #tpu.memory_space<vmem>> -> memref<2048xf32, #tpu.memory_space<vmem>>
            %gather3A_499 = tpu.vector_load_idx %gather3A_498[%and3A_422] : memref<2048xf32, #tpu.memory_space<vmem>>[vector<16xi32>], vector<16xf32>,
            %mul3A_500 = arith.mulf %bitcast3A_426, %gather3A_499 : vector<16xf32>
            %add3A_501 = arith.addf %add3A_405, %mul3A_500 : vector<16xf32>
            %gather3A_502 = arith.constant 30720 : i32
            %gather3A_503 = tpu.memref_slice %arg6[%gather3A_502] : memref<32768xf32, #tpu.memory_space<vmem>> -> memref<2048xf32, #tpu.memory_space<vmem>>
            %gather3A_504 = tpu.vector_load_idx %gather3A_503[%and3A_422] : memref<2048xf32, #tpu.memory_space<vmem>>[vector<16xi32>], vector<16xf32>,
            %mul3A_505 = arith.mulf %bitcast3A_426, %gather3A_504 : vector<16xf32>
            %add3A_506 = arith.addf %add3A_410, %mul3A_505 : vector<16xf32>
            scf.yield %add3A_431, %add3A_436, %add3A_441, %add3A_446, %add3A_451, %add3A_456, %add3A_461, %add3A_466, %add3A_471, %add3A_476, %add3A_481, %add3A_486, %add3A_491, %add3A_496, %add3A_501, %add3A_506 : vector<16xf32>, vector<16xf32>, vector<16xf32>, vector<16xf32>, vector<16xf32>, vector<16xf32>, vector<16xf32>, vector<16xf32>, vector<16xf32>, vector<16xf32>, vector<16xf32>, vector<16xf32>, vector<16xf32>, vector<16xf32>, vector<16xf32>, vector<16xf32>
          }
          %scan3A_174 = arith.constant 8 : i32
          %max3A = arith.constant 0.000000e+00 : f32
          %max3A_175 = vector.broadcast %max3A : f32 to vector<16xf32>
          %max3A_176 = arith.maximumf %scan3A_173#0, %max3A_175 : vector<16xf32>
          %add3A_177 = arith.constant 0 : i32
          %add3A_178 = arith.addi %add3A_177, %mul3A_148 : i32
          %add3A_179 = arith.addi %add3A_178, %multiple_of3A : i32
          %swap3A = arith.index_cast %add3A_179 : i32 to index
          %swap3A_180 = tpu.vector_load %arg7[%swap3A] {strides = array<i32>} : memref<16384xf32, #tpu.memory_space<vmem>>, vector<16xf32>,
          tpu.vector_store %arg7[%swap3A], %max3A_176 {strides = array<i32>} : memref<16384xf32, #tpu.memory_space<vmem>>, vector<16xf32>,
          %max3A_181 = arith.constant 0.000000e+00 : f32
          %max3A_182 = vector.broadcast %max3A_181 : f32 to vector<16xf32>
          %max3A_183 = arith.maximumf %scan3A_173#1, %max3A_182 : vector<16xf32>
          %add3A_184 = arith.constant 1024 : i32
          %add3A_185 = arith.addi %add3A_184, %mul3A_148 : i32
          %add3A_186 = arith.addi %add3A_185, %multiple_of3A : i32
          %swap3A_187 = arith.index_cast %add3A_186 : i32 to index
          %swap3A_188 = tpu.vector_load %arg7[%swap3A_187] {strides = array<i32>} : memref<16384xf32, #tpu.memory_space<vmem>>, vector<16xf32>,
          tpu.vector_store %arg7[%swap3A_187], %max3A_183 {strides = array<i32>} : memref<16384xf32, #tpu.memory_space<vmem>>, vector<16xf32>,
          %max3A_189 = arith.constant 0.000000e+00 : f32
          %max3A_190 = vector.broadcast %max3A_189 : f32 to vector<16xf32>
          %max3A_191 = arith.maximumf %scan3A_173#2, %max3A_190 : vector<16xf32>
          %add3A_192 = arith.constant 2048 : i32
          %add3A_193 = arith.addi %add3A_192, %mul3A_148 : i32
          %add3A_194 = arith.addi %add3A_193, %multiple_of3A : i32
          %swap3A_195 = arith.index_cast %add3A_194 : i32 to index
          %swap3A_196 = tpu.vector_load %arg7[%swap3A_195] {strides = array<i32>} : memref<16384xf32, #tpu.memory_space<vmem>>, vector<16xf32>,
          tpu.vector_store %arg7[%swap3A_195], %max3A_191 {strides = array<i32>} : memref<16384xf32, #tpu.memory_space<vmem>>, vector<16xf32>,
          %max3A_197 = arith.constant 0.000000e+00 : f32
          %max3A_198 = vector.broadcast %max3A_197 : f32 to vector<16xf32>
          %max3A_199 = arith.maximumf %scan3A_173#3, %max3A_198 : vector<16xf32>
          %add3A_200 = arith.constant 3072 : i32
          %add3A_201 = arith.addi %add3A_200, %mul3A_148 : i32
          %add3A_202 = arith.addi %add3A_201, %multiple_of3A : i32
          %swap3A_203 = arith.index_cast %add3A_202 : i32 to index
          %swap3A_204 = tpu.vector_load %arg7[%swap3A_203] {strides = array<i32>} : memref<16384xf32, #tpu.memory_space<vmem>>, vector<16xf32>,
          tpu.vector_store %arg7[%swap3A_203], %max3A_199 {strides = array<i32>} : memref<16384xf32, #tpu.memory_space<vmem>>, vector<16xf32>,
          %max3A_205 = arith.constant 0.000000e+00 : f32
          %max3A_206 = vector.broadcast %max3A_205 : f32 to vector<16xf32>
          %max3A_207 = arith.maximumf %scan3A_173#4, %max3A_206 : vector<16xf32>
          %add3A_208 = arith.constant 4096 : i32
          %add3A_209 = arith.addi %add3A_208, %mul3A_148 : i32
          %add3A_210 = arith.addi %add3A_209, %multiple_of3A : i32
          %swap3A_211 = arith.index_cast %add3A_210 : i32 to index
          %swap3A_212 = tpu.vector_load %arg7[%swap3A_211] {strides = array<i32>} : memref<16384xf32, #tpu.memory_space<vmem>>, vector<16xf32>,
          tpu.vector_store %arg7[%swap3A_211], %max3A_207 {strides = array<i32>} : memref<16384xf32, #tpu.memory_space<vmem>>, vector<16xf32>,
          %max3A_213 = arith.constant 0.000000e+00 : f32
          %max3A_214 = vector.broadcast %max3A_213 : f32 to vector<16xf32>
          %max3A_215 = arith.maximumf %scan3A_173#5, %max3A_214 : vector<16xf32>
          %add3A_216 = arith.constant 5120 : i32
          %add3A_217 = arith.addi %add3A_216, %mul3A_148 : i32
          %add3A_218 = arith.addi %add3A_217, %multiple_of3A : i32
          %swap3A_219 = arith.index_cast %add3A_218 : i32 to index
          %swap3A_220 = tpu.vector_load %arg7[%swap3A_219] {strides = array<i32>} : memref<16384xf32, #tpu.memory_space<vmem>>, vector<16xf32>,
          tpu.vector_store %arg7[%swap3A_219], %max3A_215 {strides = array<i32>} : memref<16384xf32, #tpu.memory_space<vmem>>, vector<16xf32>,
          %max3A_221 = arith.constant 0.000000e+00 : f32
          %max3A_222 = vector.broadcast %max3A_221 : f32 to vector<16xf32>
          %max3A_223 = arith.maximumf %scan3A_173#6, %max3A_222 : vector<16xf32>
          %add3A_224 = arith.constant 6144 : i32
          %add3A_225 = arith.addi %add3A_224, %mul3A_148 : i32
          %add3A_226 = arith.addi %add3A_225, %multiple_of3A : i32
          %swap3A_227 = arith.index_cast %add3A_226 : i32 to index
          %swap3A_228 = tpu.vector_load %arg7[%swap3A_227] {strides = array<i32>} : memref<16384xf32, #tpu.memory_space<vmem>>, vector<16xf32>,
          tpu.vector_store %arg7[%swap3A_227], %max3A_223 {strides = array<i32>} : memref<16384xf32, #tpu.memory_space<vmem>>, vector<16xf32>,
          %max3A_229 = arith.constant 0.000000e+00 : f32
          %max3A_230 = vector.broadcast %max3A_229 : f32 to vector<16xf32>
          %max3A_231 = arith.maximumf %scan3A_173#7, %max3A_230 : vector<16xf32>
          %add3A_232 = arith.constant 7168 : i32
          %add3A_233 = arith.addi %add3A_232, %mul3A_148 : i32
          %add3A_234 = arith.addi %add3A_233, %multiple_of3A : i32
          %swap3A_235 = arith.index_cast %add3A_234 : i32 to index
          %swap3A_236 = tpu.vector_load %arg7[%swap3A_235] {strides = array<i32>} : memref<16384xf32, #tpu.memory_space<vmem>>, vector<16xf32>,
          tpu.vector_store %arg7[%swap3A_235], %max3A_231 {strides = array<i32>} : memref<16384xf32, #tpu.memory_space<vmem>>, vector<16xf32>,
          %max3A_237 = arith.constant 0.000000e+00 : f32
          %max3A_238 = vector.broadcast %max3A_237 : f32 to vector<16xf32>
          %max3A_239 = arith.maximumf %scan3A_173#8, %max3A_238 : vector<16xf32>
          %add3A_240 = arith.constant 8192 : i32
          %add3A_241 = arith.addi %add3A_240, %mul3A_148 : i32
          %add3A_242 = arith.addi %add3A_241, %multiple_of3A : i32
          %swap3A_243 = arith.index_cast %add3A_242 : i32 to index
          %swap3A_244 = tpu.vector_load %arg7[%swap3A_243] {strides = array<i32>} : memref<16384xf32, #tpu.memory_space<vmem>>, vector<16xf32>,
          tpu.vector_store %arg7[%swap3A_243], %max3A_239 {strides = array<i32>} : memref<16384xf32, #tpu.memory_space<vmem>>, vector<16xf32>,
          %max3A_245 = arith.constant 0.000000e+00 : f32
          %max3A_246 = vector.broadcast %max3A_245 : f32 to vector<16xf32>
          %max3A_247 = arith.maximumf %scan3A_173#9, %max3A_246 : vector<16xf32>
          %add3A_248 = arith.constant 9216 : i32
          %add3A_249 = arith.addi %add3A_248, %mul3A_148 : i32
          %add3A_250 = arith.addi %add3A_249, %multiple_of3A : i32
          %swap3A_251 = arith.index_cast %add3A_250 : i32 to index
          %swap3A_252 = tpu.vector_load %arg7[%swap3A_251] {strides = array<i32>} : memref<16384xf32, #tpu.memory_space<vmem>>, vector<16xf32>,
          tpu.vector_store %arg7[%swap3A_251], %max3A_247 {strides = array<i32>} : memref<16384xf32, #tpu.memory_space<vmem>>, vector<16xf32>,
          %max3A_253 = arith.constant 0.000000e+00 : f32
          %max3A_254 = vector.broadcast %max3A_253 : f32 to vector<16xf32>
          %max3A_255 = arith.maximumf %scan3A_173#10, %max3A_254 : vector<16xf32>
          %add3A_256 = arith.constant 10240 : i32
          %add3A_257 = arith.addi %add3A_256, %mul3A_148 : i32
          %add3A_258 = arith.addi %add3A_257, %multiple_of3A : i32
          %swap3A_259 = arith.index_cast %add3A_258 : i32 to index
          %swap3A_260 = tpu.vector_load %arg7[%swap3A_259] {strides = array<i32>} : memref<16384xf32, #tpu.memory_space<vmem>>, vector<16xf32>,
          tpu.vector_store %arg7[%swap3A_259], %max3A_255 {strides = array<i32>} : memref<16384xf32, #tpu.memory_space<vmem>>, vector<16xf32>,
          %max3A_261 = arith.constant 0.000000e+00 : f32
          %max3A_262 = vector.broadcast %max3A_261 : f32 to vector<16xf32>
          %max3A_263 = arith.maximumf %scan3A_173#11, %max3A_262 : vector<16xf32>
          %add3A_264 = arith.constant 11264 : i32
          %add3A_265 = arith.addi %add3A_264, %mul3A_148 : i32
          %add3A_266 = arith.addi %add3A_265, %multiple_of3A : i32
          %swap3A_267 = arith.index_cast %add3A_266 : i32 to index
          %swap3A_268 = tpu.vector_load %arg7[%swap3A_267] {strides = array<i32>} : memref<16384xf32, #tpu.memory_space<vmem>>, vector<16xf32>,
          tpu.vector_store %arg7[%swap3A_267], %max3A_263 {strides = array<i32>} : memref<16384xf32, #tpu.memory_space<vmem>>, vector<16xf32>,
          %max3A_269 = arith.constant 0.000000e+00 : f32
          %max3A_270 = vector.broadcast %max3A_269 : f32 to vector<16xf32>
          %max3A_271 = arith.maximumf %scan3A_173#12, %max3A_270 : vector<16xf32>
          %add3A_272 = arith.constant 12288 : i32
          %add3A_273 = arith.addi %add3A_272, %mul3A_148 : i32
          %add3A_274 = arith.addi %add3A_273, %multiple_of3A : i32
          %swap3A_275 = arith.index_cast %add3A_274 : i32 to index
          %swap3A_276 = tpu.vector_load %arg7[%swap3A_275] {strides = array<i32>} : memref<16384xf32, #tpu.memory_space<vmem>>, vector<16xf32>,
          tpu.vector_store %arg7[%swap3A_275], %max3A_271 {strides = array<i32>} : memref<16384xf32, #tpu.memory_space<vmem>>, vector<16xf32>,
          %max3A_277 = arith.constant 0.000000e+00 : f32
          %max3A_278 = vector.broadcast %max3A_277 : f32 to vector<16xf32>
          %max3A_279 = arith.maximumf %scan3A_173#13, %max3A_278 : vector<16xf32>
          %add3A_280 = arith.constant 13312 : i32
          %add3A_281 = arith.addi %add3A_280, %mul3A_148 : i32
          %add3A_282 = arith.addi %add3A_281, %multiple_of3A : i32
          %swap3A_283 = arith.index_cast %add3A_282 : i32 to index
          %swap3A_284 = tpu.vector_load %arg7[%swap3A_283] {strides = array<i32>} : memref<16384xf32, #tpu.memory_space<vmem>>, vector<16xf32>,
          tpu.vector_store %arg7[%swap3A_283], %max3A_279 {strides = array<i32>} : memref<16384xf32, #tpu.memory_space<vmem>>, vector<16xf32>,
          %max3A_285 = arith.constant 0.000000e+00 : f32
          %max3A_286 = vector.broadcast %max3A_285 : f32 to vector<16xf32>
          %max3A_287 = arith.maximumf %scan3A_173#14, %max3A_286 : vector<16xf32>
          %add3A_288 = arith.constant 14336 : i32
          %add3A_289 = arith.addi %add3A_288, %mul3A_148 : i32
          %add3A_290 = arith.addi %add3A_289, %multiple_of3A : i32
          %swap3A_291 = arith.index_cast %add3A_290 : i32 to index
          %swap3A_292 = tpu.vector_load %arg7[%swap3A_291] {strides = array<i32>} : memref<16384xf32, #tpu.memory_space<vmem>>, vector<16xf32>,
          tpu.vector_store %arg7[%swap3A_291], %max3A_287 {strides = array<i32>} : memref<16384xf32, #tpu.memory_space<vmem>>, vector<16xf32>,
          %max3A_293 = arith.constant 0.000000e+00 : f32
          %max3A_294 = vector.broadcast %max3A_293 : f32 to vector<16xf32>
          %max3A_295 = arith.maximumf %scan3A_173#15, %max3A_294 : vector<16xf32>
          %add3A_296 = arith.constant 15360 : i32
          %add3A_297 = arith.addi %add3A_296, %mul3A_148 : i32
          %add3A_298 = arith.addi %add3A_297, %multiple_of3A : i32
          %swap3A_299 = arith.index_cast %add3A_298 : i32 to index
          %swap3A_300 = tpu.vector_load %arg7[%swap3A_299] {strides = array<i32>} : memref<16384xf32, #tpu.memory_space<vmem>>, vector<16xf32>,
          tpu.vector_store %arg7[%swap3A_299], %max3A_295 {strides = array<i32>} : memref<16384xf32, #tpu.memory_space<vmem>>, vector<16xf32>,
          %scan3A_301 = arith.constant 0 : i32
          scf.yield %scan3A_301 : i32
        }
        %scan3A_155 = arith.constant 16 : i32
        %add3A_156 = arith.constant 3 : i32
        %add3A_157 = arith.addi %add3A_116, %add3A_156 : i32
        %lt3A_158 = arith.constant 14 : i32
        %lt3A_159 = arith.cmpi slt, %add3A_157, %lt3A_158 : i32
        %convert_element_type3A_160 = arith.extui %lt3A_159 : i1 to i32
        %cond3A_161 = arith.constant 0 : i32
        %cond3A_162 = arith.cmpi ne, %convert_element_type3A_160, %cond3A_161 : i32
        scf.if %cond3A_162 {
          %add3A_164 = arith.constant 3 : i32
          %add3A_165 = arith.addi %add3A_116, %add3A_164 : i32
          %mul3A_166 = arith.constant 4096 : i32
          %mul3A_167 = arith.muli %add3A_165, %mul3A_166 : i32
          %dma_start3A_168 = tpu.memref_slice %arg3[%mul3A_167] : memref<57344xi32, #tpu.memory_space<hbm>> -> memref<4096xi32, #tpu.memory_space<hbm>>
          %dma_start3A_169 = tpu.memref_slice %arg3[%mul3A_167] : memref<57344xi32, #tpu.memory_space<hbm>> -> memref<4096xi32, #tpu.memory_space<hbm>>
          tpu.enqueue_dma source(%dma_start3A_169 : memref<4096xi32, #tpu.memory_space<hbm>>) target(%arg9 : memref<4096xi32, #tpu.memory_space<vmem>>) target_semaphore(%arg11 : memref<!tpu.dma_semaphore, #tpu.memory_space<semaphore_mem>>)
        } else {
        }
        %scan3A_163 = arith.constant 0 : i32
        scf.yield %scan3A_163 : i32
      }
      %scan3A_53 = arith.constant 2 : i32
      %scan3A_54 = arith.constant 0 : i32
      %scan3A_55 = arith.constant 0 : i32
      %mul3A_56 = arith.constant 2 : i32
      %mul3A_57 = arith.muli %mul3A_56, %scan3A_55 : i32
      %add3A_58 = arith.constant 12 : i32
      %add3A_59 = arith.addi %add3A_58, %mul3A_57 : i32
      %dma_wait3A_60 = arith.constant 0 : i32
      %dma_wait3A_61 = tpu.memref_slice %arg3[%dma_wait3A_60] : memref<57344xi32, #tpu.memory_space<hbm>> -> memref<4096xi32, #tpu.memory_space<hbm>>
      %dma_wait3A_62 = arith.constant 0 : i32
      %dma_wait3A_63 = tpu.memref_slice %arg3[%dma_wait3A_62] : memref<57344xi32, #tpu.memory_space<hbm>> -> memref<4096xi32, #tpu.memory_space<hbm>>
      tpu.wait_dma2 semaphore(%arg10 : memref<!tpu.dma_semaphore, #tpu.memory_space<semaphore_mem>>) src(%dma_wait3A_63 : memref<4096xi32, #tpu.memory_space<hbm>>) dst(%arg8 : memref<4096xi32, #tpu.memory_space<vmem>>)
      %mul3A_64 = arith.constant 2 : i32
      %mul3A_65 = arith.muli %mul3A_64, %scan3A_55 : i32
      %mul3A_66 = arith.constant 256 : i32
      %mul3A_67 = arith.muli %mul3A_65, %mul3A_66 : i32
      %scan3A_68 = arith.constant 0 : i32
      %scan3A_69 = arith.constant 0 : i32
      %scan3A_70 = arith.constant 16 : i32
      %scan3A_71 = arith.addi %scan3A_69, %scan3A_70 : i32
      %scan3A_72 = arith.constant 1 : i32
      %scan3A_73 = scf.for %scan3A_111 = %scan3A_69 to %scan3A_71 step %scan3A_72 iter_args(%scan3A_112 = %scan3A_68) -> (i32)  : i32 {
        %mul3A_113 = arith.constant 16 : i32
        %mul3A_114 = arith.muli %scan3A_111, %mul3A_113 : i32
        %multiple_of3A = tpu.assume_multiple %mul3A_114, 16 : i32
        %broadcast_in_dim3A = arith.constant 0.000000e+00 : f32
        %broadcast_in_dim3A_115 = vector.broadcast %broadcast_in_dim3A : f32 to vector<16xf32>
        %scan3A_116 = arith.constant 0 : i32
        %scan3A_117 = arith.constant 8 : i32
        %scan3A_118 = arith.addi %scan3A_116, %scan3A_117 : i32
        %scan3A_119 = arith.constant 1 : i32
        %scan3A_120:16 = scf.for %scan3A_249 = %scan3A_116 to %scan3A_118 step %scan3A_119 iter_args(%scan3A_250 = %broadcast_in_dim3A_115, %scan3A_251 = %broadcast_in_dim3A_115, %scan3A_252 = %broadcast_in_dim3A_115, %scan3A_253 = %broadcast_in_dim3A_115, %scan3A_254 = %broadcast_in_dim3A_115, %scan3A_255 = %broadcast_in_dim3A_115, %scan3A_256 = %broadcast_in_dim3A_115, %scan3A_257 = %broadcast_in_dim3A_115, %scan3A_258 = %broadcast_in_dim3A_115, %scan3A_259 = %broadcast_in_dim3A_115, %scan3A_260 = %broadcast_in_dim3A_115, %scan3A_261 = %broadcast_in_dim3A_115, %scan3A_262 = %broadcast_in_dim3A_115, %scan3A_263 = %broadcast_in_dim3A_115, %scan3A_264 = %broadcast_in_dim3A_115, %scan3A_265 = %broadcast_in_dim3A_115) -> (vector<16xf32>, vector<16xf32>, vector<16xf32>, vector<16xf32>, vector<16xf32>, vector<16xf32>, vector<16xf32>, vector<16xf32>, vector<16xf32>, vector<16xf32>, vector<16xf32>, vector<16xf32>, vector<16xf32>, vector<16xf32>, vector<16xf32>, vector<16xf32>)  : i32 {
          %mul3A_266 = arith.constant 2 : i32
          %mul3A_267 = arith.muli %mul3A_266, %scan3A_249 : i32
          %add3A_268 = arith.constant 0 : i32
          %add3A_269 = arith.addi %mul3A_267, %add3A_268 : i32
          %mul3A_270 = arith.constant 256 : i32
          %mul3A_271 = arith.muli %add3A_269, %mul3A_270 : i32
          %add3A_272 = arith.addi %mul3A_271, %multiple_of3A : i32
          %get3A = arith.index_cast %add3A_272 : i32 to index
          %get3A_273 = tpu.vector_load %arg8[%get3A] {strides = array<i32>} : memref<4096xi32, #tpu.memory_space<vmem>>, vector<16xi32>,
          %and3A = arith.constant 65535 : i32
          %and3A_274 = vector.broadcast %and3A : i32 to vector<16xi32>
          %and3A_275 = arith.andi %get3A_273, %and3A_274 : vector<16xi32>
          %and3A_276 = arith.constant -65536 : i32
          %and3A_277 = vector.broadcast %and3A_276 : i32 to vector<16xi32>
          %and3A_278 = arith.andi %get3A_273, %and3A_277 : vector<16xi32>
          %bitcast3A = vector.bitcast %and3A_278 : vector<16xi32> to vector<16xf32>
          %gather3A = arith.constant 0 : i32
          %gather3A_279 = tpu.memref_slice %arg7[%gather3A] : memref<16384xf32, #tpu.memory_space<vmem>> -> memref<1024xf32, #tpu.memory_space<vmem>>
          %gather3A_280 = tpu.vector_load_idx %gather3A_279[%and3A_275] : memref<1024xf32, #tpu.memory_space<vmem>>[vector<16xi32>], vector<16xf32>,
          %mul3A_281 = arith.mulf %bitcast3A, %gather3A_280 : vector<16xf32>
          %add3A_282 = arith.addf %scan3A_250, %mul3A_281 : vector<16xf32>
          %gather3A_283 = arith.constant 1024 : i32
          %gather3A_284 = tpu.memref_slice %arg7[%gather3A_283] : memref<16384xf32, #tpu.memory_space<vmem>> -> memref<1024xf32, #tpu.memory_space<vmem>>
          %gather3A_285 = tpu.vector_load_idx %gather3A_284[%and3A_275] : memref<1024xf32, #tpu.memory_space<vmem>>[vector<16xi32>], vector<16xf32>,
          %mul3A_286 = arith.mulf %bitcast3A, %gather3A_285 : vector<16xf32>
          %add3A_287 = arith.addf %scan3A_251, %mul3A_286 : vector<16xf32>
          %gather3A_288 = arith.constant 2048 : i32
          %gather3A_289 = tpu.memref_slice %arg7[%gather3A_288] : memref<16384xf32, #tpu.memory_space<vmem>> -> memref<1024xf32, #tpu.memory_space<vmem>>
          %gather3A_290 = tpu.vector_load_idx %gather3A_289[%and3A_275] : memref<1024xf32, #tpu.memory_space<vmem>>[vector<16xi32>], vector<16xf32>,
          %mul3A_291 = arith.mulf %bitcast3A, %gather3A_290 : vector<16xf32>
          %add3A_292 = arith.addf %scan3A_252, %mul3A_291 : vector<16xf32>
          %gather3A_293 = arith.constant 3072 : i32
          %gather3A_294 = tpu.memref_slice %arg7[%gather3A_293] : memref<16384xf32, #tpu.memory_space<vmem>> -> memref<1024xf32, #tpu.memory_space<vmem>>
          %gather3A_295 = tpu.vector_load_idx %gather3A_294[%and3A_275] : memref<1024xf32, #tpu.memory_space<vmem>>[vector<16xi32>], vector<16xf32>,
          %mul3A_296 = arith.mulf %bitcast3A, %gather3A_295 : vector<16xf32>
          %add3A_297 = arith.addf %scan3A_253, %mul3A_296 : vector<16xf32>
          %gather3A_298 = arith.constant 4096 : i32
          %gather3A_299 = tpu.memref_slice %arg7[%gather3A_298] : memref<16384xf32, #tpu.memory_space<vmem>> -> memref<1024xf32, #tpu.memory_space<vmem>>
          %gather3A_300 = tpu.vector_load_idx %gather3A_299[%and3A_275] : memref<1024xf32, #tpu.memory_space<vmem>>[vector<16xi32>], vector<16xf32>,
          %mul3A_301 = arith.mulf %bitcast3A, %gather3A_300 : vector<16xf32>
          %add3A_302 = arith.addf %scan3A_254, %mul3A_301 : vector<16xf32>
          %gather3A_303 = arith.constant 5120 : i32
          %gather3A_304 = tpu.memref_slice %arg7[%gather3A_303] : memref<16384xf32, #tpu.memory_space<vmem>> -> memref<1024xf32, #tpu.memory_space<vmem>>
          %gather3A_305 = tpu.vector_load_idx %gather3A_304[%and3A_275] : memref<1024xf32, #tpu.memory_space<vmem>>[vector<16xi32>], vector<16xf32>,
          %mul3A_306 = arith.mulf %bitcast3A, %gather3A_305 : vector<16xf32>
          %add3A_307 = arith.addf %scan3A_255, %mul3A_306 : vector<16xf32>
          %gather3A_308 = arith.constant 6144 : i32
          %gather3A_309 = tpu.memref_slice %arg7[%gather3A_308] : memref<16384xf32, #tpu.memory_space<vmem>> -> memref<1024xf32, #tpu.memory_space<vmem>>
          %gather3A_310 = tpu.vector_load_idx %gather3A_309[%and3A_275] : memref<1024xf32, #tpu.memory_space<vmem>>[vector<16xi32>], vector<16xf32>,
          %mul3A_311 = arith.mulf %bitcast3A, %gather3A_310 : vector<16xf32>
          %add3A_312 = arith.addf %scan3A_256, %mul3A_311 : vector<16xf32>
          %gather3A_313 = arith.constant 7168 : i32
          %gather3A_314 = tpu.memref_slice %arg7[%gather3A_313] : memref<16384xf32, #tpu.memory_space<vmem>> -> memref<1024xf32, #tpu.memory_space<vmem>>
          %gather3A_315 = tpu.vector_load_idx %gather3A_314[%and3A_275] : memref<1024xf32, #tpu.memory_space<vmem>>[vector<16xi32>], vector<16xf32>,
          %mul3A_316 = arith.mulf %bitcast3A, %gather3A_315 : vector<16xf32>
          %add3A_317 = arith.addf %scan3A_257, %mul3A_316 : vector<16xf32>
          %gather3A_318 = arith.constant 8192 : i32
          %gather3A_319 = tpu.memref_slice %arg7[%gather3A_318] : memref<16384xf32, #tpu.memory_space<vmem>> -> memref<1024xf32, #tpu.memory_space<vmem>>
          %gather3A_320 = tpu.vector_load_idx %gather3A_319[%and3A_275] : memref<1024xf32, #tpu.memory_space<vmem>>[vector<16xi32>], vector<16xf32>,
          %mul3A_321 = arith.mulf %bitcast3A, %gather3A_320 : vector<16xf32>
          %add3A_322 = arith.addf %scan3A_258, %mul3A_321 : vector<16xf32>
          %gather3A_323 = arith.constant 9216 : i32
          %gather3A_324 = tpu.memref_slice %arg7[%gather3A_323] : memref<16384xf32, #tpu.memory_space<vmem>> -> memref<1024xf32, #tpu.memory_space<vmem>>
          %gather3A_325 = tpu.vector_load_idx %gather3A_324[%and3A_275] : memref<1024xf32, #tpu.memory_space<vmem>>[vector<16xi32>], vector<16xf32>,
          %mul3A_326 = arith.mulf %bitcast3A, %gather3A_325 : vector<16xf32>
          %add3A_327 = arith.addf %scan3A_259, %mul3A_326 : vector<16xf32>
          %gather3A_328 = arith.constant 10240 : i32
          %gather3A_329 = tpu.memref_slice %arg7[%gather3A_328] : memref<16384xf32, #tpu.memory_space<vmem>> -> memref<1024xf32, #tpu.memory_space<vmem>>
          %gather3A_330 = tpu.vector_load_idx %gather3A_329[%and3A_275] : memref<1024xf32, #tpu.memory_space<vmem>>[vector<16xi32>], vector<16xf32>,
          %mul3A_331 = arith.mulf %bitcast3A, %gather3A_330 : vector<16xf32>
          %add3A_332 = arith.addf %scan3A_260, %mul3A_331 : vector<16xf32>
          %gather3A_333 = arith.constant 11264 : i32
          %gather3A_334 = tpu.memref_slice %arg7[%gather3A_333] : memref<16384xf32, #tpu.memory_space<vmem>> -> memref<1024xf32, #tpu.memory_space<vmem>>
          %gather3A_335 = tpu.vector_load_idx %gather3A_334[%and3A_275] : memref<1024xf32, #tpu.memory_space<vmem>>[vector<16xi32>], vector<16xf32>,
          %mul3A_336 = arith.mulf %bitcast3A, %gather3A_335 : vector<16xf32>
          %add3A_337 = arith.addf %scan3A_261, %mul3A_336 : vector<16xf32>
          %gather3A_338 = arith.constant 12288 : i32
          %gather3A_339 = tpu.memref_slice %arg7[%gather3A_338] : memref<16384xf32, #tpu.memory_space<vmem>> -> memref<1024xf32, #tpu.memory_space<vmem>>
          %gather3A_340 = tpu.vector_load_idx %gather3A_339[%and3A_275] : memref<1024xf32, #tpu.memory_space<vmem>>[vector<16xi32>], vector<16xf32>,
          %mul3A_341 = arith.mulf %bitcast3A, %gather3A_340 : vector<16xf32>
          %add3A_342 = arith.addf %scan3A_262, %mul3A_341 : vector<16xf32>
          %gather3A_343 = arith.constant 13312 : i32
          %gather3A_344 = tpu.memref_slice %arg7[%gather3A_343] : memref<16384xf32, #tpu.memory_space<vmem>> -> memref<1024xf32, #tpu.memory_space<vmem>>
          %gather3A_345 = tpu.vector_load_idx %gather3A_344[%and3A_275] : memref<1024xf32, #tpu.memory_space<vmem>>[vector<16xi32>], vector<16xf32>,
          %mul3A_346 = arith.mulf %bitcast3A, %gather3A_345 : vector<16xf32>
          %add3A_347 = arith.addf %scan3A_263, %mul3A_346 : vector<16xf32>
          %gather3A_348 = arith.constant 14336 : i32
          %gather3A_349 = tpu.memref_slice %arg7[%gather3A_348] : memref<16384xf32, #tpu.memory_space<vmem>> -> memref<1024xf32, #tpu.memory_space<vmem>>
          %gather3A_350 = tpu.vector_load_idx %gather3A_349[%and3A_275] : memref<1024xf32, #tpu.memory_space<vmem>>[vector<16xi32>], vector<16xf32>,
          %mul3A_351 = arith.mulf %bitcast3A, %gather3A_350 : vector<16xf32>
          %add3A_352 = arith.addf %scan3A_264, %mul3A_351 : vector<16xf32>
          %gather3A_353 = arith.constant 15360 : i32
          %gather3A_354 = tpu.memref_slice %arg7[%gather3A_353] : memref<16384xf32, #tpu.memory_space<vmem>> -> memref<1024xf32, #tpu.memory_space<vmem>>
          %gather3A_355 = tpu.vector_load_idx %gather3A_354[%and3A_275] : memref<1024xf32, #tpu.memory_space<vmem>>[vector<16xi32>], vector<16xf32>,
          %mul3A_356 = arith.mulf %bitcast3A, %gather3A_355 : vector<16xf32>
          %add3A_357 = arith.addf %scan3A_265, %mul3A_356 : vector<16xf32>
          %mul3A_358 = arith.constant 2 : i32
          %mul3A_359 = arith.muli %mul3A_358, %scan3A_249 : i32
          %add3A_360 = arith.constant 1 : i32
          %add3A_361 = arith.addi %mul3A_359, %add3A_360 : i32
          %mul3A_362 = arith.constant 256 : i32
          %mul3A_363 = arith.muli %add3A_361, %mul3A_362 : i32
          %add3A_364 = arith.addi %mul3A_363, %multiple_of3A : i32
          %get3A_365 = arith.index_cast %add3A_364 : i32 to index
          %get3A_366 = tpu.vector_load %arg8[%get3A_365] {strides = array<i32>} : memref<4096xi32, #tpu.memory_space<vmem>>, vector<16xi32>,
          %and3A_367 = arith.constant 65535 : i32
          %and3A_368 = vector.broadcast %and3A_367 : i32 to vector<16xi32>
          %and3A_369 = arith.andi %get3A_366, %and3A_368 : vector<16xi32>
          %and3A_370 = arith.constant -65536 : i32
          %and3A_371 = vector.broadcast %and3A_370 : i32 to vector<16xi32>
          %and3A_372 = arith.andi %get3A_366, %and3A_371 : vector<16xi32>
          %bitcast3A_373 = vector.bitcast %and3A_372 : vector<16xi32> to vector<16xf32>
          %gather3A_374 = arith.constant 0 : i32
          %gather3A_375 = tpu.memref_slice %arg7[%gather3A_374] : memref<16384xf32, #tpu.memory_space<vmem>> -> memref<1024xf32, #tpu.memory_space<vmem>>
          %gather3A_376 = tpu.vector_load_idx %gather3A_375[%and3A_369] : memref<1024xf32, #tpu.memory_space<vmem>>[vector<16xi32>], vector<16xf32>,
          %mul3A_377 = arith.mulf %bitcast3A_373, %gather3A_376 : vector<16xf32>
          %add3A_378 = arith.addf %add3A_282, %mul3A_377 : vector<16xf32>
          %gather3A_379 = arith.constant 1024 : i32
          %gather3A_380 = tpu.memref_slice %arg7[%gather3A_379] : memref<16384xf32, #tpu.memory_space<vmem>> -> memref<1024xf32, #tpu.memory_space<vmem>>
          %gather3A_381 = tpu.vector_load_idx %gather3A_380[%and3A_369] : memref<1024xf32, #tpu.memory_space<vmem>>[vector<16xi32>], vector<16xf32>,
          %mul3A_382 = arith.mulf %bitcast3A_373, %gather3A_381 : vector<16xf32>
          %add3A_383 = arith.addf %add3A_287, %mul3A_382 : vector<16xf32>
          %gather3A_384 = arith.constant 2048 : i32
          %gather3A_385 = tpu.memref_slice %arg7[%gather3A_384] : memref<16384xf32, #tpu.memory_space<vmem>> -> memref<1024xf32, #tpu.memory_space<vmem>>
          %gather3A_386 = tpu.vector_load_idx %gather3A_385[%and3A_369] : memref<1024xf32, #tpu.memory_space<vmem>>[vector<16xi32>], vector<16xf32>,
          %mul3A_387 = arith.mulf %bitcast3A_373, %gather3A_386 : vector<16xf32>
          %add3A_388 = arith.addf %add3A_292, %mul3A_387 : vector<16xf32>
          %gather3A_389 = arith.constant 3072 : i32
          %gather3A_390 = tpu.memref_slice %arg7[%gather3A_389] : memref<16384xf32, #tpu.memory_space<vmem>> -> memref<1024xf32, #tpu.memory_space<vmem>>
          %gather3A_391 = tpu.vector_load_idx %gather3A_390[%and3A_369] : memref<1024xf32, #tpu.memory_space<vmem>>[vector<16xi32>], vector<16xf32>,
          %mul3A_392 = arith.mulf %bitcast3A_373, %gather3A_391 : vector<16xf32>
          %add3A_393 = arith.addf %add3A_297, %mul3A_392 : vector<16xf32>
          %gather3A_394 = arith.constant 4096 : i32
          %gather3A_395 = tpu.memref_slice %arg7[%gather3A_394] : memref<16384xf32, #tpu.memory_space<vmem>> -> memref<1024xf32, #tpu.memory_space<vmem>>
          %gather3A_396 = tpu.vector_load_idx %gather3A_395[%and3A_369] : memref<1024xf32, #tpu.memory_space<vmem>>[vector<16xi32>], vector<16xf32>,
          %mul3A_397 = arith.mulf %bitcast3A_373, %gather3A_396 : vector<16xf32>
          %add3A_398 = arith.addf %add3A_302, %mul3A_397 : vector<16xf32>
          %gather3A_399 = arith.constant 5120 : i32
          %gather3A_400 = tpu.memref_slice %arg7[%gather3A_399] : memref<16384xf32, #tpu.memory_space<vmem>> -> memref<1024xf32, #tpu.memory_space<vmem>>
          %gather3A_401 = tpu.vector_load_idx %gather3A_400[%and3A_369] : memref<1024xf32, #tpu.memory_space<vmem>>[vector<16xi32>], vector<16xf32>,
          %mul3A_402 = arith.mulf %bitcast3A_373, %gather3A_401 : vector<16xf32>
          %add3A_403 = arith.addf %add3A_307, %mul3A_402 : vector<16xf32>
          %gather3A_404 = arith.constant 6144 : i32
          %gather3A_405 = tpu.memref_slice %arg7[%gather3A_404] : memref<16384xf32, #tpu.memory_space<vmem>> -> memref<1024xf32, #tpu.memory_space<vmem>>
          %gather3A_406 = tpu.vector_load_idx %gather3A_405[%and3A_369] : memref<1024xf32, #tpu.memory_space<vmem>>[vector<16xi32>], vector<16xf32>,
          %mul3A_407 = arith.mulf %bitcast3A_373, %gather3A_406 : vector<16xf32>
          %add3A_408 = arith.addf %add3A_312, %mul3A_407 : vector<16xf32>
          %gather3A_409 = arith.constant 7168 : i32
          %gather3A_410 = tpu.memref_slice %arg7[%gather3A_409] : memref<16384xf32, #tpu.memory_space<vmem>> -> memref<1024xf32, #tpu.memory_space<vmem>>
          %gather3A_411 = tpu.vector_load_idx %gather3A_410[%and3A_369] : memref<1024xf32, #tpu.memory_space<vmem>>[vector<16xi32>], vector<16xf32>,
          %mul3A_412 = arith.mulf %bitcast3A_373, %gather3A_411 : vector<16xf32>
          %add3A_413 = arith.addf %add3A_317, %mul3A_412 : vector<16xf32>
          %gather3A_414 = arith.constant 8192 : i32
          %gather3A_415 = tpu.memref_slice %arg7[%gather3A_414] : memref<16384xf32, #tpu.memory_space<vmem>> -> memref<1024xf32, #tpu.memory_space<vmem>>
          %gather3A_416 = tpu.vector_load_idx %gather3A_415[%and3A_369] : memref<1024xf32, #tpu.memory_space<vmem>>[vector<16xi32>], vector<16xf32>,
          %mul3A_417 = arith.mulf %bitcast3A_373, %gather3A_416 : vector<16xf32>
          %add3A_418 = arith.addf %add3A_322, %mul3A_417 : vector<16xf32>
          %gather3A_419 = arith.constant 9216 : i32
          %gather3A_420 = tpu.memref_slice %arg7[%gather3A_419] : memref<16384xf32, #tpu.memory_space<vmem>> -> memref<1024xf32, #tpu.memory_space<vmem>>
          %gather3A_421 = tpu.vector_load_idx %gather3A_420[%and3A_369] : memref<1024xf32, #tpu.memory_space<vmem>>[vector<16xi32>], vector<16xf32>,
          %mul3A_422 = arith.mulf %bitcast3A_373, %gather3A_421 : vector<16xf32>
          %add3A_423 = arith.addf %add3A_327, %mul3A_422 : vector<16xf32>
          %gather3A_424 = arith.constant 10240 : i32
          %gather3A_425 = tpu.memref_slice %arg7[%gather3A_424] : memref<16384xf32, #tpu.memory_space<vmem>> -> memref<1024xf32, #tpu.memory_space<vmem>>
          %gather3A_426 = tpu.vector_load_idx %gather3A_425[%and3A_369] : memref<1024xf32, #tpu.memory_space<vmem>>[vector<16xi32>], vector<16xf32>,
          %mul3A_427 = arith.mulf %bitcast3A_373, %gather3A_426 : vector<16xf32>
          %add3A_428 = arith.addf %add3A_332, %mul3A_427 : vector<16xf32>
          %gather3A_429 = arith.constant 11264 : i32
          %gather3A_430 = tpu.memref_slice %arg7[%gather3A_429] : memref<16384xf32, #tpu.memory_space<vmem>> -> memref<1024xf32, #tpu.memory_space<vmem>>
          %gather3A_431 = tpu.vector_load_idx %gather3A_430[%and3A_369] : memref<1024xf32, #tpu.memory_space<vmem>>[vector<16xi32>], vector<16xf32>,
          %mul3A_432 = arith.mulf %bitcast3A_373, %gather3A_431 : vector<16xf32>
          %add3A_433 = arith.addf %add3A_337, %mul3A_432 : vector<16xf32>
          %gather3A_434 = arith.constant 12288 : i32
          %gather3A_435 = tpu.memref_slice %arg7[%gather3A_434] : memref<16384xf32, #tpu.memory_space<vmem>> -> memref<1024xf32, #tpu.memory_space<vmem>>
          %gather3A_436 = tpu.vector_load_idx %gather3A_435[%and3A_369] : memref<1024xf32, #tpu.memory_space<vmem>>[vector<16xi32>], vector<16xf32>,
          %mul3A_437 = arith.mulf %bitcast3A_373, %gather3A_436 : vector<16xf32>
          %add3A_438 = arith.addf %add3A_342, %mul3A_437 : vector<16xf32>
          %gather3A_439 = arith.constant 13312 : i32
          %gather3A_440 = tpu.memref_slice %arg7[%gather3A_439] : memref<16384xf32, #tpu.memory_space<vmem>> -> memref<1024xf32, #tpu.memory_space<vmem>>
          %gather3A_441 = tpu.vector_load_idx %gather3A_440[%and3A_369] : memref<1024xf32, #tpu.memory_space<vmem>>[vector<16xi32>], vector<16xf32>,
          %mul3A_442 = arith.mulf %bitcast3A_373, %gather3A_441 : vector<16xf32>
          %add3A_443 = arith.addf %add3A_347, %mul3A_442 : vector<16xf32>
          %gather3A_444 = arith.constant 14336 : i32
          %gather3A_445 = tpu.memref_slice %arg7[%gather3A_444] : memref<16384xf32, #tpu.memory_space<vmem>> -> memref<1024xf32, #tpu.memory_space<vmem>>
          %gather3A_446 = tpu.vector_load_idx %gather3A_445[%and3A_369] : memref<1024xf32, #tpu.memory_space<vmem>>[vector<16xi32>], vector<16xf32>,
          %mul3A_447 = arith.mulf %bitcast3A_373, %gather3A_446 : vector<16xf32>
          %add3A_448 = arith.addf %add3A_352, %mul3A_447 : vector<16xf32>
          %gather3A_449 = arith.constant 15360 : i32
          %gather3A_450 = tpu.memref_slice %arg7[%gather3A_449] : memref<16384xf32, #tpu.memory_space<vmem>> -> memref<1024xf32, #tpu.memory_space<vmem>>
          %gather3A_451 = tpu.vector_load_idx %gather3A_450[%and3A_369] : memref<1024xf32, #tpu.memory_space<vmem>>[vector<16xi32>], vector<16xf32>,
          %mul3A_452 = arith.mulf %bitcast3A_373, %gather3A_451 : vector<16xf32>
          %add3A_453 = arith.addf %add3A_357, %mul3A_452 : vector<16xf32>
          scf.yield %add3A_378, %add3A_383, %add3A_388, %add3A_393, %add3A_398, %add3A_403, %add3A_408, %add3A_413, %add3A_418, %add3A_423, %add3A_428, %add3A_433, %add3A_438, %add3A_443, %add3A_448, %add3A_453 : vector<16xf32>, vector<16xf32>, vector<16xf32>, vector<16xf32>, vector<16xf32>, vector<16xf32>, vector<16xf32>, vector<16xf32>, vector<16xf32>, vector<16xf32>, vector<16xf32>, vector<16xf32>, vector<16xf32>, vector<16xf32>, vector<16xf32>, vector<16xf32>
        }
        %scan3A_121 = arith.constant 8 : i32
        %max3A = arith.constant 0.000000e+00 : f32
        %max3A_122 = vector.broadcast %max3A : f32 to vector<16xf32>
        %max3A_123 = arith.maximumf %scan3A_120#0, %max3A_122 : vector<16xf32>
        %add3A_124 = arith.constant 0 : i32
        %add3A_125 = arith.addi %add3A_124, %mul3A_67 : i32
        %add3A_126 = arith.addi %add3A_125, %multiple_of3A : i32
        %swap3A = arith.index_cast %add3A_126 : i32 to index
        %swap3A_127 = tpu.vector_load %arg6[%swap3A] {strides = array<i32>} : memref<32768xf32, #tpu.memory_space<vmem>>, vector<16xf32>,
        tpu.vector_store %arg6[%swap3A], %max3A_123 {strides = array<i32>} : memref<32768xf32, #tpu.memory_space<vmem>>, vector<16xf32>,
        %max3A_128 = arith.constant 0.000000e+00 : f32
        %max3A_129 = vector.broadcast %max3A_128 : f32 to vector<16xf32>
        %max3A_130 = arith.maximumf %scan3A_120#1, %max3A_129 : vector<16xf32>
        %add3A_131 = arith.constant 512 : i32
        %add3A_132 = arith.addi %add3A_131, %mul3A_67 : i32
        %add3A_133 = arith.addi %add3A_132, %multiple_of3A : i32
        %swap3A_134 = arith.index_cast %add3A_133 : i32 to index
        %swap3A_135 = tpu.vector_load %arg6[%swap3A_134] {strides = array<i32>} : memref<32768xf32, #tpu.memory_space<vmem>>, vector<16xf32>,
        tpu.vector_store %arg6[%swap3A_134], %max3A_130 {strides = array<i32>} : memref<32768xf32, #tpu.memory_space<vmem>>, vector<16xf32>,
        %max3A_136 = arith.constant 0.000000e+00 : f32
        %max3A_137 = vector.broadcast %max3A_136 : f32 to vector<16xf32>
        %max3A_138 = arith.maximumf %scan3A_120#2, %max3A_137 : vector<16xf32>
        %add3A_139 = arith.constant 1024 : i32
        %add3A_140 = arith.addi %add3A_139, %mul3A_67 : i32
        %add3A_141 = arith.addi %add3A_140, %multiple_of3A : i32
        %swap3A_142 = arith.index_cast %add3A_141 : i32 to index
        %swap3A_143 = tpu.vector_load %arg6[%swap3A_142] {strides = array<i32>} : memref<32768xf32, #tpu.memory_space<vmem>>, vector<16xf32>,
        tpu.vector_store %arg6[%swap3A_142], %max3A_138 {strides = array<i32>} : memref<32768xf32, #tpu.memory_space<vmem>>, vector<16xf32>,
        %max3A_144 = arith.constant 0.000000e+00 : f32
        %max3A_145 = vector.broadcast %max3A_144 : f32 to vector<16xf32>
        %max3A_146 = arith.maximumf %scan3A_120#3, %max3A_145 : vector<16xf32>
        %add3A_147 = arith.constant 1536 : i32
        %add3A_148 = arith.addi %add3A_147, %mul3A_67 : i32
        %add3A_149 = arith.addi %add3A_148, %multiple_of3A : i32
        %swap3A_150 = arith.index_cast %add3A_149 : i32 to index
        %swap3A_151 = tpu.vector_load %arg6[%swap3A_150] {strides = array<i32>} : memref<32768xf32, #tpu.memory_space<vmem>>, vector<16xf32>,
        tpu.vector_store %arg6[%swap3A_150], %max3A_146 {strides = array<i32>} : memref<32768xf32, #tpu.memory_space<vmem>>, vector<16xf32>,
        %max3A_152 = arith.constant 0.000000e+00 : f32
        %max3A_153 = vector.broadcast %max3A_152 : f32 to vector<16xf32>
        %max3A_154 = arith.maximumf %scan3A_120#4, %max3A_153 : vector<16xf32>
        %add3A_155 = arith.constant 2048 : i32
        %add3A_156 = arith.addi %add3A_155, %mul3A_67 : i32
        %add3A_157 = arith.addi %add3A_156, %multiple_of3A : i32
        %swap3A_158 = arith.index_cast %add3A_157 : i32 to index
        %swap3A_159 = tpu.vector_load %arg6[%swap3A_158] {strides = array<i32>} : memref<32768xf32, #tpu.memory_space<vmem>>, vector<16xf32>,
        tpu.vector_store %arg6[%swap3A_158], %max3A_154 {strides = array<i32>} : memref<32768xf32, #tpu.memory_space<vmem>>, vector<16xf32>,
        %max3A_160 = arith.constant 0.000000e+00 : f32
        %max3A_161 = vector.broadcast %max3A_160 : f32 to vector<16xf32>
        %max3A_162 = arith.maximumf %scan3A_120#5, %max3A_161 : vector<16xf32>
        %add3A_163 = arith.constant 2560 : i32
        %add3A_164 = arith.addi %add3A_163, %mul3A_67 : i32
        %add3A_165 = arith.addi %add3A_164, %multiple_of3A : i32
        %swap3A_166 = arith.index_cast %add3A_165 : i32 to index
        %swap3A_167 = tpu.vector_load %arg6[%swap3A_166] {strides = array<i32>} : memref<32768xf32, #tpu.memory_space<vmem>>, vector<16xf32>,
        tpu.vector_store %arg6[%swap3A_166], %max3A_162 {strides = array<i32>} : memref<32768xf32, #tpu.memory_space<vmem>>, vector<16xf32>,
        %max3A_168 = arith.constant 0.000000e+00 : f32
        %max3A_169 = vector.broadcast %max3A_168 : f32 to vector<16xf32>
        %max3A_170 = arith.maximumf %scan3A_120#6, %max3A_169 : vector<16xf32>
        %add3A_171 = arith.constant 3072 : i32
        %add3A_172 = arith.addi %add3A_171, %mul3A_67 : i32
        %add3A_173 = arith.addi %add3A_172, %multiple_of3A : i32
        %swap3A_174 = arith.index_cast %add3A_173 : i32 to index
        %swap3A_175 = tpu.vector_load %arg6[%swap3A_174] {strides = array<i32>} : memref<32768xf32, #tpu.memory_space<vmem>>, vector<16xf32>,
        tpu.vector_store %arg6[%swap3A_174], %max3A_170 {strides = array<i32>} : memref<32768xf32, #tpu.memory_space<vmem>>, vector<16xf32>,
        %max3A_176 = arith.constant 0.000000e+00 : f32
        %max3A_177 = vector.broadcast %max3A_176 : f32 to vector<16xf32>
        %max3A_178 = arith.maximumf %scan3A_120#7, %max3A_177 : vector<16xf32>
        %add3A_179 = arith.constant 3584 : i32
        %add3A_180 = arith.addi %add3A_179, %mul3A_67 : i32
        %add3A_181 = arith.addi %add3A_180, %multiple_of3A : i32
        %swap3A_182 = arith.index_cast %add3A_181 : i32 to index
        %swap3A_183 = tpu.vector_load %arg6[%swap3A_182] {strides = array<i32>} : memref<32768xf32, #tpu.memory_space<vmem>>, vector<16xf32>,
        tpu.vector_store %arg6[%swap3A_182], %max3A_178 {strides = array<i32>} : memref<32768xf32, #tpu.memory_space<vmem>>, vector<16xf32>,
        %max3A_184 = arith.constant 0.000000e+00 : f32
        %max3A_185 = vector.broadcast %max3A_184 : f32 to vector<16xf32>
        %max3A_186 = arith.maximumf %scan3A_120#8, %max3A_185 : vector<16xf32>
        %add3A_187 = arith.constant 4096 : i32
        %add3A_188 = arith.addi %add3A_187, %mul3A_67 : i32
        %add3A_189 = arith.addi %add3A_188, %multiple_of3A : i32
        %swap3A_190 = arith.index_cast %add3A_189 : i32 to index
        %swap3A_191 = tpu.vector_load %arg6[%swap3A_190] {strides = array<i32>} : memref<32768xf32, #tpu.memory_space<vmem>>, vector<16xf32>,
        tpu.vector_store %arg6[%swap3A_190], %max3A_186 {strides = array<i32>} : memref<32768xf32, #tpu.memory_space<vmem>>, vector<16xf32>,
        %max3A_192 = arith.constant 0.000000e+00 : f32
        %max3A_193 = vector.broadcast %max3A_192 : f32 to vector<16xf32>
        %max3A_194 = arith.maximumf %scan3A_120#9, %max3A_193 : vector<16xf32>
        %add3A_195 = arith.constant 4608 : i32
        %add3A_196 = arith.addi %add3A_195, %mul3A_67 : i32
        %add3A_197 = arith.addi %add3A_196, %multiple_of3A : i32
        %swap3A_198 = arith.index_cast %add3A_197 : i32 to index
        %swap3A_199 = tpu.vector_load %arg6[%swap3A_198] {strides = array<i32>} : memref<32768xf32, #tpu.memory_space<vmem>>, vector<16xf32>,
        tpu.vector_store %arg6[%swap3A_198], %max3A_194 {strides = array<i32>} : memref<32768xf32, #tpu.memory_space<vmem>>, vector<16xf32>,
        %max3A_200 = arith.constant 0.000000e+00 : f32
        %max3A_201 = vector.broadcast %max3A_200 : f32 to vector<16xf32>
        %max3A_202 = arith.maximumf %scan3A_120#10, %max3A_201 : vector<16xf32>
        %add3A_203 = arith.constant 5120 : i32
        %add3A_204 = arith.addi %add3A_203, %mul3A_67 : i32
        %add3A_205 = arith.addi %add3A_204, %multiple_of3A : i32
        %swap3A_206 = arith.index_cast %add3A_205 : i32 to index
        %swap3A_207 = tpu.vector_load %arg6[%swap3A_206] {strides = array<i32>} : memref<32768xf32, #tpu.memory_space<vmem>>, vector<16xf32>,
        tpu.vector_store %arg6[%swap3A_206], %max3A_202 {strides = array<i32>} : memref<32768xf32, #tpu.memory_space<vmem>>, vector<16xf32>,
        %max3A_208 = arith.constant 0.000000e+00 : f32
        %max3A_209 = vector.broadcast %max3A_208 : f32 to vector<16xf32>
        %max3A_210 = arith.maximumf %scan3A_120#11, %max3A_209 : vector<16xf32>
        %add3A_211 = arith.constant 5632 : i32
        %add3A_212 = arith.addi %add3A_211, %mul3A_67 : i32
        %add3A_213 = arith.addi %add3A_212, %multiple_of3A : i32
        %swap3A_214 = arith.index_cast %add3A_213 : i32 to index
        %swap3A_215 = tpu.vector_load %arg6[%swap3A_214] {strides = array<i32>} : memref<32768xf32, #tpu.memory_space<vmem>>, vector<16xf32>,
        tpu.vector_store %arg6[%swap3A_214], %max3A_210 {strides = array<i32>} : memref<32768xf32, #tpu.memory_space<vmem>>, vector<16xf32>,
        %max3A_216 = arith.constant 0.000000e+00 : f32
        %max3A_217 = vector.broadcast %max3A_216 : f32 to vector<16xf32>
        %max3A_218 = arith.maximumf %scan3A_120#12, %max3A_217 : vector<16xf32>
        %add3A_219 = arith.constant 6144 : i32
        %add3A_220 = arith.addi %add3A_219, %mul3A_67 : i32
        %add3A_221 = arith.addi %add3A_220, %multiple_of3A : i32
        %swap3A_222 = arith.index_cast %add3A_221 : i32 to index
        %swap3A_223 = tpu.vector_load %arg6[%swap3A_222] {strides = array<i32>} : memref<32768xf32, #tpu.memory_space<vmem>>, vector<16xf32>,
        tpu.vector_store %arg6[%swap3A_222], %max3A_218 {strides = array<i32>} : memref<32768xf32, #tpu.memory_space<vmem>>, vector<16xf32>,
        %max3A_224 = arith.constant 0.000000e+00 : f32
        %max3A_225 = vector.broadcast %max3A_224 : f32 to vector<16xf32>
        %max3A_226 = arith.maximumf %scan3A_120#13, %max3A_225 : vector<16xf32>
        %add3A_227 = arith.constant 6656 : i32
        %add3A_228 = arith.addi %add3A_227, %mul3A_67 : i32
        %add3A_229 = arith.addi %add3A_228, %multiple_of3A : i32
        %swap3A_230 = arith.index_cast %add3A_229 : i32 to index
        %swap3A_231 = tpu.vector_load %arg6[%swap3A_230] {strides = array<i32>} : memref<32768xf32, #tpu.memory_space<vmem>>, vector<16xf32>,
        tpu.vector_store %arg6[%swap3A_230], %max3A_226 {strides = array<i32>} : memref<32768xf32, #tpu.memory_space<vmem>>, vector<16xf32>,
        %max3A_232 = arith.constant 0.000000e+00 : f32
        %max3A_233 = vector.broadcast %max3A_232 : f32 to vector<16xf32>
        %max3A_234 = arith.maximumf %scan3A_120#14, %max3A_233 : vector<16xf32>
        %add3A_235 = arith.constant 7168 : i32
        %add3A_236 = arith.addi %add3A_235, %mul3A_67 : i32
        %add3A_237 = arith.addi %add3A_236, %multiple_of3A : i32
        %swap3A_238 = arith.index_cast %add3A_237 : i32 to index
        %swap3A_239 = tpu.vector_load %arg6[%swap3A_238] {strides = array<i32>} : memref<32768xf32, #tpu.memory_space<vmem>>, vector<16xf32>,
        tpu.vector_store %arg6[%swap3A_238], %max3A_234 {strides = array<i32>} : memref<32768xf32, #tpu.memory_space<vmem>>, vector<16xf32>,
        %max3A_240 = arith.constant 0.000000e+00 : f32
        %max3A_241 = vector.broadcast %max3A_240 : f32 to vector<16xf32>
        %max3A_242 = arith.maximumf %scan3A_120#15, %max3A_241 : vector<16xf32>
        %add3A_243 = arith.constant 7680 : i32
        %add3A_244 = arith.addi %add3A_243, %mul3A_67 : i32
        %add3A_245 = arith.addi %add3A_244, %multiple_of3A : i32
        %swap3A_246 = arith.index_cast %add3A_245 : i32 to index
        %swap3A_247 = tpu.vector_load %arg6[%swap3A_246] {strides = array<i32>} : memref<32768xf32, #tpu.memory_space<vmem>>, vector<16xf32>,
        tpu.vector_store %arg6[%swap3A_246], %max3A_242 {strides = array<i32>} : memref<32768xf32, #tpu.memory_space<vmem>>, vector<16xf32>,
        %scan3A_248 = arith.constant 0 : i32
        scf.yield %scan3A_248 : i32
      }
      %scan3A_74 = arith.constant 16 : i32
      %add3A_75 = arith.constant 2 : i32
      %add3A_76 = arith.addi %add3A_59, %add3A_75 : i32
      %lt3A_77 = arith.constant 14 : i32
      %lt3A_78 = arith.cmpi slt, %add3A_76, %lt3A_77 : i32
      %convert_element_type3A_79 = arith.extui %lt3A_78 : i1 to i32
      %cond3A_80 = arith.constant 0 : i32
      %cond3A_81 = arith.cmpi ne, %convert_element_type3A_79, %cond3A_80 : i32
      scf.if %cond3A_81 {
        %add3A_111 = arith.constant 2 : i32
        %add3A_112 = arith.addi %add3A_59, %add3A_111 : i32
        %mul3A_113 = arith.constant 4096 : i32
        %mul3A_114 = arith.muli %add3A_112, %mul3A_113 : i32
        %dma_start3A_115 = tpu.memref_slice %arg3[%mul3A_114] : memref<57344xi32, #tpu.memory_space<hbm>> -> memref<4096xi32, #tpu.memory_space<hbm>>
        %dma_start3A_116 = tpu.memref_slice %arg3[%mul3A_114] : memref<57344xi32, #tpu.memory_space<hbm>> -> memref<4096xi32, #tpu.memory_space<hbm>>
        tpu.enqueue_dma source(%dma_start3A_116 : memref<4096xi32, #tpu.memory_space<hbm>>) target(%arg8 : memref<4096xi32, #tpu.memory_space<vmem>>) target_semaphore(%arg10 : memref<!tpu.dma_semaphore, #tpu.memory_space<semaphore_mem>>)
      } else {
      }
      %dma_wait3A_82 = arith.constant 0 : i32
      %dma_wait3A_83 = tpu.memref_slice %arg3[%dma_wait3A_82] : memref<57344xi32, #tpu.memory_space<hbm>> -> memref<4096xi32, #tpu.memory_space<hbm>>
      %dma_wait3A_84 = arith.constant 0 : i32
      %dma_wait3A_85 = tpu.memref_slice %arg3[%dma_wait3A_84] : memref<57344xi32, #tpu.memory_space<hbm>> -> memref<4096xi32, #tpu.memory_space<hbm>>
      tpu.wait_dma2 semaphore(%arg11 : memref<!tpu.dma_semaphore, #tpu.memory_space<semaphore_mem>>) src(%dma_wait3A_85 : memref<4096xi32, #tpu.memory_space<hbm>>) dst(%arg9 : memref<4096xi32, #tpu.memory_space<vmem>>)
      %mul3A_86 = arith.constant 2 : i32
      %mul3A_87 = arith.muli %mul3A_86, %scan3A_55 : i32
      %add3A_88 = arith.constant 1 : i32
      %add3A_89 = arith.addi %mul3A_87, %add3A_88 : i32
      %mul3A_90 = arith.constant 256 : i32
      %mul3A_91 = arith.muli %add3A_89, %mul3A_90 : i32
      %scan3A_92 = arith.constant 0 : i32
      %scan3A_93 = arith.constant 0 : i32
      %scan3A_94 = arith.constant 16 : i32
      %scan3A_95 = arith.addi %scan3A_93, %scan3A_94 : i32
      %scan3A_96 = arith.constant 1 : i32
      %scan3A_97 = scf.for %scan3A_111 = %scan3A_93 to %scan3A_95 step %scan3A_96 iter_args(%scan3A_112 = %scan3A_92) -> (i32)  : i32 {
        %mul3A_113 = arith.constant 16 : i32
        %mul3A_114 = arith.muli %scan3A_111, %mul3A_113 : i32
        %multiple_of3A = tpu.assume_multiple %mul3A_114, 16 : i32
        %broadcast_in_dim3A = arith.constant 0.000000e+00 : f32
        %broadcast_in_dim3A_115 = vector.broadcast %broadcast_in_dim3A : f32 to vector<16xf32>
        %scan3A_116 = arith.constant 0 : i32
        %scan3A_117 = arith.constant 8 : i32
        %scan3A_118 = arith.addi %scan3A_116, %scan3A_117 : i32
        %scan3A_119 = arith.constant 1 : i32
        %scan3A_120:16 = scf.for %scan3A_249 = %scan3A_116 to %scan3A_118 step %scan3A_119 iter_args(%scan3A_250 = %broadcast_in_dim3A_115, %scan3A_251 = %broadcast_in_dim3A_115, %scan3A_252 = %broadcast_in_dim3A_115, %scan3A_253 = %broadcast_in_dim3A_115, %scan3A_254 = %broadcast_in_dim3A_115, %scan3A_255 = %broadcast_in_dim3A_115, %scan3A_256 = %broadcast_in_dim3A_115, %scan3A_257 = %broadcast_in_dim3A_115, %scan3A_258 = %broadcast_in_dim3A_115, %scan3A_259 = %broadcast_in_dim3A_115, %scan3A_260 = %broadcast_in_dim3A_115, %scan3A_261 = %broadcast_in_dim3A_115, %scan3A_262 = %broadcast_in_dim3A_115, %scan3A_263 = %broadcast_in_dim3A_115, %scan3A_264 = %broadcast_in_dim3A_115, %scan3A_265 = %broadcast_in_dim3A_115) -> (vector<16xf32>, vector<16xf32>, vector<16xf32>, vector<16xf32>, vector<16xf32>, vector<16xf32>, vector<16xf32>, vector<16xf32>, vector<16xf32>, vector<16xf32>, vector<16xf32>, vector<16xf32>, vector<16xf32>, vector<16xf32>, vector<16xf32>, vector<16xf32>)  : i32 {
          %mul3A_266 = arith.constant 2 : i32
          %mul3A_267 = arith.muli %mul3A_266, %scan3A_249 : i32
          %add3A_268 = arith.constant 0 : i32
          %add3A_269 = arith.addi %mul3A_267, %add3A_268 : i32
          %mul3A_270 = arith.constant 256 : i32
          %mul3A_271 = arith.muli %add3A_269, %mul3A_270 : i32
          %add3A_272 = arith.addi %mul3A_271, %multiple_of3A : i32
          %get3A = arith.index_cast %add3A_272 : i32 to index
          %get3A_273 = tpu.vector_load %arg9[%get3A] {strides = array<i32>} : memref<4096xi32, #tpu.memory_space<vmem>>, vector<16xi32>,
          %and3A = arith.constant 65535 : i32
          %and3A_274 = vector.broadcast %and3A : i32 to vector<16xi32>
          %and3A_275 = arith.andi %get3A_273, %and3A_274 : vector<16xi32>
          %and3A_276 = arith.constant -65536 : i32
          %and3A_277 = vector.broadcast %and3A_276 : i32 to vector<16xi32>
          %and3A_278 = arith.andi %get3A_273, %and3A_277 : vector<16xi32>
          %bitcast3A = vector.bitcast %and3A_278 : vector<16xi32> to vector<16xf32>
          %gather3A = arith.constant 0 : i32
          %gather3A_279 = tpu.memref_slice %arg7[%gather3A] : memref<16384xf32, #tpu.memory_space<vmem>> -> memref<1024xf32, #tpu.memory_space<vmem>>
          %gather3A_280 = tpu.vector_load_idx %gather3A_279[%and3A_275] : memref<1024xf32, #tpu.memory_space<vmem>>[vector<16xi32>], vector<16xf32>,
          %mul3A_281 = arith.mulf %bitcast3A, %gather3A_280 : vector<16xf32>
          %add3A_282 = arith.addf %scan3A_250, %mul3A_281 : vector<16xf32>
          %gather3A_283 = arith.constant 1024 : i32
          %gather3A_284 = tpu.memref_slice %arg7[%gather3A_283] : memref<16384xf32, #tpu.memory_space<vmem>> -> memref<1024xf32, #tpu.memory_space<vmem>>
          %gather3A_285 = tpu.vector_load_idx %gather3A_284[%and3A_275] : memref<1024xf32, #tpu.memory_space<vmem>>[vector<16xi32>], vector<16xf32>,
          %mul3A_286 = arith.mulf %bitcast3A, %gather3A_285 : vector<16xf32>
          %add3A_287 = arith.addf %scan3A_251, %mul3A_286 : vector<16xf32>
          %gather3A_288 = arith.constant 2048 : i32
          %gather3A_289 = tpu.memref_slice %arg7[%gather3A_288] : memref<16384xf32, #tpu.memory_space<vmem>> -> memref<1024xf32, #tpu.memory_space<vmem>>
          %gather3A_290 = tpu.vector_load_idx %gather3A_289[%and3A_275] : memref<1024xf32, #tpu.memory_space<vmem>>[vector<16xi32>], vector<16xf32>,
          %mul3A_291 = arith.mulf %bitcast3A, %gather3A_290 : vector<16xf32>
          %add3A_292 = arith.addf %scan3A_252, %mul3A_291 : vector<16xf32>
          %gather3A_293 = arith.constant 3072 : i32
          %gather3A_294 = tpu.memref_slice %arg7[%gather3A_293] : memref<16384xf32, #tpu.memory_space<vmem>> -> memref<1024xf32, #tpu.memory_space<vmem>>
          %gather3A_295 = tpu.vector_load_idx %gather3A_294[%and3A_275] : memref<1024xf32, #tpu.memory_space<vmem>>[vector<16xi32>], vector<16xf32>,
          %mul3A_296 = arith.mulf %bitcast3A, %gather3A_295 : vector<16xf32>
          %add3A_297 = arith.addf %scan3A_253, %mul3A_296 : vector<16xf32>
          %gather3A_298 = arith.constant 4096 : i32
          %gather3A_299 = tpu.memref_slice %arg7[%gather3A_298] : memref<16384xf32, #tpu.memory_space<vmem>> -> memref<1024xf32, #tpu.memory_space<vmem>>
          %gather3A_300 = tpu.vector_load_idx %gather3A_299[%and3A_275] : memref<1024xf32, #tpu.memory_space<vmem>>[vector<16xi32>], vector<16xf32>,
          %mul3A_301 = arith.mulf %bitcast3A, %gather3A_300 : vector<16xf32>
          %add3A_302 = arith.addf %scan3A_254, %mul3A_301 : vector<16xf32>
          %gather3A_303 = arith.constant 5120 : i32
          %gather3A_304 = tpu.memref_slice %arg7[%gather3A_303] : memref<16384xf32, #tpu.memory_space<vmem>> -> memref<1024xf32, #tpu.memory_space<vmem>>
          %gather3A_305 = tpu.vector_load_idx %gather3A_304[%and3A_275] : memref<1024xf32, #tpu.memory_space<vmem>>[vector<16xi32>], vector<16xf32>,
          %mul3A_306 = arith.mulf %bitcast3A, %gather3A_305 : vector<16xf32>
          %add3A_307 = arith.addf %scan3A_255, %mul3A_306 : vector<16xf32>
          %gather3A_308 = arith.constant 6144 : i32
          %gather3A_309 = tpu.memref_slice %arg7[%gather3A_308] : memref<16384xf32, #tpu.memory_space<vmem>> -> memref<1024xf32, #tpu.memory_space<vmem>>
          %gather3A_310 = tpu.vector_load_idx %gather3A_309[%and3A_275] : memref<1024xf32, #tpu.memory_space<vmem>>[vector<16xi32>], vector<16xf32>,
          %mul3A_311 = arith.mulf %bitcast3A, %gather3A_310 : vector<16xf32>
          %add3A_312 = arith.addf %scan3A_256, %mul3A_311 : vector<16xf32>
          %gather3A_313 = arith.constant 7168 : i32
          %gather3A_314 = tpu.memref_slice %arg7[%gather3A_313] : memref<16384xf32, #tpu.memory_space<vmem>> -> memref<1024xf32, #tpu.memory_space<vmem>>
          %gather3A_315 = tpu.vector_load_idx %gather3A_314[%and3A_275] : memref<1024xf32, #tpu.memory_space<vmem>>[vector<16xi32>], vector<16xf32>,
          %mul3A_316 = arith.mulf %bitcast3A, %gather3A_315 : vector<16xf32>
          %add3A_317 = arith.addf %scan3A_257, %mul3A_316 : vector<16xf32>
          %gather3A_318 = arith.constant 8192 : i32
          %gather3A_319 = tpu.memref_slice %arg7[%gather3A_318] : memref<16384xf32, #tpu.memory_space<vmem>> -> memref<1024xf32, #tpu.memory_space<vmem>>
          %gather3A_320 = tpu.vector_load_idx %gather3A_319[%and3A_275] : memref<1024xf32, #tpu.memory_space<vmem>>[vector<16xi32>], vector<16xf32>,
          %mul3A_321 = arith.mulf %bitcast3A, %gather3A_320 : vector<16xf32>
          %add3A_322 = arith.addf %scan3A_258, %mul3A_321 : vector<16xf32>
          %gather3A_323 = arith.constant 9216 : i32
          %gather3A_324 = tpu.memref_slice %arg7[%gather3A_323] : memref<16384xf32, #tpu.memory_space<vmem>> -> memref<1024xf32, #tpu.memory_space<vmem>>
          %gather3A_325 = tpu.vector_load_idx %gather3A_324[%and3A_275] : memref<1024xf32, #tpu.memory_space<vmem>>[vector<16xi32>], vector<16xf32>,
          %mul3A_326 = arith.mulf %bitcast3A, %gather3A_325 : vector<16xf32>
          %add3A_327 = arith.addf %scan3A_259, %mul3A_326 : vector<16xf32>
          %gather3A_328 = arith.constant 10240 : i32
          %gather3A_329 = tpu.memref_slice %arg7[%gather3A_328] : memref<16384xf32, #tpu.memory_space<vmem>> -> memref<1024xf32, #tpu.memory_space<vmem>>
          %gather3A_330 = tpu.vector_load_idx %gather3A_329[%and3A_275] : memref<1024xf32, #tpu.memory_space<vmem>>[vector<16xi32>], vector<16xf32>,
          %mul3A_331 = arith.mulf %bitcast3A, %gather3A_330 : vector<16xf32>
          %add3A_332 = arith.addf %scan3A_260, %mul3A_331 : vector<16xf32>
          %gather3A_333 = arith.constant 11264 : i32
          %gather3A_334 = tpu.memref_slice %arg7[%gather3A_333] : memref<16384xf32, #tpu.memory_space<vmem>> -> memref<1024xf32, #tpu.memory_space<vmem>>
          %gather3A_335 = tpu.vector_load_idx %gather3A_334[%and3A_275] : memref<1024xf32, #tpu.memory_space<vmem>>[vector<16xi32>], vector<16xf32>,
          %mul3A_336 = arith.mulf %bitcast3A, %gather3A_335 : vector<16xf32>
          %add3A_337 = arith.addf %scan3A_261, %mul3A_336 : vector<16xf32>
          %gather3A_338 = arith.constant 12288 : i32
          %gather3A_339 = tpu.memref_slice %arg7[%gather3A_338] : memref<16384xf32, #tpu.memory_space<vmem>> -> memref<1024xf32, #tpu.memory_space<vmem>>
          %gather3A_340 = tpu.vector_load_idx %gather3A_339[%and3A_275] : memref<1024xf32, #tpu.memory_space<vmem>>[vector<16xi32>], vector<16xf32>,
          %mul3A_341 = arith.mulf %bitcast3A, %gather3A_340 : vector<16xf32>
          %add3A_342 = arith.addf %scan3A_262, %mul3A_341 : vector<16xf32>
          %gather3A_343 = arith.constant 13312 : i32
          %gather3A_344 = tpu.memref_slice %arg7[%gather3A_343] : memref<16384xf32, #tpu.memory_space<vmem>> -> memref<1024xf32, #tpu.memory_space<vmem>>
          %gather3A_345 = tpu.vector_load_idx %gather3A_344[%and3A_275] : memref<1024xf32, #tpu.memory_space<vmem>>[vector<16xi32>], vector<16xf32>,
          %mul3A_346 = arith.mulf %bitcast3A, %gather3A_345 : vector<16xf32>
          %add3A_347 = arith.addf %scan3A_263, %mul3A_346 : vector<16xf32>
          %gather3A_348 = arith.constant 14336 : i32
          %gather3A_349 = tpu.memref_slice %arg7[%gather3A_348] : memref<16384xf32, #tpu.memory_space<vmem>> -> memref<1024xf32, #tpu.memory_space<vmem>>
          %gather3A_350 = tpu.vector_load_idx %gather3A_349[%and3A_275] : memref<1024xf32, #tpu.memory_space<vmem>>[vector<16xi32>], vector<16xf32>,
          %mul3A_351 = arith.mulf %bitcast3A, %gather3A_350 : vector<16xf32>
          %add3A_352 = arith.addf %scan3A_264, %mul3A_351 : vector<16xf32>
          %gather3A_353 = arith.constant 15360 : i32
          %gather3A_354 = tpu.memref_slice %arg7[%gather3A_353] : memref<16384xf32, #tpu.memory_space<vmem>> -> memref<1024xf32, #tpu.memory_space<vmem>>
          %gather3A_355 = tpu.vector_load_idx %gather3A_354[%and3A_275] : memref<1024xf32, #tpu.memory_space<vmem>>[vector<16xi32>], vector<16xf32>,
          %mul3A_356 = arith.mulf %bitcast3A, %gather3A_355 : vector<16xf32>
          %add3A_357 = arith.addf %scan3A_265, %mul3A_356 : vector<16xf32>
          %mul3A_358 = arith.constant 2 : i32
          %mul3A_359 = arith.muli %mul3A_358, %scan3A_249 : i32
          %add3A_360 = arith.constant 1 : i32
          %add3A_361 = arith.addi %mul3A_359, %add3A_360 : i32
          %mul3A_362 = arith.constant 256 : i32
          %mul3A_363 = arith.muli %add3A_361, %mul3A_362 : i32
          %add3A_364 = arith.addi %mul3A_363, %multiple_of3A : i32
          %get3A_365 = arith.index_cast %add3A_364 : i32 to index
          %get3A_366 = tpu.vector_load %arg9[%get3A_365] {strides = array<i32>} : memref<4096xi32, #tpu.memory_space<vmem>>, vector<16xi32>,
          %and3A_367 = arith.constant 65535 : i32
          %and3A_368 = vector.broadcast %and3A_367 : i32 to vector<16xi32>
          %and3A_369 = arith.andi %get3A_366, %and3A_368 : vector<16xi32>
          %and3A_370 = arith.constant -65536 : i32
          %and3A_371 = vector.broadcast %and3A_370 : i32 to vector<16xi32>
          %and3A_372 = arith.andi %get3A_366, %and3A_371 : vector<16xi32>
          %bitcast3A_373 = vector.bitcast %and3A_372 : vector<16xi32> to vector<16xf32>
          %gather3A_374 = arith.constant 0 : i32
          %gather3A_375 = tpu.memref_slice %arg7[%gather3A_374] : memref<16384xf32, #tpu.memory_space<vmem>> -> memref<1024xf32, #tpu.memory_space<vmem>>
          %gather3A_376 = tpu.vector_load_idx %gather3A_375[%and3A_369] : memref<1024xf32, #tpu.memory_space<vmem>>[vector<16xi32>], vector<16xf32>,
          %mul3A_377 = arith.mulf %bitcast3A_373, %gather3A_376 : vector<16xf32>
          %add3A_378 = arith.addf %add3A_282, %mul3A_377 : vector<16xf32>
          %gather3A_379 = arith.constant 1024 : i32
          %gather3A_380 = tpu.memref_slice %arg7[%gather3A_379] : memref<16384xf32, #tpu.memory_space<vmem>> -> memref<1024xf32, #tpu.memory_space<vmem>>
          %gather3A_381 = tpu.vector_load_idx %gather3A_380[%and3A_369] : memref<1024xf32, #tpu.memory_space<vmem>>[vector<16xi32>], vector<16xf32>,
          %mul3A_382 = arith.mulf %bitcast3A_373, %gather3A_381 : vector<16xf32>
          %add3A_383 = arith.addf %add3A_287, %mul3A_382 : vector<16xf32>
          %gather3A_384 = arith.constant 2048 : i32
          %gather3A_385 = tpu.memref_slice %arg7[%gather3A_384] : memref<16384xf32, #tpu.memory_space<vmem>> -> memref<1024xf32, #tpu.memory_space<vmem>>
          %gather3A_386 = tpu.vector_load_idx %gather3A_385[%and3A_369] : memref<1024xf32, #tpu.memory_space<vmem>>[vector<16xi32>], vector<16xf32>,
          %mul3A_387 = arith.mulf %bitcast3A_373, %gather3A_386 : vector<16xf32>
          %add3A_388 = arith.addf %add3A_292, %mul3A_387 : vector<16xf32>
          %gather3A_389 = arith.constant 3072 : i32
          %gather3A_390 = tpu.memref_slice %arg7[%gather3A_389] : memref<16384xf32, #tpu.memory_space<vmem>> -> memref<1024xf32, #tpu.memory_space<vmem>>
          %gather3A_391 = tpu.vector_load_idx %gather3A_390[%and3A_369] : memref<1024xf32, #tpu.memory_space<vmem>>[vector<16xi32>], vector<16xf32>,
          %mul3A_392 = arith.mulf %bitcast3A_373, %gather3A_391 : vector<16xf32>
          %add3A_393 = arith.addf %add3A_297, %mul3A_392 : vector<16xf32>
          %gather3A_394 = arith.constant 4096 : i32
          %gather3A_395 = tpu.memref_slice %arg7[%gather3A_394] : memref<16384xf32, #tpu.memory_space<vmem>> -> memref<1024xf32, #tpu.memory_space<vmem>>
          %gather3A_396 = tpu.vector_load_idx %gather3A_395[%and3A_369] : memref<1024xf32, #tpu.memory_space<vmem>>[vector<16xi32>], vector<16xf32>,
          %mul3A_397 = arith.mulf %bitcast3A_373, %gather3A_396 : vector<16xf32>
          %add3A_398 = arith.addf %add3A_302, %mul3A_397 : vector<16xf32>
          %gather3A_399 = arith.constant 5120 : i32
          %gather3A_400 = tpu.memref_slice %arg7[%gather3A_399] : memref<16384xf32, #tpu.memory_space<vmem>> -> memref<1024xf32, #tpu.memory_space<vmem>>
          %gather3A_401 = tpu.vector_load_idx %gather3A_400[%and3A_369] : memref<1024xf32, #tpu.memory_space<vmem>>[vector<16xi32>], vector<16xf32>,
          %mul3A_402 = arith.mulf %bitcast3A_373, %gather3A_401 : vector<16xf32>
          %add3A_403 = arith.addf %add3A_307, %mul3A_402 : vector<16xf32>
          %gather3A_404 = arith.constant 6144 : i32
          %gather3A_405 = tpu.memref_slice %arg7[%gather3A_404] : memref<16384xf32, #tpu.memory_space<vmem>> -> memref<1024xf32, #tpu.memory_space<vmem>>
          %gather3A_406 = tpu.vector_load_idx %gather3A_405[%and3A_369] : memref<1024xf32, #tpu.memory_space<vmem>>[vector<16xi32>], vector<16xf32>,
          %mul3A_407 = arith.mulf %bitcast3A_373, %gather3A_406 : vector<16xf32>
          %add3A_408 = arith.addf %add3A_312, %mul3A_407 : vector<16xf32>
          %gather3A_409 = arith.constant 7168 : i32
          %gather3A_410 = tpu.memref_slice %arg7[%gather3A_409] : memref<16384xf32, #tpu.memory_space<vmem>> -> memref<1024xf32, #tpu.memory_space<vmem>>
          %gather3A_411 = tpu.vector_load_idx %gather3A_410[%and3A_369] : memref<1024xf32, #tpu.memory_space<vmem>>[vector<16xi32>], vector<16xf32>,
          %mul3A_412 = arith.mulf %bitcast3A_373, %gather3A_411 : vector<16xf32>
          %add3A_413 = arith.addf %add3A_317, %mul3A_412 : vector<16xf32>
          %gather3A_414 = arith.constant 8192 : i32
          %gather3A_415 = tpu.memref_slice %arg7[%gather3A_414] : memref<16384xf32, #tpu.memory_space<vmem>> -> memref<1024xf32, #tpu.memory_space<vmem>>
          %gather3A_416 = tpu.vector_load_idx %gather3A_415[%and3A_369] : memref<1024xf32, #tpu.memory_space<vmem>>[vector<16xi32>], vector<16xf32>,
          %mul3A_417 = arith.mulf %bitcast3A_373, %gather3A_416 : vector<16xf32>
          %add3A_418 = arith.addf %add3A_322, %mul3A_417 : vector<16xf32>
          %gather3A_419 = arith.constant 9216 : i32
          %gather3A_420 = tpu.memref_slice %arg7[%gather3A_419] : memref<16384xf32, #tpu.memory_space<vmem>> -> memref<1024xf32, #tpu.memory_space<vmem>>
          %gather3A_421 = tpu.vector_load_idx %gather3A_420[%and3A_369] : memref<1024xf32, #tpu.memory_space<vmem>>[vector<16xi32>], vector<16xf32>,
          %mul3A_422 = arith.mulf %bitcast3A_373, %gather3A_421 : vector<16xf32>
          %add3A_423 = arith.addf %add3A_327, %mul3A_422 : vector<16xf32>
          %gather3A_424 = arith.constant 10240 : i32
          %gather3A_425 = tpu.memref_slice %arg7[%gather3A_424] : memref<16384xf32, #tpu.memory_space<vmem>> -> memref<1024xf32, #tpu.memory_space<vmem>>
          %gather3A_426 = tpu.vector_load_idx %gather3A_425[%and3A_369] : memref<1024xf32, #tpu.memory_space<vmem>>[vector<16xi32>], vector<16xf32>,
          %mul3A_427 = arith.mulf %bitcast3A_373, %gather3A_426 : vector<16xf32>
          %add3A_428 = arith.addf %add3A_332, %mul3A_427 : vector<16xf32>
          %gather3A_429 = arith.constant 11264 : i32
          %gather3A_430 = tpu.memref_slice %arg7[%gather3A_429] : memref<16384xf32, #tpu.memory_space<vmem>> -> memref<1024xf32, #tpu.memory_space<vmem>>
          %gather3A_431 = tpu.vector_load_idx %gather3A_430[%and3A_369] : memref<1024xf32, #tpu.memory_space<vmem>>[vector<16xi32>], vector<16xf32>,
          %mul3A_432 = arith.mulf %bitcast3A_373, %gather3A_431 : vector<16xf32>
          %add3A_433 = arith.addf %add3A_337, %mul3A_432 : vector<16xf32>
          %gather3A_434 = arith.constant 12288 : i32
          %gather3A_435 = tpu.memref_slice %arg7[%gather3A_434] : memref<16384xf32, #tpu.memory_space<vmem>> -> memref<1024xf32, #tpu.memory_space<vmem>>
          %gather3A_436 = tpu.vector_load_idx %gather3A_435[%and3A_369] : memref<1024xf32, #tpu.memory_space<vmem>>[vector<16xi32>], vector<16xf32>,
          %mul3A_437 = arith.mulf %bitcast3A_373, %gather3A_436 : vector<16xf32>
          %add3A_438 = arith.addf %add3A_342, %mul3A_437 : vector<16xf32>
          %gather3A_439 = arith.constant 13312 : i32
          %gather3A_440 = tpu.memref_slice %arg7[%gather3A_439] : memref<16384xf32, #tpu.memory_space<vmem>> -> memref<1024xf32, #tpu.memory_space<vmem>>
          %gather3A_441 = tpu.vector_load_idx %gather3A_440[%and3A_369] : memref<1024xf32, #tpu.memory_space<vmem>>[vector<16xi32>], vector<16xf32>,
          %mul3A_442 = arith.mulf %bitcast3A_373, %gather3A_441 : vector<16xf32>
          %add3A_443 = arith.addf %add3A_347, %mul3A_442 : vector<16xf32>
          %gather3A_444 = arith.constant 14336 : i32
          %gather3A_445 = tpu.memref_slice %arg7[%gather3A_444] : memref<16384xf32, #tpu.memory_space<vmem>> -> memref<1024xf32, #tpu.memory_space<vmem>>
          %gather3A_446 = tpu.vector_load_idx %gather3A_445[%and3A_369] : memref<1024xf32, #tpu.memory_space<vmem>>[vector<16xi32>], vector<16xf32>,
          %mul3A_447 = arith.mulf %bitcast3A_373, %gather3A_446 : vector<16xf32>
          %add3A_448 = arith.addf %add3A_352, %mul3A_447 : vector<16xf32>
          %gather3A_449 = arith.constant 15360 : i32
          %gather3A_450 = tpu.memref_slice %arg7[%gather3A_449] : memref<16384xf32, #tpu.memory_space<vmem>> -> memref<1024xf32, #tpu.memory_space<vmem>>
          %gather3A_451 = tpu.vector_load_idx %gather3A_450[%and3A_369] : memref<1024xf32, #tpu.memory_space<vmem>>[vector<16xi32>], vector<16xf32>,
          %mul3A_452 = arith.mulf %bitcast3A_373, %gather3A_451 : vector<16xf32>
          %add3A_453 = arith.addf %add3A_357, %mul3A_452 : vector<16xf32>
          scf.yield %add3A_378, %add3A_383, %add3A_388, %add3A_393, %add3A_398, %add3A_403, %add3A_408, %add3A_413, %add3A_418, %add3A_423, %add3A_428, %add3A_433, %add3A_438, %add3A_443, %add3A_448, %add3A_453 : vector<16xf32>, vector<16xf32>, vector<16xf32>, vector<16xf32>, vector<16xf32>, vector<16xf32>, vector<16xf32>, vector<16xf32>, vector<16xf32>, vector<16xf32>, vector<16xf32>, vector<16xf32>, vector<16xf32>, vector<16xf32>, vector<16xf32>, vector<16xf32>
        }
        %scan3A_121 = arith.constant 8 : i32
        %max3A = arith.constant 0.000000e+00 : f32
        %max3A_122 = vector.broadcast %max3A : f32 to vector<16xf32>
        %max3A_123 = arith.maximumf %scan3A_120#0, %max3A_122 : vector<16xf32>
        %add3A_124 = arith.constant 0 : i32
        %add3A_125 = arith.addi %add3A_124, %mul3A_91 : i32
        %add3A_126 = arith.addi %add3A_125, %multiple_of3A : i32
        %swap3A = arith.index_cast %add3A_126 : i32 to index
        %swap3A_127 = tpu.vector_load %arg6[%swap3A] {strides = array<i32>} : memref<32768xf32, #tpu.memory_space<vmem>>, vector<16xf32>,
        tpu.vector_store %arg6[%swap3A], %max3A_123 {strides = array<i32>} : memref<32768xf32, #tpu.memory_space<vmem>>, vector<16xf32>,
        %max3A_128 = arith.constant 0.000000e+00 : f32
        %max3A_129 = vector.broadcast %max3A_128 : f32 to vector<16xf32>
        %max3A_130 = arith.maximumf %scan3A_120#1, %max3A_129 : vector<16xf32>
        %add3A_131 = arith.constant 512 : i32
        %add3A_132 = arith.addi %add3A_131, %mul3A_91 : i32
        %add3A_133 = arith.addi %add3A_132, %multiple_of3A : i32
        %swap3A_134 = arith.index_cast %add3A_133 : i32 to index
        %swap3A_135 = tpu.vector_load %arg6[%swap3A_134] {strides = array<i32>} : memref<32768xf32, #tpu.memory_space<vmem>>, vector<16xf32>,
        tpu.vector_store %arg6[%swap3A_134], %max3A_130 {strides = array<i32>} : memref<32768xf32, #tpu.memory_space<vmem>>, vector<16xf32>,
        %max3A_136 = arith.constant 0.000000e+00 : f32
        %max3A_137 = vector.broadcast %max3A_136 : f32 to vector<16xf32>
        %max3A_138 = arith.maximumf %scan3A_120#2, %max3A_137 : vector<16xf32>
        %add3A_139 = arith.constant 1024 : i32
        %add3A_140 = arith.addi %add3A_139, %mul3A_91 : i32
        %add3A_141 = arith.addi %add3A_140, %multiple_of3A : i32
        %swap3A_142 = arith.index_cast %add3A_141 : i32 to index
        %swap3A_143 = tpu.vector_load %arg6[%swap3A_142] {strides = array<i32>} : memref<32768xf32, #tpu.memory_space<vmem>>, vector<16xf32>,
        tpu.vector_store %arg6[%swap3A_142], %max3A_138 {strides = array<i32>} : memref<32768xf32, #tpu.memory_space<vmem>>, vector<16xf32>,
        %max3A_144 = arith.constant 0.000000e+00 : f32
        %max3A_145 = vector.broadcast %max3A_144 : f32 to vector<16xf32>
        %max3A_146 = arith.maximumf %scan3A_120#3, %max3A_145 : vector<16xf32>
        %add3A_147 = arith.constant 1536 : i32
        %add3A_148 = arith.addi %add3A_147, %mul3A_91 : i32
        %add3A_149 = arith.addi %add3A_148, %multiple_of3A : i32
        %swap3A_150 = arith.index_cast %add3A_149 : i32 to index
        %swap3A_151 = tpu.vector_load %arg6[%swap3A_150] {strides = array<i32>} : memref<32768xf32, #tpu.memory_space<vmem>>, vector<16xf32>,
        tpu.vector_store %arg6[%swap3A_150], %max3A_146 {strides = array<i32>} : memref<32768xf32, #tpu.memory_space<vmem>>, vector<16xf32>,
        %max3A_152 = arith.constant 0.000000e+00 : f32
        %max3A_153 = vector.broadcast %max3A_152 : f32 to vector<16xf32>
        %max3A_154 = arith.maximumf %scan3A_120#4, %max3A_153 : vector<16xf32>
        %add3A_155 = arith.constant 2048 : i32
        %add3A_156 = arith.addi %add3A_155, %mul3A_91 : i32
        %add3A_157 = arith.addi %add3A_156, %multiple_of3A : i32
        %swap3A_158 = arith.index_cast %add3A_157 : i32 to index
        %swap3A_159 = tpu.vector_load %arg6[%swap3A_158] {strides = array<i32>} : memref<32768xf32, #tpu.memory_space<vmem>>, vector<16xf32>,
        tpu.vector_store %arg6[%swap3A_158], %max3A_154 {strides = array<i32>} : memref<32768xf32, #tpu.memory_space<vmem>>, vector<16xf32>,
        %max3A_160 = arith.constant 0.000000e+00 : f32
        %max3A_161 = vector.broadcast %max3A_160 : f32 to vector<16xf32>
        %max3A_162 = arith.maximumf %scan3A_120#5, %max3A_161 : vector<16xf32>
        %add3A_163 = arith.constant 2560 : i32
        %add3A_164 = arith.addi %add3A_163, %mul3A_91 : i32
        %add3A_165 = arith.addi %add3A_164, %multiple_of3A : i32
        %swap3A_166 = arith.index_cast %add3A_165 : i32 to index
        %swap3A_167 = tpu.vector_load %arg6[%swap3A_166] {strides = array<i32>} : memref<32768xf32, #tpu.memory_space<vmem>>, vector<16xf32>,
        tpu.vector_store %arg6[%swap3A_166], %max3A_162 {strides = array<i32>} : memref<32768xf32, #tpu.memory_space<vmem>>, vector<16xf32>,
        %max3A_168 = arith.constant 0.000000e+00 : f32
        %max3A_169 = vector.broadcast %max3A_168 : f32 to vector<16xf32>
        %max3A_170 = arith.maximumf %scan3A_120#6, %max3A_169 : vector<16xf32>
        %add3A_171 = arith.constant 3072 : i32
        %add3A_172 = arith.addi %add3A_171, %mul3A_91 : i32
        %add3A_173 = arith.addi %add3A_172, %multiple_of3A : i32
        %swap3A_174 = arith.index_cast %add3A_173 : i32 to index
        %swap3A_175 = tpu.vector_load %arg6[%swap3A_174] {strides = array<i32>} : memref<32768xf32, #tpu.memory_space<vmem>>, vector<16xf32>,
        tpu.vector_store %arg6[%swap3A_174], %max3A_170 {strides = array<i32>} : memref<32768xf32, #tpu.memory_space<vmem>>, vector<16xf32>,
        %max3A_176 = arith.constant 0.000000e+00 : f32
        %max3A_177 = vector.broadcast %max3A_176 : f32 to vector<16xf32>
        %max3A_178 = arith.maximumf %scan3A_120#7, %max3A_177 : vector<16xf32>
        %add3A_179 = arith.constant 3584 : i32
        %add3A_180 = arith.addi %add3A_179, %mul3A_91 : i32
        %add3A_181 = arith.addi %add3A_180, %multiple_of3A : i32
        %swap3A_182 = arith.index_cast %add3A_181 : i32 to index
        %swap3A_183 = tpu.vector_load %arg6[%swap3A_182] {strides = array<i32>} : memref<32768xf32, #tpu.memory_space<vmem>>, vector<16xf32>,
        tpu.vector_store %arg6[%swap3A_182], %max3A_178 {strides = array<i32>} : memref<32768xf32, #tpu.memory_space<vmem>>, vector<16xf32>,
        %max3A_184 = arith.constant 0.000000e+00 : f32
        %max3A_185 = vector.broadcast %max3A_184 : f32 to vector<16xf32>
        %max3A_186 = arith.maximumf %scan3A_120#8, %max3A_185 : vector<16xf32>
        %add3A_187 = arith.constant 4096 : i32
        %add3A_188 = arith.addi %add3A_187, %mul3A_91 : i32
        %add3A_189 = arith.addi %add3A_188, %multiple_of3A : i32
        %swap3A_190 = arith.index_cast %add3A_189 : i32 to index
        %swap3A_191 = tpu.vector_load %arg6[%swap3A_190] {strides = array<i32>} : memref<32768xf32, #tpu.memory_space<vmem>>, vector<16xf32>,
        tpu.vector_store %arg6[%swap3A_190], %max3A_186 {strides = array<i32>} : memref<32768xf32, #tpu.memory_space<vmem>>, vector<16xf32>,
        %max3A_192 = arith.constant 0.000000e+00 : f32
        %max3A_193 = vector.broadcast %max3A_192 : f32 to vector<16xf32>
        %max3A_194 = arith.maximumf %scan3A_120#9, %max3A_193 : vector<16xf32>
        %add3A_195 = arith.constant 4608 : i32
        %add3A_196 = arith.addi %add3A_195, %mul3A_91 : i32
        %add3A_197 = arith.addi %add3A_196, %multiple_of3A : i32
        %swap3A_198 = arith.index_cast %add3A_197 : i32 to index
        %swap3A_199 = tpu.vector_load %arg6[%swap3A_198] {strides = array<i32>} : memref<32768xf32, #tpu.memory_space<vmem>>, vector<16xf32>,
        tpu.vector_store %arg6[%swap3A_198], %max3A_194 {strides = array<i32>} : memref<32768xf32, #tpu.memory_space<vmem>>, vector<16xf32>,
        %max3A_200 = arith.constant 0.000000e+00 : f32
        %max3A_201 = vector.broadcast %max3A_200 : f32 to vector<16xf32>
        %max3A_202 = arith.maximumf %scan3A_120#10, %max3A_201 : vector<16xf32>
        %add3A_203 = arith.constant 5120 : i32
        %add3A_204 = arith.addi %add3A_203, %mul3A_91 : i32
        %add3A_205 = arith.addi %add3A_204, %multiple_of3A : i32
        %swap3A_206 = arith.index_cast %add3A_205 : i32 to index
        %swap3A_207 = tpu.vector_load %arg6[%swap3A_206] {strides = array<i32>} : memref<32768xf32, #tpu.memory_space<vmem>>, vector<16xf32>,
        tpu.vector_store %arg6[%swap3A_206], %max3A_202 {strides = array<i32>} : memref<32768xf32, #tpu.memory_space<vmem>>, vector<16xf32>,
        %max3A_208 = arith.constant 0.000000e+00 : f32
        %max3A_209 = vector.broadcast %max3A_208 : f32 to vector<16xf32>
        %max3A_210 = arith.maximumf %scan3A_120#11, %max3A_209 : vector<16xf32>
        %add3A_211 = arith.constant 5632 : i32
        %add3A_212 = arith.addi %add3A_211, %mul3A_91 : i32
        %add3A_213 = arith.addi %add3A_212, %multiple_of3A : i32
        %swap3A_214 = arith.index_cast %add3A_213 : i32 to index
        %swap3A_215 = tpu.vector_load %arg6[%swap3A_214] {strides = array<i32>} : memref<32768xf32, #tpu.memory_space<vmem>>, vector<16xf32>,
        tpu.vector_store %arg6[%swap3A_214], %max3A_210 {strides = array<i32>} : memref<32768xf32, #tpu.memory_space<vmem>>, vector<16xf32>,
        %max3A_216 = arith.constant 0.000000e+00 : f32
        %max3A_217 = vector.broadcast %max3A_216 : f32 to vector<16xf32>
        %max3A_218 = arith.maximumf %scan3A_120#12, %max3A_217 : vector<16xf32>
        %add3A_219 = arith.constant 6144 : i32
        %add3A_220 = arith.addi %add3A_219, %mul3A_91 : i32
        %add3A_221 = arith.addi %add3A_220, %multiple_of3A : i32
        %swap3A_222 = arith.index_cast %add3A_221 : i32 to index
        %swap3A_223 = tpu.vector_load %arg6[%swap3A_222] {strides = array<i32>} : memref<32768xf32, #tpu.memory_space<vmem>>, vector<16xf32>,
        tpu.vector_store %arg6[%swap3A_222], %max3A_218 {strides = array<i32>} : memref<32768xf32, #tpu.memory_space<vmem>>, vector<16xf32>,
        %max3A_224 = arith.constant 0.000000e+00 : f32
        %max3A_225 = vector.broadcast %max3A_224 : f32 to vector<16xf32>
        %max3A_226 = arith.maximumf %scan3A_120#13, %max3A_225 : vector<16xf32>
        %add3A_227 = arith.constant 6656 : i32
        %add3A_228 = arith.addi %add3A_227, %mul3A_91 : i32
        %add3A_229 = arith.addi %add3A_228, %multiple_of3A : i32
        %swap3A_230 = arith.index_cast %add3A_229 : i32 to index
        %swap3A_231 = tpu.vector_load %arg6[%swap3A_230] {strides = array<i32>} : memref<32768xf32, #tpu.memory_space<vmem>>, vector<16xf32>,
        tpu.vector_store %arg6[%swap3A_230], %max3A_226 {strides = array<i32>} : memref<32768xf32, #tpu.memory_space<vmem>>, vector<16xf32>,
        %max3A_232 = arith.constant 0.000000e+00 : f32
        %max3A_233 = vector.broadcast %max3A_232 : f32 to vector<16xf32>
        %max3A_234 = arith.maximumf %scan3A_120#14, %max3A_233 : vector<16xf32>
        %add3A_235 = arith.constant 7168 : i32
        %add3A_236 = arith.addi %add3A_235, %mul3A_91 : i32
        %add3A_237 = arith.addi %add3A_236, %multiple_of3A : i32
        %swap3A_238 = arith.index_cast %add3A_237 : i32 to index
        %swap3A_239 = tpu.vector_load %arg6[%swap3A_238] {strides = array<i32>} : memref<32768xf32, #tpu.memory_space<vmem>>, vector<16xf32>,
        tpu.vector_store %arg6[%swap3A_238], %max3A_234 {strides = array<i32>} : memref<32768xf32, #tpu.memory_space<vmem>>, vector<16xf32>,
        %max3A_240 = arith.constant 0.000000e+00 : f32
        %max3A_241 = vector.broadcast %max3A_240 : f32 to vector<16xf32>
        %max3A_242 = arith.maximumf %scan3A_120#15, %max3A_241 : vector<16xf32>
        %add3A_243 = arith.constant 7680 : i32
        %add3A_244 = arith.addi %add3A_243, %mul3A_91 : i32
        %add3A_245 = arith.addi %add3A_244, %multiple_of3A : i32
        %swap3A_246 = arith.index_cast %add3A_245 : i32 to index
        %swap3A_247 = tpu.vector_load %arg6[%swap3A_246] {strides = array<i32>} : memref<32768xf32, #tpu.memory_space<vmem>>, vector<16xf32>,
        tpu.vector_store %arg6[%swap3A_246], %max3A_242 {strides = array<i32>} : memref<32768xf32, #tpu.memory_space<vmem>>, vector<16xf32>,
        %scan3A_248 = arith.constant 0 : i32
        scf.yield %scan3A_248 : i32
      }
      %scan3A_98 = arith.constant 16 : i32
      %add3A_99 = arith.constant 3 : i32
      %add3A_100 = arith.addi %add3A_59, %add3A_99 : i32
      %lt3A_101 = arith.constant 14 : i32
      %lt3A_102 = arith.cmpi slt, %add3A_100, %lt3A_101 : i32
      %convert_element_type3A_103 = arith.extui %lt3A_102 : i1 to i32
      %cond3A_104 = arith.constant 0 : i32
      %cond3A_105 = arith.cmpi ne, %convert_element_type3A_103, %cond3A_104 : i32
      scf.if %cond3A_105 {
        %add3A_111 = arith.constant 3 : i32
        %add3A_112 = arith.addi %add3A_59, %add3A_111 : i32
        %mul3A_113 = arith.constant 4096 : i32
        %mul3A_114 = arith.muli %add3A_112, %mul3A_113 : i32
        %dma_start3A_115 = tpu.memref_slice %arg3[%mul3A_114] : memref<57344xi32, #tpu.memory_space<hbm>> -> memref<4096xi32, #tpu.memory_space<hbm>>
        %dma_start3A_116 = tpu.memref_slice %arg3[%mul3A_114] : memref<57344xi32, #tpu.memory_space<hbm>> -> memref<4096xi32, #tpu.memory_space<hbm>>
        tpu.enqueue_dma source(%dma_start3A_116 : memref<4096xi32, #tpu.memory_space<hbm>>) target(%arg9 : memref<4096xi32, #tpu.memory_space<vmem>>) target_semaphore(%arg11 : memref<!tpu.dma_semaphore, #tpu.memory_space<semaphore_mem>>)
      } else {
      }
      %scan3A_106 = arith.constant 0 : i32
      %scan3A_107 = arith.constant 1 : i32
      %mul3A_108 = arith.constant 512 : i32
      %mul3A_109 = arith.muli %mul3A_20, %mul3A_108 : i32
      "tpu.region"() ({
        %run_scoped3A = tpu.sem_alloc : memref<!tpu.dma_semaphore, #tpu.memory_space<semaphore_mem>>
        %dma_start3A_111 = arith.constant 0 : i32
        %dma_start3A_112 = tpu.memref_slice %arg6[%dma_start3A_111] : memref<32768xf32, #tpu.memory_space<vmem>> -> memref<8192xf32, #tpu.memory_space<vmem>>
        %dma_start3A_113 = tpu.memref_slice %arg4[%mul3A_109] : memref<524288xf32, #tpu.memory_space<hbm>> -> memref<8192xf32, #tpu.memory_space<hbm>>
        %dma_start3A_114 = tpu.memref_slice %arg4[%mul3A_109] : memref<524288xf32, #tpu.memory_space<hbm>> -> memref<8192xf32, #tpu.memory_space<hbm>>
        %dma_start3A_115 = arith.constant 0 : i32
        %dma_start3A_116 = tpu.memref_slice %arg6[%dma_start3A_115] : memref<32768xf32, #tpu.memory_space<vmem>> -> memref<8192xf32, #tpu.memory_space<vmem>>
        tpu.enqueue_dma source(%dma_start3A_116 : memref<8192xf32, #tpu.memory_space<vmem>>) target(%dma_start3A_114 : memref<8192xf32, #tpu.memory_space<hbm>>) target_semaphore(%run_scoped3A : memref<!tpu.dma_semaphore, #tpu.memory_space<semaphore_mem>>)
        %dma_wait3A_117 = arith.constant 0 : i32
        %dma_wait3A_118 = tpu.memref_slice %arg6[%dma_wait3A_117] : memref<32768xf32, #tpu.memory_space<vmem>> -> memref<8192xf32, #tpu.memory_space<vmem>>
        %dma_wait3A_119 = tpu.memref_slice %arg4[%mul3A_109] : memref<524288xf32, #tpu.memory_space<hbm>> -> memref<8192xf32, #tpu.memory_space<hbm>>
        %dma_wait3A_120 = tpu.memref_slice %arg4[%mul3A_109] : memref<524288xf32, #tpu.memory_space<hbm>> -> memref<8192xf32, #tpu.memory_space<hbm>>
        %dma_wait3A_121 = arith.constant 0 : i32
        %dma_wait3A_122 = tpu.memref_slice %arg6[%dma_wait3A_121] : memref<32768xf32, #tpu.memory_space<vmem>> -> memref<8192xf32, #tpu.memory_space<vmem>>
        tpu.wait_dma2 semaphore(%run_scoped3A : memref<!tpu.dma_semaphore, #tpu.memory_space<semaphore_mem>>) src(%dma_wait3A_122 : memref<8192xf32, #tpu.memory_space<vmem>>) dst(%dma_wait3A_120 : memref<8192xf32, #tpu.memory_space<hbm>>)
        tpu.yield
      }) : () -> ()
      %scan3A_110 = arith.constant 0 : i32
      scf.yield %scan3A_110 : i32
    }
    %scan3A_13 = arith.constant 2 : i32
    return
  }
}

module attributes {stable_mosaic.version = 14 : i64} {
  func.func @_fc_body(%arg0: memref<1024x512xf32, #tpu.memory_space<vmem>>, %arg1: memref<512x512xf32, #tpu.memory_space<vmem>>, %arg2: memref<1x512xf32, #tpu.memory_space<vmem>>, %arg3: memref<1024x512xf32, #tpu.memory_space<vmem>>) attributes {dimension_semantics = [], scalar_prefetch = 0 : i64, scratch_operands = 0 : i64, tpu.core_type = #tpu.core_type<tc>} {
    %get3A = arith.constant 0 : index
    %get3A_0 = arith.constant 0 : index
    %get3A_1 = vector.load %arg0[%get3A, %get3A_0] : memref<1024x512xf32, #tpu.memory_space<vmem>>, vector<1024x512xf32>
    %get3A_2 = arith.constant 0 : index
    %get3A_3 = arith.constant 0 : index
    %get3A_4 = vector.load %arg1[%get3A_2, %get3A_3] : memref<512x512xf32, #tpu.memory_space<vmem>>, vector<512x512xf32>
    %dot_general3A = arith.constant dense<0.000000e+00> : vector<1024x512xf32>
    %dot_general3A_5 = tpu.matmul %get3A_1, %get3A_4, %dot_general3A {dimension_numbers = #tpu.dot_dimension_numbers<[1], [0], [0], [1], [0, 0, 1, 1], [], []>, transpose_lhs_hint = false} : vector<1024x512xf32>, vector<512x512xf32>, vector<1024x512xf32> -> vector<1024x512xf32>
    %get3A_6 = arith.constant 0 : index
    %get3A_7 = arith.constant 0 : index
    %get3A_8 = vector.load %arg2[%get3A_6, %get3A_7] : memref<1x512xf32, #tpu.memory_space<vmem>>, vector<1x512xf32>
    %add3A = vector.broadcast %get3A_8 : vector<1x512xf32> to vector<1024x512xf32>
    %add3A_9 = arith.addf %dot_general3A_5, %add3A : vector<1024x512xf32>
    %swap3A = arith.constant 0 : index
    %swap3A_10 = arith.constant 0 : index
    %swap3A_11 = vector.load %arg3[%swap3A, %swap3A_10] : memref<1024x512xf32, #tpu.memory_space<vmem>>, vector<1024x512xf32>
    tpu.vector_store %arg3[%swap3A, %swap3A_10], %add3A_9 {strides = array<i32>} : memref<1024x512xf32, #tpu.memory_space<vmem>>, vector<1024x512xf32>,
    return
  }
}

</mosaic_0001>

<sc_bundles>
// kernel: kernel.4.cloned.1.call-start
scs
__scs_entry_jumppad:
0x0: {  	(pc) =	sbr.rel $0x88, $3  }
0x1: {  	(tag) =	ssettag $0x0;
	lr =	simm.s32 $0x1  }
0x2: {  	[smem:$0x3F98] =	sst lr;
	_ =	strace $0xD0000000  }
0x3: {  	_ = 	snop  }
0x4: {  	_ = 	snop  }
0x5: {  	_ = 	snop  }
0x6: {  	_ = 	snop  }
0x7: {  	_ = 	snop  }
__scs_overlays_trampoline_lowered:
0x8: {  	[smem:$0x3FA7] =	sst s0  }
0x9: {  	[smem:$0x3FA8] =	sst s1  }
0xa: {  	[smem:$0x3FA9] =	sst s2  }
0xb: {  	[smem:$0x3FAA] =	sst s3  }
0xc: {  	[smem:$0x3FAB] =	sst s4  }
0xd: {  	[smem:$0x3FAC] =	sst s5  }
0xe: {  	[smem:$0x3FAD] =	sst s6  }
0xf: {  	[smem:$0x3FAE] =	sst s7  }
0x10: {  	[smem:$0x3FAF] =	sst s8  }
0x11: {  	[smem:$0x3FB0] =	sst s9;
	s0 =	simm.s32 @!p0 $0x0  }
0x12: {  	s1 =	sld [smem:$0x3F96];
	s0 =	simm.s32 @p0 $0x1  }
0x13: {  	[smem:$0x3FB1] =	sst s0;
	s0 =	simm.s32 @!p1 $0x0  }
0x14: {  	s2 =	sld [smem:$0x3F95];
	s0 =	simm.s32 @p1 $0x1  }
0x15: {  	[smem:$0x3FB2] =	sst s0;
	s0 =	simm.s32 @!p2 $0x0  }
0x16: {  	s3 =	sld [smem:$0x3FDB];
	s0 =	simm.s32 @p2 $0x1  }
0x17: {  	s4 =	simm.s32 $0x1BF5;
	[smem:$0x3FB4] =	sst s0  }
0x18: {  	s0 =	sld [smem:$0x3F97];
	_ =	swait.ge [sflag:s4], $0x0  }
0x19: {  	s7 =	sld [smem:$0x3F98]  }
0x1a: {  	s8 =	sadd.s32 $0xFFFFE003, lr  }
0x1b: {  	s9 =	sadd.s32 $0xFFFFFEF7, lr;
	s5 =	simm.s32 $0xFFFFFFFF;
	p2 =	slt.u32 s8, $0xFFFFF086  }
0x1c: {  	p1 =	slt.u32 s9, $0xF7A;
	s5 =	simm.s32 @!p2 $0x0  }
0x1d: {  	s5 =	simm.s32 @p1 $0x1;
	p0 =	seq.s32 s7, s2  }
0x1e: {  	s7 =	smul.u32 @!p0 $0xF7A, s2;
	p2 =	seq.s32 @!p0 s5, $0x0  }
0x1f: {  	s9 =	smul.u32 $0xF7A, s1;
	s8 =	simm.s32 @!p0 $0x1BF5;
	p2 =	por !p2, p0  }
0x20: {  	[sflag:s8] =	ssyncset.s32 @!p0 $0xFFFFF086;
	s6 =	sadd.s32 @!p0 s3, s7;
	s7 =	simm.s32 @!p0 $0x108  }
0x21: {  	s3 =	sadd.s32 s3, s9;
	s6 =	sadd.s32 @!p0 $0x88, s6;
	s7 =	simm.s32 @p2 $0x1082  }
0x22: {  	[simem:s7], [sflag:s8] =	dma.local @!p0 [hbm:s6], $0xF7A  }
0x23: {  	s9 =	sor.u32 $0xD0000000, s2;
	s6 =	simm.s32 $0x108;
	_ =	swait.ge @!p0 [sflag:s8], $0x0  }
0x24: {  	s3 =	sadd.s32 $0x88, s3;
	s6 =	simm.s32 @!p1 $0x1082;
	[sflag:s4] =	ssyncset.s32 $0xFFFFF086  }
0x25: {  	[simem:s6], [sflag:s4] =	dma.local [hbm:s3], $0xF7A  }
0x26: {  	[smem:$0x3F98] =	sst s1;
	(tag) =	ssettag s2;
	_ =	strace s9  }
0x27: {  	s1 =	sld [smem:$0x3FA8]  }
0x28: {  	s2 =	sld [smem:$0x3FA9]  }
0x29: {  	s4 =	sld [smem:$0x3FAB]  }
0x2a: {  	p0 =	seq.s32 s5, $0x0;
	s5 =	sld [smem:$0x3FAC]  }
0x2b: {  	s6 =	sld [smem:$0x3FAD]  }
0x2c: {  	s7 =	sld [smem:$0x3FAE]  }
0x2d: {  	s3 =	simm.s32 $0x108;
	s8 =	sld [smem:$0x3FAF]  }
0x2e: {  	s3 =	simm.s32 @!p0 $0x1082;
	s9 =	sld [smem:$0x3FB0]  }
0x2f: {  	lr =	sadd.s32 s0, s3;
	s0 =	sld [smem:$0x3FA7]  }
0x30: {  	s3 =	sld [smem:$0x3FAA]  }
0x31: {  	[smem:$0x3FB3] =	sst s10  }
0x32: {  	s10 =	sld [smem:$0x3FB1];
	_ =	sdelay $0x3  }
0x33: {  	p0 =	seq.s32 s10, $0x1;
	s10 =	sld [smem:$0x3FB3];
	_ =	sdelay $0x3  }
0x34: {  	[smem:$0x3FB3] =	sst s10  }
0x35: {  	s10 =	sld [smem:$0x3FB2];
	_ =	sdelay $0x3  }
0x36: {  	p1 =	seq.s32 s10, $0x1;
	s10 =	sld [smem:$0x3FB3];
	_ =	sdelay $0x3  }
0x37: {  	[smem:$0x3FB3] =	sst s10  }
0x38: {  	s10 =	sld [smem:$0x3FB4]  }
0x39: {  	_ = 	snop;
	(pc) =	sbr.ind lr, $3  }
0x3a: {  	_ = 	snop  }
0x3b: {  	_ = 	snop  }
0x3c: {  	p2 =	seq.s32 s10, $0x1;
	s10 =	sld [smem:$0x3FB3]  }
0x3d: {  	_ =	shalt  }
0x3e: {  	_ =	shalt  }
0x3f: {  	_ =	shalt  }
0x40: {  	_ =	shalt  }
0x41: {  	_ =	shalt  }
0x42: {  	_ =	shalt  }
0x43: {  	_ =	shalt  }
0x44: {  	_ =	shalt  }
0x45: {  	_ =	shalt  }
0x46: {  	_ =	shalt  }
0x47: {  	_ =	shalt  }
0x48: {  	_ =	shalt  }
0x49: {  	_ =	shalt  }
0x4a: {  	_ =	shalt  }
0x4b: {  	_ =	shalt  }
0x4c: {  	_ =	shalt  }
0x4d: {  	_ =	shalt  }
0x4e: {  	_ =	shalt  }
0x4f: {  	_ =	shalt  }
0x50: {  	_ =	shalt  }
0x51: {  	_ =	shalt  }
0x52: {  	_ =	shalt  }
0x53: {  	_ =	shalt  }
0x54: {  	_ =	shalt  }
0x55: {  	_ =	shalt  }
0x56: {  	_ =	shalt  }
0x57: {  	_ =	shalt  }
0x58: {  	_ =	shalt  }
0x59: {  	_ =	shalt  }
0x5a: {  	_ =	shalt  }
0x5b: {  	_ =	shalt  }
0x5c: {  	_ =	shalt  }
0x5d: {  	_ =	shalt  }
0x5e: {  	_ =	shalt  }
0x5f: {  	_ =	shalt  }
0x60: {  	_ =	shalt  }
0x61: {  	_ =	shalt  }
0x62: {  	_ =	shalt  }
0x63: {  	_ =	shalt  }
0x64: {  	_ =	shalt  }
0x65: {  	_ =	shalt  }
0x66: {  	_ =	shalt  }
0x67: {  	_ =	shalt  }
0x68: {  	_ =	shalt  }
0x69: {  	_ =	shalt  }
0x6a: {  	_ =	shalt  }
0x6b: {  	_ =	shalt  }
0x6c: {  	_ =	shalt  }
0x6d: {  	_ =	shalt  }
0x6e: {  	_ =	shalt  }
0x6f: {  	_ =	shalt  }
0x70: {  	_ =	shalt  }
0x71: {  	_ =	shalt  }
0x72: {  	_ =	shalt  }
0x73: {  	_ =	shalt  }
0x74: {  	_ =	shalt  }
0x75: {  	_ =	shalt  }
0x76: {  	_ =	shalt  }
0x77: {  	_ =	shalt  }
0x78: {  	_ =	shalt  }
0x79: {  	_ =	shalt  }
0x7a: {  	_ =	shalt  }
0x7b: {  	_ =	shalt  }
0x7c: {  	_ =	shalt  }
0x7d: {  	_ =	shalt  }
0x7e: {  	_ =	shalt  }
0x7f: {  	_ =	shalt  }
0x80: {  	_ =	shalt  }
0x81: {  	_ =	shalt  }
0x82: {  	_ =	shalt  }
0x83: {  	_ =	shalt  }
0x84: {  	_ =	shalt  }
0x85: {  	_ =	shalt  }
0x86: {  	_ =	shalt  }
0x87: {  	_ =	shalt  }
.Lfunc_end0:
.L_simem_size_0:
called_computation_lowered:
.L_overlay_start_0:
0x88: {  	s2 =	sld [smem:$0x3FD9]  }
0x89: {  	s3 =	sld [smem:$0x3FFE];
	_ =	sdelay $0x1  }
0x8a: {  	s1 =	srdreg.scid  }
0x8b: {  	s0 =	sand.u32 $0x1, s1  }
0x8c: {  	s17 =	sshll.u32 s0, $0xA;
	s2 =	sadd.s32 s3, s2  }
0x8d: {  	s2 =	sadd.s32 s2, s17  }
0x8e: {  	[smem:$0x3FBF] =	sst s2  }
0x8f: {  	_ = 	snop  }
0x90: {  	s2 =	sld [smem:$0x3FD0];
	(tm) =	ssettm $0x1  }
0x91: {  	s18 =	sld [smem:$0x3FFB];
	_ =	sdelay $0x3  }
0x92: {  	_ =	strace s18  }
0x93: {  	s3 =	sld [smem:$0x3FFC];
	_ =	sdelay $0x3  }
0x94: {  	_ =	strace s3  }
0x95: {  	s3 =	sld [smem:$0x3FFD];
	_ =	sdelay $0x3  }
0x96: {  	_ =	strace s3  }
0x97: {  	_ =	strace $0x8FFFFFFF  }
0x98: {  	s19 =	sld [smem:$0x3FDB];
	_ =	sdelay $0x1  }
0x99: {  	s4 =	simm.s32 $_scs_section_size  }
0x9a: {  	s5 =	simm.s32 $_size__tile_overlayer_lowered;
	s6 =	simm.s32 $_tile_overlayer_lowered  }
0x9b: {  	s22 =	simm.s32 $0x1BFF;
	s21 =	sshll.u32 s6, $0x1;
	s3 =	sadd.s32 s4, s19  }
0x9c: {  	s7 =	simm.s32 $0x0;
	s20 =	sshll.u32 s5, $0x1;
	s5 =	sadd.s32 s21, s3  }
0x9d: {  	[timem:s7], [sflag:s22] =	dma.local [hbm:s5], s20  }
0x9e: {  	_ =	swait.ge [sflag:s22], s20  }
0x9f: {  	s4 =	ssub.s32 $0x0, s20;
	[sflag:s22] =	ssyncset.done $0x0  }
0xa0: {  	[sflag:s22] =	ssyncadd.s32 s4;
	_ =	sdelay $0x1  }
0xa1: {  	s23 =	simm.s32 $0x1B8B  }
0xa2: {  	_ =	swait.ge [sflag:s23], $0x1  }
0xa3: {  	[sflag:s23] =	ssyncset.done $0x0  }
0xa4: {  	s25 =	simm.s32 $0x1B8E;
	s24 =	sld [smem:$0x3FFE];
	[sflag:s23] =	ssyncadd.s32 $0xFFFFFFFF  }
0xa5: {  	s26 =	simm.s32 $execute0_lowered;
	[smem:$0x3FD2] =	sst s25  }
0xa6: {  	s5 =	sshll.u32 s26, $0x1;
	_ =	strace $0x80000046;
	[dreg:$0x1] =	wrdreg $0xFFFFFFFF  }
0xa7: {  	s28 =	simm.s32 $_size_execute0_lowered;
	s3 =	sadd.s32 s3, s5;
	[dreg:$0x0] =	wrdreg $0x0  }
0xa8: {  	s5 =	sshll.u32 s28, $0x1;
	[dreg:$0x2] =	wrdreg s3  }
0xa9: {  	[dreg:$0x3] =	wrdreg s5  }
0xaa: {  	[dreg:$0x4] =	wrdreg $0xC0  }
0xab: {  	_ =	task [dreg:s7], $0x5FFFF  }
0xac: {  	[dreg:$0x1] =	wrdreg $0xFFFFFFFF  }
0xad: {  	[dreg:$0x0] =	wrdreg $0x60  }
0xae: {  	[dreg:$0x2] =	wrdreg s24  }
0xaf: {  	[dreg:$0x3] =	wrdreg s2  }
0xb0: {  	[dreg:$0x4] =	wrdreg $0x9  }
0xb1: {  	_ =	task.clear_ibuf [dreg:s7], $0x5FFFF;
	_ =	strace $0x90000046  }
0xb2: {  	s29 =	simm.s32 $0x9;
	_ =	strace $0x80000048  }
0xb3: {  	_ =	swait.ge [sflag:s29], $0x1  }
0xb4: {  	[sflag:s29] =	ssyncadd.s32 $0xFFFFFFFF  }
0xb5: {  	_ =	strace $0x90000048  }
0xb6: {  	_ =	sfence  }
0xb7: {  	s30 =	sld [smem:$0x0];
	_ =	sdelay $0x2  }
0xb8: {  	s31 =	sshll.u32 s1, $0xD;
	s1 =	sshrl.u32 s1, $0x2  }
0xb9: {  	s3 =	sand.u32 $0x4000, s31;
	s1 =	sadd.s32 s1, s30  }
0xba: {  	s0 =	sor.u32 s3, s0;
	s1 =	sshll.u32 s1, $0x11  }
0xbb: {  	s0 =	sor.u32 s1, s0  }
0xbc: {  	s0 =	sadd.s32 $0x8F2B, s0  }
0xbd: {  	[sflag:s0] =	ssyncadd.remote.s32 $0x1  }
0xbe: {  	_ =	sfence.sel $0xFFFF  }
0xbf: {  	[dreg:$0x0] =	wrdreg $0xFFFFFFFF;
	(pc) =	sbr.abs _section_cstart, $3  }
0xc0: {  	[dreg:$0x1] =	wrdreg $0xFFFFFFFF  }
0xc1: {  	_ =	task.clear_ibuf [dreg:s7], $0x2FFFF;
	_ =	strace $0x9FFFFFFF  }
0xc2: {  	(tm) =	ssettm $0x7FFFFFFF  }
0xc3: {  	_ =	shalt  }
tec
execute0_lowered:
.L_overlay_start_1:
0x0: {  	(tag) =	ssettag $0x1  }
0x1: {  	s0 =	rddreg [dreg:$0x0];
	s1 =	srdreg.scid  }
0x2: {  	s3 =	stileid.u32;
	s2 =	rddreg [dreg:$0x1];
	s17 =	simm.s32 $0x0  }
0x3: {  	s30 =	simm.s32 $0x8000;
	s20 =	simm.s32 $0xA000;
	s29 =	simm.s32 $0xE000  }
0x4: {  	s28 =	simm.s32 $0xF000;
	s8 =	simm.s32 $0x12000;
	s11 =	simm.s32 $0x12800  }
0x5: {  	s15 =	simm.s32 $0x13000;
	s7 =	simm.s32 $0x14000;
	s9 =	simm.s32 $0x14800  }
0x6: {  	s10 =	simm.s32 $0x15000;
	s13 =	simm.s32 $0x15800;
	s14 =	simm.s32 $0x16000  }
0x7: {  	s16 =	simm.s32 $0x16800;
	[smem:$0x7FF] =	sst s17;
	s6 =	sadd.s32 $0x81400, s0  }
0x8: {  	s22 =	sadd.s32 $0x81600, s0;
	_ =	strace $0x80000047;
	[dreg:$0x3] =	wrdreg s6  }
0x9: {  	s1 =	sand.u32 $0x1, s1;
	s23 =	sadd.s32 $0x81800, s0;
	[dreg:$0x5] =	wrdreg s22  }
0xa: {  	s3 =	sshll.u32 s3, $0x1;
	s24 =	sadd.s32 $0x81A00, s0;
	[dreg:$0x6] =	wrdreg s23  }
0xb: {  	s25 =	sadd.s32 $0x82800, s0;
	s3 =	sor.u32 s1, s3;
	[dreg:$0x7] =	wrdreg s24  }
0xc: {  	s1 =	ssub.s32 $0x2, s1;
	[dreg:$0x9] =	wrdreg s25;
	s25 =	simm.s32 $0x6000  }
0xd: {  	s24 =	simm.s32 $0xB000;
	s23 =	simm.s32 $0xC000;
	s22 =	simm.s32 $0xD000  }
0xe: {  	s6 =	simm.s32 $0x13800;
	s4 =	sshll.u32 s3, $0xD;
	s5 =	sshrl.u32 s1, $0x1  }
0xf: {  	s3 =	sshll.u32 s3, $0xA;
	s4 =	sadd.s32 s4, s0;
	s1 =	ssub.s32 s1, s5  }
0x10: {  	s0 =	sadd.s32 $0x82A00, s0;
	s26 =	sadd.s32 s2, s3;
	s3 =	simm.s32 $0x11000  }
0x11: {  	s5 =	simm.s32 $0x11800;
	s2 =	simm.s32 $0x17800;
	[dreg:$0xa] =	wrdreg s0  }
0x12: {  	s21 =	sadd.s32 $0x1400, s4;
	s4 =	sadd.s32 $0x41400, s4;
	[dreg:$0xb] =	wrdreg s26  }
0x13: {  	s31 =	smax.u32 s1, $0x1;
	s26 =	simm.s32 $0x7000;
	[dreg:$0x4] =	wrdreg s21  }
0x14: {  	s0 =	simm.s32 $0x17000;
	s1 =	simm.s32 $0x0;
	[dreg:$0x8] =	wrdreg s4  }
0x15: {  	[dreg:$0xc] =	wrdreg s31;
	s4 =	simm.s32 $0x3000;
	s21 =	simm.s32 $0x5000  }
.LBB2_1:
0x16: {  	[dreg:$0xd] =	wrdreg s1  }
0x17: {  	s18 =	rddreg [dreg:$0x4];
	p1 =	por $0x1, $0x1;
	s1 =	simm.s32 $0x0  }
0x18: {  	[tilespmem:s17], [sflag:$0x3] =	stream.linear.gather [hbm4b:s18+s17], $0x10000, $0x38;
	[tilespmem:$0x1E000] =	vst v63  }
.LBB2_2:
0x19: {  	[dreg:$0xe] =	wrdreg s1  }
0x1a: {  	s1 =	simm.s32 $0x0;
	s17 =	rddreg [dreg:$0x3];
	s18 =	simm.s32 $0x1C000  }
0x1b: {  	[tilespmem:s18], [sflag:$0x1] =	stream.linear.gather [hbm4b:s17+s1], $0x1000, $0x38;
	[tilespmem:$0x1E000] =	vst v63  }
0x1c: {  	s19 =	simm.s32 $0x1D000;
	s31 =	simm.s32 $0x3;
	s18 =	rddreg [dreg:$0x5]  }
0x1d: {  	[tilespmem:s19], [sflag:$0x2] =	stream.linear.gather [hbm4b:s18+s1], $0x1000, $0x38;
	[tilespmem:$0x1E000] =	vst v63  }
0x1e: {  	_ =	swait.ge [sflag:s31], $0x10000  }
0x1f: {  	[sflag:s31] =	ssyncset.done $0x0  }
0x20: {  	p0 =	por p1, p1;
	[sflag:s31] =	ssyncadd.s32 $0xFFFF0000  }
.LBB2_3:
0x21: {  	s17 =	sshll.u32 s1, $0xB  }
0x22: {  	[dreg:$0xf] =	wrdreg s1;
	s12 =	simm.s32 $0x1;
	s1 =	sshra.s32 s17, $0x2  }
0x23: {  	_ =	swait.ge [sflag:s12], $0x1000;
	s17 =	sadd.s32 $0x10000, s1;
	s19 =	sadd.s32 $0x11800, s1  }
0x24: {  	s18 =	sadd.s32 $0x10800, s1;
	s31 =	sadd.s32 $0x11000, s1;
	[smem:$0x7FA] =	sst s19  }
0x25: {  	v0 =	vmov s17;
	s17 =	sadd.s32 $0x12000, s1;
	v1 =	vmov s18;
	v2 =	vmov s31;
	s18 =	sadd.s32 $0x14000, s1;
	s31 =	sld [smem:$0x7FA]  }
0x26: {  	[smem:$0x7FB] =	sst s18;
	v4 =	vmov s17;
	s17 =	sadd.s32 $0x15800, s1  }
0x27: {  	[smem:$0x7FC] =	sst s17;
	s17 =	sadd.s32 $0x16000, s1  }
0x28: {  	[sflag:s12] =	ssyncset.done $0x0;
	[smem:$0x7FD] =	sst s17  }
0x29: {  	s19 =	sadd.s32 $0x13000, s1;
	s17 =	sld [smem:$0x7FB];
	v3 =	vmov s31;
	s31 =	sadd.s32 $0x13800, s1  }
0x2a: {  	s12 =	sadd.s32 $0x12800, s1;
	v6 =	vmov s19;
	s19 =	sadd.s32 $0x15000, s1;
	v7 =	vmov s31;
	s31 =	sld [smem:$0x7FC]  }
0x2b: {  	v5 =	vmov s12;
	s12 =	sadd.s32 $0x17000, s1;
	v10 =	vmov s19;
	s19 =	sld [smem:$0x7FD]  }
0x2c: {  	[dreg:$0x10] =	wrdreg s1;
	s18 =	sadd.s32 $0x14800, s1;
	v14 =	vmov s12;
	s12 =	simm.s32 $0x0  }
0x2d: {  	v9 =	vmov s18;
	s18 =	sadd.s32 $0x17800, s1;
	v8 =	vmov s17;
	s17 =	sadd.s32 $0x16800, s1;
	v11 =	vmov s31;
	s31 =	simm.s32 $0x1  }
0x2e: {  	v15 =	vmov s18;
	s18 =	simm.s32 $0x2000;
	s1 =	simm.s32 $0x1C000;
	v12 =	vmov s19;
	v13 =	vmov s17;
	[sflag:s31] =	ssyncadd.s32 $0xFFFFF000  }
.LBB2_4:
0x2f: {  	v24 =	vmov s1;
	_ =	sdelay $0x3  }
0x30: {  	s17 =	simm.s32 $0x0  }
0x31: {  	v16 =	vld.idx.msk [tilespmem:v24+s17+$0x0 ss:$0x1], $0xffff;
	_ =	sdelay $0x1  }
0x32: {  	v18 =	vld.idx.msk [tilespmem:v24+s17+$0x100 ss:$0x1], $0xffff;
	_ =	sdelay $0x2  }
0x33: {  	v22 =	vand.u32 $0xFFFF, v16;
	_ =	sdelay $0x1  }
0x34: {  	v17 =	vand.u32 $0xFFFF, v18;
	_ =	sdelay $0x2  }
0x35: {  	v21 =	vld.idx.msk [tilespmem:v22+s30+$0x0], $0xffff  }
0x36: {  	v23 =	vld.idx.msk [tilespmem:v22+s28+$0x0], $0xffff  }
0x37: {  	v41 =	vld.idx.msk [tilespmem:v17+s4+$0x0], $0xffff  }
0x38: {  	v25 =	vld.idx.msk [tilespmem:v17+s24+$0x0], $0xffff  }
0x39: {  	v26 =	vld.idx.msk [tilespmem:v17+s18+$0x0], $0xffff  }
0x3a: {  	v20 =	vld.idx.msk [tilespmem:v22+s29+$0x0], $0xffff  }
0x3b: {  	v42 =	vld.idx.msk [tilespmem:v17+s26+$0x0], $0xffff  }
0x3c: {  	v27 =	vld.idx.msk [tilespmem:v17+s29+$0x0], $0xffff  }
0x3d: {  	v48 =	vld.idx.msk [tilespmem:v17+s25+$0x0], $0xffff  }
0x3e: {  	v49 =	vld.idx.msk [tilespmem:v22+s26+$0x0], $0xffff  }
0x3f: {  	v29 =	vld.idx.msk [tilespmem:v17+s28+$0x0], $0xffff  }
0x40: {  	v33 =	vimm.f32 $0.0e+00;
	v36 =	vimm.f32 $0.0e+00;
	v38 =	vld.idx.msk [tilespmem:v22+s21+$0x0], $0xffff  }
0x41: {  	[dreg:$0x14] =	wrdreg s1;
	v34 =	vimm.f32 $0.0e+00;
	v44 =	vimm.f32 $0.0e+00;
	v37 =	vimm.f32 $0.0e+00;
	v52 =	vld.idx.msk [tilespmem:v22+s25+$0x0], $0xffff  }
0x42: {  	v31 =	vimm.f32 $0.0e+00;
	v35 =	vimm.f32 $0.0e+00;
	[dreg:$0x19] =	wrdreg s12;
	v19 =	vand.u32 $0xFFFF0000, v16;
	v47 =	vld.idx.msk [tilespmem:v17+s22+$0x0], $0xffff  }
0x43: {  	v40 =	vimm.f32 $0.0e+00;
	v32 =	vimm.f32 $0.0e+00;
	s19 =	simm.s32 $0x0;
	s31 =	simm.s32 $0xC000;
	s1 =	simm.s32 $0xD000;
	v50 =	vld.idx.msk [tilespmem:v22+s24+$0x0], $0xffff;
	v16 =	vmul.f32 v19, v20  }
0x44: {  	s17 =	simm.s32 $0x800;
	v30 =	vld.idx.msk [tilespmem:v22+s23+$0x0], $0xffff;
	s26 =	sshll.u32 s12, $0x4;
	s30 =	simm.s32 $0xB000;
	v20 =	vand.u32 $0xFFFF0000, v18;
	v23 =	vmul.f32 v19, v23;
	v28 =	vmul.f32 v19, v21  }
0x45: {  	v45 =	vld.idx.msk [tilespmem:v22+s22+$0x0], $0xffff;
	s24 =	simm.s32 $0x6000;
	s22 =	simm.s32 $0x4000;
	s28 =	simm.s32 $0x9000;
	v21 =	vimm.f32 $0.0e+00;
	v18 =	vmul.f32 v20, v27;
	v25 =	vmul.f32 v20, v25  }
0x46: {  	v53 =	vld.idx.msk [tilespmem:v22+s4+$0x0], $0xffff;
	s12 =	simm.s32 $0xF000;
	s4 =	simm.s32 $0xE000;
	s29 =	simm.s32 $0xA000;
	v26 =	vmul.f32 v20, v26;
	v46 =	vmul.f32 v20, v29;
	v16 =	vadd.f32 v16, v33  }
0x47: {  	v39 =	vld.idx.msk [tilespmem:v17+s21+$0x0], $0xffff;
	s25 =	simm.s32 $0x7000;
	s23 =	simm.s32 $0x5000;
	s21 =	simm.s32 $0x3000;
	v27 =	vimm.f32 $0.0e+00;
	v29 =	vimm.f32 $0.0e+00;
	v43 =	vadd.f32 v23, v33  }
0x48: {  	v51 =	vld.idx.msk [tilespmem:v22+s20+$0x0], $0xffff;
	s20 =	simm.s32 $0x1000;
	[dreg:$0x1c] =	wrdreg s26;
	s26 =	simm.s32 $0x8000;
	v23 =	vimm.f32 $0.0e+00;
	v16 =	vadd.f32 v18, v16;
	v18 =	vimm.f32 $0.0e+00  }
.LBB2_5:
0x49: {  	s18 =	sshra.s32 s17, $0x2;
	p1 =	sne.s32 s17, $0x3800;
	s17 =	sadd.s32 $0x800, s17;
	v54 =	vld.idx.msk [tilespmem:v22+s28+$0x0], $0xffff  }
0x4a: {  	v52 =	vmul.f32 v19, v52;
	v55 =	vld.idx.msk [tilespmem:v22+s20+$0x0], $0xffff;
	v43 =	vadd.f32 v46, v43  }
0x4b: {  	v46 =	vld.idx.msk [tilespmem:v22+s19+$0x0], $0xffff  }
0x4c: {  	v56 =	vld.idx.msk [tilespmem:v24+s18+$0x0 ss:$0x1], $0xffff  }
0x4d: {  	v49 =	vmul.f32 v19, v49;
	v41 =	vmul.f32 v20, v41;
	v33 =	vadd.f32 v52, v33;
	v52 =	vld.idx.msk [tilespmem:v17+s26+$0x0], $0xffff  }
0x4e: {  	v48 =	vmul.f32 v20, v48;
	v53 =	vmul.f32 v19, v53;
	v57 =	vld.idx.msk [tilespmem:v24+s18+$0x100 ss:$0x1], $0xffff;
	s18 =	simm.s32 $0x2000  }
0x4f: {  	v42 =	vmul.f32 v20, v42;
	v36 =	vadd.f32 v49, v36;
	v49 =	vmul.f32 v19, v50;
	v58 =	vld.idx.msk [tilespmem:v22+s18+$0x0], $0xffff  }
0x50: {  	v50 =	vmul.f32 v19, v55;
	v34 =	vadd.f32 v53, v34;
	v53 =	vmul.f32 v19, v54;
	v54 =	vld.idx.msk [tilespmem:v17+s20+$0x0], $0xffff  }
0x51: {  	v51 =	vmul.f32 v19, v51;
	v33 =	vadd.f32 v48, v33;
	v36 =	vadd.f32 v42, v36;
	v55 =	vld.idx.msk [tilespmem:v22+s22+$0x0], $0xffff  }
0x52: {  	v42 =	vmul.f32 v20, v47;
	v44 =	vadd.f32 v53, v44;
	v34 =	vadd.f32 v41, v34;
	v41 =	vld.idx.msk [tilespmem:v17+s31+$0x0], $0xffff  }
0x53: {  	v22 =	vand.u32 $0xFFFF, v56;
	v37 =	vadd.f32 v50, v37;
	v47 =	vmul.f32 v20, v52;
	v48 =	vld.idx.msk [tilespmem:v17+s28+$0x0], $0xffff  }
0x54: {  	v38 =	vmul.f32 v19, v38;
	v45 =	vmul.f32 v19, v45;
	v50 =	vand.u32 $0xFFFF, v57;
	v52 =	vld.idx.msk [tilespmem:v17+s29+$0x0], $0xffff  }
0x55: {  	v28 =	vadd.f32 v28, v31;
	v23 =	vadd.f32 v49, v23;
	v53 =	vmul.f32 v19, v58;
	v31 =	vld.idx.msk [tilespmem:v17+s22+$0x0], $0xffff  }
0x56: {  	v18 =	vadd.f32 v45, v18;
	v35 =	vadd.f32 v51, v35;
	v46 =	vmul.f32 v19, v46;
	v45 =	vld.idx.msk [tilespmem:v17+s19+$0x0], $0xffff  }
0x57: {  	v30 =	vmul.f32 v19, v30;
	v49 =	vmul.f32 v20, v54;
	v40 =	vadd.f32 v53, v40;
	v17 =	vmovc v50  }
0x58: {  	v23 =	vadd.f32 v25, v23;
	v18 =	vadd.f32 v42, v18;
	v19 =	vmul.f32 v19, v55;
	v51 =	vld.idx.msk [tilespmem:v22+s26+$0x0], $0xffff  }
0x59: {  	v27 =	vadd.f32 v38, v27;
	v38 =	vmul.f32 v20, v39;
	v39 =	vmul.f32 v20, v41;
	v25 =	vld.idx.msk [tilespmem:v22+s12+$0x0], $0xffff  }
0x5a: {  	v21 =	vadd.f32 v30, v21;
	v37 =	vadd.f32 v49, v37;
	v30 =	vmul.f32 v20, v52;
	v41 =	vld.idx.msk [tilespmem:v50+s21+$0x0], $0xffff  }
0x5b: {  	v27 =	vadd.f32 v38, v27;
	v29 =	vadd.f32 v19, v29;
	v19 =	vmul.f32 v20, v48;
	v53 =	vld.idx.msk [tilespmem:v50+s30+$0x0], $0xffff  }
0x5c: {  	v21 =	vadd.f32 v39, v21;
	v38 =	vmul.f32 v20, v45;
	v20 =	vmul.f32 v20, v31;
	v54 =	vld.idx.msk [tilespmem:v50+s18+$0x0], $0xffff  }
0x5d: {  	v32 =	vadd.f32 v46, v32;
	v44 =	vadd.f32 v19, v44;
	v42 =	vld.idx.msk [tilespmem:v50+s25+$0x0], $0xffff  }
0x5e: {  	v19 =	vand.u32 $0xFFFF0000, v56;
	v31 =	vadd.f32 v47, v28;
	v29 =	vadd.f32 v20, v29;
	v48 =	vld.idx.msk [tilespmem:v50+s24+$0x0], $0xffff  }
0x5f: {  	v40 =	vadd.f32 v26, v40;
	v32 =	vadd.f32 v38, v32;
	v46 =	vmul.f32 v19, v25;
	v20 =	vld.idx.msk [tilespmem:v22+s4+$0x0], $0xffff  }
0x60: {  	v35 =	vadd.f32 v30, v35;
	v28 =	vmul.f32 v19, v51;
	v49 =	vld.idx.msk [tilespmem:v22+s25+$0x0], $0xffff  }
0x61: {  	v26 =	vld.idx.msk [tilespmem:v50+s4+$0x0], $0xffff  }
0x62: {  	v38 =	vld.idx.msk [tilespmem:v22+s23+$0x0], $0xffff  }
0x63: {  	v52 =	vld.idx.msk [tilespmem:v22+s24+$0x0], $0xffff  }
0x64: {  	v47 =	vld.idx.msk [tilespmem:v50+s1+$0x0], $0xffff  }
0x65: {  	v25 =	vmul.f32 v19, v20;
	v55 =	vld.idx.msk [tilespmem:v17+s12+$0x0], $0xffff  }
0x66: {  	v20 =	vand.u32 $0xFFFF0000, v57;
	v50 =	vld.idx.msk [tilespmem:v22+s30+$0x0], $0xffff  }
.Ltmp0:
0x67: {  	v16 =	vadd.f32 v25, v16;
	v25 =	vmul.f32 v20, v53;
	v51 =	vmul.f32 v20, v26;
	v30 =	vld.idx.msk [tilespmem:v22+s31+$0x0], $0xffff;
	(pc) =	sbr.rel @p1 .LBB2_5-.Ltmp0, $4  }
0x68: {  	v26 =	vmul.f32 v20, v54;
	v39 =	vld.idx.msk [tilespmem:v17+s23+$0x0], $0xffff  }
0x69: {  	v16 =	vadd.f32 v51, v16;
	v45 =	vld.idx.msk [tilespmem:v22+s1+$0x0], $0xffff  }
0x6a: {  	v51 =	vld.idx.msk [tilespmem:v22+s29+$0x0], $0xffff  }
0x6b: {  	v43 =	vadd.f32 v46, v43;
	v46 =	vmul.f32 v20, v55;
	v53 =	vld.idx.msk [tilespmem:v22+s21+$0x0], $0xffff  }
0x6c: {  	_ =	sdelay $0x3  }
0x6d: {  	v54 =	vld.idx.msk [tilespmem:v22+s20+$0x0], $0xffff  }
0x6e: {  	v52 =	vmul.f32 v19, v52;
	v55 =	vld.idx.msk [tilespmem:v22+s19+$0x0], $0xffff  }
0x6f: {  	v49 =	vmul.f32 v19, v49;
	v56 =	vld.idx.msk [tilespmem:v22+s18+$0x0], $0xffff;
	v41 =	vmul.f32 v20, v41  }
0x70: {  	v48 =	vmul.f32 v20, v48;
	v60 =	vld.idx.msk [tilespmem:v17+s19+$0x0], $0xffff;
	v50 =	vmul.f32 v19, v50  }
0x71: {  	v42 =	vmul.f32 v20, v42;
	v61 =	vld.idx.msk [tilespmem:v22+s22+$0x0], $0xffff;
	v38 =	vmul.f32 v19, v38  }
0x72: {  	v28 =	vadd.f32 v28, v31;
	v36 =	vadd.f32 v49, v36;
	v59 =	vmul.f32 v19, v53;
	v53 =	vld.idx.msk [tilespmem:v17+s20+$0x0], $0xffff  }
0x73: {  	v24 =	vld.idx.msk [tilespmem:v22+s28+$0x0], $0xffff;
	v33 =	vadd.f32 v52, v33;
	v27 =	vadd.f32 v38, v27;
	v45 =	vmul.f32 v19, v45  }
0x74: {  	v62 =	vld.idx.msk [tilespmem:v17+s26+$0x0], $0xffff;
	v36 =	vadd.f32 v42, v36;
	v42 =	vmul.f32 v20, v39;
	v57 =	vmul.f32 v19, v55  }
0x75: {  	v58 =	vld.idx.msk [tilespmem:v17+s22+$0x0], $0xffff;
	v33 =	vadd.f32 v48, v33;
	v63 =	vmul.f32 v19, v54;
	v49 =	vmul.f32 v20, v60  }
0x76: {  	v34 =	vadd.f32 v59, v34;
	v59 =	vmul.f32 v19, v56;
	v32 =	vadd.f32 v57, v32  }
0x77: {  	v22 =	vmul.f32 v19, v61;
	v37 =	vadd.f32 v63, v37;
	v60 =	vmul.f32 v20, v53  }
0x78: {  	v24 =	vmul.f32 v19, v24;
	v61 =	vld.idx.msk [tilespmem:v17+s31+$0x0], $0xffff;
	v40 =	vadd.f32 v59, v40;
	v32 =	vadd.f32 v49, v32  }
0x79: {  	v48 =	vmul.f32 v20, v62;
	v62 =	vld.idx.msk [tilespmem:v17+s28+$0x0], $0xffff;
	v22 =	vadd.f32 v22, v29;
	v37 =	vadd.f32 v60, v37  }
0x7a: {  	s1 =	rddreg [dreg:$0x1c];
	v17 =	vld.idx.msk [tilespmem:v17+s29+$0x0], $0xffff;
	v63 =	vmul.f32 v20, v58;
	v26 =	vadd.f32 v26, v40;
	v32 =	vmax.f32 v32, $0.0e+00  }
0x7b: {  	v24 =	vadd.f32 v24, v44;
	v34 =	vadd.f32 v41, v34;
	[tilespmem:v0+s1+$0x0 ss:$0x1] =	vst.idx.msk $0xffff, v32;
	v44 =	vmax.f32 v37, $0.0e+00  }
0x7c: {  	v51 =	vmul.f32 v19, v51;
	v22 =	vadd.f32 v63, v22;
	v26 =	vmax.f32 v26, $0.0e+00;
	[tilespmem:v1+s1+$0x0 ss:$0x1] =	vst.idx.msk $0xffff, v44  }
0x7d: {  	v23 =	vadd.f32 v50, v23;
	v27 =	vadd.f32 v42, v27;
	v49 =	vmax.f32 v34, $0.0e+00;
	[tilespmem:v2+s1+$0x0 ss:$0x1] =	vst.idx.msk $0xffff, v26  }
0x7e: {  	v18 =	vadd.f32 v45, v18;
	v51 =	vadd.f32 v51, v35;
	v22 =	vmax.f32 v22, $0.0e+00;
	[tilespmem:v3+s1+$0x0 ss:$0x1] =	vst.idx.msk $0xffff, v49  }
0x7f: {  	v56 =	vadd.f32 v48, v28;
	v55 =	vmax.f32 v27, $0.0e+00;
	v54 =	vmul.f32 v20, v62;
	[tilespmem:v4+s1+$0x0 ss:$0x1] =	vst.idx.msk $0xffff, v22  }
0x80: {  	v57 =	vmax.f32 v33, $0.0e+00;
	v53 =	vmul.f32 v19, v30;
	v17 =	vmul.f32 v20, v17;
	[tilespmem:v5+s1+$0x0 ss:$0x1] =	vst.idx.msk $0xffff, v55  }
0x81: {  	v59 =	vmax.f32 v36, $0.0e+00;
	v58 =	vmul.f32 v20, v61;
	v24 =	vadd.f32 v54, v24;
	[tilespmem:v6+s1+$0x0 ss:$0x1] =	vst.idx.msk $0xffff, v57  }
0x82: {  	v19 =	vadd.f32 v53, v21;
	v60 =	vmax.f32 v56, $0.0e+00;
	v17 =	vadd.f32 v17, v51;
	[tilespmem:v7+s1+$0x0 ss:$0x1] =	vst.idx.msk $0xffff, v59  }
0x83: {  	s12 =	rddreg [dreg:$0x19];
	v41 =	vmul.f32 v20, v47;
	v61 =	vadd.f32 v25, v23;
	v62 =	vmax.f32 v24, $0.0e+00;
	[tilespmem:v8+s1+$0x0 ss:$0x1] =	vst.idx.msk $0xffff, v60  }
0x84: {  	s12 =	sadd.s32 $0x1, s12;
	v19 =	vadd.f32 v58, v19;
	v17 =	vmax.f32 v17, $0.0e+00;
	[tilespmem:v9+s1+$0x0 ss:$0x1] =	vst.idx.msk $0xffff, v62  }
0x85: {  	p1 =	sne.s32 s12, $0x10;
	v18 =	vadd.f32 v41, v18;
	[tilespmem:v10+s1+$0x0 ss:$0x1] =	vst.idx.msk $0xffff, v17;
	v17 =	vmax.f32 v61, $0.0e+00  }
.Ltmp1:
0x86: {  	s4 =	simm.s32 $0x3000;
	[tilespmem:v11+s1+$0x0 ss:$0x1] =	vst.idx.msk $0xffff, v17;
	v17 =	vmax.f32 v19, $0.0e+00;
	(pc) =	sbr.rel @p1 .LBB2_4-.Ltmp1, $4  }
0x87: {  	s21 =	simm.s32 $0x5000;
	s25 =	simm.s32 $0x6000;
	s26 =	simm.s32 $0x7000;
	v63 =	vadd.f32 v46, v43;
	[tilespmem:v12+s1+$0x0 ss:$0x1] =	vst.idx.msk $0xffff, v17;
	v17 =	vmax.f32 v18, $0.0e+00  }
0x88: {  	v16 =	vmax.f32 v16, $0.0e+00;
	s30 =	simm.s32 $0x8000;
	s24 =	simm.s32 $0xB000;
	s23 =	simm.s32 $0xC000;
	[tilespmem:v13+s1+$0x0 ss:$0x1] =	vst.idx.msk $0xffff, v17  }
0x89: {  	s22 =	simm.s32 $0xD000;
	s20 =	simm.s32 $0xA000;
	s31 =	rddreg [dreg:$0x14];
	[tilespmem:v14+s1+$0x0 ss:$0x1] =	vst.idx.msk $0xffff, v16;
	v16 =	vmax.f32 v63, $0.0e+00  }
0x8a: {  	s29 =	simm.s32 $0xE000;
	s28 =	simm.s32 $0xF000;
	[tilespmem:v15+s1+$0x0 ss:$0x1] =	vst.idx.msk $0xffff, v16;
	s1 =	sadd.s32 $0x10, s31  }
0x8b: {  	s1 =	rddreg [dreg:$0xf]  }
0x8c: {  	s17 =	rddreg [dreg:$0x6];
	s1 =	sshll.u32 s1, $0xA  }
0x8d: {  	s19 =	simm.s32 $0x0;
	s18 =	simm.s32 $0x1C000;
	s17 =	sadd.s32 s1, s17  }
0x8e: {  	[tilespmem:s18], [sflag:$0x1] =	stream.linear.gather [hbm4b:s17+s19], $0x1000, $0x38;
	[tilespmem:$0x1E000] =	vst v63  }
0x8f: {  	[dreg:$0x12] =	wrdreg s1;
	s18 =	simm.s32 $0x2  }
0x90: {  	_ =	swait.ge [sflag:s18], $0x1000  }
0x91: {  	s1 =	rddreg [dreg:$0x10]  }
0x92: {  	s12 =	sadd.s32 $0x11100, s1  }
0x93: {  	s31 =	sadd.s32 $0x11900, s1;
	[smem:$0x7F3] =	sst s12  }
0x94: {  	[smem:$0x7F4] =	sst s31;
	s12 =	sadd.s32 $0x13100, s1  }
0x95: {  	[sflag:s18] =	ssyncset.done $0x0;
	s18 =	sadd.s32 $0x10900, s1;
	[smem:$0x7F5] =	sst s12  }
0x96: {  	s17 =	sadd.s32 $0x10100, s1;
	v1 =	vmov s18;
	s18 =	sld [smem:$0x7F3];
	s12 =	sadd.s32 $0x14100, s1  }
0x97: {  	v0 =	vmov s17;
	s17 =	sadd.s32 $0x12100, s1;
	s31 =	sadd.s32 $0x12900, s1;
	[smem:$0x7F6] =	sst s12  }
0x98: {  	v4 =	vmov s17;
	v5 =	vmov s31;
	s17 =	sadd.s32 $0x15900, s1;
	s31 =	sld [smem:$0x7F5]  }
0x99: {  	s12 =	sadd.s32 $0x14900, s1;
	[smem:$0x7F8] =	sst s17  }
0x9a: {  	[smem:$0x7F7] =	sst s12  }
0x9b: {  	s17 =	sadd.s32 $0x16100, s1;
	v2 =	vmov s18;
	s18 =	sld [smem:$0x7F4]  }
0x9c: {  	[smem:$0x7F9] =	sst s17;
	v6 =	vmov s31;
	s31 =	sadd.s32 $0x15100, s1  }
0x9d: {  	v10 =	vmov s31;
	s31 =	sld [smem:$0x7F8]  }
0x9e: {  	s17 =	sld [smem:$0x7F6];
	v3 =	vmov s18;
	s18 =	sadd.s32 $0x13900, s1  }
0x9f: {  	v7 =	vmov s18;
	s18 =	sld [smem:$0x7F7]  }
0xa0: {  	v11 =	vmov s31;
	s31 =	sld [smem:$0x7F9];
	_ =	sdelay $0x1  }
0xa1: {  	s12 =	sadd.s32 $0x17900, s1  }
0xa2: {  	v8 =	vmov s17;
	s17 =	sadd.s32 $0x17100, s1;
	v9 =	vmov s18;
	s18 =	sadd.s32 $0x16900, s1;
	v12 =	vmov s31;
	s31 =	simm.s32 $0x2  }
0xa3: {  	v15 =	vmov s12;
	v14 =	vmov s17;
	s1 =	simm.s32 $0x1D000;
	v13 =	vmov s18;
	s18 =	simm.s32 $0x2000;
	[sflag:s31] =	ssyncadd.s32 $0xFFFFF000  }
.LBB2_8:
0xa4: {  	v24 =	vmov s1;
	_ =	sdelay $0x3  }
0xa5: {  	s17 =	simm.s32 $0x0  }
0xa6: {  	v16 =	vld.idx.msk [tilespmem:v24+s17+$0x0 ss:$0x1], $0xffff;
	_ =	sdelay $0x1  }
0xa7: {  	v18 =	vld.idx.msk [tilespmem:v24+s17+$0x100 ss:$0x1], $0xffff;
	_ =	sdelay $0x2  }
0xa8: {  	v22 =	vand.u32 $0xFFFF, v16;
	_ =	sdelay $0x1  }
0xa9: {  	v17 =	vand.u32 $0xFFFF, v18;
	_ =	sdelay $0x2  }
0xaa: {  	v21 =	vld.idx.msk [tilespmem:v22+s30+$0x0], $0xffff  }
0xab: {  	v23 =	vld.idx.msk [tilespmem:v22+s28+$0x0], $0xffff  }
0xac: {  	v41 =	vld.idx.msk [tilespmem:v17+s4+$0x0], $0xffff  }
0xad: {  	v25 =	vld.idx.msk [tilespmem:v17+s24+$0x0], $0xffff  }
0xae: {  	v26 =	vld.idx.msk [tilespmem:v17+s18+$0x0], $0xffff  }
0xaf: {  	v20 =	vld.idx.msk [tilespmem:v22+s29+$0x0], $0xffff  }
0xb0: {  	v42 =	vld.idx.msk [tilespmem:v17+s26+$0x0], $0xffff  }
0xb1: {  	v27 =	vld.idx.msk [tilespmem:v17+s29+$0x0], $0xffff  }
0xb2: {  	v48 =	vld.idx.msk [tilespmem:v17+s25+$0x0], $0xffff  }
0xb3: {  	v49 =	vld.idx.msk [tilespmem:v22+s26+$0x0], $0xffff  }
0xb4: {  	v29 =	vld.idx.msk [tilespmem:v17+s28+$0x0], $0xffff  }
0xb5: {  	v33 =	vimm.f32 $0.0e+00;
	v36 =	vimm.f32 $0.0e+00;
	v38 =	vld.idx.msk [tilespmem:v22+s21+$0x0], $0xffff  }
0xb6: {  	[dreg:$0x15] =	wrdreg s1;
	v34 =	vimm.f32 $0.0e+00;
	v44 =	vimm.f32 $0.0e+00;
	v37 =	vimm.f32 $0.0e+00;
	v52 =	vld.idx.msk [tilespmem:v22+s25+$0x0], $0xffff  }
0xb7: {  	v31 =	vimm.f32 $0.0e+00;
	v35 =	vimm.f32 $0.0e+00;
	[dreg:$0x13] =	wrdreg s19;
	v19 =	vand.u32 $0xFFFF0000, v16;
	v47 =	vld.idx.msk [tilespmem:v17+s22+$0x0], $0xffff  }
0xb8: {  	v40 =	vimm.f32 $0.0e+00;
	v32 =	vimm.f32 $0.0e+00;
	s31 =	simm.s32 $0xC000;
	s12 =	simm.s32 $0xF000;
	s1 =	simm.s32 $0xD000;
	v50 =	vld.idx.msk [tilespmem:v22+s24+$0x0], $0xffff;
	v16 =	vmul.f32 v19, v20  }
0xb9: {  	s17 =	simm.s32 $0x800;
	v30 =	vld.idx.msk [tilespmem:v22+s23+$0x0], $0xffff;
	s26 =	sshll.u32 s19, $0x4;
	s19 =	simm.s32 $0x0;
	v20 =	vand.u32 $0xFFFF0000, v18;
	v23 =	vmul.f32 v19, v23;
	v28 =	vmul.f32 v19, v21  }
0xba: {  	v45 =	vld.idx.msk [tilespmem:v22+s22+$0x0], $0xffff;
	s30 =	simm.s32 $0xB000;
	s24 =	simm.s32 $0x6000;
	s22 =	simm.s32 $0x4000;
	v21 =	vimm.f32 $0.0e+00;
	v18 =	vmul.f32 v20, v27;
	v25 =	vmul.f32 v20, v25  }
0xbb: {  	v53 =	vld.idx.msk [tilespmem:v22+s4+$0x0], $0xffff;
	s28 =	simm.s32 $0x9000;
	s4 =	simm.s32 $0xE000;
	s29 =	simm.s32 $0xA000;
	v26 =	vmul.f32 v20, v26;
	v46 =	vmul.f32 v20, v29;
	v16 =	vadd.f32 v16, v33  }
0xbc: {  	v39 =	vld.idx.msk [tilespmem:v17+s21+$0x0], $0xffff;
	s25 =	simm.s32 $0x7000;
	s23 =	simm.s32 $0x5000;
	s21 =	simm.s32 $0x3000;
	v27 =	vimm.f32 $0.0e+00;
	v29 =	vimm.f32 $0.0e+00;
	v43 =	vadd.f32 v23, v33  }
0xbd: {  	v51 =	vld.idx.msk [tilespmem:v22+s20+$0x0], $0xffff;
	s20 =	simm.s32 $0x1000;
	[dreg:$0x1d] =	wrdreg s26;
	s26 =	simm.s32 $0x8000;
	v23 =	vimm.f32 $0.0e+00;
	v16 =	vadd.f32 v18, v16;
	v18 =	vimm.f32 $0.0e+00  }
.LBB2_9:
0xbe: {  	s18 =	sshra.s32 s17, $0x2;
	p1 =	sne.s32 s17, $0x3800;
	s17 =	sadd.s32 $0x800, s17;
	v54 =	vld.idx.msk [tilespmem:v22+s28+$0x0], $0xffff  }
0xbf: {  	v52 =	vmul.f32 v19, v52;
	v55 =	vld.idx.msk [tilespmem:v22+s20+$0x0], $0xffff;
	v43 =	vadd.f32 v46, v43  }
0xc0: {  	v46 =	vld.idx.msk [tilespmem:v22+s19+$0x0], $0xffff  }
0xc1: {  	v56 =	vld.idx.msk [tilespmem:v24+s18+$0x0 ss:$0x1], $0xffff  }
0xc2: {  	v49 =	vmul.f32 v19, v49;
	v41 =	vmul.f32 v20, v41;
	v33 =	vadd.f32 v52, v33;
	v52 =	vld.idx.msk [tilespmem:v17+s26+$0x0], $0xffff  }
0xc3: {  	v48 =	vmul.f32 v20, v48;
	v53 =	vmul.f32 v19, v53;
	v57 =	vld.idx.msk [tilespmem:v24+s18+$0x100 ss:$0x1], $0xffff;
	s18 =	simm.s32 $0x2000  }
0xc4: {  	v42 =	vmul.f32 v20, v42;
	v36 =	vadd.f32 v49, v36;
	v49 =	vmul.f32 v19, v50;
	v58 =	vld.idx.msk [tilespmem:v22+s18+$0x0], $0xffff  }
0xc5: {  	v50 =	vmul.f32 v19, v55;
	v34 =	vadd.f32 v53, v34;
	v53 =	vmul.f32 v19, v54;
	v54 =	vld.idx.msk [tilespmem:v17+s20+$0x0], $0xffff  }
0xc6: {  	v51 =	vmul.f32 v19, v51;
	v33 =	vadd.f32 v48, v33;
	v36 =	vadd.f32 v42, v36;
	v55 =	vld.idx.msk [tilespmem:v22+s22+$0x0], $0xffff  }
0xc7: {  	v42 =	vmul.f32 v20, v47;
	v44 =	vadd.f32 v53, v44;
	v34 =	vadd.f32 v41, v34;
	v41 =	vld.idx.msk [tilespmem:v17+s31+$0x0], $0xffff  }
0xc8: {  	v22 =	vand.u32 $0xFFFF, v56;
	v37 =	vadd.f32 v50, v37;
	v47 =	vmul.f32 v20, v52;
	v48 =	vld.idx.msk [tilespmem:v17+s28+$0x0], $0xffff  }
0xc9: {  	v38 =	vmul.f32 v19, v38;
	v45 =	vmul.f32 v19, v45;
	v50 =	vand.u32 $0xFFFF, v57;
	v52 =	vld.idx.msk [tilespmem:v17+s29+$0x0], $0xffff  }
0xca: {  	v28 =	vadd.f32 v28, v31;
	v23 =	vadd.f32 v49, v23;
	v53 =	vmul.f32 v19, v58;
	v31 =	vld.idx.msk [tilespmem:v17+s22+$0x0], $0xffff  }
0xcb: {  	v18 =	vadd.f32 v45, v18;
	v35 =	vadd.f32 v51, v35;
	v46 =	vmul.f32 v19, v46;
	v45 =	vld.idx.msk [tilespmem:v17+s19+$0x0], $0xffff  }
0xcc: {  	v30 =	vmul.f32 v19, v30;
	v49 =	vmul.f32 v20, v54;
	v40 =	vadd.f32 v53, v40;
	v17 =	vmovc v50  }
0xcd: {  	v23 =	vadd.f32 v25, v23;
	v18 =	vadd.f32 v42, v18;
	v19 =	vmul.f32 v19, v55;
	v51 =	vld.idx.msk [tilespmem:v22+s26+$0x0], $0xffff  }
0xce: {  	v27 =	vadd.f32 v38, v27;
	v38 =	vmul.f32 v20, v39;
	v39 =	vmul.f32 v20, v41;
	v25 =	vld.idx.msk [tilespmem:v22+s12+$0x0], $0xffff  }
0xcf: {  	v21 =	vadd.f32 v30, v21;
	v37 =	vadd.f32 v49, v37;
	v30 =	vmul.f32 v20, v52;
	v41 =	vld.idx.msk [tilespmem:v50+s21+$0x0], $0xffff  }
0xd0: {  	v27 =	vadd.f32 v38, v27;
	v29 =	vadd.f32 v19, v29;
	v19 =	vmul.f32 v20, v48;
	v53 =	vld.idx.msk [tilespmem:v50+s30+$0x0], $0xffff  }
0xd1: {  	v21 =	vadd.f32 v39, v21;
	v38 =	vmul.f32 v20, v45;
	v20 =	vmul.f32 v20, v31;
	v54 =	vld.idx.msk [tilespmem:v50+s18+$0x0], $0xffff  }
0xd2: {  	v32 =	vadd.f32 v46, v32;
	v44 =	vadd.f32 v19, v44;
	v42 =	vld.idx.msk [tilespmem:v50+s25+$0x0], $0xffff  }
0xd3: {  	v19 =	vand.u32 $0xFFFF0000, v56;
	v31 =	vadd.f32 v47, v28;
	v29 =	vadd.f32 v20, v29;
	v48 =	vld.idx.msk [tilespmem:v50+s24+$0x0], $0xffff  }
0xd4: {  	v40 =	vadd.f32 v26, v40;
	v32 =	vadd.f32 v38, v32;
	v46 =	vmul.f32 v19, v25;
	v20 =	vld.idx.msk [tilespmem:v22+s4+$0x0], $0xffff  }
0xd5: {  	v35 =	vadd.f32 v30, v35;
	v28 =	vmul.f32 v19, v51;
	v49 =	vld.idx.msk [tilespmem:v22+s25+$0x0], $0xffff  }
0xd6: {  	v26 =	vld.idx.msk [tilespmem:v50+s4+$0x0], $0xffff  }
0xd7: {  	v38 =	vld.idx.msk [tilespmem:v22+s23+$0x0], $0xffff  }
0xd8: {  	v52 =	vld.idx.msk [tilespmem:v22+s24+$0x0], $0xffff  }
0xd9: {  	v47 =	vld.idx.msk [tilespmem:v50+s1+$0x0], $0xffff  }
0xda: {  	v25 =	vmul.f32 v19, v20;
	v55 =	vld.idx.msk [tilespmem:v17+s12+$0x0], $0xffff  }
0xdb: {  	v20 =	vand.u32 $0xFFFF0000, v57;
	v50 =	vld.idx.msk [tilespmem:v22+s30+$0x0], $0xffff  }
.Ltmp2:
0xdc: {  	v16 =	vadd.f32 v25, v16;
	v25 =	vmul.f32 v20, v53;
	v51 =	vmul.f32 v20, v26;
	v30 =	vld.idx.msk [tilespmem:v22+s31+$0x0], $0xffff;
	(pc) =	sbr.rel @p1 .LBB2_9-.Ltmp2, $4  }
0xdd: {  	v26 =	vmul.f32 v20, v54;
	v39 =	vld.idx.msk [tilespmem:v17+s23+$0x0], $0xffff  }
0xde: {  	v16 =	vadd.f32 v51, v16;
	v45 =	vld.idx.msk [tilespmem:v22+s1+$0x0], $0xffff  }
0xdf: {  	v51 =	vld.idx.msk [tilespmem:v22+s29+$0x0], $0xffff  }
0xe0: {  	v43 =	vadd.f32 v46, v43;
	v46 =	vmul.f32 v20, v55;
	v53 =	vld.idx.msk [tilespmem:v22+s21+$0x0], $0xffff  }
0xe1: {  	_ =	sdelay $0x3  }
0xe2: {  	v54 =	vld.idx.msk [tilespmem:v22+s20+$0x0], $0xffff  }
0xe3: {  	v52 =	vmul.f32 v19, v52;
	v55 =	vld.idx.msk [tilespmem:v22+s19+$0x0], $0xffff  }
0xe4: {  	v49 =	vmul.f32 v19, v49;
	v56 =	vld.idx.msk [tilespmem:v22+s18+$0x0], $0xffff;
	v41 =	vmul.f32 v20, v41  }
0xe5: {  	v48 =	vmul.f32 v20, v48;
	v60 =	vld.idx.msk [tilespmem:v17+s19+$0x0], $0xffff;
	v50 =	vmul.f32 v19, v50  }
0xe6: {  	v42 =	vmul.f32 v20, v42;
	v61 =	vld.idx.msk [tilespmem:v22+s22+$0x0], $0xffff;
	v38 =	vmul.f32 v19, v38  }
0xe7: {  	v28 =	vadd.f32 v28, v31;
	v36 =	vadd.f32 v49, v36;
	v59 =	vmul.f32 v19, v53;
	v53 =	vld.idx.msk [tilespmem:v17+s20+$0x0], $0xffff  }
0xe8: {  	v24 =	vld.idx.msk [tilespmem:v22+s28+$0x0], $0xffff;
	v33 =	vadd.f32 v52, v33;
	v27 =	vadd.f32 v38, v27;
	v45 =	vmul.f32 v19, v45  }
0xe9: {  	v62 =	vld.idx.msk [tilespmem:v17+s26+$0x0], $0xffff;
	v36 =	vadd.f32 v42, v36;
	v42 =	vmul.f32 v20, v39;
	v57 =	vmul.f32 v19, v55  }
0xea: {  	v58 =	vld.idx.msk [tilespmem:v17+s22+$0x0], $0xffff;
	v33 =	vadd.f32 v48, v33;
	v63 =	vmul.f32 v19, v54;
	v49 =	vmul.f32 v20, v60  }
0xeb: {  	v34 =	vadd.f32 v59, v34;
	v59 =	vmul.f32 v19, v56;
	v32 =	vadd.f32 v57, v32  }
0xec: {  	v22 =	vmul.f32 v19, v61;
	v37 =	vadd.f32 v63, v37;
	v60 =	vmul.f32 v20, v53  }
0xed: {  	v24 =	vmul.f32 v19, v24;
	v61 =	vld.idx.msk [tilespmem:v17+s31+$0x0], $0xffff;
	v40 =	vadd.f32 v59, v40;
	v32 =	vadd.f32 v49, v32  }
0xee: {  	v48 =	vmul.f32 v20, v62;
	v62 =	vld.idx.msk [tilespmem:v17+s28+$0x0], $0xffff;
	v22 =	vadd.f32 v22, v29;
	v37 =	vadd.f32 v60, v37  }
0xef: {  	s1 =	rddreg [dreg:$0x1d];
	v17 =	vld.idx.msk [tilespmem:v17+s29+$0x0], $0xffff;
	v63 =	vmul.f32 v20, v58;
	v26 =	vadd.f32 v26, v40;
	v32 =	vmax.f32 v32, $0.0e+00  }
0xf0: {  	v24 =	vadd.f32 v24, v44;
	v34 =	vadd.f32 v41, v34;
	[tilespmem:v0+s1+$0x0 ss:$0x1] =	vst.idx.msk $0xffff, v32;
	v44 =	vmax.f32 v37, $0.0e+00  }
0xf1: {  	v51 =	vmul.f32 v19, v51;
	v22 =	vadd.f32 v63, v22;
	v26 =	vmax.f32 v26, $0.0e+00;
	[tilespmem:v1+s1+$0x0 ss:$0x1] =	vst.idx.msk $0xffff, v44  }
0xf2: {  	v23 =	vadd.f32 v50, v23;
	v27 =	vadd.f32 v42, v27;
	v49 =	vmax.f32 v34, $0.0e+00;
	[tilespmem:v2+s1+$0x0 ss:$0x1] =	vst.idx.msk $0xffff, v26  }
0xf3: {  	v18 =	vadd.f32 v45, v18;
	v51 =	vadd.f32 v51, v35;
	v22 =	vmax.f32 v22, $0.0e+00;
	[tilespmem:v3+s1+$0x0 ss:$0x1] =	vst.idx.msk $0xffff, v49  }
0xf4: {  	v56 =	vadd.f32 v48, v28;
	v55 =	vmax.f32 v27, $0.0e+00;
	v54 =	vmul.f32 v20, v62;
	[tilespmem:v4+s1+$0x0 ss:$0x1] =	vst.idx.msk $0xffff, v22  }
0xf5: {  	v57 =	vmax.f32 v33, $0.0e+00;
	v53 =	vmul.f32 v19, v30;
	v17 =	vmul.f32 v20, v17;
	[tilespmem:v5+s1+$0x0 ss:$0x1] =	vst.idx.msk $0xffff, v55  }
0xf6: {  	v59 =	vmax.f32 v36, $0.0e+00;
	v58 =	vmul.f32 v20, v61;
	v24 =	vadd.f32 v54, v24;
	[tilespmem:v6+s1+$0x0 ss:$0x1] =	vst.idx.msk $0xffff, v57  }
0xf7: {  	v19 =	vadd.f32 v53, v21;
	v60 =	vmax.f32 v56, $0.0e+00;
	v17 =	vadd.f32 v17, v51;
	[tilespmem:v7+s1+$0x0 ss:$0x1] =	vst.idx.msk $0xffff, v59  }
0xf8: {  	s26 =	rddreg [dreg:$0x13];
	v41 =	vmul.f32 v20, v47;
	v61 =	vadd.f32 v25, v23;
	v62 =	vmax.f32 v24, $0.0e+00;
	[tilespmem:v8+s1+$0x0 ss:$0x1] =	vst.idx.msk $0xffff, v60  }
0xf9: {  	s19 =	sadd.s32 $0x1, s26;
	v19 =	vadd.f32 v58, v19;
	v17 =	vmax.f32 v17, $0.0e+00;
	[tilespmem:v9+s1+$0x0 ss:$0x1] =	vst.idx.msk $0xffff, v62  }
0xfa: {  	p1 =	sne.s32 s19, $0x10;
	v18 =	vadd.f32 v41, v18;
	[tilespmem:v10+s1+$0x0 ss:$0x1] =	vst.idx.msk $0xffff, v17;
	v17 =	vmax.f32 v61, $0.0e+00  }
.Ltmp3:
0xfb: {  	s4 =	simm.s32 $0x3000;
	[tilespmem:v11+s1+$0x0 ss:$0x1] =	vst.idx.msk $0xffff, v17;
	v17 =	vmax.f32 v19, $0.0e+00;
	(pc) =	sbr.rel @p1 .LBB2_8-.Ltmp3, $4  }
0xfc: {  	s21 =	simm.s32 $0x5000;
	s25 =	simm.s32 $0x6000;
	s30 =	simm.s32 $0x8000;
	v63 =	vadd.f32 v46, v43;
	[tilespmem:v12+s1+$0x0 ss:$0x1] =	vst.idx.msk $0xffff, v17;
	v17 =	vmax.f32 v18, $0.0e+00  }
0xfd: {  	v16 =	vmax.f32 v16, $0.0e+00;
	s24 =	simm.s32 $0xB000;
	s23 =	simm.s32 $0xC000;
	s22 =	simm.s32 $0xD000;
	[tilespmem:v13+s1+$0x0 ss:$0x1] =	vst.idx.msk $0xffff, v17  }
0xfe: {  	s26 =	simm.s32 $0x7000;
	s20 =	simm.s32 $0xA000;
	s31 =	rddreg [dreg:$0x15];
	[tilespmem:v14+s1+$0x0 ss:$0x1] =	vst.idx.msk $0xffff, v16;
	v16 =	vmax.f32 v63, $0.0e+00  }
0xff: {  	s29 =	simm.s32 $0xE000;
	s28 =	simm.s32 $0xF000;
	[tilespmem:v15+s1+$0x0 ss:$0x1] =	vst.idx.msk $0xffff, v16;
	s1 =	sadd.s32 $0x10, s31  }
0x100: {  	s17 =	rddreg [dreg:$0x7]  }
0x101: {  	s1 =	rddreg [dreg:$0x12]  }
0x102: {  	s31 =	rddreg [dreg:$0xf]  }
0x103: {  	s17 =	sadd.s32 s1, s17;
	s1 =	sadd.s32 $0x1, s31  }
0x104: {  	p1 =	sne.s32 s1, $0x4  }
.Ltmp4:
0x105: {  	_ = 	snop;
	(pc) =	sbr.rel @p1 .LBB2_3-.Ltmp4, $3  }
0x106: {  	_ =	sdelay $0x1  }
0x107: {  	s18 =	simm.s32 $0x0;
	s19 =	simm.s32 $0x1D000  }
0x108: {  	[tilespmem:s19], [sflag:$0x2] =	stream.linear.gather [hbm4b:s17+s18], $0x1000, $0x38;
	[tilespmem:$0x1E000] =	vst v63  }
0x109: {  	s17 =	simm.s32 @p0 $0x0  }
0x10a: {  	s18 =	rddreg [dreg:$0x8];
	p2 =	por $0x1, $0x1;
	s30 =	simm.s32 $0x10000  }
0x10b: {  	s31 =	simm.s32 $0x10800;
	s25 =	simm.s32 $0x19400;
	s28 =	simm.s32 $0x19800  }
0x10c: {  	s24 =	simm.s32 $0x19C00;
	s26 =	simm.s32 $0x1AC00;
	s23 =	simm.s32 $0x1B400  }
0x10d: {  	[tilespmem:s17], [sflag:$0x3] =	stream.linear.gather @p0 [hbm4b:s18+s17], $0x10000, $0x38;
	[tilespmem:$0x1E000] =	vst v63  }
0x10e: {  	s4 =	simm.s32 $0x1B800;
	s1 =	simm.s32 $0x1BC00;
	s17 =	simm.s32 $0x0  }
.LBB2_13:
0x10f: {  	s18 =	sshll.u32 s17, $0x9  }
0x110: {  	[dreg:$0x11] =	wrdreg s17;
	s19 =	simm.s32 $0x1;
	s12 =	sand.u32 $0x3FFFFE00, s18  }
0x111: {  	_ =	swait.ge [sflag:s19], $0x1000;
	s20 =	sadd.s32 $0x18800, s12  }
0x112: {  	s17 =	sadd.s32 $0x18000, s12;
	[dreg:$0x1e] =	wrdreg s12;
	v2 =	vmov s20;
	s20 =	sadd.s32 $0x1A000, s12  }
0x113: {  	s18 =	sadd.s32 $0x18400, s12;
	s22 =	sadd.s32 $0x18C00, s12;
	[smem:$0x7F1] =	sst s20  }
0x114: {  	s21 =	sadd.s32 $0x19400, s12;
	s29 =	sadd.s32 $0x19800, s12;
	s20 =	sld [smem:$0x7F1]  }
0x115: {  	v0 =	vmov s17;
	s17 =	sadd.s32 $0x19000, s12;
	v1 =	vmov s18;
	v3 =	vmov s22;
	s18 =	sadd.s32 $0x19C00, s12;
	s22 =	sadd.s32 $0x1A400, s12  }
0x116: {  	v5 =	vmov s21;
	v6 =	vmov s29;
	s21 =	sadd.s32 $0x1AC00, s12;
	s29 =	sadd.s32 $0x1B000, s12;
	v4 =	vmov s17;
	s17 =	sadd.s32 $0x1A800, s12  }
0x117: {  	v9 =	vmov s22;
	s22 =	sadd.s32 $0x1B400, s12;
	v8 =	vmov s20;
	s20 =	sadd.s32 $0x1B800, s12;
	s12 =	sadd.s32 $0x1BC00, s12  }
0x118: {  	[smem:$0x7F2] =	sst s12  }
0x119: {  	v12 =	vmov s29;
	s29 =	sld [smem:$0x7F2];
	_ =	sdelay $0x1  }
0x11a: {  	p1 =	por p2, p2;
	[sflag:s19] =	ssyncset.done $0x0;
	v7 =	vmov s18;
	v11 =	vmov s21;
	v10 =	vmov s17  }
0x11b: {  	[sflag:s19] =	ssyncadd.s32 $0xFFFFF000;
	s19 =	simm.s32 $0x0;
	v13 =	vmov s22;
	s12 =	simm.s32 $0x1C000;
	v14 =	vmov s20;
	v15 =	vmov s29  }
.LBB2_14:
0x11c: {  	v24 =	vmov s12;
	_ =	sdelay $0x3  }
0x11d: {  	s17 =	simm.s32 $0x0  }
0x11e: {  	v16 =	vld.idx.msk [tilespmem:v24+s17+$0x0 ss:$0x1], $0xffff;
	_ =	sdelay $0x1  }
0x11f: {  	v18 =	vld.idx.msk [tilespmem:v24+s17+$0x100 ss:$0x1], $0xffff;
	_ =	sdelay $0x2  }
0x120: {  	v22 =	vand.u32 $0xFFFF, v16;
	_ =	sdelay $0x1  }
0x121: {  	v17 =	vand.u32 $0xFFFF, v18;
	_ =	sdelay $0x2  }
0x122: {  	v21 =	vld.idx.msk [tilespmem:v22+s7+$0x0], $0xffff  }
0x123: {  	v23 =	vld.idx.msk [tilespmem:v22+s2+$0x0], $0xffff  }
0x124: {  	v41 =	vld.idx.msk [tilespmem:v17+s5+$0x0], $0xffff  }
0x125: {  	v25 =	vld.idx.msk [tilespmem:v17+s13+$0x0], $0xffff  }
0x126: {  	v26 =	vld.idx.msk [tilespmem:v17+s3+$0x0], $0xffff  }
0x127: {  	v20 =	vld.idx.msk [tilespmem:v22+s0+$0x0], $0xffff  }
0x128: {  	v42 =	vld.idx.msk [tilespmem:v17+s6+$0x0], $0xffff  }
0x129: {  	v27 =	vld.idx.msk [tilespmem:v17+s0+$0x0], $0xffff  }
0x12a: {  	v48 =	vld.idx.msk [tilespmem:v17+s15+$0x0], $0xffff  }
0x12b: {  	v49 =	vld.idx.msk [tilespmem:v22+s6+$0x0], $0xffff  }
0x12c: {  	v29 =	vld.idx.msk [tilespmem:v17+s2+$0x0], $0xffff  }
0x12d: {  	v33 =	vimm.f32 $0.0e+00;
	v36 =	vimm.f32 $0.0e+00;
	v38 =	vld.idx.msk [tilespmem:v22+s11+$0x0], $0xffff  }
0x12e: {  	v34 =	vimm.f32 $0.0e+00;
	v44 =	vimm.f32 $0.0e+00;
	v37 =	vimm.f32 $0.0e+00;
	v52 =	vld.idx.msk [tilespmem:v22+s15+$0x0], $0xffff  }
0x12f: {  	v31 =	vimm.f32 $0.0e+00;
	v35 =	vimm.f32 $0.0e+00;
	v19 =	vand.u32 $0xFFFF0000, v16;
	v47 =	vld.idx.msk [tilespmem:v17+s16+$0x0], $0xffff  }
0x130: {  	v40 =	vimm.f32 $0.0e+00;
	v32 =	vimm.f32 $0.0e+00;
	v50 =	vld.idx.msk [tilespmem:v22+s13+$0x0], $0xffff;
	v16 =	vmul.f32 v19, v20  }
0x131: {  	v30 =	vld.idx.msk [tilespmem:v22+s14+$0x0], $0xffff;
	v20 =	vand.u32 $0xFFFF0000, v18;
	v23 =	vmul.f32 v19, v23;
	v28 =	vmul.f32 v19, v21  }
0x132: {  	v39 =	vld.idx.msk [tilespmem:v17+s11+$0x0], $0xffff;
	v21 =	vimm.f32 $0.0e+00;
	v18 =	vmul.f32 v20, v27;
	v25 =	vmul.f32 v20, v25  }
0x133: {  	v45 =	vld.idx.msk [tilespmem:v22+s16+$0x0], $0xffff;
	v26 =	vmul.f32 v20, v26;
	v46 =	vmul.f32 v20, v29;
	v16 =	vadd.f32 v16, v33  }
0x134: {  	v51 =	vld.idx.msk [tilespmem:v22+s10+$0x0], $0xffff;
	v27 =	vimm.f32 $0.0e+00;
	v29 =	vimm.f32 $0.0e+00;
	v43 =	vadd.f32 v23, v33  }
0x135: {  	s29 =	sshll.u32 s19, $0x4;
	s17 =	simm.s32 $0x800;
	v53 =	vld.idx.msk [tilespmem:v22+s5+$0x0], $0xffff;
	v23 =	vimm.f32 $0.0e+00;
	v16 =	vadd.f32 v18, v16;
	v18 =	vimm.f32 $0.0e+00  }
.LBB2_15:
0x136: {  	s18 =	sshra.s32 s17, $0x2;
	p2 =	sne.s32 s17, $0x3800;
	s17 =	sadd.s32 $0x800, s17;
	v54 =	vld.idx.msk [tilespmem:v22+s9+$0x0], $0xffff  }
0x137: {  	v52 =	vmul.f32 v19, v52;
	v55 =	vld.idx.msk [tilespmem:v22+s31+$0x0], $0xffff;
	v43 =	vadd.f32 v46, v43  }
0x138: {  	v46 =	vld.idx.msk [tilespmem:v22+s30+$0x0], $0xffff  }
0x139: {  	v56 =	vld.idx.msk [tilespmem:v24+s18+$0x0 ss:$0x1], $0xffff  }
0x13a: {  	v49 =	vmul.f32 v19, v49;
	v41 =	vmul.f32 v20, v41;
	v33 =	vadd.f32 v52, v33;
	v52 =	vld.idx.msk [tilespmem:v17+s7+$0x0], $0xffff  }
0x13b: {  	v48 =	vmul.f32 v20, v48;
	v53 =	vmul.f32 v19, v53;
	v57 =	vld.idx.msk [tilespmem:v24+s18+$0x100 ss:$0x1], $0xffff  }
0x13c: {  	v42 =	vmul.f32 v20, v42;
	v36 =	vadd.f32 v49, v36;
	v49 =	vmul.f32 v19, v50;
	v58 =	vld.idx.msk [tilespmem:v22+s3+$0x0], $0xffff  }
0x13d: {  	v50 =	vmul.f32 v19, v55;
	v34 =	vadd.f32 v53, v34;
	v53 =	vmul.f32 v19, v54;
	v54 =	vld.idx.msk [tilespmem:v17+s31+$0x0], $0xffff  }
0x13e: {  	v51 =	vmul.f32 v19, v51;
	v33 =	vadd.f32 v48, v33;
	v36 =	vadd.f32 v42, v36;
	v55 =	vld.idx.msk [tilespmem:v22+s8+$0x0], $0xffff  }
0x13f: {  	v42 =	vmul.f32 v20, v47;
	v44 =	vadd.f32 v53, v44;
	v34 =	vadd.f32 v41, v34;
	v41 =	vld.idx.msk [tilespmem:v17+s14+$0x0], $0xffff  }
0x140: {  	v22 =	vand.u32 $0xFFFF, v56;
	v37 =	vadd.f32 v50, v37;
	v47 =	vmul.f32 v20, v52;
	v48 =	vld.idx.msk [tilespmem:v17+s9+$0x0], $0xffff  }
0x141: {  	v38 =	vmul.f32 v19, v38;
	v45 =	vmul.f32 v19, v45;
	v50 =	vand.u32 $0xFFFF, v57;
	v52 =	vld.idx.msk [tilespmem:v17+s10+$0x0], $0xffff  }
0x142: {  	v28 =	vadd.f32 v28, v31;
	v23 =	vadd.f32 v49, v23;
	v53 =	vmul.f32 v19, v58;
	v31 =	vld.idx.msk [tilespmem:v17+s8+$0x0], $0xffff  }
0x143: {  	v18 =	vadd.f32 v45, v18;
	v35 =	vadd.f32 v51, v35;
	v46 =	vmul.f32 v19, v46;
	v45 =	vld.idx.msk [tilespmem:v17+s30+$0x0], $0xffff  }
0x144: {  	v30 =	vmul.f32 v19, v30;
	v49 =	vmul.f32 v20, v54;
	v40 =	vadd.f32 v53, v40;
	v17 =	vmovc v50  }
0x145: {  	v23 =	vadd.f32 v25, v23;
	v18 =	vadd.f32 v42, v18;
	v19 =	vmul.f32 v19, v55;
	v51 =	vld.idx.msk [tilespmem:v22+s7+$0x0], $0xffff  }
0x146: {  	v27 =	vadd.f32 v38, v27;
	v38 =	vmul.f32 v20, v39;
	v39 =	vmul.f32 v20, v41;
	v25 =	vld.idx.msk [tilespmem:v22+s2+$0x0], $0xffff  }
0x147: {  	v21 =	vadd.f32 v30, v21;
	v37 =	vadd.f32 v49, v37;
	v30 =	vmul.f32 v20, v52;
	v41 =	vld.idx.msk [tilespmem:v50+s5+$0x0], $0xffff  }
0x148: {  	v27 =	vadd.f32 v38, v27;
	v29 =	vadd.f32 v19, v29;
	v19 =	vmul.f32 v20, v48;
	v53 =	vld.idx.msk [tilespmem:v50+s13+$0x0], $0xffff  }
0x149: {  	v21 =	vadd.f32 v39, v21;
	v38 =	vmul.f32 v20, v45;
	v20 =	vmul.f32 v20, v31;
	v54 =	vld.idx.msk [tilespmem:v50+s3+$0x0], $0xffff  }
0x14a: {  	v32 =	vadd.f32 v46, v32;
	v44 =	vadd.f32 v19, v44;
	v42 =	vld.idx.msk [tilespmem:v50+s6+$0x0], $0xffff  }
0x14b: {  	v19 =	vand.u32 $0xFFFF0000, v56;
	v31 =	vadd.f32 v47, v28;
	v29 =	vadd.f32 v20, v29;
	v48 =	vld.idx.msk [tilespmem:v50+s15+$0x0], $0xffff  }
0x14c: {  	v40 =	vadd.f32 v26, v40;
	v32 =	vadd.f32 v38, v32;
	v46 =	vmul.f32 v19, v25;
	v20 =	vld.idx.msk [tilespmem:v22+s0+$0x0], $0xffff  }
0x14d: {  	v35 =	vadd.f32 v30, v35;
	v28 =	vmul.f32 v19, v51;
	v49 =	vld.idx.msk [tilespmem:v22+s6+$0x0], $0xffff  }
0x14e: {  	v26 =	vld.idx.msk [tilespmem:v50+s0+$0x0], $0xffff  }
0x14f: {  	v38 =	vld.idx.msk [tilespmem:v22+s11+$0x0], $0xffff  }
0x150: {  	v52 =	vld.idx.msk [tilespmem:v22+s15+$0x0], $0xffff  }
0x151: {  	v47 =	vld.idx.msk [tilespmem:v50+s16+$0x0], $0xffff  }
0x152: {  	v25 =	vmul.f32 v19, v20;
	v55 =	vld.idx.msk [tilespmem:v17+s2+$0x0], $0xffff  }
0x153: {  	v20 =	vand.u32 $0xFFFF0000, v57;
	v50 =	vld.idx.msk [tilespmem:v22+s13+$0x0], $0xffff  }
.Ltmp5:
0x154: {  	v16 =	vadd.f32 v25, v16;
	v25 =	vmul.f32 v20, v53;
	v51 =	vmul.f32 v20, v26;
	v30 =	vld.idx.msk [tilespmem:v22+s14+$0x0], $0xffff;
	(pc) =	sbr.rel @p2 .LBB2_15-.Ltmp5, $4  }
0x155: {  	v26 =	vmul.f32 v20, v54;
	v39 =	vld.idx.msk [tilespmem:v17+s11+$0x0], $0xffff  }
0x156: {  	v16 =	vadd.f32 v51, v16;
	v45 =	vld.idx.msk [tilespmem:v22+s16+$0x0], $0xffff  }
0x157: {  	v51 =	vld.idx.msk [tilespmem:v22+s10+$0x0], $0xffff  }
0x158: {  	v43 =	vadd.f32 v46, v43;
	v46 =	vmul.f32 v20, v55;
	v53 =	vld.idx.msk [tilespmem:v22+s5+$0x0], $0xffff  }
0x159: {  	_ =	sdelay $0x3  }
0x15a: {  	v54 =	vld.idx.msk [tilespmem:v22+s31+$0x0], $0xffff  }
0x15b: {  	v52 =	vmul.f32 v19, v52;
	v55 =	vld.idx.msk [tilespmem:v22+s30+$0x0], $0xffff  }
0x15c: {  	v49 =	vmul.f32 v19, v49;
	v56 =	vld.idx.msk [tilespmem:v22+s3+$0x0], $0xffff;
	v41 =	vmul.f32 v20, v41  }
0x15d: {  	v48 =	vmul.f32 v20, v48;
	v60 =	vld.idx.msk [tilespmem:v17+s30+$0x0], $0xffff;
	v50 =	vmul.f32 v19, v50  }
0x15e: {  	v42 =	vmul.f32 v20, v42;
	v61 =	vld.idx.msk [tilespmem:v22+s8+$0x0], $0xffff;
	v38 =	vmul.f32 v19, v38  }
0x15f: {  	v28 =	vadd.f32 v28, v31;
	v36 =	vadd.f32 v49, v36;
	v59 =	vmul.f32 v19, v53;
	v53 =	vld.idx.msk [tilespmem:v17+s31+$0x0], $0xffff  }
0x160: {  	v24 =	vld.idx.msk [tilespmem:v22+s9+$0x0], $0xffff;
	v33 =	vadd.f32 v52, v33;
	v27 =	vadd.f32 v38, v27;
	v45 =	vmul.f32 v19, v45  }
0x161: {  	v62 =	vld.idx.msk [tilespmem:v17+s7+$0x0], $0xffff;
	v36 =	vadd.f32 v42, v36;
	v42 =	vmul.f32 v20, v39;
	v57 =	vmul.f32 v19, v55  }
0x162: {  	v58 =	vld.idx.msk [tilespmem:v17+s8+$0x0], $0xffff;
	v33 =	vadd.f32 v48, v33;
	v63 =	vmul.f32 v19, v54;
	v49 =	vmul.f32 v20, v60  }
0x163: {  	v34 =	vadd.f32 v59, v34;
	v59 =	vmul.f32 v19, v56;
	v32 =	vadd.f32 v57, v32  }
0x164: {  	v22 =	vmul.f32 v19, v61;
	v37 =	vadd.f32 v63, v37;
	v60 =	vmul.f32 v20, v53  }
0x165: {  	v24 =	vmul.f32 v19, v24;
	v61 =	vld.idx.msk [tilespmem:v17+s14+$0x0], $0xffff;
	v40 =	vadd.f32 v59, v40;
	v32 =	vadd.f32 v49, v32  }
0x166: {  	v48 =	vmul.f32 v20, v62;
	v62 =	vld.idx.msk [tilespmem:v17+s9+$0x0], $0xffff;
	v22 =	vadd.f32 v22, v29;
	v37 =	vadd.f32 v60, v37  }
0x167: {  	v17 =	vld.idx.msk [tilespmem:v17+s10+$0x0], $0xffff;
	v63 =	vmul.f32 v20, v58;
	v26 =	vadd.f32 v26, v40;
	v32 =	vmax.f32 v32, $0.0e+00  }
0x168: {  	v24 =	vadd.f32 v24, v44;
	v34 =	vadd.f32 v41, v34;
	[tilespmem:v0+s29+$0x0 ss:$0x1] =	vst.idx.msk $0xffff, v32;
	v44 =	vmax.f32 v37, $0.0e+00  }
0x169: {  	v51 =	vmul.f32 v19, v51;
	v22 =	vadd.f32 v63, v22;
	v26 =	vmax.f32 v26, $0.0e+00;
	[tilespmem:v1+s29+$0x0 ss:$0x1] =	vst.idx.msk $0xffff, v44  }
0x16a: {  	v23 =	vadd.f32 v50, v23;
	v27 =	vadd.f32 v42, v27;
	v49 =	vmax.f32 v34, $0.0e+00;
	[tilespmem:v2+s29+$0x0 ss:$0x1] =	vst.idx.msk $0xffff, v26  }
0x16b: {  	v18 =	vadd.f32 v45, v18;
	v51 =	vadd.f32 v51, v35;
	v22 =	vmax.f32 v22, $0.0e+00;
	[tilespmem:v3+s29+$0x0 ss:$0x1] =	vst.idx.msk $0xffff, v49  }
0x16c: {  	v56 =	vadd.f32 v48, v28;
	v55 =	vmax.f32 v27, $0.0e+00;
	v54 =	vmul.f32 v20, v62;
	[tilespmem:v4+s29+$0x0 ss:$0x1] =	vst.idx.msk $0xffff, v22  }
0x16d: {  	v57 =	vmax.f32 v33, $0.0e+00;
	v53 =	vmul.f32 v19, v30;
	v17 =	vmul.f32 v20, v17;
	[tilespmem:v5+s29+$0x0 ss:$0x1] =	vst.idx.msk $0xffff, v55  }
0x16e: {  	v59 =	vmax.f32 v36, $0.0e+00;
	v58 =	vmul.f32 v20, v61;
	v24 =	vadd.f32 v54, v24;
	[tilespmem:v6+s29+$0x0 ss:$0x1] =	vst.idx.msk $0xffff, v57  }
0x16f: {  	v19 =	vadd.f32 v53, v21;
	v60 =	vmax.f32 v56, $0.0e+00;
	v17 =	vadd.f32 v17, v51;
	[tilespmem:v7+s29+$0x0 ss:$0x1] =	vst.idx.msk $0xffff, v59  }
0x170: {  	v41 =	vmul.f32 v20, v47;
	v61 =	vadd.f32 v25, v23;
	v62 =	vmax.f32 v24, $0.0e+00;
	[tilespmem:v8+s29+$0x0 ss:$0x1] =	vst.idx.msk $0xffff, v60  }
0x171: {  	s19 =	sadd.s32 $0x1, s19;
	v19 =	vadd.f32 v58, v19;
	v17 =	vmax.f32 v17, $0.0e+00;
	[tilespmem:v9+s29+$0x0 ss:$0x1] =	vst.idx.msk $0xffff, v62  }
0x172: {  	p2 =	sne.s32 s19, $0x10;
	v18 =	vadd.f32 v41, v18;
	[tilespmem:v10+s29+$0x0 ss:$0x1] =	vst.idx.msk $0xffff, v17;
	v17 =	vmax.f32 v61, $0.0e+00  }
.Ltmp6:
0x173: {  	[tilespmem:v11+s29+$0x0 ss:$0x1] =	vst.idx.msk $0xffff, v17;
	v17 =	vmax.f32 v19, $0.0e+00;
	(pc) =	sbr.rel @p2 .LBB2_14-.Ltmp6, $4  }
0x174: {  	v63 =	vadd.f32 v46, v43;
	[tilespmem:v12+s29+$0x0 ss:$0x1] =	vst.idx.msk $0xffff, v17;
	v17 =	vmax.f32 v18, $0.0e+00  }
0x175: {  	v16 =	vmax.f32 v16, $0.0e+00;
	[tilespmem:v13+s29+$0x0 ss:$0x1] =	vst.idx.msk $0xffff, v17  }
0x176: {  	[tilespmem:v14+s29+$0x0 ss:$0x1] =	vst.idx.msk $0xffff, v16;
	v16 =	vmax.f32 v63, $0.0e+00  }
0x177: {  	s12 =	sadd.s32 $0x10, s12;
	[tilespmem:v15+s29+$0x0 ss:$0x1] =	vst.idx.msk $0xffff, v16  }
0x178: {  	s12 =	rddreg [dreg:$0x11]  }
0x179: {  	s19 =	rddreg [dreg:$0x9]  }
0x17a: {  	s20 =	simm.s32 $0x0;
	s18 =	simm.s32 $0x1C000;
	s17 =	sshll.u32 s12, $0xA  }
0x17b: {  	s12 =	simm.s32 $0x2;
	[dreg:$0x16] =	wrdreg s17;
	s17 =	sadd.s32 s17, s19  }
0x17c: {  	[tilespmem:s18], [sflag:$0x1] =	stream.linear.gather [hbm4b:s17+s20], $0x1000, $0x38;
	[tilespmem:$0x1E000] =	vst v63  }
0x17d: {  	_ =	swait.ge [sflag:s12], $0x1000  }
0x17e: {  	s29 =	rddreg [dreg:$0x1e]  }
0x17f: {  	[sflag:s12] =	ssyncset.done $0x0;
	s20 =	sadd.s32 $0x18900, s29  }
0x180: {  	s21 =	sadd.s32 $0x18100, s29;
	s22 =	sadd.s32 $0x18D00, s29;
	v2 =	vmov s20;
	s20 =	sadd.s32 $0x1A500, s29  }
0x181: {  	s18 =	sadd.s32 $0x18500, s29;
	v3 =	vmov s22;
	s22 =	sadd.s32 $0x1A100, s29;
	[smem:$0x7F0] =	sst s20  }
0x182: {  	s17 =	sadd.s32 $0x19100, s29;
	s19 =	sadd.s32 $0x19500, s29;
	v0 =	vmov s21;
	v8 =	vmov s22;
	s22 =	sld [smem:$0x7F0]  }
0x183: {  	s21 =	sadd.s32 $0x19900, s29;
	v1 =	vmov s18;
	s18 =	sadd.s32 $0x19D00, s29;
	v4 =	vmov s17;
	v5 =	vmov s19;
	s19 =	sadd.s32 $0x1A900, s29  }
0x184: {  	[sflag:s12] =	ssyncadd.s32 $0xFFFFF000;
	s17 =	sadd.s32 $0x1B900, s29;
	v6 =	vmov s21;
	s20 =	sadd.s32 $0x1AD00, s29;
	v7 =	vmov s18;
	v10 =	vmov s19  }
0x185: {  	s21 =	sadd.s32 $0x1B100, s29;
	s18 =	sadd.s32 $0x1B500, s29;
	v14 =	vmov s17;
	v11 =	vmov s20;
	v9 =	vmov s22;
	s22 =	sadd.s32 $0x1BD00, s29  }
0x186: {  	s12 =	simm.s32 $0x18800;
	s17 =	simm.s32 $0x1D000;
	v12 =	vmov s21;
	v13 =	vmov s18;
	s29 =	simm.s32 $0x0;
	v15 =	vmov s22  }
.LBB2_18:
0x187: {  	v24 =	vmov s17;
	_ =	sdelay $0x3  }
0x188: {  	s22 =	simm.s32 $0x0  }
0x189: {  	v16 =	vld.idx.msk [tilespmem:v24+s22+$0x0 ss:$0x1], $0xffff;
	_ =	sdelay $0x1  }
0x18a: {  	v18 =	vld.idx.msk [tilespmem:v24+s22+$0x100 ss:$0x1], $0xffff;
	_ =	sdelay $0x2  }
0x18b: {  	v22 =	vand.u32 $0xFFFF, v16;
	_ =	sdelay $0x1  }
0x18c: {  	v17 =	vand.u32 $0xFFFF, v18;
	_ =	sdelay $0x2  }
0x18d: {  	v21 =	vld.idx.msk [tilespmem:v22+s7+$0x0], $0xffff  }
0x18e: {  	v23 =	vld.idx.msk [tilespmem:v22+s2+$0x0], $0xffff  }
0x18f: {  	v41 =	vld.idx.msk [tilespmem:v17+s5+$0x0], $0xffff  }
0x190: {  	v25 =	vld.idx.msk [tilespmem:v17+s13+$0x0], $0xffff  }
0x191: {  	v26 =	vld.idx.msk [tilespmem:v17+s3+$0x0], $0xffff  }
0x192: {  	v20 =	vld.idx.msk [tilespmem:v22+s0+$0x0], $0xffff  }
0x193: {  	v42 =	vld.idx.msk [tilespmem:v17+s6+$0x0], $0xffff  }
0x194: {  	v27 =	vld.idx.msk [tilespmem:v17+s0+$0x0], $0xffff  }
0x195: {  	v48 =	vld.idx.msk [tilespmem:v17+s15+$0x0], $0xffff  }
0x196: {  	v49 =	vld.idx.msk [tilespmem:v22+s6+$0x0], $0xffff  }
0x197: {  	v29 =	vld.idx.msk [tilespmem:v17+s2+$0x0], $0xffff  }
0x198: {  	v33 =	vimm.f32 $0.0e+00;
	v36 =	vimm.f32 $0.0e+00;
	v38 =	vld.idx.msk [tilespmem:v22+s11+$0x0], $0xffff  }
0x199: {  	v34 =	vimm.f32 $0.0e+00;
	v44 =	vimm.f32 $0.0e+00;
	v37 =	vimm.f32 $0.0e+00;
	v52 =	vld.idx.msk [tilespmem:v22+s15+$0x0], $0xffff  }
0x19a: {  	v31 =	vimm.f32 $0.0e+00;
	v35 =	vimm.f32 $0.0e+00;
	v19 =	vand.u32 $0xFFFF0000, v16;
	v47 =	vld.idx.msk [tilespmem:v17+s16+$0x0], $0xffff  }
0x19b: {  	v40 =	vimm.f32 $0.0e+00;
	v32 =	vimm.f32 $0.0e+00;
	v50 =	vld.idx.msk [tilespmem:v22+s13+$0x0], $0xffff;
	v16 =	vmul.f32 v19, v20  }
0x19c: {  	v30 =	vld.idx.msk [tilespmem:v22+s14+$0x0], $0xffff;
	v20 =	vand.u32 $0xFFFF0000, v18;
	v23 =	vmul.f32 v19, v23;
	v28 =	vmul.f32 v19, v21  }
0x19d: {  	v39 =	vld.idx.msk [tilespmem:v17+s11+$0x0], $0xffff;
	v21 =	vimm.f32 $0.0e+00;
	v18 =	vmul.f32 v20, v27;
	v25 =	vmul.f32 v20, v25  }
0x19e: {  	v45 =	vld.idx.msk [tilespmem:v22+s16+$0x0], $0xffff;
	v26 =	vmul.f32 v20, v26;
	v46 =	vmul.f32 v20, v29;
	v16 =	vadd.f32 v16, v33  }
0x19f: {  	v51 =	vld.idx.msk [tilespmem:v22+s10+$0x0], $0xffff;
	v27 =	vimm.f32 $0.0e+00;
	v29 =	vimm.f32 $0.0e+00;
	v43 =	vadd.f32 v23, v33  }
0x1a0: {  	s19 =	smov.u32 s17;
	s21 =	sshll.u32 s29, $0x4;
	s17 =	simm.s32 $0x800;
	v53 =	vld.idx.msk [tilespmem:v22+s5+$0x0], $0xffff;
	v23 =	vimm.f32 $0.0e+00;
	v16 =	vadd.f32 v18, v16;
	v18 =	vimm.f32 $0.0e+00  }
.LBB2_19:
0x1a1: {  	s18 =	sshra.s32 s17, $0x2;
	p2 =	sne.s32 s17, $0x3800;
	s17 =	sadd.s32 $0x800, s17;
	v54 =	vld.idx.msk [tilespmem:v22+s9+$0x0], $0xffff  }
0x1a2: {  	v52 =	vmul.f32 v19, v52;
	v55 =	vld.idx.msk [tilespmem:v22+s31+$0x0], $0xffff;
	v43 =	vadd.f32 v46, v43  }
0x1a3: {  	v46 =	vld.idx.msk [tilespmem:v22+s30+$0x0], $0xffff  }
0x1a4: {  	v56 =	vld.idx.msk [tilespmem:v24+s18+$0x0 ss:$0x1], $0xffff  }
0x1a5: {  	v49 =	vmul.f32 v19, v49;
	v41 =	vmul.f32 v20, v41;
	v33 =	vadd.f32 v52, v33;
	v52 =	vld.idx.msk [tilespmem:v17+s7+$0x0], $0xffff  }
0x1a6: {  	v48 =	vmul.f32 v20, v48;
	v53 =	vmul.f32 v19, v53;
	v57 =	vld.idx.msk [tilespmem:v24+s18+$0x100 ss:$0x1], $0xffff  }
0x1a7: {  	v42 =	vmul.f32 v20, v42;
	v36 =	vadd.f32 v49, v36;
	v49 =	vmul.f32 v19, v50;
	v58 =	vld.idx.msk [tilespmem:v22+s3+$0x0], $0xffff  }
0x1a8: {  	v50 =	vmul.f32 v19, v55;
	v34 =	vadd.f32 v53, v34;
	v53 =	vmul.f32 v19, v54;
	v54 =	vld.idx.msk [tilespmem:v17+s31+$0x0], $0xffff  }
0x1a9: {  	v51 =	vmul.f32 v19, v51;
	v33 =	vadd.f32 v48, v33;
	v36 =	vadd.f32 v42, v36;
	v55 =	vld.idx.msk [tilespmem:v22+s8+$0x0], $0xffff  }
0x1aa: {  	v42 =	vmul.f32 v20, v47;
	v44 =	vadd.f32 v53, v44;
	v34 =	vadd.f32 v41, v34;
	v41 =	vld.idx.msk [tilespmem:v17+s14+$0x0], $0xffff  }
0x1ab: {  	v22 =	vand.u32 $0xFFFF, v56;
	v37 =	vadd.f32 v50, v37;
	v47 =	vmul.f32 v20, v52;
	v48 =	vld.idx.msk [tilespmem:v17+s9+$0x0], $0xffff  }
0x1ac: {  	v38 =	vmul.f32 v19, v38;
	v45 =	vmul.f32 v19, v45;
	v50 =	vand.u32 $0xFFFF, v57;
	v52 =	vld.idx.msk [tilespmem:v17+s10+$0x0], $0xffff  }
0x1ad: {  	v28 =	vadd.f32 v28, v31;
	v23 =	vadd.f32 v49, v23;
	v53 =	vmul.f32 v19, v58;
	v31 =	vld.idx.msk [tilespmem:v17+s8+$0x0], $0xffff  }
0x1ae: {  	v18 =	vadd.f32 v45, v18;
	v35 =	vadd.f32 v51, v35;
	v46 =	vmul.f32 v19, v46;
	v45 =	vld.idx.msk [tilespmem:v17+s30+$0x0], $0xffff  }
0x1af: {  	v30 =	vmul.f32 v19, v30;
	v49 =	vmul.f32 v20, v54;
	v40 =	vadd.f32 v53, v40;
	v17 =	vmovc v50  }
0x1b0: {  	v23 =	vadd.f32 v25, v23;
	v18 =	vadd.f32 v42, v18;
	v19 =	vmul.f32 v19, v55;
	v51 =	vld.idx.msk [tilespmem:v22+s7+$0x0], $0xffff  }
0x1b1: {  	v27 =	vadd.f32 v38, v27;
	v38 =	vmul.f32 v20, v39;
	v39 =	vmul.f32 v20, v41;
	v25 =	vld.idx.msk [tilespmem:v22+s2+$0x0], $0xffff  }
0x1b2: {  	v21 =	vadd.f32 v30, v21;
	v37 =	vadd.f32 v49, v37;
	v30 =	vmul.f32 v20, v52;
	v41 =	vld.idx.msk [tilespmem:v50+s5+$0x0], $0xffff  }
0x1b3: {  	v27 =	vadd.f32 v38, v27;
	v29 =	vadd.f32 v19, v29;
	v19 =	vmul.f32 v20, v48;
	v53 =	vld.idx.msk [tilespmem:v50+s13+$0x0], $0xffff  }
0x1b4: {  	v21 =	vadd.f32 v39, v21;
	v38 =	vmul.f32 v20, v45;
	v20 =	vmul.f32 v20, v31;
	v54 =	vld.idx.msk [tilespmem:v50+s3+$0x0], $0xffff  }
0x1b5: {  	v32 =	vadd.f32 v46, v32;
	v44 =	vadd.f32 v19, v44;
	v42 =	vld.idx.msk [tilespmem:v50+s6+$0x0], $0xffff  }
0x1b6: {  	v19 =	vand.u32 $0xFFFF0000, v56;
	v31 =	vadd.f32 v47, v28;
	v29 =	vadd.f32 v20, v29;
	v48 =	vld.idx.msk [tilespmem:v50+s15+$0x0], $0xffff  }
0x1b7: {  	v40 =	vadd.f32 v26, v40;
	v32 =	vadd.f32 v38, v32;
	v46 =	vmul.f32 v19, v25;
	v20 =	vld.idx.msk [tilespmem:v22+s0+$0x0], $0xffff  }
0x1b8: {  	v35 =	vadd.f32 v30, v35;
	v28 =	vmul.f32 v19, v51;
	v49 =	vld.idx.msk [tilespmem:v22+s6+$0x0], $0xffff  }
0x1b9: {  	v26 =	vld.idx.msk [tilespmem:v50+s0+$0x0], $0xffff  }
0x1ba: {  	v38 =	vld.idx.msk [tilespmem:v22+s11+$0x0], $0xffff  }
0x1bb: {  	v52 =	vld.idx.msk [tilespmem:v22+s15+$0x0], $0xffff  }
0x1bc: {  	v47 =	vld.idx.msk [tilespmem:v50+s16+$0x0], $0xffff  }
0x1bd: {  	v25 =	vmul.f32 v19, v20;
	v55 =	vld.idx.msk [tilespmem:v17+s2+$0x0], $0xffff  }
0x1be: {  	v20 =	vand.u32 $0xFFFF0000, v57;
	v50 =	vld.idx.msk [tilespmem:v22+s13+$0x0], $0xffff  }
.Ltmp7:
0x1bf: {  	v16 =	vadd.f32 v25, v16;
	v25 =	vmul.f32 v20, v53;
	v51 =	vmul.f32 v20, v26;
	v30 =	vld.idx.msk [tilespmem:v22+s14+$0x0], $0xffff;
	(pc) =	sbr.rel @p2 .LBB2_19-.Ltmp7, $4  }
0x1c0: {  	v26 =	vmul.f32 v20, v54;
	v39 =	vld.idx.msk [tilespmem:v17+s11+$0x0], $0xffff  }
0x1c1: {  	v16 =	vadd.f32 v51, v16;
	v45 =	vld.idx.msk [tilespmem:v22+s16+$0x0], $0xffff  }
0x1c2: {  	v51 =	vld.idx.msk [tilespmem:v22+s10+$0x0], $0xffff  }
0x1c3: {  	v43 =	vadd.f32 v46, v43;
	v46 =	vmul.f32 v20, v55;
	v53 =	vld.idx.msk [tilespmem:v22+s5+$0x0], $0xffff  }
0x1c4: {  	_ =	sdelay $0x3  }
0x1c5: {  	v54 =	vld.idx.msk [tilespmem:v22+s31+$0x0], $0xffff  }
0x1c6: {  	v52 =	vmul.f32 v19, v52;
	v55 =	vld.idx.msk [tilespmem:v22+s30+$0x0], $0xffff  }
0x1c7: {  	v49 =	vmul.f32 v19, v49;
	v56 =	vld.idx.msk [tilespmem:v22+s3+$0x0], $0xffff;
	v41 =	vmul.f32 v20, v41  }
0x1c8: {  	v48 =	vmul.f32 v20, v48;
	v60 =	vld.idx.msk [tilespmem:v17+s30+$0x0], $0xffff;
	v50 =	vmul.f32 v19, v50  }
0x1c9: {  	v42 =	vmul.f32 v20, v42;
	v61 =	vld.idx.msk [tilespmem:v22+s8+$0x0], $0xffff;
	v38 =	vmul.f32 v19, v38  }
0x1ca: {  	v28 =	vadd.f32 v28, v31;
	v36 =	vadd.f32 v49, v36;
	v59 =	vmul.f32 v19, v53;
	v53 =	vld.idx.msk [tilespmem:v17+s31+$0x0], $0xffff  }
0x1cb: {  	v24 =	vld.idx.msk [tilespmem:v22+s9+$0x0], $0xffff;
	v33 =	vadd.f32 v52, v33;
	v27 =	vadd.f32 v38, v27;
	v45 =	vmul.f32 v19, v45  }
0x1cc: {  	v62 =	vld.idx.msk [tilespmem:v17+s7+$0x0], $0xffff;
	v36 =	vadd.f32 v42, v36;
	v42 =	vmul.f32 v20, v39;
	v57 =	vmul.f32 v19, v55  }
0x1cd: {  	v58 =	vld.idx.msk [tilespmem:v17+s8+$0x0], $0xffff;
	v33 =	vadd.f32 v48, v33;
	v63 =	vmul.f32 v19, v54;
	v49 =	vmul.f32 v20, v60  }
0x1ce: {  	v34 =	vadd.f32 v59, v34;
	v59 =	vmul.f32 v19, v56;
	v32 =	vadd.f32 v57, v32  }
0x1cf: {  	v22 =	vmul.f32 v19, v61;
	v37 =	vadd.f32 v63, v37;
	v60 =	vmul.f32 v20, v53  }
0x1d0: {  	v24 =	vmul.f32 v19, v24;
	v61 =	vld.idx.msk [tilespmem:v17+s14+$0x0], $0xffff;
	v40 =	vadd.f32 v59, v40;
	v32 =	vadd.f32 v49, v32  }
0x1d1: {  	v48 =	vmul.f32 v20, v62;
	v62 =	vld.idx.msk [tilespmem:v17+s9+$0x0], $0xffff;
	v22 =	vadd.f32 v22, v29;
	v37 =	vadd.f32 v60, v37  }
0x1d2: {  	v17 =	vld.idx.msk [tilespmem:v17+s10+$0x0], $0xffff;
	v63 =	vmul.f32 v20, v58;
	v26 =	vadd.f32 v26, v40;
	v32 =	vmax.f32 v32, $0.0e+00  }
0x1d3: {  	v24 =	vadd.f32 v24, v44;
	v34 =	vadd.f32 v41, v34;
	[tilespmem:v0+s21+$0x0 ss:$0x1] =	vst.idx.msk $0xffff, v32;
	v44 =	vmax.f32 v37, $0.0e+00  }
0x1d4: {  	v51 =	vmul.f32 v19, v51;
	v22 =	vadd.f32 v63, v22;
	v26 =	vmax.f32 v26, $0.0e+00;
	[tilespmem:v1+s21+$0x0 ss:$0x1] =	vst.idx.msk $0xffff, v44  }
0x1d5: {  	v23 =	vadd.f32 v50, v23;
	v27 =	vadd.f32 v42, v27;
	v49 =	vmax.f32 v34, $0.0e+00;
	[tilespmem:v2+s21+$0x0 ss:$0x1] =	vst.idx.msk $0xffff, v26  }
0x1d6: {  	v18 =	vadd.f32 v45, v18;
	v51 =	vadd.f32 v51, v35;
	v22 =	vmax.f32 v22, $0.0e+00;
	[tilespmem:v3+s21+$0x0 ss:$0x1] =	vst.idx.msk $0xffff, v49  }
0x1d7: {  	v56 =	vadd.f32 v48, v28;
	v55 =	vmax.f32 v27, $0.0e+00;
	v54 =	vmul.f32 v20, v62;
	[tilespmem:v4+s21+$0x0 ss:$0x1] =	vst.idx.msk $0xffff, v22  }
0x1d8: {  	v57 =	vmax.f32 v33, $0.0e+00;
	v53 =	vmul.f32 v19, v30;
	v17 =	vmul.f32 v20, v17;
	[tilespmem:v5+s21+$0x0 ss:$0x1] =	vst.idx.msk $0xffff, v55  }
0x1d9: {  	v59 =	vmax.f32 v36, $0.0e+00;
	v58 =	vmul.f32 v20, v61;
	v24 =	vadd.f32 v54, v24;
	[tilespmem:v6+s21+$0x0 ss:$0x1] =	vst.idx.msk $0xffff, v57  }
0x1da: {  	v19 =	vadd.f32 v53, v21;
	v60 =	vmax.f32 v56, $0.0e+00;
	v17 =	vadd.f32 v17, v51;
	[tilespmem:v7+s21+$0x0 ss:$0x1] =	vst.idx.msk $0xffff, v59  }
0x1db: {  	v41 =	vmul.f32 v20, v47;
	v61 =	vadd.f32 v25, v23;
	v62 =	vmax.f32 v24, $0.0e+00;
	[tilespmem:v8+s21+$0x0 ss:$0x1] =	vst.idx.msk $0xffff, v60  }
0x1dc: {  	s29 =	sadd.s32 $0x1, s29;
	v19 =	vadd.f32 v58, v19;
	v17 =	vmax.f32 v17, $0.0e+00;
	[tilespmem:v9+s21+$0x0 ss:$0x1] =	vst.idx.msk $0xffff, v62  }
0x1dd: {  	p2 =	sne.s32 s29, $0x10;
	v18 =	vadd.f32 v41, v18;
	[tilespmem:v10+s21+$0x0 ss:$0x1] =	vst.idx.msk $0xffff, v17;
	v17 =	vmax.f32 v61, $0.0e+00  }
.Ltmp8:
0x1de: {  	[tilespmem:v11+s21+$0x0 ss:$0x1] =	vst.idx.msk $0xffff, v17;
	v17 =	vmax.f32 v19, $0.0e+00;
	(pc) =	sbr.rel @p2 .LBB2_18-.Ltmp8, $4  }
0x1df: {  	v63 =	vadd.f32 v46, v43;
	[tilespmem:v12+s21+$0x0 ss:$0x1] =	vst.idx.msk $0xffff, v17;
	v17 =	vmax.f32 v18, $0.0e+00  }
0x1e0: {  	v16 =	vmax.f32 v16, $0.0e+00;
	[tilespmem:v13+s21+$0x0 ss:$0x1] =	vst.idx.msk $0xffff, v17  }
0x1e1: {  	[tilespmem:v14+s21+$0x0 ss:$0x1] =	vst.idx.msk $0xffff, v16;
	v16 =	vmax.f32 v63, $0.0e+00  }
0x1e2: {  	s17 =	sadd.s32 $0x10, s19;
	[tilespmem:v15+s21+$0x0 ss:$0x1] =	vst.idx.msk $0xffff, v16  }
.Ltmp9:
0x1e3: {  	s17 =	rddreg [dreg:$0xa];
	(pc) =	sbr.rel @p1 .LBB2_13-.Ltmp9, $4  }
0x1e4: {  	s18 =	rddreg [dreg:$0x16]  }
0x1e5: {  	s29 =	simm.s32 $0x0;
	s19 =	simm.s32 $0x1D000;
	s17 =	sadd.s32 s18, s17  }
0x1e6: {  	[tilespmem:s19], [sflag:$0x2] =	stream.linear.gather [hbm4b:s17+s29], $0x1000, $0x38;
	[tilespmem:$0x1E000] =	vst v63  }
0x1e7: {  	p2 =	por $0x0, $0x0;
	s17 =	simm.s32 $0x1  }
0x1e8: {  	s17 =	simm.s32 $0x1  }
0x1e9: {  	s19 =	simm.s32 $0x0;
	s18 =	simm.s32 $0x18C00;
	_ =	swait.ge [sflag:s17], $0x1000  }
0x1ea: {  	s21 =	simm.s32 $0x1A800;
	s22 =	simm.s32 $0x1B000;
	[sflag:s17] =	ssyncset.done $0x0  }
0x1eb: {  	s20 =	simm.s32 $0x1A000;
	[sflag:s17] =	ssyncadd.s32 $0xFFFFF000;
	s17 =	simm.s32 $0x1C000  }
.LBB2_23:
0x1ec: {  	v8 =	vmov s17;
	_ =	sdelay $0x3  }
0x1ed: {  	s29 =	simm.s32 $0x0  }
0x1ee: {  	v0 =	vld.idx.msk [tilespmem:v8+s29+$0x0 ss:$0x1], $0xffff;
	_ =	sdelay $0x1  }
0x1ef: {  	v2 =	vld.idx.msk [tilespmem:v8+s29+$0x100 ss:$0x1], $0xffff;
	_ =	sdelay $0x2  }
0x1f0: {  	v6 =	vand.u32 $0xFFFF, v0;
	_ =	sdelay $0x1  }
0x1f1: {  	v1 =	vand.u32 $0xFFFF, v2;
	_ =	sdelay $0x2  }
0x1f2: {  	v5 =	vld.idx.msk [tilespmem:v6+s20+$0x0], $0xffff  }
0x1f3: {  	v7 =	vld.idx.msk [tilespmem:v6+s1+$0x0], $0xffff  }
0x1f4: {  	v25 =	vld.idx.msk [tilespmem:v1+s18+$0x0], $0xffff  }
0x1f5: {  	v9 =	vld.idx.msk [tilespmem:v1+s26+$0x0], $0xffff  }
0x1f6: {  	v10 =	vld.idx.msk [tilespmem:v1+s12+$0x0], $0xffff  }
0x1f7: {  	v4 =	vld.idx.msk [tilespmem:v6+s4+$0x0], $0xffff  }
0x1f8: {  	v26 =	vld.idx.msk [tilespmem:v1+s24+$0x0], $0xffff  }
0x1f9: {  	v11 =	vld.idx.msk [tilespmem:v1+s4+$0x0], $0xffff  }
0x1fa: {  	v32 =	vld.idx.msk [tilespmem:v1+s28+$0x0], $0xffff  }
0x1fb: {  	v33 =	vld.idx.msk [tilespmem:v6+s24+$0x0], $0xffff  }
0x1fc: {  	v13 =	vld.idx.msk [tilespmem:v1+s1+$0x0], $0xffff  }
0x1fd: {  	v17 =	vimm.f32 $0.0e+00;
	v20 =	vimm.f32 $0.0e+00;
	v22 =	vld.idx.msk [tilespmem:v6+s25+$0x0], $0xffff  }
0x1fe: {  	v18 =	vimm.f32 $0.0e+00;
	v28 =	vimm.f32 $0.0e+00;
	v21 =	vimm.f32 $0.0e+00;
	v36 =	vld.idx.msk [tilespmem:v6+s28+$0x0], $0xffff  }
0x1ff: {  	v15 =	vimm.f32 $0.0e+00;
	v19 =	vimm.f32 $0.0e+00;
	v3 =	vand.u32 $0xFFFF0000, v0;
	v31 =	vld.idx.msk [tilespmem:v1+s23+$0x0], $0xffff  }
0x200: {  	v24 =	vimm.f32 $0.0e+00;
	v16 =	vimm.f32 $0.0e+00;
	v34 =	vld.idx.msk [tilespmem:v6+s26+$0x0], $0xffff;
	v0 =	vmul.f32 v3, v4  }
0x201: {  	[dreg:$0x1a] =	wrdreg s17;
	v14 =	vld.idx.msk [tilespmem:v6+s22+$0x0], $0xffff;
	v4 =	vand.u32 $0xFFFF0000, v2;
	v7 =	vmul.f32 v3, v7;
	v12 =	vmul.f32 v3, v5  }
0x202: {  	[dreg:$0x17] =	wrdreg s19;
	s31 =	sshll.u32 s19, $0x4;
	v23 =	vld.idx.msk [tilespmem:v1+s25+$0x0], $0xffff;
	v5 =	vimm.f32 $0.0e+00;
	v2 =	vmul.f32 v4, v11;
	v9 =	vmul.f32 v4, v9  }
0x203: {  	s17 =	simm.s32 $0x800;
	[dreg:$0x1f] =	wrdreg s31;
	v29 =	vld.idx.msk [tilespmem:v6+s23+$0x0], $0xffff;
	s12 =	simm.s32 $0x1BC00;
	v10 =	vmul.f32 v4, v10;
	v30 =	vmul.f32 v4, v13;
	v0 =	vadd.f32 v0, v17  }
0x204: {  	v35 =	vld.idx.msk [tilespmem:v6+s21+$0x0], $0xffff;
	s1 =	simm.s32 $0x1B800;
	s4 =	simm.s32 $0x1B400;
	s22 =	simm.s32 $0x1AC00;
	v11 =	vimm.f32 $0.0e+00;
	v13 =	vimm.f32 $0.0e+00;
	v27 =	vadd.f32 v7, v17  }
0x205: {  	v37 =	vld.idx.msk [tilespmem:v6+s18+$0x0], $0xffff;
	s20 =	simm.s32 $0x19C00;
	s24 =	simm.s32 $0x19800;
	s28 =	simm.s32 $0x19400;
	v7 =	vimm.f32 $0.0e+00;
	v0 =	vadd.f32 v2, v0;
	v2 =	vimm.f32 $0.0e+00  }
.LBB2_24:
0x206: {  	s18 =	sshra.s32 s17, $0x2;
	s23 =	simm.s32 $0x1A400  }
0x207: {  	p1 =	sne.s32 s17, $0x3800;
	s17 =	sadd.s32 $0x800, s17;
	s21 =	simm.s32 $0x18400;
	v38 =	vld.idx.msk [tilespmem:v6+s23+$0x0], $0xffff  }
0x208: {  	v36 =	vmul.f32 v3, v36;
	s31 =	simm.s32 $0x18000;
	v27 =	vadd.f32 v30, v27;
	v39 =	vld.idx.msk [tilespmem:v6+s21+$0x0], $0xffff  }
0x209: {  	v30 =	vld.idx.msk [tilespmem:v6+s31+$0x0], $0xffff  }
0x20a: {  	s19 =	simm.s32 $0x1A000;
	v40 =	vld.idx.msk [tilespmem:v8+s18+$0x0 ss:$0x1], $0xffff  }
0x20b: {  	v33 =	vmul.f32 v3, v33;
	v25 =	vmul.f32 v4, v25;
	v17 =	vadd.f32 v36, v17;
	v36 =	vld.idx.msk [tilespmem:v1+s19+$0x0], $0xffff  }
0x20c: {  	v32 =	vmul.f32 v4, v32;
	s26 =	simm.s32 $0x18800;
	v37 =	vmul.f32 v3, v37;
	v41 =	vld.idx.msk [tilespmem:v8+s18+$0x100 ss:$0x1], $0xffff;
	s18 =	simm.s32 $0x18C00  }
0x20d: {  	v26 =	vmul.f32 v4, v26;
	v20 =	vadd.f32 v33, v20;
	v33 =	vmul.f32 v3, v34;
	v42 =	vld.idx.msk [tilespmem:v6+s26+$0x0], $0xffff  }
0x20e: {  	v18 =	vadd.f32 v37, v18;
	v37 =	vmul.f32 v3, v38;
	v34 =	vmul.f32 v3, v39;
	v38 =	vld.idx.msk [tilespmem:v1+s21+$0x0], $0xffff;
	s21 =	simm.s32 $0x19000  }
0x20f: {  	s25 =	simm.s32 $0x1B000;
	v35 =	vmul.f32 v3, v35;
	v17 =	vadd.f32 v32, v17;
	v20 =	vadd.f32 v26, v20;
	v39 =	vld.idx.msk [tilespmem:v6+s21+$0x0], $0xffff  }
0x210: {  	v26 =	vmul.f32 v4, v31;
	v28 =	vadd.f32 v37, v28;
	v18 =	vadd.f32 v25, v18;
	v25 =	vld.idx.msk [tilespmem:v1+s25+$0x0], $0xffff  }
0x211: {  	s29 =	simm.s32 $0x1A800;
	v6 =	vand.u32 $0xFFFF, v40;
	v21 =	vadd.f32 v34, v21;
	v31 =	vmul.f32 v4, v36;
	v32 =	vld.idx.msk [tilespmem:v1+s23+$0x0], $0xffff  }
0x212: {  	v22 =	vmul.f32 v3, v22;
	v29 =	vmul.f32 v3, v29;
	v34 =	vand.u32 $0xFFFF, v41;
	v36 =	vld.idx.msk [tilespmem:v1+s29+$0x0], $0xffff  }
0x213: {  	v12 =	vadd.f32 v12, v15;
	v7 =	vadd.f32 v33, v7;
	v37 =	vmul.f32 v3, v42;
	v15 =	vld.idx.msk [tilespmem:v1+s21+$0x0], $0xffff  }
0x214: {  	v2 =	vadd.f32 v29, v2;
	v19 =	vadd.f32 v35, v19;
	v30 =	vmul.f32 v3, v30;
	v29 =	vld.idx.msk [tilespmem:v1+s31+$0x0], $0xffff  }
0x215: {  	v14 =	vmul.f32 v3, v14;
	v33 =	vmul.f32 v4, v38;
	v24 =	vadd.f32 v37, v24;
	v1 =	vmovc v34  }
0x216: {  	v7 =	vadd.f32 v9, v7;
	v2 =	vadd.f32 v26, v2;
	s31 =	simm.s32 $0x1A000;
	v3 =	vmul.f32 v3, v39;
	v35 =	vld.idx.msk [tilespmem:v6+s19+$0x0], $0xffff  }
0x217: {  	v11 =	vadd.f32 v22, v11;
	v22 =	vmul.f32 v4, v23;
	v23 =	vmul.f32 v4, v25;
	v9 =	vld.idx.msk [tilespmem:v6+s12+$0x0], $0xffff  }
0x218: {  	v5 =	vadd.f32 v14, v5;
	v21 =	vadd.f32 v33, v21;
	v14 =	vmul.f32 v4, v36;
	v25 =	vld.idx.msk [tilespmem:v34+s18+$0x0], $0xffff  }
0x219: {  	v11 =	vadd.f32 v22, v11;
	v13 =	vadd.f32 v3, v13;
	v3 =	vmul.f32 v4, v32;
	v37 =	vld.idx.msk [tilespmem:v34+s22+$0x0], $0xffff  }
0x21a: {  	s19 =	simm.s32 $0x18800;
	v5 =	vadd.f32 v23, v5;
	v22 =	vmul.f32 v4, v29;
	v4 =	vmul.f32 v4, v15;
	v38 =	vld.idx.msk [tilespmem:v34+s26+$0x0], $0xffff  }
0x21b: {  	v16 =	vadd.f32 v30, v16;
	v28 =	vadd.f32 v3, v28;
	v26 =	vld.idx.msk [tilespmem:v34+s20+$0x0], $0xffff  }
0x21c: {  	v3 =	vand.u32 $0xFFFF0000, v40;
	v15 =	vadd.f32 v31, v12;
	v13 =	vadd.f32 v4, v13;
	v32 =	vld.idx.msk [tilespmem:v34+s24+$0x0], $0xffff  }
0x21d: {  	v24 =	vadd.f32 v10, v24;
	v16 =	vadd.f32 v22, v16;
	v30 =	vmul.f32 v3, v9;
	v4 =	vld.idx.msk [tilespmem:v6+s1+$0x0], $0xffff  }
0x21e: {  	v19 =	vadd.f32 v14, v19;
	v12 =	vmul.f32 v3, v35;
	v33 =	vld.idx.msk [tilespmem:v6+s20+$0x0], $0xffff  }
0x21f: {  	v10 =	vld.idx.msk [tilespmem:v34+s1+$0x0], $0xffff  }
0x220: {  	v22 =	vld.idx.msk [tilespmem:v6+s28+$0x0], $0xffff  }
0x221: {  	v36 =	vld.idx.msk [tilespmem:v6+s24+$0x0], $0xffff  }
0x222: {  	v31 =	vld.idx.msk [tilespmem:v1+s4+$0x0], $0xffff  }
0x223: {  	v9 =	vmul.f32 v3, v4;
	v39 =	vld.idx.msk [tilespmem:v1+s12+$0x0], $0xffff  }
0x224: {  	v4 =	vand.u32 $0xFFFF0000, v41;
	v34 =	vld.idx.msk [tilespmem:v6+s22+$0x0], $0xffff  }
.Ltmp10:
0x225: {  	s21 =	simm.s32 $0x1B000;
	v0 =	vadd.f32 v9, v0;
	v9 =	vmul.f32 v4, v37;
	v35 =	vmul.f32 v4, v10;
	v14 =	vld.idx.msk [tilespmem:v6+s25+$0x0], $0xffff;
	(pc) =	sbr.rel @p1 .LBB2_24-.Ltmp10, $4  }
0x226: {  	v10 =	vmul.f32 v4, v38;
	v23 =	vld.idx.msk [tilespmem:v1+s28+$0x0], $0xffff  }
0x227: {  	v0 =	vadd.f32 v35, v0;
	v29 =	vld.idx.msk [tilespmem:v6+s4+$0x0], $0xffff  }
0x228: {  	s23 =	simm.s32 $0x1A800;
	v35 =	vld.idx.msk [tilespmem:v6+s29+$0x0], $0xffff  }
0x229: {  	v27 =	vadd.f32 v30, v27;
	v30 =	vmul.f32 v4, v39;
	v37 =	vld.idx.msk [tilespmem:v6+s18+$0x0], $0xffff  }
0x22a: {  	_ =	sdelay $0x3  }
0x22b: {  	v40 =	vld.idx.msk [tilespmem:v6+s19+$0x0], $0xffff  }
0x22c: {  	v36 =	vmul.f32 v3, v36;
	v57 =	vld.idx.msk [tilespmem:v1+s31+$0x0], $0xffff  }
0x22d: {  	s1 =	simm.s32 $0x1A400;
	v33 =	vmul.f32 v3, v33;
	v25 =	vmul.f32 v4, v25;
	v42 =	vld.idx.msk [tilespmem:v1+s23+$0x0], $0xffff  }
0x22e: {  	s12 =	simm.s32 $0x18400;
	v32 =	vmul.f32 v4, v32;
	v34 =	vmul.f32 v3, v34;
	v8 =	vld.idx.msk [tilespmem:v6+s1+$0x0], $0xffff  }
0x22f: {  	s4 =	simm.s32 $0x18000;
	v26 =	vmul.f32 v4, v26;
	v60 =	vmul.f32 v4, v31;
	v38 =	vld.idx.msk [tilespmem:v6+s12+$0x0], $0xffff  }
0x230: {  	v22 =	vmul.f32 v3, v22;
	v12 =	vadd.f32 v12, v15;
	v49 =	vmul.f32 v3, v14;
	v39 =	vld.idx.msk [tilespmem:v6+s4+$0x0], $0xffff  }
0x231: {  	v0 =	vmax.f32 v0, $0.0e+00;
	v54 =	vld.idx.msk [tilespmem:v1+s12+$0x0], $0xffff;
	v44 =	vmul.f32 v4, v23;
	v17 =	vadd.f32 v36, v17  }
0x232: {  	s26 =	simm.s32 $0x19000;
	v55 =	vld.idx.msk [tilespmem:v1+s4+$0x0], $0xffff;
	v20 =	vadd.f32 v33, v20;
	v11 =	vadd.f32 v22, v11;
	v46 =	vmul.f32 v3, v29  }
0x233: {  	v56 =	vld.idx.msk [tilespmem:v6+s26+$0x0], $0xffff;
	v7 =	vadd.f32 v34, v7;
	v35 =	vmul.f32 v3, v35;
	v17 =	vadd.f32 v32, v17  }
0x234: {  	v61 =	vld.idx.msk [tilespmem:v1+s26+$0x0], $0xffff;
	v53 =	vmul.f32 v3, v37;
	v20 =	vadd.f32 v26, v20;
	v11 =	vadd.f32 v44, v11  }
0x235: {  	v41 =	vld.idx.msk [tilespmem:v1+s1+$0x0], $0xffff;
	v2 =	vadd.f32 v46, v2;
	v62 =	vmul.f32 v3, v40;
	v32 =	vmul.f32 v4, v57  }
0x236: {  	v40 =	vld.idx.msk [tilespmem:v1+s21+$0x0], $0xffff;
	v48 =	vadd.f32 v35, v19;
	v1 =	vmul.f32 v4, v42;
	v57 =	vadd.f32 v9, v7  }
0x237: {  	s29 =	rddreg [dreg:$0x1f];
	v18 =	vadd.f32 v53, v18;
	v58 =	vmul.f32 v3, v38;
	v8 =	vmul.f32 v3, v8  }
0x238: {  	[tilespmem:s29+$0x11C00] =	vst v0;
	v59 =	vmul.f32 v3, v39;
	v33 =	vmul.f32 v4, v55;
	v51 =	vmax.f32 v11, $0.0e+00  }
0x239: {  	v63 =	vmul.f32 v4, v54;
	v6 =	vmul.f32 v3, v56;
	v53 =	vmax.f32 v17, $0.0e+00;
	[tilespmem:s29+$0x10A00] =	vst v51  }
0x23a: {  	v43 =	vmul.f32 v4, v61;
	v55 =	vmax.f32 v20, $0.0e+00;
	v2 =	vadd.f32 v60, v2;
	[tilespmem:s29+$0x10C00] =	vst v53  }
0x23b: {  	v52 =	vadd.f32 v32, v12;
	[tilespmem:s29+$0x10E00] =	vst v55;
	v16 =	vadd.f32 v59, v16;
	v59 =	vmax.f32 v57, $0.0e+00  }
0x23c: {  	v24 =	vadd.f32 v62, v24;
	v1 =	vadd.f32 v1, v48;
	v62 =	vmax.f32 v2, $0.0e+00;
	[tilespmem:s29+$0x11600] =	vst v59  }
0x23d: {  	v50 =	vmul.f32 v4, v41;
	v18 =	vadd.f32 v25, v18;
	v56 =	vmax.f32 v52, $0.0e+00;
	[tilespmem:s29+$0x11A00] =	vst v62  }
0x23e: {  	v61 =	vadd.f32 v30, v27;
	v21 =	vadd.f32 v58, v21;
	v1 =	vmax.f32 v1, $0.0e+00;
	[tilespmem:s29+$0x11000] =	vst v56  }
0x23f: {  	v6 =	vadd.f32 v6, v13;
	v10 =	vadd.f32 v10, v24;
	v47 =	vmax.f32 v18, $0.0e+00;
	[tilespmem:s29+$0x11400] =	vst v1  }
0x240: {  	s31 =	rddreg [dreg:$0x17];
	v16 =	vadd.f32 v33, v16;
	v21 =	vadd.f32 v63, v21;
	v63 =	vmax.f32 v61, $0.0e+00;
	[tilespmem:s29+$0x10600] =	vst v47  }
0x241: {  	s19 =	sadd.s32 $0x1, s31;
	v3 =	vadd.f32 v49, v5;
	v8 =	vadd.f32 v8, v28;
	v10 =	vmax.f32 v10, $0.0e+00;
	[tilespmem:s29+$0x11E00] =	vst v63  }
0x242: {  	p1 =	sne.s32 s19, $0x10;
	v6 =	vadd.f32 v43, v6;
	v54 =	vmul.f32 v4, v40;
	v16 =	vmax.f32 v16, $0.0e+00;
	[tilespmem:s29+$0x10400] =	vst v10  }
.Ltmp11:
0x243: {  	s17 =	rddreg [dreg:$0x1a];
	v8 =	vadd.f32 v50, v8;
	v45 =	vmax.f32 v21, $0.0e+00;
	[tilespmem:s29+$0x10000] =	vst v16;
	(pc) =	sbr.rel @p1 .LBB2_23-.Ltmp11, $4  }
0x244: {  	s25 =	simm.s32 $0x19400;
	s28 =	simm.s32 $0x19800;
	s24 =	simm.s32 $0x19C00;
	v6 =	vmax.f32 v6, $0.0e+00;
	v3 =	vadd.f32 v54, v3;
	[tilespmem:s29+$0x10200] =	vst v45  }
0x245: {  	s20 =	simm.s32 $0x1A000;
	s22 =	simm.s32 $0x1B000;
	s23 =	simm.s32 $0x1B400;
	v58 =	vmax.f32 v8, $0.0e+00;
	[tilespmem:s29+$0x10800] =	vst v6  }
0x246: {  	s17 =	sadd.s32 $0x10, s17;
	s26 =	simm.s32 $0x1AC00;
	s4 =	simm.s32 $0x1B800;
	[tilespmem:s29+$0x11200] =	vst v58;
	v60 =	vmax.f32 v3, $0.0e+00  }
0x247: {  	s1 =	simm.s32 $0x1BC00;
	s12 =	simm.s32 $0x18800;
	s21 =	simm.s32 $0x1A800;
	[tilespmem:s29+$0x11800] =	vst v60  }
0x248: {  	s12 =	simm.s32 $0x2  }
0x249: {  	_ =	swait.ge [sflag:s12], $0x1000  }
0x24a: {  	s19 =	simm.s32 $0x18800;
	s17 =	simm.s32 $0x1D000;
	[sflag:s12] =	ssyncset.done $0x0  }
0x24b: {  	s31 =	simm.s32 $0x18400;
	[sflag:s12] =	ssyncadd.s32 $0xFFFFF000;
	s12 =	simm.s32 $0x0  }
.LBB2_27:
0x24c: {  	v8 =	vmov s17;
	_ =	sdelay $0x3  }
0x24d: {  	s29 =	simm.s32 $0x0  }
0x24e: {  	v0 =	vld.idx.msk [tilespmem:v8+s29+$0x0 ss:$0x1], $0xffff;
	_ =	sdelay $0x1  }
0x24f: {  	v2 =	vld.idx.msk [tilespmem:v8+s29+$0x100 ss:$0x1], $0xffff;
	_ =	sdelay $0x2  }
0x250: {  	v6 =	vand.u32 $0xFFFF, v0;
	_ =	sdelay $0x1  }
0x251: {  	v1 =	vand.u32 $0xFFFF, v2;
	_ =	sdelay $0x2  }
0x252: {  	v5 =	vld.idx.msk [tilespmem:v6+s20+$0x0], $0xffff  }
0x253: {  	v7 =	vld.idx.msk [tilespmem:v6+s1+$0x0], $0xffff  }
0x254: {  	v25 =	vld.idx.msk [tilespmem:v1+s18+$0x0], $0xffff  }
0x255: {  	v9 =	vld.idx.msk [tilespmem:v1+s26+$0x0], $0xffff  }
0x256: {  	v10 =	vld.idx.msk [tilespmem:v1+s19+$0x0], $0xffff  }
0x257: {  	v4 =	vld.idx.msk [tilespmem:v6+s4+$0x0], $0xffff  }
0x258: {  	v26 =	vld.idx.msk [tilespmem:v1+s24+$0x0], $0xffff  }
0x259: {  	v11 =	vld.idx.msk [tilespmem:v1+s4+$0x0], $0xffff  }
0x25a: {  	v32 =	vld.idx.msk [tilespmem:v1+s28+$0x0], $0xffff  }
0x25b: {  	v33 =	vld.idx.msk [tilespmem:v6+s24+$0x0], $0xffff  }
0x25c: {  	v13 =	vld.idx.msk [tilespmem:v1+s1+$0x0], $0xffff  }
0x25d: {  	v17 =	vimm.f32 $0.0e+00;
	v20 =	vimm.f32 $0.0e+00;
	v22 =	vld.idx.msk [tilespmem:v6+s25+$0x0], $0xffff  }
0x25e: {  	v18 =	vimm.f32 $0.0e+00;
	v28 =	vimm.f32 $0.0e+00;
	v21 =	vimm.f32 $0.0e+00;
	v36 =	vld.idx.msk [tilespmem:v6+s28+$0x0], $0xffff  }
0x25f: {  	v15 =	vimm.f32 $0.0e+00;
	v19 =	vimm.f32 $0.0e+00;
	v3 =	vand.u32 $0xFFFF0000, v0;
	v31 =	vld.idx.msk [tilespmem:v1+s23+$0x0], $0xffff  }
0x260: {  	[dreg:$0x1b] =	wrdreg s17;
	v24 =	vimm.f32 $0.0e+00;
	v16 =	vimm.f32 $0.0e+00;
	v34 =	vld.idx.msk [tilespmem:v6+s26+$0x0], $0xffff;
	v0 =	vmul.f32 v3, v4  }
0x261: {  	[dreg:$0x18] =	wrdreg s12;
	s29 =	sshll.u32 s12, $0x4;
	v14 =	vld.idx.msk [tilespmem:v6+s22+$0x0], $0xffff;
	v4 =	vand.u32 $0xFFFF0000, v2;
	v7 =	vmul.f32 v3, v7;
	v12 =	vmul.f32 v3, v5  }
0x262: {  	s17 =	simm.s32 $0x800;
	s12 =	simm.s32 $0x1BC00;
	[smem:$0x7EF] =	sst s29;
	v23 =	vld.idx.msk [tilespmem:v1+s25+$0x0], $0xffff;
	v5 =	vimm.f32 $0.0e+00;
	v2 =	vmul.f32 v4, v11;
	v9 =	vmul.f32 v4, v9  }
0x263: {  	v29 =	vld.idx.msk [tilespmem:v6+s23+$0x0], $0xffff;
	s1 =	simm.s32 $0x1B800;
	s4 =	simm.s32 $0x1B400;
	s23 =	simm.s32 $0x1B000;
	v10 =	vmul.f32 v4, v10;
	v30 =	vmul.f32 v4, v13;
	v0 =	vadd.f32 v0, v17  }
0x264: {  	v35 =	vld.idx.msk [tilespmem:v6+s21+$0x0], $0xffff;
	s22 =	simm.s32 $0x1AC00;
	s21 =	simm.s32 $0x1A000;
	s20 =	simm.s32 $0x19C00;
	v11 =	vimm.f32 $0.0e+00;
	v13 =	vimm.f32 $0.0e+00;
	v27 =	vadd.f32 v7, v17  }
0x265: {  	v37 =	vld.idx.msk [tilespmem:v6+s18+$0x0], $0xffff;
	s24 =	simm.s32 $0x19800;
	s28 =	simm.s32 $0x19400;
	s25 =	simm.s32 $0x19000;
	v7 =	vimm.f32 $0.0e+00;
	v0 =	vadd.f32 v2, v0;
	v2 =	vimm.f32 $0.0e+00  }
.LBB2_28:
0x266: {  	s29 =	simm.s32 $0x1A400  }
0x267: {  	s18 =	sshra.s32 s17, $0x2;
	p1 =	sne.s32 s17, $0x3800;
	s17 =	sadd.s32 $0x800, s17;
	v38 =	vld.idx.msk [tilespmem:v6+s29+$0x0], $0xffff  }
0x268: {  	v36 =	vmul.f32 v3, v36;
	s26 =	simm.s32 $0x18000;
	v27 =	vadd.f32 v30, v27;
	v39 =	vld.idx.msk [tilespmem:v6+s31+$0x0], $0xffff  }
0x269: {  	v30 =	vld.idx.msk [tilespmem:v6+s26+$0x0], $0xffff  }
0x26a: {  	v40 =	vld.idx.msk [tilespmem:v8+s18+$0x0 ss:$0x1], $0xffff  }
0x26b: {  	v33 =	vmul.f32 v3, v33;
	v25 =	vmul.f32 v4, v25;
	v17 =	vadd.f32 v36, v17;
	v36 =	vld.idx.msk [tilespmem:v1+s21+$0x0], $0xffff  }
0x26c: {  	v32 =	vmul.f32 v4, v32;
	s31 =	simm.s32 $0x18800;
	v37 =	vmul.f32 v3, v37;
	v41 =	vld.idx.msk [tilespmem:v8+s18+$0x100 ss:$0x1], $0xffff;
	s18 =	simm.s32 $0x18C00  }
0x26d: {  	s19 =	simm.s32 $0x18400;
	v26 =	vmul.f32 v4, v26;
	v20 =	vadd.f32 v33, v20;
	v33 =	vmul.f32 v3, v34;
	v42 =	vld.idx.msk [tilespmem:v6+s31+$0x0], $0xffff  }
0x26e: {  	v18 =	vadd.f32 v37, v18;
	v37 =	vmul.f32 v3, v38;
	v34 =	vmul.f32 v3, v39;
	v38 =	vld.idx.msk [tilespmem:v1+s19+$0x0], $0xffff  }
0x26f: {  	v35 =	vmul.f32 v3, v35;
	v17 =	vadd.f32 v32, v17;
	v20 =	vadd.f32 v26, v20;
	v39 =	vld.idx.msk [tilespmem:v6+s25+$0x0], $0xffff  }
0x270: {  	v26 =	vmul.f32 v4, v31;
	v28 =	vadd.f32 v37, v28;
	v18 =	vadd.f32 v25, v18;
	v25 =	vld.idx.msk [tilespmem:v1+s23+$0x0], $0xffff  }
0x271: {  	v6 =	vand.u32 $0xFFFF, v40;
	v21 =	vadd.f32 v34, v21;
	v31 =	vmul.f32 v4, v36;
	v32 =	vld.idx.msk [tilespmem:v1+s29+$0x0], $0xffff;
	s29 =	simm.s32 $0x1A800  }
0x272: {  	v22 =	vmul.f32 v3, v22;
	v29 =	vmul.f32 v3, v29;
	v34 =	vand.u32 $0xFFFF, v41;
	v36 =	vld.idx.msk [tilespmem:v1+s29+$0x0], $0xffff  }
0x273: {  	v12 =	vadd.f32 v12, v15;
	v7 =	vadd.f32 v33, v7;
	v37 =	vmul.f32 v3, v42;
	v15 =	vld.idx.msk [tilespmem:v1+s25+$0x0], $0xffff  }
0x274: {  	v2 =	vadd.f32 v29, v2;
	v19 =	vadd.f32 v35, v19;
	v30 =	vmul.f32 v3, v30;
	v29 =	vld.idx.msk [tilespmem:v1+s26+$0x0], $0xffff  }
0x275: {  	v14 =	vmul.f32 v3, v14;
	v33 =	vmul.f32 v4, v38;
	v24 =	vadd.f32 v37, v24;
	v1 =	vmovc v34  }
0x276: {  	v7 =	vadd.f32 v9, v7;
	v2 =	vadd.f32 v26, v2;
	v3 =	vmul.f32 v3, v39;
	v35 =	vld.idx.msk [tilespmem:v6+s21+$0x0], $0xffff  }
0x277: {  	v11 =	vadd.f32 v22, v11;
	v22 =	vmul.f32 v4, v23;
	v23 =	vmul.f32 v4, v25;
	v9 =	vld.idx.msk [tilespmem:v6+s12+$0x0], $0xffff  }
0x278: {  	v5 =	vadd.f32 v14, v5;
	v21 =	vadd.f32 v33, v21;
	v14 =	vmul.f32 v4, v36;
	v25 =	vld.idx.msk [tilespmem:v34+s18+$0x0], $0xffff  }
0x279: {  	v11 =	vadd.f32 v22, v11;
	v13 =	vadd.f32 v3, v13;
	v3 =	vmul.f32 v4, v32;
	v37 =	vld.idx.msk [tilespmem:v34+s22+$0x0], $0xffff  }
0x27a: {  	s19 =	simm.s32 $0x18800;
	v5 =	vadd.f32 v23, v5;
	v22 =	vmul.f32 v4, v29;
	v4 =	vmul.f32 v4, v15;
	v38 =	vld.idx.msk [tilespmem:v34+s31+$0x0], $0xffff;
	s31 =	simm.s32 $0x18400  }
0x27b: {  	v16 =	vadd.f32 v30, v16;
	v28 =	vadd.f32 v3, v28;
	v26 =	vld.idx.msk [tilespmem:v34+s20+$0x0], $0xffff  }
0x27c: {  	v3 =	vand.u32 $0xFFFF0000, v40;
	v15 =	vadd.f32 v31, v12;
	v13 =	vadd.f32 v4, v13;
	v32 =	vld.idx.msk [tilespmem:v34+s24+$0x0], $0xffff  }
0x27d: {  	v24 =	vadd.f32 v10, v24;
	v16 =	vadd.f32 v22, v16;
	v30 =	vmul.f32 v3, v9;
	v4 =	vld.idx.msk [tilespmem:v6+s1+$0x0], $0xffff  }
0x27e: {  	v19 =	vadd.f32 v14, v19;
	v12 =	vmul.f32 v3, v35;
	v33 =	vld.idx.msk [tilespmem:v6+s20+$0x0], $0xffff  }
0x27f: {  	v10 =	vld.idx.msk [tilespmem:v34+s1+$0x0], $0xffff  }
0x280: {  	v22 =	vld.idx.msk [tilespmem:v6+s28+$0x0], $0xffff  }
0x281: {  	v36 =	vld.idx.msk [tilespmem:v6+s24+$0x0], $0xffff  }
0x282: {  	v31 =	vld.idx.msk [tilespmem:v1+s4+$0x0], $0xffff  }
0x283: {  	v9 =	vmul.f32 v3, v4;
	v39 =	vld.idx.msk [tilespmem:v1+s12+$0x0], $0xffff  }
0x284: {  	v4 =	vand.u32 $0xFFFF0000, v41;
	v34 =	vld.idx.msk [tilespmem:v6+s22+$0x0], $0xffff  }
.Ltmp12:
0x285: {  	v0 =	vadd.f32 v9, v0;
	v9 =	vmul.f32 v4, v37;
	v35 =	vmul.f32 v4, v10;
	v14 =	vld.idx.msk [tilespmem:v6+s23+$0x0], $0xffff;
	(pc) =	sbr.rel @p1 .LBB2_28-.Ltmp12, $4  }
0x286: {  	v10 =	vmul.f32 v4, v38;
	v23 =	vld.idx.msk [tilespmem:v1+s28+$0x0], $0xffff  }
0x287: {  	v0 =	vadd.f32 v35, v0;
	v29 =	vld.idx.msk [tilespmem:v6+s4+$0x0], $0xffff  }
0x288: {  	s26 =	simm.s32 $0x1A800;
	v35 =	vld.idx.msk [tilespmem:v6+s29+$0x0], $0xffff  }
0x289: {  	v27 =	vadd.f32 v30, v27;
	v30 =	vmul.f32 v4, v39;
	v37 =	vld.idx.msk [tilespmem:v6+s18+$0x0], $0xffff  }
0x28a: {  	_ =	sdelay $0x3  }
0x28b: {  	v38 =	vld.idx.msk [tilespmem:v6+s31+$0x0], $0xffff;
	v36 =	vmul.f32 v3, v36  }
0x28c: {  	v33 =	vmul.f32 v3, v33;
	v40 =	vld.idx.msk [tilespmem:v6+s19+$0x0], $0xffff;
	v25 =	vmul.f32 v4, v25  }
0x28d: {  	v54 =	vld.idx.msk [tilespmem:v1+s31+$0x0], $0xffff;
	v32 =	vmul.f32 v4, v32;
	v34 =	vmul.f32 v3, v34  }
0x28e: {  	v26 =	vmul.f32 v4, v26;
	v56 =	vld.idx.msk [tilespmem:v6+s25+$0x0], $0xffff;
	v60 =	vmul.f32 v4, v31  }
0x28f: {  	v57 =	vld.idx.msk [tilespmem:v1+s21+$0x0], $0xffff;
	v22 =	vmul.f32 v3, v22;
	v12 =	vadd.f32 v12, v15;
	v49 =	vmul.f32 v3, v14  }
0x290: {  	v61 =	vld.idx.msk [tilespmem:v1+s25+$0x0], $0xffff;
	v0 =	vmax.f32 v0, $0.0e+00;
	v44 =	vmul.f32 v4, v23;
	v17 =	vadd.f32 v36, v17  }
0x291: {  	s4 =	simm.s32 $0x1A400;
	v42 =	vld.idx.msk [tilespmem:v1+s26+$0x0], $0xffff;
	v20 =	vadd.f32 v33, v20;
	v11 =	vadd.f32 v22, v11;
	v46 =	vmul.f32 v3, v29  }
0x292: {  	s1 =	simm.s32 $0x18000;
	v8 =	vld.idx.msk [tilespmem:v6+s4+$0x0], $0xffff;
	v7 =	vadd.f32 v34, v7;
	v35 =	vmul.f32 v3, v35;
	v53 =	vmul.f32 v3, v37  }
0x293: {  	v39 =	vld.idx.msk [tilespmem:v6+s1+$0x0], $0xffff;
	v17 =	vadd.f32 v32, v17;
	v20 =	vadd.f32 v26, v20;
	v58 =	vmul.f32 v3, v38  }
0x294: {  	s29 =	sld [smem:$0x7EF];
	v55 =	vld.idx.msk [tilespmem:v1+s1+$0x0], $0xffff;
	v11 =	vadd.f32 v44, v11;
	v62 =	vmul.f32 v3, v40;
	v63 =	vmul.f32 v4, v54  }
0x295: {  	v41 =	vld.idx.msk [tilespmem:v1+s4+$0x0], $0xffff;
	v2 =	vadd.f32 v46, v2;
	v6 =	vmul.f32 v3, v56;
	v32 =	vmul.f32 v4, v57  }
0x296: {  	v40 =	vld.idx.msk [tilespmem:v1+s23+$0x0], $0xffff;
	v43 =	vmul.f32 v4, v61;
	v48 =	vadd.f32 v35, v19;
	v1 =	vmul.f32 v4, v42  }
0x297: {  	v57 =	vadd.f32 v9, v7;
	v61 =	vadd.f32 v30, v27;
	[tilespmem:s29+$0x11D00] =	vst v0;
	v51 =	vmax.f32 v11, $0.0e+00  }
0x298: {  	v18 =	vadd.f32 v53, v18;
	v59 =	vmul.f32 v3, v39;
	v53 =	vmax.f32 v17, $0.0e+00;
	[tilespmem:s29+$0x10B00] =	vst v51  }
0x299: {  	v33 =	vmul.f32 v4, v55;
	v55 =	vmax.f32 v20, $0.0e+00;
	v2 =	vadd.f32 v60, v2;
	[tilespmem:s29+$0x10D00] =	vst v53  }
0x29a: {  	v52 =	vadd.f32 v32, v12;
	[tilespmem:s29+$0x10F00] =	vst v55;
	v16 =	vadd.f32 v59, v16;
	v59 =	vmax.f32 v57, $0.0e+00  }
0x29b: {  	v24 =	vadd.f32 v62, v24;
	v1 =	vadd.f32 v1, v48;
	v62 =	vmax.f32 v2, $0.0e+00;
	[tilespmem:s29+$0x11700] =	vst v59  }
0x29c: {  	v8 =	vmul.f32 v3, v8;
	v21 =	vadd.f32 v58, v21;
	v56 =	vmax.f32 v52, $0.0e+00;
	[tilespmem:s29+$0x11B00] =	vst v62  }
0x29d: {  	v50 =	vmul.f32 v4, v41;
	v18 =	vadd.f32 v25, v18;
	v1 =	vmax.f32 v1, $0.0e+00;
	[tilespmem:s29+$0x11100] =	vst v56  }
0x29e: {  	v6 =	vadd.f32 v6, v13;
	v21 =	vadd.f32 v63, v21;
	v63 =	vmax.f32 v61, $0.0e+00;
	[tilespmem:s29+$0x11500] =	vst v1  }
0x29f: {  	s12 =	rddreg [dreg:$0x18];
	v3 =	vadd.f32 v49, v5;
	v10 =	vadd.f32 v10, v24;
	v47 =	vmax.f32 v18, $0.0e+00;
	[tilespmem:s29+$0x11F00] =	vst v63  }
0x2a0: {  	s12 =	sadd.s32 $0x1, s12;
	v8 =	vadd.f32 v8, v28;
	v6 =	vadd.f32 v43, v6;
	v45 =	vmax.f32 v21, $0.0e+00;
	[tilespmem:s29+$0x10700] =	vst v47  }
0x2a1: {  	p1 =	sne.s32 s12, $0x10;
	v16 =	vadd.f32 v33, v16;
	v54 =	vmul.f32 v4, v40;
	v10 =	vmax.f32 v10, $0.0e+00;
	[tilespmem:s29+$0x10300] =	vst v45  }
.Ltmp13:
0x2a2: {  	v8 =	vadd.f32 v50, v8;
	v6 =	vmax.f32 v6, $0.0e+00;
	[tilespmem:s29+$0x10500] =	vst v10;
	(pc) =	sbr.rel @p1 .LBB2_27-.Ltmp13, $4  }
0x2a3: {  	s17 =	rddreg [dreg:$0x1b];
	s25 =	simm.s32 $0x19400;
	s28 =	simm.s32 $0x19800;
	v16 =	vmax.f32 v16, $0.0e+00;
	[tilespmem:s29+$0x10900] =	vst v6;
	v3 =	vadd.f32 v54, v3  }
0x2a4: {  	s24 =	simm.s32 $0x19C00;
	s20 =	simm.s32 $0x1A000;
	s21 =	simm.s32 $0x1A800;
	v58 =	vmax.f32 v8, $0.0e+00;
	[tilespmem:s29+$0x10100] =	vst v16  }
0x2a5: {  	s26 =	simm.s32 $0x1AC00;
	s22 =	simm.s32 $0x1B000;
	s17 =	sadd.s32 $0x10, s17;
	[tilespmem:s29+$0x11300] =	vst v58;
	v60 =	vmax.f32 v3, $0.0e+00  }
0x2a6: {  	s4 =	simm.s32 $0x1B800;
	s1 =	simm.s32 $0x1BC00;
	s23 =	simm.s32 $0x1B400;
	[tilespmem:s29+$0x11900] =	vst v60  }
0x2a7: {  	s17 =	rddreg [dreg:$0xb]  }
0x2a8: {  	s1 =	rddreg [dreg:$0xe]  }
0x2a9: {  	s18 =	simm.s32 $0x0;
	s31 =	simm.s32 $0x4;
	p1 =	por $0x0, $0x0  }
0x2aa: {  	s4 =	simm.s32 $0x3000;
	s20 =	simm.s32 $0xA000;
	s21 =	simm.s32 $0x5000  }
0x2ab: {  	s22 =	simm.s32 $0xD000;
	s23 =	simm.s32 $0xC000;
	s24 =	simm.s32 $0xB000  }
.Ltmp14:
0x2ac: {  	s25 =	simm.s32 $0x6000;
	s17 =	sadd.s32 s1, s17;
	(pc) =	sbr.rel @p0 .LBB2_2-.Ltmp14, $4  }
0x2ad: {  	[hbm4b:s17+s18] =	stream.linear.scatter [tilespmem:s30], [sflag:$0x4], $0x2000, $0x38;
	[tilespmem:$0x1E000] =	vst v63  }
0x2ae: {  	s26 =	simm.s32 $0x7000;
	s28 =	simm.s32 $0xF000;
	_ =	swait.ge [sflag:s31], $0x2000  }
0x2af: {  	s29 =	simm.s32 $0xE000;
	s1 =	simm.s32 $0x8000;
	[sflag:s31] =	ssyncset.done $0x0  }
0x2b0: {  	s17 =	simm.s32 $0x0;
	s30 =	simm.s32 $0x8000;
	[sflag:s31] =	ssyncadd.s32 $0xFFFFE000  }
0x2b1: {  	s1 =	rddreg [dreg:$0xd]  }
0x2b2: {  	s18 =	rddreg [dreg:$0xc];
	s1 =	sadd.s32 $0x1, s1  }
0x2b3: {  	p0 =	sne.s32 s1, s18  }
.Ltmp15:
0x2b4: {  	_ = 	snop;
	(pc) =	sbr.rel @p0 .LBB2_1-.Ltmp15, $1  }
0x2b5: {  	_ =	sdelay $0x3  }
0x2b6: {  	_ =	sfence.sel $0x180000  }
0x2b7: {  	[bflag:$0x0] =	sbarrier.arrive $0xFFFF  }
0x2b8: {  	_ =	strace $0x90000047  }
0x2b9: {  	s0 =	stileid.u32;
	[bflag:$0x2] =	sbarrier.arrive $0xFFFF  }
0x2ba: {  	p0 =	sne.s32 s0, $0x0;
	s0 =	rddreg [dreg:$0x2]  }
0x2bb: {  	s0 =	sadd.s32 @!p0 $0x100000, s0  }
0x2bc: {  	[sflag:s0] =	ssyncadd.tile.s32 @!p0 $0x1;
	_ =	shalt  }
.Lfunc_end2:
_tile_overlayer_lowered:
.L_overlay_start_2:
0x2bd: {  	(tag) =	ssettag $0x2  }
0x2be: {  	s0 =	rddreg [dreg:$0x0];
	s2 =	stileid.u32  }
0x2bf: {  	s1 =	rddreg [dreg:$0x1];
	p0 =	sne.s32 s2, $0x0  }
0x2c0: {  	s3 =	rddreg [dreg:$0x2];
	[bflag:$0x3] =	sbarrier.arrive $0xFFFF;
	s2 =	simm.s32 @!p0 $0x1C04  }
0x2c1: {  	[timem:s3], [sflag:s2] =	dma.local @!p0 [hbm:s0], s1  }
0x2c2: {  	s0 =	simm.s32 @!p0 $0x4  }
0x2c3: {  	_ =	swait.ge @!p0 [sflag:s0], s1  }
0x2c4: {  	s1 =	ssub.s32 @!p0 $0x0, s1;
	[sflag:s0] =	ssyncset.done @!p0 $0x0  }
0x2c5: {  	[sflag:s0] =	ssyncadd.s32 @!p0 s1  }
0x2c6: {  	[bflag:$0x3] =	sbarrier.arrive $0xFFFF  }
0x2c7: {  	_ =	shalt  }

</sc_bundles>
